<compile_context>
chip_gen: v7x
topology: tpu7x:2x2x1
jax: 0.10.2.dev20260603
libtpu: 0.0.44.dev20260713+nightly
codegen_flags: <defaults>
</compile_context>

<pallas_src>
import functools

import jax
import jax.numpy as jnp
from jax import lax
from jax.experimental import pallas as pl
from jax.experimental.pallas import tpu as pltpu
from jax.experimental.pallas import tpu_sc as plsc

NUM_BLOCKS = 16
BLOCK_SIZE = 256
BLOCK_RANK = 256
TOP_K = 8

N_ROWS = 8192
ROW_TILE = 2048

SC_CORES = 2
SC_SUBCORES = 16
SC_WORKERS = SC_CORES * SC_SUBCORES
ROWS_PER_W = N_ROWS // SC_WORKERS


def _routing_sc_kernel(idx_hbm, score_hbm, w_hbm, idx_v, score_v, w_v):
    wid = lax.axis_index("s") * SC_CORES + lax.axis_index("c")
    base = wid * ROWS_PER_W
    pltpu.sync_copy(idx_hbm.at[pl.ds(base, ROWS_PER_W)], idx_v)
    pltpu.sync_copy(score_hbm.at[pl.ds(base, ROWS_PER_W)], score_v)
    riota = lax.iota(jnp.int32, 16)
    zero16 = jnp.zeros((16,), jnp.float32)
    for r in range(ROWS_PER_W):
        w_v[r, :] = zero16
    for c in range(ROWS_PER_W // 16):
        rows16 = riota + (c * 16)
        cols = [jnp.full((16,), k, jnp.int32) for k in range(TOP_K)]
        s = [plsc.load_gather(score_v, [rows16, cols[k]]) for k in range(TOP_K)]
        m = s[0]
        for k in range(1, TOP_K):
            m = jnp.maximum(m, s[k])
        ex = [jnp.exp(sk - m) for sk in s]
        tot = ex[0]
        for k in range(1, TOP_K):
            tot = tot + ex[k]
        inv = 1.0 / tot
        for k in range(TOP_K):
            ik = plsc.load_gather(idx_v, [rows16, cols[k]])
            plsc.addupdate_scatter(w_v, [rows16, ik], ex[k] * inv)
    plsc.subcore_barrier()
    pltpu.sync_copy(w_v, w_hbm.at[pl.ds(base, ROWS_PER_W)])


_routing_sc = pl.kernel(
    _routing_sc_kernel,
    out_type=jax.ShapeDtypeStruct((N_ROWS, NUM_BLOCKS), jnp.float32),
    mesh=plsc.VectorSubcoreMesh(
        core_axis_name="c", subcore_axis_name="s",
        num_cores=SC_CORES, num_subcores=SC_SUBCORES),
    scratch_types=[
        pltpu.VMEM((ROWS_PER_W, TOP_K), jnp.int32),
        pltpu.VMEM((ROWS_PER_W, TOP_K), jnp.float32),
        pltpu.VMEM((ROWS_PER_W, NUM_BLOCKS), jnp.float32),
    ],
    compiler_params=pltpu.CompilerParams(needs_layout_passes=False),
)


def _adapter_kernel(w_ref, x_ref, dw_ref, db_ref, uw_ref, ub_ref, out_ref):
    e = pl.program_id(0)
    lane = jax.lax.broadcasted_iota(jnp.int32, (1, NUM_BLOCKS), 1)
    w = jnp.sum(jnp.where(lane == e, w_ref[...], 0.0), axis=1, keepdims=True)

    x = x_ref[...].astype(jnp.bfloat16)
    dw = dw_ref[0].astype(jnp.bfloat16)
    uw = uw_ref[0].astype(jnp.bfloat16)
    h = jnp.dot(x, dw,
                preferred_element_type=jnp.float32).astype(jnp.bfloat16)
    h = h + db_ref[0]
    hh = h * jnp.bfloat16(0.5)
    act = hh + hh * jnp.tanh(hh)
    out = jnp.dot(act, uw, preferred_element_type=jnp.float32) + ub_ref[0]
    out_ref[...] = out * w


@jax.jit
def kernel(hidden_states, active_idx, active_score, down_w, down_b, up_w, up_b):
    batch, seq_len, hidden = hidden_states.shape
    n_rows = batch * seq_len
    x2d = hidden_states.reshape(n_rows, hidden)
    n_tiles = n_rows // ROW_TILE

    w_mat = _routing_sc(active_idx, active_score)

    grid = (NUM_BLOCKS, n_tiles)
    out = pl.pallas_call(
        _adapter_kernel,
        grid=grid,
        in_specs=[
            pl.BlockSpec((ROW_TILE, NUM_BLOCKS), lambda e, t: (t, 0)),
            pl.BlockSpec((ROW_TILE, BLOCK_SIZE), lambda e, t: (t, e)),
            pl.BlockSpec((1, BLOCK_SIZE, BLOCK_RANK), lambda e, t: (e, 0, 0)),
            pl.BlockSpec((1, 1, BLOCK_RANK), lambda e, t: (e, 0, 0)),
            pl.BlockSpec((1, BLOCK_RANK, BLOCK_SIZE), lambda e, t: (e, 0, 0)),
            pl.BlockSpec((1, 1, BLOCK_SIZE), lambda e, t: (e, 0, 0)),
        ],
        out_specs=pl.BlockSpec((ROW_TILE, BLOCK_SIZE), lambda e, t: (t, e)),
        out_shape=jax.ShapeDtypeStruct((n_rows, hidden), jnp.float32),
    )(w_mat, x2d, down_w,
      down_b.reshape(NUM_BLOCKS, 1, BLOCK_RANK).astype(jnp.bfloat16), up_w,
      up_b.reshape(NUM_BLOCKS, 1, BLOCK_SIZE))
    return out.reshape(batch, seq_len, hidden)

# --- scband reference (transcript-rebuilt; emitter-appended) ---
"""Pipeline reference for scband-scablock-sparse-adapter-56530359549999 (READ-ONLY COPY).

The authoritative reference and input builder live on the scoring server;
editing this copy changes nothing except your own understanding.
"""

import jax, jax.numpy as jnp
import numpy as np

NUM_BLOCKS = 16
BLOCK_SIZE = 256
BLOCK_RANK = 256
HIDDEN = 4096
TOP_K = 8
BATCH = 2
SEQ = 4096


def setup_inputs(seed: int = 0) -> dict:
    key = jax.random.key(seed)
    k1, k2, k3, k4, k5 = jax.random.split(key, 5)
    hidden_states = jax.random.normal(k1, (BATCH, SEQ, HIDDEN), dtype=jnp.float32)
    active_idx = jax.random.randint(k2, (BATCH * SEQ, TOP_K), 0, NUM_BLOCKS, dtype=jnp.int32)
    active_score = jax.random.normal(k5, (BATCH * SEQ, TOP_K), dtype=jnp.float32)
    bd = (6.0 / (BLOCK_SIZE + BLOCK_RANK)) ** 0.5
    down_w = jax.random.uniform(k3, (NUM_BLOCKS, BLOCK_SIZE, BLOCK_RANK), minval=-bd, maxval=bd, dtype=jnp.float32)
    down_b = jnp.zeros((NUM_BLOCKS, BLOCK_RANK), dtype=jnp.float32)
    up_w = jax.random.uniform(k4, (NUM_BLOCKS, BLOCK_RANK, BLOCK_SIZE), minval=-bd, maxval=bd, dtype=jnp.float32) * 0.1
    up_b = jnp.zeros((NUM_BLOCKS, BLOCK_SIZE), dtype=jnp.float32)
    return {
        'hidden_states': hidden_states,
        'active_idx': active_idx,
        'active_score': active_score,
        'down_w': down_w,
        'down_b': down_b,
        'up_w': up_w,
        'up_b': up_b,
    }


def reference(hidden_states, active_idx, active_score, down_w, down_b, up_w, up_b):
    batch, seq_len, hidden = hidden_states.shape
    n_rows = batch * seq_len
    hidden_blocks = hidden_states.reshape(n_rows, NUM_BLOCKS, BLOCK_SIZE)
    valid_mask = active_idx >= 0
    masked = jnp.where(valid_mask, active_score, -jnp.inf)
    score_weights = jax.nn.softmax(masked, axis=-1)
    score_weights = jnp.where(valid_mask, score_weights, jnp.zeros_like(score_weights))
    delta_blocks = jnp.zeros_like(hidden_blocks)
    row_idx = jnp.arange(n_rows)
    for slot in range(TOP_K):
        block_idx = active_idx[:, slot]
        valid = block_idx >= 0
        safe_blocks = jnp.where(valid, block_idx, 0)
        x = hidden_blocks[row_idx, safe_blocks]
        dw = jnp.take(down_w, safe_blocks, axis=0)
        db = jnp.take(down_b, safe_blocks, axis=0)
        uw = jnp.take(up_w, safe_blocks, axis=0)
        ub = jnp.take(up_b, safe_blocks, axis=0)
        rank = jnp.einsum('nb,nbr->nr', x, dw) + db
        rank = jax.nn.silu(rank)
        out = jnp.einsum('nr,nrb->nb', rank, uw) + ub
        score = score_weights[:, slot][:, None]
        out = out * score * valid[:, None].astype(out.dtype)
        delta_blocks = delta_blocks.at[row_idx, safe_blocks].add(out)
    return delta_blocks.reshape(batch, seq_len, hidden)

if __name__ == "__main__":
    import jax
    _d = setup_inputs()
    print(jax.jit(kernel)(*tuple(_d.values())))

</pallas_src>

<mosaic_0001>
#map = affine_map<(d0, d1) -> (0, 0)>
module attributes {stable_mosaic.version = 14 : i64} {
  func.func @_routing_sc_kernel(%arg0: i32, %arg1: i32, %arg2: memref<8192x8xi32, #tpu.memory_space<hbm>>, %arg3: memref<8192x8xf32, #tpu.memory_space<hbm>>, %arg4: memref<8192x16xf32, #tpu.memory_space<hbm>>, %arg5: memref<256x8xi32, #tpu.memory_space<vmem>>, %arg6: memref<256x8xf32, #tpu.memory_space<vmem>>, %arg7: memref<256x16xf32, #tpu.memory_space<vmem>>) attributes {dimension_semantics = [#tpu.dimension_semantics<core_parallel>, #tpu.dimension_semantics<subcore_parallel>], iteration_bounds = array<i64: 2, 16>, scalar_prefetch = 0 : i64, scratch_operands = 3 : i64, tpu.core_type = #tpu.core_type<sc_vector_subcore>, window_params = [{transform_indices = #map}, {transform_indices = #map}, {transform_indices = #map}]} {
    %mul3A = arith.constant 2 : i32
    %mul3A_0 = arith.muli %arg1, %mul3A : i32
    %add3A = arith.addi %mul3A_0, %arg0 : i32
    %mul3A_1 = arith.constant 256 : i32
    %mul3A_2 = arith.muli %add3A, %mul3A_1 : i32
    "tpu.region"() ({
      %run_scoped3A = tpu.sem_alloc : memref<!tpu.dma_semaphore, #tpu.memory_space<semaphore_mem>>
      %dma_start3A = arith.constant 0 : i32
      %dma_start3A_2238 = tpu.memref_slice %arg2[%mul3A_2, %dma_start3A] : memref<8192x8xi32, #tpu.memory_space<hbm>> -> memref<256x8xi32, #tpu.memory_space<hbm>>
      %dma_start3A_2239 = arith.constant 0 : i32
      %dma_start3A_2240 = tpu.memref_slice %arg2[%mul3A_2, %dma_start3A_2239] : memref<8192x8xi32, #tpu.memory_space<hbm>> -> memref<256x8xi32, #tpu.memory_space<hbm>>
      tpu.enqueue_dma source(%dma_start3A_2240 : memref<256x8xi32, #tpu.memory_space<hbm>>) target(%arg5 : memref<256x8xi32, #tpu.memory_space<vmem>>) target_semaphore(%run_scoped3A : memref<!tpu.dma_semaphore, #tpu.memory_space<semaphore_mem>>)
      %dma_wait3A = arith.constant 0 : i32
      %dma_wait3A_2241 = tpu.memref_slice %arg2[%mul3A_2, %dma_wait3A] : memref<8192x8xi32, #tpu.memory_space<hbm>> -> memref<256x8xi32, #tpu.memory_space<hbm>>
      %dma_wait3A_2242 = arith.constant 0 : i32
      %dma_wait3A_2243 = tpu.memref_slice %arg2[%mul3A_2, %dma_wait3A_2242] : memref<8192x8xi32, #tpu.memory_space<hbm>> -> memref<256x8xi32, #tpu.memory_space<hbm>>
      tpu.wait_dma2 semaphore(%run_scoped3A : memref<!tpu.dma_semaphore, #tpu.memory_space<semaphore_mem>>) src(%dma_wait3A_2243 : memref<256x8xi32, #tpu.memory_space<hbm>>) dst(%arg5 : memref<256x8xi32, #tpu.memory_space<vmem>>)
      tpu.yield
    }) : () -> ()
    "tpu.region"() ({
      %run_scoped3A = tpu.sem_alloc : memref<!tpu.dma_semaphore, #tpu.memory_space<semaphore_mem>>
      %dma_start3A = arith.constant 0 : i32
      %dma_start3A_2238 = tpu.memref_slice %arg3[%mul3A_2, %dma_start3A] : memref<8192x8xf32, #tpu.memory_space<hbm>> -> memref<256x8xf32, #tpu.memory_space<hbm>>
      %dma_start3A_2239 = arith.constant 0 : i32
      %dma_start3A_2240 = tpu.memref_slice %arg3[%mul3A_2, %dma_start3A_2239] : memref<8192x8xf32, #tpu.memory_space<hbm>> -> memref<256x8xf32, #tpu.memory_space<hbm>>
      tpu.enqueue_dma source(%dma_start3A_2240 : memref<256x8xf32, #tpu.memory_space<hbm>>) target(%arg6 : memref<256x8xf32, #tpu.memory_space<vmem>>) target_semaphore(%run_scoped3A : memref<!tpu.dma_semaphore, #tpu.memory_space<semaphore_mem>>)
      %dma_wait3A = arith.constant 0 : i32
      %dma_wait3A_2241 = tpu.memref_slice %arg3[%mul3A_2, %dma_wait3A] : memref<8192x8xf32, #tpu.memory_space<hbm>> -> memref<256x8xf32, #tpu.memory_space<hbm>>
      %dma_wait3A_2242 = arith.constant 0 : i32
      %dma_wait3A_2243 = tpu.memref_slice %arg3[%mul3A_2, %dma_wait3A_2242] : memref<8192x8xf32, #tpu.memory_space<hbm>> -> memref<256x8xf32, #tpu.memory_space<hbm>>
      tpu.wait_dma2 semaphore(%run_scoped3A : memref<!tpu.dma_semaphore, #tpu.memory_space<semaphore_mem>>) src(%dma_wait3A_2243 : memref<256x8xf32, #tpu.memory_space<hbm>>) dst(%arg6 : memref<256x8xf32, #tpu.memory_space<vmem>>)
      tpu.yield
    }) : () -> ()
    %iota3A = tpu.iota {dimensions = array<i32: 0>} : vector<16xi32>
    %broadcast_in_dim3A = arith.constant 0.000000e+00 : f32
    %broadcast_in_dim3A_3 = vector.broadcast %broadcast_in_dim3A : f32 to vector<16xf32>
    %swap3A = arith.constant 0 : i32
    %swap3A_4 = arith.index_cast %swap3A : i32 to index
    %swap3A_5 = arith.constant 0 : index
    %swap3A_6 = tpu.vector_load %arg7[%swap3A_4, %swap3A_5] {strides = array<i32>} : memref<256x16xf32, #tpu.memory_space<vmem>>, vector<16xf32>,
    tpu.vector_store %arg7[%swap3A_4, %swap3A_5], %broadcast_in_dim3A_3 {strides = array<i32>} : memref<256x16xf32, #tpu.memory_space<vmem>>, vector<16xf32>,
    %swap3A_7 = arith.constant 1 : i32
    %swap3A_8 = arith.index_cast %swap3A_7 : i32 to index
    %swap3A_9 = arith.constant 0 : index
    %swap3A_10 = tpu.vector_load %arg7[%swap3A_8, %swap3A_9] {strides = array<i32>} : memref<256x16xf32, #tpu.memory_space<vmem>>, vector<16xf32>,
    tpu.vector_store %arg7[%swap3A_8, %swap3A_9], %broadcast_in_dim3A_3 {strides = array<i32>} : memref<256x16xf32, #tpu.memory_space<vmem>>, vector<16xf32>,
    %swap3A_11 = arith.constant 2 : i32
    %swap3A_12 = arith.index_cast %swap3A_11 : i32 to index
    %swap3A_13 = arith.constant 0 : index
    %swap3A_14 = tpu.vector_load %arg7[%swap3A_12, %swap3A_13] {strides = array<i32>} : memref<256x16xf32, #tpu.memory_space<vmem>>, vector<16xf32>,
    tpu.vector_store %arg7[%swap3A_12, %swap3A_13], %broadcast_in_dim3A_3 {strides = array<i32>} : memref<256x16xf32, #tpu.memory_space<vmem>>, vector<16xf32>,
    %swap3A_15 = arith.constant 3 : i32
    %swap3A_16 = arith.index_cast %swap3A_15 : i32 to index
    %swap3A_17 = arith.constant 0 : index
    %swap3A_18 = tpu.vector_load %arg7[%swap3A_16, %swap3A_17] {strides = array<i32>} : memref<256x16xf32, #tpu.memory_space<vmem>>, vector<16xf32>,
    tpu.vector_store %arg7[%swap3A_16, %swap3A_17], %broadcast_in_dim3A_3 {strides = array<i32>} : memref<256x16xf32, #tpu.memory_space<vmem>>, vector<16xf32>,
    %swap3A_19 = arith.constant 4 : i32
    %swap3A_20 = arith.index_cast %swap3A_19 : i32 to index
    %swap3A_21 = arith.constant 0 : index
    %swap3A_22 = tpu.vector_load %arg7[%swap3A_20, %swap3A_21] {strides = array<i32>} : memref<256x16xf32, #tpu.memory_space<vmem>>, vector<16xf32>,
    tpu.vector_store %arg7[%swap3A_20, %swap3A_21], %broadcast_in_dim3A_3 {strides = array<i32>} : memref<256x16xf32, #tpu.memory_space<vmem>>, vector<16xf32>,
    %swap3A_23 = arith.constant 5 : i32
    %swap3A_24 = arith.index_cast %swap3A_23 : i32 to index
    %swap3A_25 = arith.constant 0 : index
    %swap3A_26 = tpu.vector_load %arg7[%swap3A_24, %swap3A_25] {strides = array<i32>} : memref<256x16xf32, #tpu.memory_space<vmem>>, vector<16xf32>,
    tpu.vector_store %arg7[%swap3A_24, %swap3A_25], %broadcast_in_dim3A_3 {strides = array<i32>} : memref<256x16xf32, #tpu.memory_space<vmem>>, vector<16xf32>,
    %swap3A_27 = arith.constant 6 : i32
    %swap3A_28 = arith.index_cast %swap3A_27 : i32 to index
    %swap3A_29 = arith.constant 0 : index
    %swap3A_30 = tpu.vector_load %arg7[%swap3A_28, %swap3A_29] {strides = array<i32>} : memref<256x16xf32, #tpu.memory_space<vmem>>, vector<16xf32>,
    tpu.vector_store %arg7[%swap3A_28, %swap3A_29], %broadcast_in_dim3A_3 {strides = array<i32>} : memref<256x16xf32, #tpu.memory_space<vmem>>, vector<16xf32>,
    %swap3A_31 = arith.constant 7 : i32
    %swap3A_32 = arith.index_cast %swap3A_31 : i32 to index
    %swap3A_33 = arith.constant 0 : index
    %swap3A_34 = tpu.vector_load %arg7[%swap3A_32, %swap3A_33] {strides = array<i32>} : memref<256x16xf32, #tpu.memory_space<vmem>>, vector<16xf32>,
    tpu.vector_store %arg7[%swap3A_32, %swap3A_33], %broadcast_in_dim3A_3 {strides = array<i32>} : memref<256x16xf32, #tpu.memory_space<vmem>>, vector<16xf32>,
    %swap3A_35 = arith.constant 8 : i32
    %swap3A_36 = arith.index_cast %swap3A_35 : i32 to index
    %swap3A_37 = arith.constant 0 : index
    %swap3A_38 = tpu.vector_load %arg7[%swap3A_36, %swap3A_37] {strides = array<i32>} : memref<256x16xf32, #tpu.memory_space<vmem>>, vector<16xf32>,
    tpu.vector_store %arg7[%swap3A_36, %swap3A_37], %broadcast_in_dim3A_3 {strides = array<i32>} : memref<256x16xf32, #tpu.memory_space<vmem>>, vector<16xf32>,
    %swap3A_39 = arith.constant 9 : i32
    %swap3A_40 = arith.index_cast %swap3A_39 : i32 to index
    %swap3A_41 = arith.constant 0 : index
    %swap3A_42 = tpu.vector_load %arg7[%swap3A_40, %swap3A_41] {strides = array<i32>} : memref<256x16xf32, #tpu.memory_space<vmem>>, vector<16xf32>,
    tpu.vector_store %arg7[%swap3A_40, %swap3A_41], %broadcast_in_dim3A_3 {strides = array<i32>} : memref<256x16xf32, #tpu.memory_space<vmem>>, vector<16xf32>,
    %swap3A_43 = arith.constant 10 : i32
    %swap3A_44 = arith.index_cast %swap3A_43 : i32 to index
    %swap3A_45 = arith.constant 0 : index
    %swap3A_46 = tpu.vector_load %arg7[%swap3A_44, %swap3A_45] {strides = array<i32>} : memref<256x16xf32, #tpu.memory_space<vmem>>, vector<16xf32>,
    tpu.vector_store %arg7[%swap3A_44, %swap3A_45], %broadcast_in_dim3A_3 {strides = array<i32>} : memref<256x16xf32, #tpu.memory_space<vmem>>, vector<16xf32>,
    %swap3A_47 = arith.constant 11 : i32
    %swap3A_48 = arith.index_cast %swap3A_47 : i32 to index
    %swap3A_49 = arith.constant 0 : index
    %swap3A_50 = tpu.vector_load %arg7[%swap3A_48, %swap3A_49] {strides = array<i32>} : memref<256x16xf32, #tpu.memory_space<vmem>>, vector<16xf32>,
    tpu.vector_store %arg7[%swap3A_48, %swap3A_49], %broadcast_in_dim3A_3 {strides = array<i32>} : memref<256x16xf32, #tpu.memory_space<vmem>>, vector<16xf32>,
    %swap3A_51 = arith.constant 12 : i32
    %swap3A_52 = arith.index_cast %swap3A_51 : i32 to index
    %swap3A_53 = arith.constant 0 : index
    %swap3A_54 = tpu.vector_load %arg7[%swap3A_52, %swap3A_53] {strides = array<i32>} : memref<256x16xf32, #tpu.memory_space<vmem>>, vector<16xf32>,
    tpu.vector_store %arg7[%swap3A_52, %swap3A_53], %broadcast_in_dim3A_3 {strides = array<i32>} : memref<256x16xf32, #tpu.memory_space<vmem>>, vector<16xf32>,
    %swap3A_55 = arith.constant 13 : i32
    %swap3A_56 = arith.index_cast %swap3A_55 : i32 to index
    %swap3A_57 = arith.constant 0 : index
    %swap3A_58 = tpu.vector_load %arg7[%swap3A_56, %swap3A_57] {strides = array<i32>} : memref<256x16xf32, #tpu.memory_space<vmem>>, vector<16xf32>,
    tpu.vector_store %arg7[%swap3A_56, %swap3A_57], %broadcast_in_dim3A_3 {strides = array<i32>} : memref<256x16xf32, #tpu.memory_space<vmem>>, vector<16xf32>,
    %swap3A_59 = arith.constant 14 : i32
    %swap3A_60 = arith.index_cast %swap3A_59 : i32 to index
    %swap3A_61 = arith.constant 0 : index
    %swap3A_62 = tpu.vector_load %arg7[%swap3A_60, %swap3A_61] {strides = array<i32>} : memref<256x16xf32, #tpu.memory_space<vmem>>, vector<16xf32>,
    tpu.vector_store %arg7[%swap3A_60, %swap3A_61], %broadcast_in_dim3A_3 {strides = array<i32>} : memref<256x16xf32, #tpu.memory_space<vmem>>, vector<16xf32>,
    %swap3A_63 = arith.constant 15 : i32
    %swap3A_64 = arith.index_cast %swap3A_63 : i32 to index
    %swap3A_65 = arith.constant 0 : index
    %swap3A_66 = tpu.vector_load %arg7[%swap3A_64, %swap3A_65] {strides = array<i32>} : memref<256x16xf32, #tpu.memory_space<vmem>>, vector<16xf32>,
    tpu.vector_store %arg7[%swap3A_64, %swap3A_65], %broadcast_in_dim3A_3 {strides = array<i32>} : memref<256x16xf32, #tpu.memory_space<vmem>>, vector<16xf32>,
    %swap3A_67 = arith.constant 16 : i32
    %swap3A_68 = arith.index_cast %swap3A_67 : i32 to index
    %swap3A_69 = arith.constant 0 : index
    %swap3A_70 = tpu.vector_load %arg7[%swap3A_68, %swap3A_69] {strides = array<i32>} : memref<256x16xf32, #tpu.memory_space<vmem>>, vector<16xf32>,
    tpu.vector_store %arg7[%swap3A_68, %swap3A_69], %broadcast_in_dim3A_3 {strides = array<i32>} : memref<256x16xf32, #tpu.memory_space<vmem>>, vector<16xf32>,
    %swap3A_71 = arith.constant 17 : i32
    %swap3A_72 = arith.index_cast %swap3A_71 : i32 to index
    %swap3A_73 = arith.constant 0 : index
    %swap3A_74 = tpu.vector_load %arg7[%swap3A_72, %swap3A_73] {strides = array<i32>} : memref<256x16xf32, #tpu.memory_space<vmem>>, vector<16xf32>,
    tpu.vector_store %arg7[%swap3A_72, %swap3A_73], %broadcast_in_dim3A_3 {strides = array<i32>} : memref<256x16xf32, #tpu.memory_space<vmem>>, vector<16xf32>,
    %swap3A_75 = arith.constant 18 : i32
    %swap3A_76 = arith.index_cast %swap3A_75 : i32 to index
    %swap3A_77 = arith.constant 0 : index
    %swap3A_78 = tpu.vector_load %arg7[%swap3A_76, %swap3A_77] {strides = array<i32>} : memref<256x16xf32, #tpu.memory_space<vmem>>, vector<16xf32>,
    tpu.vector_store %arg7[%swap3A_76, %swap3A_77], %broadcast_in_dim3A_3 {strides = array<i32>} : memref<256x16xf32, #tpu.memory_space<vmem>>, vector<16xf32>,
    %swap3A_79 = arith.constant 19 : i32
    %swap3A_80 = arith.index_cast %swap3A_79 : i32 to index
    %swap3A_81 = arith.constant 0 : index
    %swap3A_82 = tpu.vector_load %arg7[%swap3A_80, %swap3A_81] {strides = array<i32>} : memref<256x16xf32, #tpu.memory_space<vmem>>, vector<16xf32>,
    tpu.vector_store %arg7[%swap3A_80, %swap3A_81], %broadcast_in_dim3A_3 {strides = array<i32>} : memref<256x16xf32, #tpu.memory_space<vmem>>, vector<16xf32>,
    %swap3A_83 = arith.constant 20 : i32
    %swap3A_84 = arith.index_cast %swap3A_83 : i32 to index
    %swap3A_85 = arith.constant 0 : index
    %swap3A_86 = tpu.vector_load %arg7[%swap3A_84, %swap3A_85] {strides = array<i32>} : memref<256x16xf32, #tpu.memory_space<vmem>>, vector<16xf32>,
    tpu.vector_store %arg7[%swap3A_84, %swap3A_85], %broadcast_in_dim3A_3 {strides = array<i32>} : memref<256x16xf32, #tpu.memory_space<vmem>>, vector<16xf32>,
    %swap3A_87 = arith.constant 21 : i32
    %swap3A_88 = arith.index_cast %swap3A_87 : i32 to index
    %swap3A_89 = arith.constant 0 : index
    %swap3A_90 = tpu.vector_load %arg7[%swap3A_88, %swap3A_89] {strides = array<i32>} : memref<256x16xf32, #tpu.memory_space<vmem>>, vector<16xf32>,
    tpu.vector_store %arg7[%swap3A_88, %swap3A_89], %broadcast_in_dim3A_3 {strides = array<i32>} : memref<256x16xf32, #tpu.memory_space<vmem>>, vector<16xf32>,
    %swap3A_91 = arith.constant 22 : i32
    %swap3A_92 = arith.index_cast %swap3A_91 : i32 to index
    %swap3A_93 = arith.constant 0 : index
    %swap3A_94 = tpu.vector_load %arg7[%swap3A_92, %swap3A_93] {strides = array<i32>} : memref<256x16xf32, #tpu.memory_space<vmem>>, vector<16xf32>,
    tpu.vector_store %arg7[%swap3A_92, %swap3A_93], %broadcast_in_dim3A_3 {strides = array<i32>} : memref<256x16xf32, #tpu.memory_space<vmem>>, vector<16xf32>,
    %swap3A_95 = arith.constant 23 : i32
    %swap3A_96 = arith.index_cast %swap3A_95 : i32 to index
    %swap3A_97 = arith.constant 0 : index
    %swap3A_98 = tpu.vector_load %arg7[%swap3A_96, %swap3A_97] {strides = array<i32>} : memref<256x16xf32, #tpu.memory_space<vmem>>, vector<16xf32>,
    tpu.vector_store %arg7[%swap3A_96, %swap3A_97], %broadcast_in_dim3A_3 {strides = array<i32>} : memref<256x16xf32, #tpu.memory_space<vmem>>, vector<16xf32>,
    %swap3A_99 = arith.constant 24 : i32
    %swap3A_100 = arith.index_cast %swap3A_99 : i32 to index
    %swap3A_101 = arith.constant 0 : index
    %swap3A_102 = tpu.vector_load %arg7[%swap3A_100, %swap3A_101] {strides = array<i32>} : memref<256x16xf32, #tpu.memory_space<vmem>>, vector<16xf32>,
    tpu.vector_store %arg7[%swap3A_100, %swap3A_101], %broadcast_in_dim3A_3 {strides = array<i32>} : memref<256x16xf32, #tpu.memory_space<vmem>>, vector<16xf32>,
    %swap3A_103 = arith.constant 25 : i32
    %swap3A_104 = arith.index_cast %swap3A_103 : i32 to index
    %swap3A_105 = arith.constant 0 : index
    %swap3A_106 = tpu.vector_load %arg7[%swap3A_104, %swap3A_105] {strides = array<i32>} : memref<256x16xf32, #tpu.memory_space<vmem>>, vector<16xf32>,
    tpu.vector_store %arg7[%swap3A_104, %swap3A_105], %broadcast_in_dim3A_3 {strides = array<i32>} : memref<256x16xf32, #tpu.memory_space<vmem>>, vector<16xf32>,
    %swap3A_107 = arith.constant 26 : i32
    %swap3A_108 = arith.index_cast %swap3A_107 : i32 to index
    %swap3A_109 = arith.constant 0 : index
    %swap3A_110 = tpu.vector_load %arg7[%swap3A_108, %swap3A_109] {strides = array<i32>} : memref<256x16xf32, #tpu.memory_space<vmem>>, vector<16xf32>,
    tpu.vector_store %arg7[%swap3A_108, %swap3A_109], %broadcast_in_dim3A_3 {strides = array<i32>} : memref<256x16xf32, #tpu.memory_space<vmem>>, vector<16xf32>,
    %swap3A_111 = arith.constant 27 : i32
    %swap3A_112 = arith.index_cast %swap3A_111 : i32 to index
    %swap3A_113 = arith.constant 0 : index
    %swap3A_114 = tpu.vector_load %arg7[%swap3A_112, %swap3A_113] {strides = array<i32>} : memref<256x16xf32, #tpu.memory_space<vmem>>, vector<16xf32>,
    tpu.vector_store %arg7[%swap3A_112, %swap3A_113], %broadcast_in_dim3A_3 {strides = array<i32>} : memref<256x16xf32, #tpu.memory_space<vmem>>, vector<16xf32>,
    %swap3A_115 = arith.constant 28 : i32
    %swap3A_116 = arith.index_cast %swap3A_115 : i32 to index
    %swap3A_117 = arith.constant 0 : index
    %swap3A_118 = tpu.vector_load %arg7[%swap3A_116, %swap3A_117] {strides = array<i32>} : memref<256x16xf32, #tpu.memory_space<vmem>>, vector<16xf32>,
    tpu.vector_store %arg7[%swap3A_116, %swap3A_117], %broadcast_in_dim3A_3 {strides = array<i32>} : memref<256x16xf32, #tpu.memory_space<vmem>>, vector<16xf32>,
    %swap3A_119 = arith.constant 29 : i32
    %swap3A_120 = arith.index_cast %swap3A_119 : i32 to index
    %swap3A_121 = arith.constant 0 : index
    %swap3A_122 = tpu.vector_load %arg7[%swap3A_120, %swap3A_121] {strides = array<i32>} : memref<256x16xf32, #tpu.memory_space<vmem>>, vector<16xf32>,
    tpu.vector_store %arg7[%swap3A_120, %swap3A_121], %broadcast_in_dim3A_3 {strides = array<i32>} : memref<256x16xf32, #tpu.memory_space<vmem>>, vector<16xf32>,
    %swap3A_123 = arith.constant 30 : i32
    %swap3A_124 = arith.index_cast %swap3A_123 : i32 to index
    %swap3A_125 = arith.constant 0 : index
    %swap3A_126 = tpu.vector_load %arg7[%swap3A_124, %swap3A_125] {strides = array<i32>} : memref<256x16xf32, #tpu.memory_space<vmem>>, vector<16xf32>,
    tpu.vector_store %arg7[%swap3A_124, %swap3A_125], %broadcast_in_dim3A_3 {strides = array<i32>} : memref<256x16xf32, #tpu.memory_space<vmem>>, vector<16xf32>,
    %swap3A_127 = arith.constant 31 : i32
    %swap3A_128 = arith.index_cast %swap3A_127 : i32 to index
    %swap3A_129 = arith.constant 0 : index
    %swap3A_130 = tpu.vector_load %arg7[%swap3A_128, %swap3A_129] {strides = array<i32>} : memref<256x16xf32, #tpu.memory_space<vmem>>, vector<16xf32>,
    tpu.vector_store %arg7[%swap3A_128, %swap3A_129], %broadcast_in_dim3A_3 {strides = array<i32>} : memref<256x16xf32, #tpu.memory_space<vmem>>, vector<16xf32>,
    %swap3A_131 = arith.constant 32 : i32
    %swap3A_132 = arith.index_cast %swap3A_131 : i32 to index
    %swap3A_133 = arith.constant 0 : index
    %swap3A_134 = tpu.vector_load %arg7[%swap3A_132, %swap3A_133] {strides = array<i32>} : memref<256x16xf32, #tpu.memory_space<vmem>>, vector<16xf32>,
    tpu.vector_store %arg7[%swap3A_132, %swap3A_133], %broadcast_in_dim3A_3 {strides = array<i32>} : memref<256x16xf32, #tpu.memory_space<vmem>>, vector<16xf32>,
    %swap3A_135 = arith.constant 33 : i32
    %swap3A_136 = arith.index_cast %swap3A_135 : i32 to index
    %swap3A_137 = arith.constant 0 : index
    %swap3A_138 = tpu.vector_load %arg7[%swap3A_136, %swap3A_137] {strides = array<i32>} : memref<256x16xf32, #tpu.memory_space<vmem>>, vector<16xf32>,
    tpu.vector_store %arg7[%swap3A_136, %swap3A_137], %broadcast_in_dim3A_3 {strides = array<i32>} : memref<256x16xf32, #tpu.memory_space<vmem>>, vector<16xf32>,
    %swap3A_139 = arith.constant 34 : i32
    %swap3A_140 = arith.index_cast %swap3A_139 : i32 to index
    %swap3A_141 = arith.constant 0 : index
    %swap3A_142 = tpu.vector_load %arg7[%swap3A_140, %swap3A_141] {strides = array<i32>} : memref<256x16xf32, #tpu.memory_space<vmem>>, vector<16xf32>,
    tpu.vector_store %arg7[%swap3A_140, %swap3A_141], %broadcast_in_dim3A_3 {strides = array<i32>} : memref<256x16xf32, #tpu.memory_space<vmem>>, vector<16xf32>,
    %swap3A_143 = arith.constant 35 : i32
    %swap3A_144 = arith.index_cast %swap3A_143 : i32 to index
    %swap3A_145 = arith.constant 0 : index
    %swap3A_146 = tpu.vector_load %arg7[%swap3A_144, %swap3A_145] {strides = array<i32>} : memref<256x16xf32, #tpu.memory_space<vmem>>, vector<16xf32>,
    tpu.vector_store %arg7[%swap3A_144, %swap3A_145], %broadcast_in_dim3A_3 {strides = array<i32>} : memref<256x16xf32, #tpu.memory_space<vmem>>, vector<16xf32>,
    %swap3A_147 = arith.constant 36 : i32
    %swap3A_148 = arith.index_cast %swap3A_147 : i32 to index
    %swap3A_149 = arith.constant 0 : index
    %swap3A_150 = tpu.vector_load %arg7[%swap3A_148, %swap3A_149] {strides = array<i32>} : memref<256x16xf32, #tpu.memory_space<vmem>>, vector<16xf32>,
    tpu.vector_store %arg7[%swap3A_148, %swap3A_149], %broadcast_in_dim3A_3 {strides = array<i32>} : memref<256x16xf32, #tpu.memory_space<vmem>>, vector<16xf32>,
    %swap3A_151 = arith.constant 37 : i32
    %swap3A_152 = arith.index_cast %swap3A_151 : i32 to index
    %swap3A_153 = arith.constant 0 : index
    %swap3A_154 = tpu.vector_load %arg7[%swap3A_152, %swap3A_153] {strides = array<i32>} : memref<256x16xf32, #tpu.memory_space<vmem>>, vector<16xf32>,
    tpu.vector_store %arg7[%swap3A_152, %swap3A_153], %broadcast_in_dim3A_3 {strides = array<i32>} : memref<256x16xf32, #tpu.memory_space<vmem>>, vector<16xf32>,
    %swap3A_155 = arith.constant 38 : i32
    %swap3A_156 = arith.index_cast %swap3A_155 : i32 to index
    %swap3A_157 = arith.constant 0 : index
    %swap3A_158 = tpu.vector_load %arg7[%swap3A_156, %swap3A_157] {strides = array<i32>} : memref<256x16xf32, #tpu.memory_space<vmem>>, vector<16xf32>,
    tpu.vector_store %arg7[%swap3A_156, %swap3A_157], %broadcast_in_dim3A_3 {strides = array<i32>} : memref<256x16xf32, #tpu.memory_space<vmem>>, vector<16xf32>,
    %swap3A_159 = arith.constant 39 : i32
    %swap3A_160 = arith.index_cast %swap3A_159 : i32 to index
    %swap3A_161 = arith.constant 0 : index
    %swap3A_162 = tpu.vector_load %arg7[%swap3A_160, %swap3A_161] {strides = array<i32>} : memref<256x16xf32, #tpu.memory_space<vmem>>, vector<16xf32>,
    tpu.vector_store %arg7[%swap3A_160, %swap3A_161], %broadcast_in_dim3A_3 {strides = array<i32>} : memref<256x16xf32, #tpu.memory_space<vmem>>, vector<16xf32>,
    %swap3A_163 = arith.constant 40 : i32
    %swap3A_164 = arith.index_cast %swap3A_163 : i32 to index
    %swap3A_165 = arith.constant 0 : index
    %swap3A_166 = tpu.vector_load %arg7[%swap3A_164, %swap3A_165] {strides = array<i32>} : memref<256x16xf32, #tpu.memory_space<vmem>>, vector<16xf32>,
    tpu.vector_store %arg7[%swap3A_164, %swap3A_165], %broadcast_in_dim3A_3 {strides = array<i32>} : memref<256x16xf32, #tpu.memory_space<vmem>>, vector<16xf32>,
    %swap3A_167 = arith.constant 41 : i32
    %swap3A_168 = arith.index_cast %swap3A_167 : i32 to index
    %swap3A_169 = arith.constant 0 : index
    %swap3A_170 = tpu.vector_load %arg7[%swap3A_168, %swap3A_169] {strides = array<i32>} : memref<256x16xf32, #tpu.memory_space<vmem>>, vector<16xf32>,
    tpu.vector_store %arg7[%swap3A_168, %swap3A_169], %broadcast_in_dim3A_3 {strides = array<i32>} : memref<256x16xf32, #tpu.memory_space<vmem>>, vector<16xf32>,
    %swap3A_171 = arith.constant 42 : i32
    %swap3A_172 = arith.index_cast %swap3A_171 : i32 to index
    %swap3A_173 = arith.constant 0 : index
    %swap3A_174 = tpu.vector_load %arg7[%swap3A_172, %swap3A_173] {strides = array<i32>} : memref<256x16xf32, #tpu.memory_space<vmem>>, vector<16xf32>,
    tpu.vector_store %arg7[%swap3A_172, %swap3A_173], %broadcast_in_dim3A_3 {strides = array<i32>} : memref<256x16xf32, #tpu.memory_space<vmem>>, vector<16xf32>,
    %swap3A_175 = arith.constant 43 : i32
    %swap3A_176 = arith.index_cast %swap3A_175 : i32 to index
    %swap3A_177 = arith.constant 0 : index
    %swap3A_178 = tpu.vector_load %arg7[%swap3A_176, %swap3A_177] {strides = array<i32>} : memref<256x16xf32, #tpu.memory_space<vmem>>, vector<16xf32>,
    tpu.vector_store %arg7[%swap3A_176, %swap3A_177], %broadcast_in_dim3A_3 {strides = array<i32>} : memref<256x16xf32, #tpu.memory_space<vmem>>, vector<16xf32>,
    %swap3A_179 = arith.constant 44 : i32
    %swap3A_180 = arith.index_cast %swap3A_179 : i32 to index
    %swap3A_181 = arith.constant 0 : index
    %swap3A_182 = tpu.vector_load %arg7[%swap3A_180, %swap3A_181] {strides = array<i32>} : memref<256x16xf32, #tpu.memory_space<vmem>>, vector<16xf32>,
    tpu.vector_store %arg7[%swap3A_180, %swap3A_181], %broadcast_in_dim3A_3 {strides = array<i32>} : memref<256x16xf32, #tpu.memory_space<vmem>>, vector<16xf32>,
    %swap3A_183 = arith.constant 45 : i32
    %swap3A_184 = arith.index_cast %swap3A_183 : i32 to index
    %swap3A_185 = arith.constant 0 : index
    %swap3A_186 = tpu.vector_load %arg7[%swap3A_184, %swap3A_185] {strides = array<i32>} : memref<256x16xf32, #tpu.memory_space<vmem>>, vector<16xf32>,
    tpu.vector_store %arg7[%swap3A_184, %swap3A_185], %broadcast_in_dim3A_3 {strides = array<i32>} : memref<256x16xf32, #tpu.memory_space<vmem>>, vector<16xf32>,
    %swap3A_187 = arith.constant 46 : i32
    %swap3A_188 = arith.index_cast %swap3A_187 : i32 to index
    %swap3A_189 = arith.constant 0 : index
    %swap3A_190 = tpu.vector_load %arg7[%swap3A_188, %swap3A_189] {strides = array<i32>} : memref<256x16xf32, #tpu.memory_space<vmem>>, vector<16xf32>,
    tpu.vector_store %arg7[%swap3A_188, %swap3A_189], %broadcast_in_dim3A_3 {strides = array<i32>} : memref<256x16xf32, #tpu.memory_space<vmem>>, vector<16xf32>,
    %swap3A_191 = arith.constant 47 : i32
    %swap3A_192 = arith.index_cast %swap3A_191 : i32 to index
    %swap3A_193 = arith.constant 0 : index
    %swap3A_194 = tpu.vector_load %arg7[%swap3A_192, %swap3A_193] {strides = array<i32>} : memref<256x16xf32, #tpu.memory_space<vmem>>, vector<16xf32>,
    tpu.vector_store %arg7[%swap3A_192, %swap3A_193], %broadcast_in_dim3A_3 {strides = array<i32>} : memref<256x16xf32, #tpu.memory_space<vmem>>, vector<16xf32>,
    %swap3A_195 = arith.constant 48 : i32
    %swap3A_196 = arith.index_cast %swap3A_195 : i32 to index
    %swap3A_197 = arith.constant 0 : index
    %swap3A_198 = tpu.vector_load %arg7[%swap3A_196, %swap3A_197] {strides = array<i32>} : memref<256x16xf32, #tpu.memory_space<vmem>>, vector<16xf32>,
    tpu.vector_store %arg7[%swap3A_196, %swap3A_197], %broadcast_in_dim3A_3 {strides = array<i32>} : memref<256x16xf32, #tpu.memory_space<vmem>>, vector<16xf32>,
    %swap3A_199 = arith.constant 49 : i32
    %swap3A_200 = arith.index_cast %swap3A_199 : i32 to index
    %swap3A_201 = arith.constant 0 : index
    %swap3A_202 = tpu.vector_load %arg7[%swap3A_200, %swap3A_201] {strides = array<i32>} : memref<256x16xf32, #tpu.memory_space<vmem>>, vector<16xf32>,
    tpu.vector_store %arg7[%swap3A_200, %swap3A_201], %broadcast_in_dim3A_3 {strides = array<i32>} : memref<256x16xf32, #tpu.memory_space<vmem>>, vector<16xf32>,
    %swap3A_203 = arith.constant 50 : i32
    %swap3A_204 = arith.index_cast %swap3A_203 : i32 to index
    %swap3A_205 = arith.constant 0 : index
    %swap3A_206 = tpu.vector_load %arg7[%swap3A_204, %swap3A_205] {strides = array<i32>} : memref<256x16xf32, #tpu.memory_space<vmem>>, vector<16xf32>,
    tpu.vector_store %arg7[%swap3A_204, %swap3A_205], %broadcast_in_dim3A_3 {strides = array<i32>} : memref<256x16xf32, #tpu.memory_space<vmem>>, vector<16xf32>,
    %swap3A_207 = arith.constant 51 : i32
    %swap3A_208 = arith.index_cast %swap3A_207 : i32 to index
    %swap3A_209 = arith.constant 0 : index
    %swap3A_210 = tpu.vector_load %arg7[%swap3A_208, %swap3A_209] {strides = array<i32>} : memref<256x16xf32, #tpu.memory_space<vmem>>, vector<16xf32>,
    tpu.vector_store %arg7[%swap3A_208, %swap3A_209], %broadcast_in_dim3A_3 {strides = array<i32>} : memref<256x16xf32, #tpu.memory_space<vmem>>, vector<16xf32>,
    %swap3A_211 = arith.constant 52 : i32
    %swap3A_212 = arith.index_cast %swap3A_211 : i32 to index
    %swap3A_213 = arith.constant 0 : index
    %swap3A_214 = tpu.vector_load %arg7[%swap3A_212, %swap3A_213] {strides = array<i32>} : memref<256x16xf32, #tpu.memory_space<vmem>>, vector<16xf32>,
    tpu.vector_store %arg7[%swap3A_212, %swap3A_213], %broadcast_in_dim3A_3 {strides = array<i32>} : memref<256x16xf32, #tpu.memory_space<vmem>>, vector<16xf32>,
    %swap3A_215 = arith.constant 53 : i32
    %swap3A_216 = arith.index_cast %swap3A_215 : i32 to index
    %swap3A_217 = arith.constant 0 : index
    %swap3A_218 = tpu.vector_load %arg7[%swap3A_216, %swap3A_217] {strides = array<i32>} : memref<256x16xf32, #tpu.memory_space<vmem>>, vector<16xf32>,
    tpu.vector_store %arg7[%swap3A_216, %swap3A_217], %broadcast_in_dim3A_3 {strides = array<i32>} : memref<256x16xf32, #tpu.memory_space<vmem>>, vector<16xf32>,
    %swap3A_219 = arith.constant 54 : i32
    %swap3A_220 = arith.index_cast %swap3A_219 : i32 to index
    %swap3A_221 = arith.constant 0 : index
    %swap3A_222 = tpu.vector_load %arg7[%swap3A_220, %swap3A_221] {strides = array<i32>} : memref<256x16xf32, #tpu.memory_space<vmem>>, vector<16xf32>,
    tpu.vector_store %arg7[%swap3A_220, %swap3A_221], %broadcast_in_dim3A_3 {strides = array<i32>} : memref<256x16xf32, #tpu.memory_space<vmem>>, vector<16xf32>,
    %swap3A_223 = arith.constant 55 : i32
    %swap3A_224 = arith.index_cast %swap3A_223 : i32 to index
    %swap3A_225 = arith.constant 0 : index
    %swap3A_226 = tpu.vector_load %arg7[%swap3A_224, %swap3A_225] {strides = array<i32>} : memref<256x16xf32, #tpu.memory_space<vmem>>, vector<16xf32>,
    tpu.vector_store %arg7[%swap3A_224, %swap3A_225], %broadcast_in_dim3A_3 {strides = array<i32>} : memref<256x16xf32, #tpu.memory_space<vmem>>, vector<16xf32>,
    %swap3A_227 = arith.constant 56 : i32
    %swap3A_228 = arith.index_cast %swap3A_227 : i32 to index
    %swap3A_229 = arith.constant 0 : index
    %swap3A_230 = tpu.vector_load %arg7[%swap3A_228, %swap3A_229] {strides = array<i32>} : memref<256x16xf32, #tpu.memory_space<vmem>>, vector<16xf32>,
    tpu.vector_store %arg7[%swap3A_228, %swap3A_229], %broadcast_in_dim3A_3 {strides = array<i32>} : memref<256x16xf32, #tpu.memory_space<vmem>>, vector<16xf32>,
    %swap3A_231 = arith.constant 57 : i32
    %swap3A_232 = arith.index_cast %swap3A_231 : i32 to index
    %swap3A_233 = arith.constant 0 : index
    %swap3A_234 = tpu.vector_load %arg7[%swap3A_232, %swap3A_233] {strides = array<i32>} : memref<256x16xf32, #tpu.memory_space<vmem>>, vector<16xf32>,
    tpu.vector_store %arg7[%swap3A_232, %swap3A_233], %broadcast_in_dim3A_3 {strides = array<i32>} : memref<256x16xf32, #tpu.memory_space<vmem>>, vector<16xf32>,
    %swap3A_235 = arith.constant 58 : i32
    %swap3A_236 = arith.index_cast %swap3A_235 : i32 to index
    %swap3A_237 = arith.constant 0 : index
    %swap3A_238 = tpu.vector_load %arg7[%swap3A_236, %swap3A_237] {strides = array<i32>} : memref<256x16xf32, #tpu.memory_space<vmem>>, vector<16xf32>,
    tpu.vector_store %arg7[%swap3A_236, %swap3A_237], %broadcast_in_dim3A_3 {strides = array<i32>} : memref<256x16xf32, #tpu.memory_space<vmem>>, vector<16xf32>,
    %swap3A_239 = arith.constant 59 : i32
    %swap3A_240 = arith.index_cast %swap3A_239 : i32 to index
    %swap3A_241 = arith.constant 0 : index
    %swap3A_242 = tpu.vector_load %arg7[%swap3A_240, %swap3A_241] {strides = array<i32>} : memref<256x16xf32, #tpu.memory_space<vmem>>, vector<16xf32>,
    tpu.vector_store %arg7[%swap3A_240, %swap3A_241], %broadcast_in_dim3A_3 {strides = array<i32>} : memref<256x16xf32, #tpu.memory_space<vmem>>, vector<16xf32>,
    %swap3A_243 = arith.constant 60 : i32
    %swap3A_244 = arith.index_cast %swap3A_243 : i32 to index
    %swap3A_245 = arith.constant 0 : index
    %swap3A_246 = tpu.vector_load %arg7[%swap3A_244, %swap3A_245] {strides = array<i32>} : memref<256x16xf32, #tpu.memory_space<vmem>>, vector<16xf32>,
    tpu.vector_store %arg7[%swap3A_244, %swap3A_245], %broadcast_in_dim3A_3 {strides = array<i32>} : memref<256x16xf32, #tpu.memory_space<vmem>>, vector<16xf32>,
    %swap3A_247 = arith.constant 61 : i32
    %swap3A_248 = arith.index_cast %swap3A_247 : i32 to index
    %swap3A_249 = arith.constant 0 : index
    %swap3A_250 = tpu.vector_load %arg7[%swap3A_248, %swap3A_249] {strides = array<i32>} : memref<256x16xf32, #tpu.memory_space<vmem>>, vector<16xf32>,
    tpu.vector_store %arg7[%swap3A_248, %swap3A_249], %broadcast_in_dim3A_3 {strides = array<i32>} : memref<256x16xf32, #tpu.memory_space<vmem>>, vector<16xf32>,
    %swap3A_251 = arith.constant 62 : i32
    %swap3A_252 = arith.index_cast %swap3A_251 : i32 to index
    %swap3A_253 = arith.constant 0 : index
    %swap3A_254 = tpu.vector_load %arg7[%swap3A_252, %swap3A_253] {strides = array<i32>} : memref<256x16xf32, #tpu.memory_space<vmem>>, vector<16xf32>,
    tpu.vector_store %arg7[%swap3A_252, %swap3A_253], %broadcast_in_dim3A_3 {strides = array<i32>} : memref<256x16xf32, #tpu.memory_space<vmem>>, vector<16xf32>,
    %swap3A_255 = arith.constant 63 : i32
    %swap3A_256 = arith.index_cast %swap3A_255 : i32 to index
    %swap3A_257 = arith.constant 0 : index
    %swap3A_258 = tpu.vector_load %arg7[%swap3A_256, %swap3A_257] {strides = array<i32>} : memref<256x16xf32, #tpu.memory_space<vmem>>, vector<16xf32>,
    tpu.vector_store %arg7[%swap3A_256, %swap3A_257], %broadcast_in_dim3A_3 {strides = array<i32>} : memref<256x16xf32, #tpu.memory_space<vmem>>, vector<16xf32>,
    %swap3A_259 = arith.constant 64 : i32
    %swap3A_260 = arith.index_cast %swap3A_259 : i32 to index
    %swap3A_261 = arith.constant 0 : index
    %swap3A_262 = tpu.vector_load %arg7[%swap3A_260, %swap3A_261] {strides = array<i32>} : memref<256x16xf32, #tpu.memory_space<vmem>>, vector<16xf32>,
    tpu.vector_store %arg7[%swap3A_260, %swap3A_261], %broadcast_in_dim3A_3 {strides = array<i32>} : memref<256x16xf32, #tpu.memory_space<vmem>>, vector<16xf32>,
    %swap3A_263 = arith.constant 65 : i32
    %swap3A_264 = arith.index_cast %swap3A_263 : i32 to index
    %swap3A_265 = arith.constant 0 : index
    %swap3A_266 = tpu.vector_load %arg7[%swap3A_264, %swap3A_265] {strides = array<i32>} : memref<256x16xf32, #tpu.memory_space<vmem>>, vector<16xf32>,
    tpu.vector_store %arg7[%swap3A_264, %swap3A_265], %broadcast_in_dim3A_3 {strides = array<i32>} : memref<256x16xf32, #tpu.memory_space<vmem>>, vector<16xf32>,
    %swap3A_267 = arith.constant 66 : i32
    %swap3A_268 = arith.index_cast %swap3A_267 : i32 to index
    %swap3A_269 = arith.constant 0 : index
    %swap3A_270 = tpu.vector_load %arg7[%swap3A_268, %swap3A_269] {strides = array<i32>} : memref<256x16xf32, #tpu.memory_space<vmem>>, vector<16xf32>,
    tpu.vector_store %arg7[%swap3A_268, %swap3A_269], %broadcast_in_dim3A_3 {strides = array<i32>} : memref<256x16xf32, #tpu.memory_space<vmem>>, vector<16xf32>,
    %swap3A_271 = arith.constant 67 : i32
    %swap3A_272 = arith.index_cast %swap3A_271 : i32 to index
    %swap3A_273 = arith.constant 0 : index
    %swap3A_274 = tpu.vector_load %arg7[%swap3A_272, %swap3A_273] {strides = array<i32>} : memref<256x16xf32, #tpu.memory_space<vmem>>, vector<16xf32>,
    tpu.vector_store %arg7[%swap3A_272, %swap3A_273], %broadcast_in_dim3A_3 {strides = array<i32>} : memref<256x16xf32, #tpu.memory_space<vmem>>, vector<16xf32>,
    %swap3A_275 = arith.constant 68 : i32
    %swap3A_276 = arith.index_cast %swap3A_275 : i32 to index
    %swap3A_277 = arith.constant 0 : index
    %swap3A_278 = tpu.vector_load %arg7[%swap3A_276, %swap3A_277] {strides = array<i32>} : memref<256x16xf32, #tpu.memory_space<vmem>>, vector<16xf32>,
    tpu.vector_store %arg7[%swap3A_276, %swap3A_277], %broadcast_in_dim3A_3 {strides = array<i32>} : memref<256x16xf32, #tpu.memory_space<vmem>>, vector<16xf32>,
    %swap3A_279 = arith.constant 69 : i32
    %swap3A_280 = arith.index_cast %swap3A_279 : i32 to index
    %swap3A_281 = arith.constant 0 : index
    %swap3A_282 = tpu.vector_load %arg7[%swap3A_280, %swap3A_281] {strides = array<i32>} : memref<256x16xf32, #tpu.memory_space<vmem>>, vector<16xf32>,
    tpu.vector_store %arg7[%swap3A_280, %swap3A_281], %broadcast_in_dim3A_3 {strides = array<i32>} : memref<256x16xf32, #tpu.memory_space<vmem>>, vector<16xf32>,
    %swap3A_283 = arith.constant 70 : i32
    %swap3A_284 = arith.index_cast %swap3A_283 : i32 to index
    %swap3A_285 = arith.constant 0 : index
    %swap3A_286 = tpu.vector_load %arg7[%swap3A_284, %swap3A_285] {strides = array<i32>} : memref<256x16xf32, #tpu.memory_space<vmem>>, vector<16xf32>,
    tpu.vector_store %arg7[%swap3A_284, %swap3A_285], %broadcast_in_dim3A_3 {strides = array<i32>} : memref<256x16xf32, #tpu.memory_space<vmem>>, vector<16xf32>,
    %swap3A_287 = arith.constant 71 : i32
    %swap3A_288 = arith.index_cast %swap3A_287 : i32 to index
    %swap3A_289 = arith.constant 0 : index
    %swap3A_290 = tpu.vector_load %arg7[%swap3A_288, %swap3A_289] {strides = array<i32>} : memref<256x16xf32, #tpu.memory_space<vmem>>, vector<16xf32>,
    tpu.vector_store %arg7[%swap3A_288, %swap3A_289], %broadcast_in_dim3A_3 {strides = array<i32>} : memref<256x16xf32, #tpu.memory_space<vmem>>, vector<16xf32>,
    %swap3A_291 = arith.constant 72 : i32
    %swap3A_292 = arith.index_cast %swap3A_291 : i32 to index
    %swap3A_293 = arith.constant 0 : index
    %swap3A_294 = tpu.vector_load %arg7[%swap3A_292, %swap3A_293] {strides = array<i32>} : memref<256x16xf32, #tpu.memory_space<vmem>>, vector<16xf32>,
    tpu.vector_store %arg7[%swap3A_292, %swap3A_293], %broadcast_in_dim3A_3 {strides = array<i32>} : memref<256x16xf32, #tpu.memory_space<vmem>>, vector<16xf32>,
    %swap3A_295 = arith.constant 73 : i32
    %swap3A_296 = arith.index_cast %swap3A_295 : i32 to index
    %swap3A_297 = arith.constant 0 : index
    %swap3A_298 = tpu.vector_load %arg7[%swap3A_296, %swap3A_297] {strides = array<i32>} : memref<256x16xf32, #tpu.memory_space<vmem>>, vector<16xf32>,
    tpu.vector_store %arg7[%swap3A_296, %swap3A_297], %broadcast_in_dim3A_3 {strides = array<i32>} : memref<256x16xf32, #tpu.memory_space<vmem>>, vector<16xf32>,
    %swap3A_299 = arith.constant 74 : i32
    %swap3A_300 = arith.index_cast %swap3A_299 : i32 to index
    %swap3A_301 = arith.constant 0 : index
    %swap3A_302 = tpu.vector_load %arg7[%swap3A_300, %swap3A_301] {strides = array<i32>} : memref<256x16xf32, #tpu.memory_space<vmem>>, vector<16xf32>,
    tpu.vector_store %arg7[%swap3A_300, %swap3A_301], %broadcast_in_dim3A_3 {strides = array<i32>} : memref<256x16xf32, #tpu.memory_space<vmem>>, vector<16xf32>,
    %swap3A_303 = arith.constant 75 : i32
    %swap3A_304 = arith.index_cast %swap3A_303 : i32 to index
    %swap3A_305 = arith.constant 0 : index
    %swap3A_306 = tpu.vector_load %arg7[%swap3A_304, %swap3A_305] {strides = array<i32>} : memref<256x16xf32, #tpu.memory_space<vmem>>, vector<16xf32>,
    tpu.vector_store %arg7[%swap3A_304, %swap3A_305], %broadcast_in_dim3A_3 {strides = array<i32>} : memref<256x16xf32, #tpu.memory_space<vmem>>, vector<16xf32>,
    %swap3A_307 = arith.constant 76 : i32
    %swap3A_308 = arith.index_cast %swap3A_307 : i32 to index
    %swap3A_309 = arith.constant 0 : index
    %swap3A_310 = tpu.vector_load %arg7[%swap3A_308, %swap3A_309] {strides = array<i32>} : memref<256x16xf32, #tpu.memory_space<vmem>>, vector<16xf32>,
    tpu.vector_store %arg7[%swap3A_308, %swap3A_309], %broadcast_in_dim3A_3 {strides = array<i32>} : memref<256x16xf32, #tpu.memory_space<vmem>>, vector<16xf32>,
    %swap3A_311 = arith.constant 77 : i32
    %swap3A_312 = arith.index_cast %swap3A_311 : i32 to index
    %swap3A_313 = arith.constant 0 : index
    %swap3A_314 = tpu.vector_load %arg7[%swap3A_312, %swap3A_313] {strides = array<i32>} : memref<256x16xf32, #tpu.memory_space<vmem>>, vector<16xf32>,
    tpu.vector_store %arg7[%swap3A_312, %swap3A_313], %broadcast_in_dim3A_3 {strides = array<i32>} : memref<256x16xf32, #tpu.memory_space<vmem>>, vector<16xf32>,
    %swap3A_315 = arith.constant 78 : i32
    %swap3A_316 = arith.index_cast %swap3A_315 : i32 to index
    %swap3A_317 = arith.constant 0 : index
    %swap3A_318 = tpu.vector_load %arg7[%swap3A_316, %swap3A_317] {strides = array<i32>} : memref<256x16xf32, #tpu.memory_space<vmem>>, vector<16xf32>,
    tpu.vector_store %arg7[%swap3A_316, %swap3A_317], %broadcast_in_dim3A_3 {strides = array<i32>} : memref<256x16xf32, #tpu.memory_space<vmem>>, vector<16xf32>,
    %swap3A_319 = arith.constant 79 : i32
    %swap3A_320 = arith.index_cast %swap3A_319 : i32 to index
    %swap3A_321 = arith.constant 0 : index
    %swap3A_322 = tpu.vector_load %arg7[%swap3A_320, %swap3A_321] {strides = array<i32>} : memref<256x16xf32, #tpu.memory_space<vmem>>, vector<16xf32>,
    tpu.vector_store %arg7[%swap3A_320, %swap3A_321], %broadcast_in_dim3A_3 {strides = array<i32>} : memref<256x16xf32, #tpu.memory_space<vmem>>, vector<16xf32>,
    %swap3A_323 = arith.constant 80 : i32
    %swap3A_324 = arith.index_cast %swap3A_323 : i32 to index
    %swap3A_325 = arith.constant 0 : index
    %swap3A_326 = tpu.vector_load %arg7[%swap3A_324, %swap3A_325] {strides = array<i32>} : memref<256x16xf32, #tpu.memory_space<vmem>>, vector<16xf32>,
    tpu.vector_store %arg7[%swap3A_324, %swap3A_325], %broadcast_in_dim3A_3 {strides = array<i32>} : memref<256x16xf32, #tpu.memory_space<vmem>>, vector<16xf32>,
    %swap3A_327 = arith.constant 81 : i32
    %swap3A_328 = arith.index_cast %swap3A_327 : i32 to index
    %swap3A_329 = arith.constant 0 : index
    %swap3A_330 = tpu.vector_load %arg7[%swap3A_328, %swap3A_329] {strides = array<i32>} : memref<256x16xf32, #tpu.memory_space<vmem>>, vector<16xf32>,
    tpu.vector_store %arg7[%swap3A_328, %swap3A_329], %broadcast_in_dim3A_3 {strides = array<i32>} : memref<256x16xf32, #tpu.memory_space<vmem>>, vector<16xf32>,
    %swap3A_331 = arith.constant 82 : i32
    %swap3A_332 = arith.index_cast %swap3A_331 : i32 to index
    %swap3A_333 = arith.constant 0 : index
    %swap3A_334 = tpu.vector_load %arg7[%swap3A_332, %swap3A_333] {strides = array<i32>} : memref<256x16xf32, #tpu.memory_space<vmem>>, vector<16xf32>,
    tpu.vector_store %arg7[%swap3A_332, %swap3A_333], %broadcast_in_dim3A_3 {strides = array<i32>} : memref<256x16xf32, #tpu.memory_space<vmem>>, vector<16xf32>,
    %swap3A_335 = arith.constant 83 : i32
    %swap3A_336 = arith.index_cast %swap3A_335 : i32 to index
    %swap3A_337 = arith.constant 0 : index
    %swap3A_338 = tpu.vector_load %arg7[%swap3A_336, %swap3A_337] {strides = array<i32>} : memref<256x16xf32, #tpu.memory_space<vmem>>, vector<16xf32>,
    tpu.vector_store %arg7[%swap3A_336, %swap3A_337], %broadcast_in_dim3A_3 {strides = array<i32>} : memref<256x16xf32, #tpu.memory_space<vmem>>, vector<16xf32>,
    %swap3A_339 = arith.constant 84 : i32
    %swap3A_340 = arith.index_cast %swap3A_339 : i32 to index
    %swap3A_341 = arith.constant 0 : index
    %swap3A_342 = tpu.vector_load %arg7[%swap3A_340, %swap3A_341] {strides = array<i32>} : memref<256x16xf32, #tpu.memory_space<vmem>>, vector<16xf32>,
    tpu.vector_store %arg7[%swap3A_340, %swap3A_341], %broadcast_in_dim3A_3 {strides = array<i32>} : memref<256x16xf32, #tpu.memory_space<vmem>>, vector<16xf32>,
    %swap3A_343 = arith.constant 85 : i32
    %swap3A_344 = arith.index_cast %swap3A_343 : i32 to index
    %swap3A_345 = arith.constant 0 : index
    %swap3A_346 = tpu.vector_load %arg7[%swap3A_344, %swap3A_345] {strides = array<i32>} : memref<256x16xf32, #tpu.memory_space<vmem>>, vector<16xf32>,
    tpu.vector_store %arg7[%swap3A_344, %swap3A_345], %broadcast_in_dim3A_3 {strides = array<i32>} : memref<256x16xf32, #tpu.memory_space<vmem>>, vector<16xf32>,
    %swap3A_347 = arith.constant 86 : i32
    %swap3A_348 = arith.index_cast %swap3A_347 : i32 to index
    %swap3A_349 = arith.constant 0 : index
    %swap3A_350 = tpu.vector_load %arg7[%swap3A_348, %swap3A_349] {strides = array<i32>} : memref<256x16xf32, #tpu.memory_space<vmem>>, vector<16xf32>,
    tpu.vector_store %arg7[%swap3A_348, %swap3A_349], %broadcast_in_dim3A_3 {strides = array<i32>} : memref<256x16xf32, #tpu.memory_space<vmem>>, vector<16xf32>,
    %swap3A_351 = arith.constant 87 : i32
    %swap3A_352 = arith.index_cast %swap3A_351 : i32 to index
    %swap3A_353 = arith.constant 0 : index
    %swap3A_354 = tpu.vector_load %arg7[%swap3A_352, %swap3A_353] {strides = array<i32>} : memref<256x16xf32, #tpu.memory_space<vmem>>, vector<16xf32>,
    tpu.vector_store %arg7[%swap3A_352, %swap3A_353], %broadcast_in_dim3A_3 {strides = array<i32>} : memref<256x16xf32, #tpu.memory_space<vmem>>, vector<16xf32>,
    %swap3A_355 = arith.constant 88 : i32
    %swap3A_356 = arith.index_cast %swap3A_355 : i32 to index
    %swap3A_357 = arith.constant 0 : index
    %swap3A_358 = tpu.vector_load %arg7[%swap3A_356, %swap3A_357] {strides = array<i32>} : memref<256x16xf32, #tpu.memory_space<vmem>>, vector<16xf32>,
    tpu.vector_store %arg7[%swap3A_356, %swap3A_357], %broadcast_in_dim3A_3 {strides = array<i32>} : memref<256x16xf32, #tpu.memory_space<vmem>>, vector<16xf32>,
    %swap3A_359 = arith.constant 89 : i32
    %swap3A_360 = arith.index_cast %swap3A_359 : i32 to index
    %swap3A_361 = arith.constant 0 : index
    %swap3A_362 = tpu.vector_load %arg7[%swap3A_360, %swap3A_361] {strides = array<i32>} : memref<256x16xf32, #tpu.memory_space<vmem>>, vector<16xf32>,
    tpu.vector_store %arg7[%swap3A_360, %swap3A_361], %broadcast_in_dim3A_3 {strides = array<i32>} : memref<256x16xf32, #tpu.memory_space<vmem>>, vector<16xf32>,
    %swap3A_363 = arith.constant 90 : i32
    %swap3A_364 = arith.index_cast %swap3A_363 : i32 to index
    %swap3A_365 = arith.constant 0 : index
    %swap3A_366 = tpu.vector_load %arg7[%swap3A_364, %swap3A_365] {strides = array<i32>} : memref<256x16xf32, #tpu.memory_space<vmem>>, vector<16xf32>,
    tpu.vector_store %arg7[%swap3A_364, %swap3A_365], %broadcast_in_dim3A_3 {strides = array<i32>} : memref<256x16xf32, #tpu.memory_space<vmem>>, vector<16xf32>,
    %swap3A_367 = arith.constant 91 : i32
    %swap3A_368 = arith.index_cast %swap3A_367 : i32 to index
    %swap3A_369 = arith.constant 0 : index
    %swap3A_370 = tpu.vector_load %arg7[%swap3A_368, %swap3A_369] {strides = array<i32>} : memref<256x16xf32, #tpu.memory_space<vmem>>, vector<16xf32>,
    tpu.vector_store %arg7[%swap3A_368, %swap3A_369], %broadcast_in_dim3A_3 {strides = array<i32>} : memref<256x16xf32, #tpu.memory_space<vmem>>, vector<16xf32>,
    %swap3A_371 = arith.constant 92 : i32
    %swap3A_372 = arith.index_cast %swap3A_371 : i32 to index
    %swap3A_373 = arith.constant 0 : index
    %swap3A_374 = tpu.vector_load %arg7[%swap3A_372, %swap3A_373] {strides = array<i32>} : memref<256x16xf32, #tpu.memory_space<vmem>>, vector<16xf32>,
    tpu.vector_store %arg7[%swap3A_372, %swap3A_373], %broadcast_in_dim3A_3 {strides = array<i32>} : memref<256x16xf32, #tpu.memory_space<vmem>>, vector<16xf32>,
    %swap3A_375 = arith.constant 93 : i32
    %swap3A_376 = arith.index_cast %swap3A_375 : i32 to index
    %swap3A_377 = arith.constant 0 : index
    %swap3A_378 = tpu.vector_load %arg7[%swap3A_376, %swap3A_377] {strides = array<i32>} : memref<256x16xf32, #tpu.memory_space<vmem>>, vector<16xf32>,
    tpu.vector_store %arg7[%swap3A_376, %swap3A_377], %broadcast_in_dim3A_3 {strides = array<i32>} : memref<256x16xf32, #tpu.memory_space<vmem>>, vector<16xf32>,
    %swap3A_379 = arith.constant 94 : i32
    %swap3A_380 = arith.index_cast %swap3A_379 : i32 to index
    %swap3A_381 = arith.constant 0 : index
    %swap3A_382 = tpu.vector_load %arg7[%swap3A_380, %swap3A_381] {strides = array<i32>} : memref<256x16xf32, #tpu.memory_space<vmem>>, vector<16xf32>,
    tpu.vector_store %arg7[%swap3A_380, %swap3A_381], %broadcast_in_dim3A_3 {strides = array<i32>} : memref<256x16xf32, #tpu.memory_space<vmem>>, vector<16xf32>,
    %swap3A_383 = arith.constant 95 : i32
    %swap3A_384 = arith.index_cast %swap3A_383 : i32 to index
    %swap3A_385 = arith.constant 0 : index
    %swap3A_386 = tpu.vector_load %arg7[%swap3A_384, %swap3A_385] {strides = array<i32>} : memref<256x16xf32, #tpu.memory_space<vmem>>, vector<16xf32>,
    tpu.vector_store %arg7[%swap3A_384, %swap3A_385], %broadcast_in_dim3A_3 {strides = array<i32>} : memref<256x16xf32, #tpu.memory_space<vmem>>, vector<16xf32>,
    %swap3A_387 = arith.constant 96 : i32
    %swap3A_388 = arith.index_cast %swap3A_387 : i32 to index
    %swap3A_389 = arith.constant 0 : index
    %swap3A_390 = tpu.vector_load %arg7[%swap3A_388, %swap3A_389] {strides = array<i32>} : memref<256x16xf32, #tpu.memory_space<vmem>>, vector<16xf32>,
    tpu.vector_store %arg7[%swap3A_388, %swap3A_389], %broadcast_in_dim3A_3 {strides = array<i32>} : memref<256x16xf32, #tpu.memory_space<vmem>>, vector<16xf32>,
    %swap3A_391 = arith.constant 97 : i32
    %swap3A_392 = arith.index_cast %swap3A_391 : i32 to index
    %swap3A_393 = arith.constant 0 : index
    %swap3A_394 = tpu.vector_load %arg7[%swap3A_392, %swap3A_393] {strides = array<i32>} : memref<256x16xf32, #tpu.memory_space<vmem>>, vector<16xf32>,
    tpu.vector_store %arg7[%swap3A_392, %swap3A_393], %broadcast_in_dim3A_3 {strides = array<i32>} : memref<256x16xf32, #tpu.memory_space<vmem>>, vector<16xf32>,
    %swap3A_395 = arith.constant 98 : i32
    %swap3A_396 = arith.index_cast %swap3A_395 : i32 to index
    %swap3A_397 = arith.constant 0 : index
    %swap3A_398 = tpu.vector_load %arg7[%swap3A_396, %swap3A_397] {strides = array<i32>} : memref<256x16xf32, #tpu.memory_space<vmem>>, vector<16xf32>,
    tpu.vector_store %arg7[%swap3A_396, %swap3A_397], %broadcast_in_dim3A_3 {strides = array<i32>} : memref<256x16xf32, #tpu.memory_space<vmem>>, vector<16xf32>,
    %swap3A_399 = arith.constant 99 : i32
    %swap3A_400 = arith.index_cast %swap3A_399 : i32 to index
    %swap3A_401 = arith.constant 0 : index
    %swap3A_402 = tpu.vector_load %arg7[%swap3A_400, %swap3A_401] {strides = array<i32>} : memref<256x16xf32, #tpu.memory_space<vmem>>, vector<16xf32>,
    tpu.vector_store %arg7[%swap3A_400, %swap3A_401], %broadcast_in_dim3A_3 {strides = array<i32>} : memref<256x16xf32, #tpu.memory_space<vmem>>, vector<16xf32>,
    %swap3A_403 = arith.constant 100 : i32
    %swap3A_404 = arith.index_cast %swap3A_403 : i32 to index
    %swap3A_405 = arith.constant 0 : index
    %swap3A_406 = tpu.vector_load %arg7[%swap3A_404, %swap3A_405] {strides = array<i32>} : memref<256x16xf32, #tpu.memory_space<vmem>>, vector<16xf32>,
    tpu.vector_store %arg7[%swap3A_404, %swap3A_405], %broadcast_in_dim3A_3 {strides = array<i32>} : memref<256x16xf32, #tpu.memory_space<vmem>>, vector<16xf32>,
    %swap3A_407 = arith.constant 101 : i32
    %swap3A_408 = arith.index_cast %swap3A_407 : i32 to index
    %swap3A_409 = arith.constant 0 : index
    %swap3A_410 = tpu.vector_load %arg7[%swap3A_408, %swap3A_409] {strides = array<i32>} : memref<256x16xf32, #tpu.memory_space<vmem>>, vector<16xf32>,
    tpu.vector_store %arg7[%swap3A_408, %swap3A_409], %broadcast_in_dim3A_3 {strides = array<i32>} : memref<256x16xf32, #tpu.memory_space<vmem>>, vector<16xf32>,
    %swap3A_411 = arith.constant 102 : i32
    %swap3A_412 = arith.index_cast %swap3A_411 : i32 to index
    %swap3A_413 = arith.constant 0 : index
    %swap3A_414 = tpu.vector_load %arg7[%swap3A_412, %swap3A_413] {strides = array<i32>} : memref<256x16xf32, #tpu.memory_space<vmem>>, vector<16xf32>,
    tpu.vector_store %arg7[%swap3A_412, %swap3A_413], %broadcast_in_dim3A_3 {strides = array<i32>} : memref<256x16xf32, #tpu.memory_space<vmem>>, vector<16xf32>,
    %swap3A_415 = arith.constant 103 : i32
    %swap3A_416 = arith.index_cast %swap3A_415 : i32 to index
    %swap3A_417 = arith.constant 0 : index
    %swap3A_418 = tpu.vector_load %arg7[%swap3A_416, %swap3A_417] {strides = array<i32>} : memref<256x16xf32, #tpu.memory_space<vmem>>, vector<16xf32>,
    tpu.vector_store %arg7[%swap3A_416, %swap3A_417], %broadcast_in_dim3A_3 {strides = array<i32>} : memref<256x16xf32, #tpu.memory_space<vmem>>, vector<16xf32>,
    %swap3A_419 = arith.constant 104 : i32
    %swap3A_420 = arith.index_cast %swap3A_419 : i32 to index
    %swap3A_421 = arith.constant 0 : index
    %swap3A_422 = tpu.vector_load %arg7[%swap3A_420, %swap3A_421] {strides = array<i32>} : memref<256x16xf32, #tpu.memory_space<vmem>>, vector<16xf32>,
    tpu.vector_store %arg7[%swap3A_420, %swap3A_421], %broadcast_in_dim3A_3 {strides = array<i32>} : memref<256x16xf32, #tpu.memory_space<vmem>>, vector<16xf32>,
    %swap3A_423 = arith.constant 105 : i32
    %swap3A_424 = arith.index_cast %swap3A_423 : i32 to index
    %swap3A_425 = arith.constant 0 : index
    %swap3A_426 = tpu.vector_load %arg7[%swap3A_424, %swap3A_425] {strides = array<i32>} : memref<256x16xf32, #tpu.memory_space<vmem>>, vector<16xf32>,
    tpu.vector_store %arg7[%swap3A_424, %swap3A_425], %broadcast_in_dim3A_3 {strides = array<i32>} : memref<256x16xf32, #tpu.memory_space<vmem>>, vector<16xf32>,
    %swap3A_427 = arith.constant 106 : i32
    %swap3A_428 = arith.index_cast %swap3A_427 : i32 to index
    %swap3A_429 = arith.constant 0 : index
    %swap3A_430 = tpu.vector_load %arg7[%swap3A_428, %swap3A_429] {strides = array<i32>} : memref<256x16xf32, #tpu.memory_space<vmem>>, vector<16xf32>,
    tpu.vector_store %arg7[%swap3A_428, %swap3A_429], %broadcast_in_dim3A_3 {strides = array<i32>} : memref<256x16xf32, #tpu.memory_space<vmem>>, vector<16xf32>,
    %swap3A_431 = arith.constant 107 : i32
    %swap3A_432 = arith.index_cast %swap3A_431 : i32 to index
    %swap3A_433 = arith.constant 0 : index
    %swap3A_434 = tpu.vector_load %arg7[%swap3A_432, %swap3A_433] {strides = array<i32>} : memref<256x16xf32, #tpu.memory_space<vmem>>, vector<16xf32>,
    tpu.vector_store %arg7[%swap3A_432, %swap3A_433], %broadcast_in_dim3A_3 {strides = array<i32>} : memref<256x16xf32, #tpu.memory_space<vmem>>, vector<16xf32>,
    %swap3A_435 = arith.constant 108 : i32
    %swap3A_436 = arith.index_cast %swap3A_435 : i32 to index
    %swap3A_437 = arith.constant 0 : index
    %swap3A_438 = tpu.vector_load %arg7[%swap3A_436, %swap3A_437] {strides = array<i32>} : memref<256x16xf32, #tpu.memory_space<vmem>>, vector<16xf32>,
    tpu.vector_store %arg7[%swap3A_436, %swap3A_437], %broadcast_in_dim3A_3 {strides = array<i32>} : memref<256x16xf32, #tpu.memory_space<vmem>>, vector<16xf32>,
    %swap3A_439 = arith.constant 109 : i32
    %swap3A_440 = arith.index_cast %swap3A_439 : i32 to index
    %swap3A_441 = arith.constant 0 : index
    %swap3A_442 = tpu.vector_load %arg7[%swap3A_440, %swap3A_441] {strides = array<i32>} : memref<256x16xf32, #tpu.memory_space<vmem>>, vector<16xf32>,
    tpu.vector_store %arg7[%swap3A_440, %swap3A_441], %broadcast_in_dim3A_3 {strides = array<i32>} : memref<256x16xf32, #tpu.memory_space<vmem>>, vector<16xf32>,
    %swap3A_443 = arith.constant 110 : i32
    %swap3A_444 = arith.index_cast %swap3A_443 : i32 to index
    %swap3A_445 = arith.constant 0 : index
    %swap3A_446 = tpu.vector_load %arg7[%swap3A_444, %swap3A_445] {strides = array<i32>} : memref<256x16xf32, #tpu.memory_space<vmem>>, vector<16xf32>,
    tpu.vector_store %arg7[%swap3A_444, %swap3A_445], %broadcast_in_dim3A_3 {strides = array<i32>} : memref<256x16xf32, #tpu.memory_space<vmem>>, vector<16xf32>,
    %swap3A_447 = arith.constant 111 : i32
    %swap3A_448 = arith.index_cast %swap3A_447 : i32 to index
    %swap3A_449 = arith.constant 0 : index
    %swap3A_450 = tpu.vector_load %arg7[%swap3A_448, %swap3A_449] {strides = array<i32>} : memref<256x16xf32, #tpu.memory_space<vmem>>, vector<16xf32>,
    tpu.vector_store %arg7[%swap3A_448, %swap3A_449], %broadcast_in_dim3A_3 {strides = array<i32>} : memref<256x16xf32, #tpu.memory_space<vmem>>, vector<16xf32>,
    %swap3A_451 = arith.constant 112 : i32
    %swap3A_452 = arith.index_cast %swap3A_451 : i32 to index
    %swap3A_453 = arith.constant 0 : index
    %swap3A_454 = tpu.vector_load %arg7[%swap3A_452, %swap3A_453] {strides = array<i32>} : memref<256x16xf32, #tpu.memory_space<vmem>>, vector<16xf32>,
    tpu.vector_store %arg7[%swap3A_452, %swap3A_453], %broadcast_in_dim3A_3 {strides = array<i32>} : memref<256x16xf32, #tpu.memory_space<vmem>>, vector<16xf32>,
    %swap3A_455 = arith.constant 113 : i32
    %swap3A_456 = arith.index_cast %swap3A_455 : i32 to index
    %swap3A_457 = arith.constant 0 : index
    %swap3A_458 = tpu.vector_load %arg7[%swap3A_456, %swap3A_457] {strides = array<i32>} : memref<256x16xf32, #tpu.memory_space<vmem>>, vector<16xf32>,
    tpu.vector_store %arg7[%swap3A_456, %swap3A_457], %broadcast_in_dim3A_3 {strides = array<i32>} : memref<256x16xf32, #tpu.memory_space<vmem>>, vector<16xf32>,
    %swap3A_459 = arith.constant 114 : i32
    %swap3A_460 = arith.index_cast %swap3A_459 : i32 to index
    %swap3A_461 = arith.constant 0 : index
    %swap3A_462 = tpu.vector_load %arg7[%swap3A_460, %swap3A_461] {strides = array<i32>} : memref<256x16xf32, #tpu.memory_space<vmem>>, vector<16xf32>,
    tpu.vector_store %arg7[%swap3A_460, %swap3A_461], %broadcast_in_dim3A_3 {strides = array<i32>} : memref<256x16xf32, #tpu.memory_space<vmem>>, vector<16xf32>,
    %swap3A_463 = arith.constant 115 : i32
    %swap3A_464 = arith.index_cast %swap3A_463 : i32 to index
    %swap3A_465 = arith.constant 0 : index
    %swap3A_466 = tpu.vector_load %arg7[%swap3A_464, %swap3A_465] {strides = array<i32>} : memref<256x16xf32, #tpu.memory_space<vmem>>, vector<16xf32>,
    tpu.vector_store %arg7[%swap3A_464, %swap3A_465], %broadcast_in_dim3A_3 {strides = array<i32>} : memref<256x16xf32, #tpu.memory_space<vmem>>, vector<16xf32>,
    %swap3A_467 = arith.constant 116 : i32
    %swap3A_468 = arith.index_cast %swap3A_467 : i32 to index
    %swap3A_469 = arith.constant 0 : index
    %swap3A_470 = tpu.vector_load %arg7[%swap3A_468, %swap3A_469] {strides = array<i32>} : memref<256x16xf32, #tpu.memory_space<vmem>>, vector<16xf32>,
    tpu.vector_store %arg7[%swap3A_468, %swap3A_469], %broadcast_in_dim3A_3 {strides = array<i32>} : memref<256x16xf32, #tpu.memory_space<vmem>>, vector<16xf32>,
    %swap3A_471 = arith.constant 117 : i32
    %swap3A_472 = arith.index_cast %swap3A_471 : i32 to index
    %swap3A_473 = arith.constant 0 : index
    %swap3A_474 = tpu.vector_load %arg7[%swap3A_472, %swap3A_473] {strides = array<i32>} : memref<256x16xf32, #tpu.memory_space<vmem>>, vector<16xf32>,
    tpu.vector_store %arg7[%swap3A_472, %swap3A_473], %broadcast_in_dim3A_3 {strides = array<i32>} : memref<256x16xf32, #tpu.memory_space<vmem>>, vector<16xf32>,
    %swap3A_475 = arith.constant 118 : i32
    %swap3A_476 = arith.index_cast %swap3A_475 : i32 to index
    %swap3A_477 = arith.constant 0 : index
    %swap3A_478 = tpu.vector_load %arg7[%swap3A_476, %swap3A_477] {strides = array<i32>} : memref<256x16xf32, #tpu.memory_space<vmem>>, vector<16xf32>,
    tpu.vector_store %arg7[%swap3A_476, %swap3A_477], %broadcast_in_dim3A_3 {strides = array<i32>} : memref<256x16xf32, #tpu.memory_space<vmem>>, vector<16xf32>,
    %swap3A_479 = arith.constant 119 : i32
    %swap3A_480 = arith.index_cast %swap3A_479 : i32 to index
    %swap3A_481 = arith.constant 0 : index
    %swap3A_482 = tpu.vector_load %arg7[%swap3A_480, %swap3A_481] {strides = array<i32>} : memref<256x16xf32, #tpu.memory_space<vmem>>, vector<16xf32>,
    tpu.vector_store %arg7[%swap3A_480, %swap3A_481], %broadcast_in_dim3A_3 {strides = array<i32>} : memref<256x16xf32, #tpu.memory_space<vmem>>, vector<16xf32>,
    %swap3A_483 = arith.constant 120 : i32
    %swap3A_484 = arith.index_cast %swap3A_483 : i32 to index
    %swap3A_485 = arith.constant 0 : index
    %swap3A_486 = tpu.vector_load %arg7[%swap3A_484, %swap3A_485] {strides = array<i32>} : memref<256x16xf32, #tpu.memory_space<vmem>>, vector<16xf32>,
    tpu.vector_store %arg7[%swap3A_484, %swap3A_485], %broadcast_in_dim3A_3 {strides = array<i32>} : memref<256x16xf32, #tpu.memory_space<vmem>>, vector<16xf32>,
    %swap3A_487 = arith.constant 121 : i32
    %swap3A_488 = arith.index_cast %swap3A_487 : i32 to index
    %swap3A_489 = arith.constant 0 : index
    %swap3A_490 = tpu.vector_load %arg7[%swap3A_488, %swap3A_489] {strides = array<i32>} : memref<256x16xf32, #tpu.memory_space<vmem>>, vector<16xf32>,
    tpu.vector_store %arg7[%swap3A_488, %swap3A_489], %broadcast_in_dim3A_3 {strides = array<i32>} : memref<256x16xf32, #tpu.memory_space<vmem>>, vector<16xf32>,
    %swap3A_491 = arith.constant 122 : i32
    %swap3A_492 = arith.index_cast %swap3A_491 : i32 to index
    %swap3A_493 = arith.constant 0 : index
    %swap3A_494 = tpu.vector_load %arg7[%swap3A_492, %swap3A_493] {strides = array<i32>} : memref<256x16xf32, #tpu.memory_space<vmem>>, vector<16xf32>,
    tpu.vector_store %arg7[%swap3A_492, %swap3A_493], %broadcast_in_dim3A_3 {strides = array<i32>} : memref<256x16xf32, #tpu.memory_space<vmem>>, vector<16xf32>,
    %swap3A_495 = arith.constant 123 : i32
    %swap3A_496 = arith.index_cast %swap3A_495 : i32 to index
    %swap3A_497 = arith.constant 0 : index
    %swap3A_498 = tpu.vector_load %arg7[%swap3A_496, %swap3A_497] {strides = array<i32>} : memref<256x16xf32, #tpu.memory_space<vmem>>, vector<16xf32>,
    tpu.vector_store %arg7[%swap3A_496, %swap3A_497], %broadcast_in_dim3A_3 {strides = array<i32>} : memref<256x16xf32, #tpu.memory_space<vmem>>, vector<16xf32>,
    %swap3A_499 = arith.constant 124 : i32
    %swap3A_500 = arith.index_cast %swap3A_499 : i32 to index
    %swap3A_501 = arith.constant 0 : index
    %swap3A_502 = tpu.vector_load %arg7[%swap3A_500, %swap3A_501] {strides = array<i32>} : memref<256x16xf32, #tpu.memory_space<vmem>>, vector<16xf32>,
    tpu.vector_store %arg7[%swap3A_500, %swap3A_501], %broadcast_in_dim3A_3 {strides = array<i32>} : memref<256x16xf32, #tpu.memory_space<vmem>>, vector<16xf32>,
    %swap3A_503 = arith.constant 125 : i32
    %swap3A_504 = arith.index_cast %swap3A_503 : i32 to index
    %swap3A_505 = arith.constant 0 : index
    %swap3A_506 = tpu.vector_load %arg7[%swap3A_504, %swap3A_505] {strides = array<i32>} : memref<256x16xf32, #tpu.memory_space<vmem>>, vector<16xf32>,
    tpu.vector_store %arg7[%swap3A_504, %swap3A_505], %broadcast_in_dim3A_3 {strides = array<i32>} : memref<256x16xf32, #tpu.memory_space<vmem>>, vector<16xf32>,
    %swap3A_507 = arith.constant 126 : i32
    %swap3A_508 = arith.index_cast %swap3A_507 : i32 to index
    %swap3A_509 = arith.constant 0 : index
    %swap3A_510 = tpu.vector_load %arg7[%swap3A_508, %swap3A_509] {strides = array<i32>} : memref<256x16xf32, #tpu.memory_space<vmem>>, vector<16xf32>,
    tpu.vector_store %arg7[%swap3A_508, %swap3A_509], %broadcast_in_dim3A_3 {strides = array<i32>} : memref<256x16xf32, #tpu.memory_space<vmem>>, vector<16xf32>,
    %swap3A_511 = arith.constant 127 : i32
    %swap3A_512 = arith.index_cast %swap3A_511 : i32 to index
    %swap3A_513 = arith.constant 0 : index
    %swap3A_514 = tpu.vector_load %arg7[%swap3A_512, %swap3A_513] {strides = array<i32>} : memref<256x16xf32, #tpu.memory_space<vmem>>, vector<16xf32>,
    tpu.vector_store %arg7[%swap3A_512, %swap3A_513], %broadcast_in_dim3A_3 {strides = array<i32>} : memref<256x16xf32, #tpu.memory_space<vmem>>, vector<16xf32>,
    %swap3A_515 = arith.constant 128 : i32
    %swap3A_516 = arith.index_cast %swap3A_515 : i32 to index
    %swap3A_517 = arith.constant 0 : index
    %swap3A_518 = tpu.vector_load %arg7[%swap3A_516, %swap3A_517] {strides = array<i32>} : memref<256x16xf32, #tpu.memory_space<vmem>>, vector<16xf32>,
    tpu.vector_store %arg7[%swap3A_516, %swap3A_517], %broadcast_in_dim3A_3 {strides = array<i32>} : memref<256x16xf32, #tpu.memory_space<vmem>>, vector<16xf32>,
    %swap3A_519 = arith.constant 129 : i32
    %swap3A_520 = arith.index_cast %swap3A_519 : i32 to index
    %swap3A_521 = arith.constant 0 : index
    %swap3A_522 = tpu.vector_load %arg7[%swap3A_520, %swap3A_521] {strides = array<i32>} : memref<256x16xf32, #tpu.memory_space<vmem>>, vector<16xf32>,
    tpu.vector_store %arg7[%swap3A_520, %swap3A_521], %broadcast_in_dim3A_3 {strides = array<i32>} : memref<256x16xf32, #tpu.memory_space<vmem>>, vector<16xf32>,
    %swap3A_523 = arith.constant 130 : i32
    %swap3A_524 = arith.index_cast %swap3A_523 : i32 to index
    %swap3A_525 = arith.constant 0 : index
    %swap3A_526 = tpu.vector_load %arg7[%swap3A_524, %swap3A_525] {strides = array<i32>} : memref<256x16xf32, #tpu.memory_space<vmem>>, vector<16xf32>,
    tpu.vector_store %arg7[%swap3A_524, %swap3A_525], %broadcast_in_dim3A_3 {strides = array<i32>} : memref<256x16xf32, #tpu.memory_space<vmem>>, vector<16xf32>,
    %swap3A_527 = arith.constant 131 : i32
    %swap3A_528 = arith.index_cast %swap3A_527 : i32 to index
    %swap3A_529 = arith.constant 0 : index
    %swap3A_530 = tpu.vector_load %arg7[%swap3A_528, %swap3A_529] {strides = array<i32>} : memref<256x16xf32, #tpu.memory_space<vmem>>, vector<16xf32>,
    tpu.vector_store %arg7[%swap3A_528, %swap3A_529], %broadcast_in_dim3A_3 {strides = array<i32>} : memref<256x16xf32, #tpu.memory_space<vmem>>, vector<16xf32>,
    %swap3A_531 = arith.constant 132 : i32
    %swap3A_532 = arith.index_cast %swap3A_531 : i32 to index
    %swap3A_533 = arith.constant 0 : index
    %swap3A_534 = tpu.vector_load %arg7[%swap3A_532, %swap3A_533] {strides = array<i32>} : memref<256x16xf32, #tpu.memory_space<vmem>>, vector<16xf32>,
    tpu.vector_store %arg7[%swap3A_532, %swap3A_533], %broadcast_in_dim3A_3 {strides = array<i32>} : memref<256x16xf32, #tpu.memory_space<vmem>>, vector<16xf32>,
    %swap3A_535 = arith.constant 133 : i32
    %swap3A_536 = arith.index_cast %swap3A_535 : i32 to index
    %swap3A_537 = arith.constant 0 : index
    %swap3A_538 = tpu.vector_load %arg7[%swap3A_536, %swap3A_537] {strides = array<i32>} : memref<256x16xf32, #tpu.memory_space<vmem>>, vector<16xf32>,
    tpu.vector_store %arg7[%swap3A_536, %swap3A_537], %broadcast_in_dim3A_3 {strides = array<i32>} : memref<256x16xf32, #tpu.memory_space<vmem>>, vector<16xf32>,
    %swap3A_539 = arith.constant 134 : i32
    %swap3A_540 = arith.index_cast %swap3A_539 : i32 to index
    %swap3A_541 = arith.constant 0 : index
    %swap3A_542 = tpu.vector_load %arg7[%swap3A_540, %swap3A_541] {strides = array<i32>} : memref<256x16xf32, #tpu.memory_space<vmem>>, vector<16xf32>,
    tpu.vector_store %arg7[%swap3A_540, %swap3A_541], %broadcast_in_dim3A_3 {strides = array<i32>} : memref<256x16xf32, #tpu.memory_space<vmem>>, vector<16xf32>,
    %swap3A_543 = arith.constant 135 : i32
    %swap3A_544 = arith.index_cast %swap3A_543 : i32 to index
    %swap3A_545 = arith.constant 0 : index
    %swap3A_546 = tpu.vector_load %arg7[%swap3A_544, %swap3A_545] {strides = array<i32>} : memref<256x16xf32, #tpu.memory_space<vmem>>, vector<16xf32>,
    tpu.vector_store %arg7[%swap3A_544, %swap3A_545], %broadcast_in_dim3A_3 {strides = array<i32>} : memref<256x16xf32, #tpu.memory_space<vmem>>, vector<16xf32>,
    %swap3A_547 = arith.constant 136 : i32
    %swap3A_548 = arith.index_cast %swap3A_547 : i32 to index
    %swap3A_549 = arith.constant 0 : index
    %swap3A_550 = tpu.vector_load %arg7[%swap3A_548, %swap3A_549] {strides = array<i32>} : memref<256x16xf32, #tpu.memory_space<vmem>>, vector<16xf32>,
    tpu.vector_store %arg7[%swap3A_548, %swap3A_549], %broadcast_in_dim3A_3 {strides = array<i32>} : memref<256x16xf32, #tpu.memory_space<vmem>>, vector<16xf32>,
    %swap3A_551 = arith.constant 137 : i32
    %swap3A_552 = arith.index_cast %swap3A_551 : i32 to index
    %swap3A_553 = arith.constant 0 : index
    %swap3A_554 = tpu.vector_load %arg7[%swap3A_552, %swap3A_553] {strides = array<i32>} : memref<256x16xf32, #tpu.memory_space<vmem>>, vector<16xf32>,
    tpu.vector_store %arg7[%swap3A_552, %swap3A_553], %broadcast_in_dim3A_3 {strides = array<i32>} : memref<256x16xf32, #tpu.memory_space<vmem>>, vector<16xf32>,
    %swap3A_555 = arith.constant 138 : i32
    %swap3A_556 = arith.index_cast %swap3A_555 : i32 to index
    %swap3A_557 = arith.constant 0 : index
    %swap3A_558 = tpu.vector_load %arg7[%swap3A_556, %swap3A_557] {strides = array<i32>} : memref<256x16xf32, #tpu.memory_space<vmem>>, vector<16xf32>,
    tpu.vector_store %arg7[%swap3A_556, %swap3A_557], %broadcast_in_dim3A_3 {strides = array<i32>} : memref<256x16xf32, #tpu.memory_space<vmem>>, vector<16xf32>,
    %swap3A_559 = arith.constant 139 : i32
    %swap3A_560 = arith.index_cast %swap3A_559 : i32 to index
    %swap3A_561 = arith.constant 0 : index
    %swap3A_562 = tpu.vector_load %arg7[%swap3A_560, %swap3A_561] {strides = array<i32>} : memref<256x16xf32, #tpu.memory_space<vmem>>, vector<16xf32>,
    tpu.vector_store %arg7[%swap3A_560, %swap3A_561], %broadcast_in_dim3A_3 {strides = array<i32>} : memref<256x16xf32, #tpu.memory_space<vmem>>, vector<16xf32>,
    %swap3A_563 = arith.constant 140 : i32
    %swap3A_564 = arith.index_cast %swap3A_563 : i32 to index
    %swap3A_565 = arith.constant 0 : index
    %swap3A_566 = tpu.vector_load %arg7[%swap3A_564, %swap3A_565] {strides = array<i32>} : memref<256x16xf32, #tpu.memory_space<vmem>>, vector<16xf32>,
    tpu.vector_store %arg7[%swap3A_564, %swap3A_565], %broadcast_in_dim3A_3 {strides = array<i32>} : memref<256x16xf32, #tpu.memory_space<vmem>>, vector<16xf32>,
    %swap3A_567 = arith.constant 141 : i32
    %swap3A_568 = arith.index_cast %swap3A_567 : i32 to index
    %swap3A_569 = arith.constant 0 : index
    %swap3A_570 = tpu.vector_load %arg7[%swap3A_568, %swap3A_569] {strides = array<i32>} : memref<256x16xf32, #tpu.memory_space<vmem>>, vector<16xf32>,
    tpu.vector_store %arg7[%swap3A_568, %swap3A_569], %broadcast_in_dim3A_3 {strides = array<i32>} : memref<256x16xf32, #tpu.memory_space<vmem>>, vector<16xf32>,
    %swap3A_571 = arith.constant 142 : i32
    %swap3A_572 = arith.index_cast %swap3A_571 : i32 to index
    %swap3A_573 = arith.constant 0 : index
    %swap3A_574 = tpu.vector_load %arg7[%swap3A_572, %swap3A_573] {strides = array<i32>} : memref<256x16xf32, #tpu.memory_space<vmem>>, vector<16xf32>,
    tpu.vector_store %arg7[%swap3A_572, %swap3A_573], %broadcast_in_dim3A_3 {strides = array<i32>} : memref<256x16xf32, #tpu.memory_space<vmem>>, vector<16xf32>,
    %swap3A_575 = arith.constant 143 : i32
    %swap3A_576 = arith.index_cast %swap3A_575 : i32 to index
    %swap3A_577 = arith.constant 0 : index
    %swap3A_578 = tpu.vector_load %arg7[%swap3A_576, %swap3A_577] {strides = array<i32>} : memref<256x16xf32, #tpu.memory_space<vmem>>, vector<16xf32>,
    tpu.vector_store %arg7[%swap3A_576, %swap3A_577], %broadcast_in_dim3A_3 {strides = array<i32>} : memref<256x16xf32, #tpu.memory_space<vmem>>, vector<16xf32>,
    %swap3A_579 = arith.constant 144 : i32
    %swap3A_580 = arith.index_cast %swap3A_579 : i32 to index
    %swap3A_581 = arith.constant 0 : index
    %swap3A_582 = tpu.vector_load %arg7[%swap3A_580, %swap3A_581] {strides = array<i32>} : memref<256x16xf32, #tpu.memory_space<vmem>>, vector<16xf32>,
    tpu.vector_store %arg7[%swap3A_580, %swap3A_581], %broadcast_in_dim3A_3 {strides = array<i32>} : memref<256x16xf32, #tpu.memory_space<vmem>>, vector<16xf32>,
    %swap3A_583 = arith.constant 145 : i32
    %swap3A_584 = arith.index_cast %swap3A_583 : i32 to index
    %swap3A_585 = arith.constant 0 : index
    %swap3A_586 = tpu.vector_load %arg7[%swap3A_584, %swap3A_585] {strides = array<i32>} : memref<256x16xf32, #tpu.memory_space<vmem>>, vector<16xf32>,
    tpu.vector_store %arg7[%swap3A_584, %swap3A_585], %broadcast_in_dim3A_3 {strides = array<i32>} : memref<256x16xf32, #tpu.memory_space<vmem>>, vector<16xf32>,
    %swap3A_587 = arith.constant 146 : i32
    %swap3A_588 = arith.index_cast %swap3A_587 : i32 to index
    %swap3A_589 = arith.constant 0 : index
    %swap3A_590 = tpu.vector_load %arg7[%swap3A_588, %swap3A_589] {strides = array<i32>} : memref<256x16xf32, #tpu.memory_space<vmem>>, vector<16xf32>,
    tpu.vector_store %arg7[%swap3A_588, %swap3A_589], %broadcast_in_dim3A_3 {strides = array<i32>} : memref<256x16xf32, #tpu.memory_space<vmem>>, vector<16xf32>,
    %swap3A_591 = arith.constant 147 : i32
    %swap3A_592 = arith.index_cast %swap3A_591 : i32 to index
    %swap3A_593 = arith.constant 0 : index
    %swap3A_594 = tpu.vector_load %arg7[%swap3A_592, %swap3A_593] {strides = array<i32>} : memref<256x16xf32, #tpu.memory_space<vmem>>, vector<16xf32>,
    tpu.vector_store %arg7[%swap3A_592, %swap3A_593], %broadcast_in_dim3A_3 {strides = array<i32>} : memref<256x16xf32, #tpu.memory_space<vmem>>, vector<16xf32>,
    %swap3A_595 = arith.constant 148 : i32
    %swap3A_596 = arith.index_cast %swap3A_595 : i32 to index
    %swap3A_597 = arith.constant 0 : index
    %swap3A_598 = tpu.vector_load %arg7[%swap3A_596, %swap3A_597] {strides = array<i32>} : memref<256x16xf32, #tpu.memory_space<vmem>>, vector<16xf32>,
    tpu.vector_store %arg7[%swap3A_596, %swap3A_597], %broadcast_in_dim3A_3 {strides = array<i32>} : memref<256x16xf32, #tpu.memory_space<vmem>>, vector<16xf32>,
    %swap3A_599 = arith.constant 149 : i32
    %swap3A_600 = arith.index_cast %swap3A_599 : i32 to index
    %swap3A_601 = arith.constant 0 : index
    %swap3A_602 = tpu.vector_load %arg7[%swap3A_600, %swap3A_601] {strides = array<i32>} : memref<256x16xf32, #tpu.memory_space<vmem>>, vector<16xf32>,
    tpu.vector_store %arg7[%swap3A_600, %swap3A_601], %broadcast_in_dim3A_3 {strides = array<i32>} : memref<256x16xf32, #tpu.memory_space<vmem>>, vector<16xf32>,
    %swap3A_603 = arith.constant 150 : i32
    %swap3A_604 = arith.index_cast %swap3A_603 : i32 to index
    %swap3A_605 = arith.constant 0 : index
    %swap3A_606 = tpu.vector_load %arg7[%swap3A_604, %swap3A_605] {strides = array<i32>} : memref<256x16xf32, #tpu.memory_space<vmem>>, vector<16xf32>,
    tpu.vector_store %arg7[%swap3A_604, %swap3A_605], %broadcast_in_dim3A_3 {strides = array<i32>} : memref<256x16xf32, #tpu.memory_space<vmem>>, vector<16xf32>,
    %swap3A_607 = arith.constant 151 : i32
    %swap3A_608 = arith.index_cast %swap3A_607 : i32 to index
    %swap3A_609 = arith.constant 0 : index
    %swap3A_610 = tpu.vector_load %arg7[%swap3A_608, %swap3A_609] {strides = array<i32>} : memref<256x16xf32, #tpu.memory_space<vmem>>, vector<16xf32>,
    tpu.vector_store %arg7[%swap3A_608, %swap3A_609], %broadcast_in_dim3A_3 {strides = array<i32>} : memref<256x16xf32, #tpu.memory_space<vmem>>, vector<16xf32>,
    %swap3A_611 = arith.constant 152 : i32
    %swap3A_612 = arith.index_cast %swap3A_611 : i32 to index
    %swap3A_613 = arith.constant 0 : index
    %swap3A_614 = tpu.vector_load %arg7[%swap3A_612, %swap3A_613] {strides = array<i32>} : memref<256x16xf32, #tpu.memory_space<vmem>>, vector<16xf32>,
    tpu.vector_store %arg7[%swap3A_612, %swap3A_613], %broadcast_in_dim3A_3 {strides = array<i32>} : memref<256x16xf32, #tpu.memory_space<vmem>>, vector<16xf32>,
    %swap3A_615 = arith.constant 153 : i32
    %swap3A_616 = arith.index_cast %swap3A_615 : i32 to index
    %swap3A_617 = arith.constant 0 : index
    %swap3A_618 = tpu.vector_load %arg7[%swap3A_616, %swap3A_617] {strides = array<i32>} : memref<256x16xf32, #tpu.memory_space<vmem>>, vector<16xf32>,
    tpu.vector_store %arg7[%swap3A_616, %swap3A_617], %broadcast_in_dim3A_3 {strides = array<i32>} : memref<256x16xf32, #tpu.memory_space<vmem>>, vector<16xf32>,
    %swap3A_619 = arith.constant 154 : i32
    %swap3A_620 = arith.index_cast %swap3A_619 : i32 to index
    %swap3A_621 = arith.constant 0 : index
    %swap3A_622 = tpu.vector_load %arg7[%swap3A_620, %swap3A_621] {strides = array<i32>} : memref<256x16xf32, #tpu.memory_space<vmem>>, vector<16xf32>,
    tpu.vector_store %arg7[%swap3A_620, %swap3A_621], %broadcast_in_dim3A_3 {strides = array<i32>} : memref<256x16xf32, #tpu.memory_space<vmem>>, vector<16xf32>,
    %swap3A_623 = arith.constant 155 : i32
    %swap3A_624 = arith.index_cast %swap3A_623 : i32 to index
    %swap3A_625 = arith.constant 0 : index
    %swap3A_626 = tpu.vector_load %arg7[%swap3A_624, %swap3A_625] {strides = array<i32>} : memref<256x16xf32, #tpu.memory_space<vmem>>, vector<16xf32>,
    tpu.vector_store %arg7[%swap3A_624, %swap3A_625], %broadcast_in_dim3A_3 {strides = array<i32>} : memref<256x16xf32, #tpu.memory_space<vmem>>, vector<16xf32>,
    %swap3A_627 = arith.constant 156 : i32
    %swap3A_628 = arith.index_cast %swap3A_627 : i32 to index
    %swap3A_629 = arith.constant 0 : index
    %swap3A_630 = tpu.vector_load %arg7[%swap3A_628, %swap3A_629] {strides = array<i32>} : memref<256x16xf32, #tpu.memory_space<vmem>>, vector<16xf32>,
    tpu.vector_store %arg7[%swap3A_628, %swap3A_629], %broadcast_in_dim3A_3 {strides = array<i32>} : memref<256x16xf32, #tpu.memory_space<vmem>>, vector<16xf32>,
    %swap3A_631 = arith.constant 157 : i32
    %swap3A_632 = arith.index_cast %swap3A_631 : i32 to index
    %swap3A_633 = arith.constant 0 : index
    %swap3A_634 = tpu.vector_load %arg7[%swap3A_632, %swap3A_633] {strides = array<i32>} : memref<256x16xf32, #tpu.memory_space<vmem>>, vector<16xf32>,
    tpu.vector_store %arg7[%swap3A_632, %swap3A_633], %broadcast_in_dim3A_3 {strides = array<i32>} : memref<256x16xf32, #tpu.memory_space<vmem>>, vector<16xf32>,
    %swap3A_635 = arith.constant 158 : i32
    %swap3A_636 = arith.index_cast %swap3A_635 : i32 to index
    %swap3A_637 = arith.constant 0 : index
    %swap3A_638 = tpu.vector_load %arg7[%swap3A_636, %swap3A_637] {strides = array<i32>} : memref<256x16xf32, #tpu.memory_space<vmem>>, vector<16xf32>,
    tpu.vector_store %arg7[%swap3A_636, %swap3A_637], %broadcast_in_dim3A_3 {strides = array<i32>} : memref<256x16xf32, #tpu.memory_space<vmem>>, vector<16xf32>,
    %swap3A_639 = arith.constant 159 : i32
    %swap3A_640 = arith.index_cast %swap3A_639 : i32 to index
    %swap3A_641 = arith.constant 0 : index
    %swap3A_642 = tpu.vector_load %arg7[%swap3A_640, %swap3A_641] {strides = array<i32>} : memref<256x16xf32, #tpu.memory_space<vmem>>, vector<16xf32>,
    tpu.vector_store %arg7[%swap3A_640, %swap3A_641], %broadcast_in_dim3A_3 {strides = array<i32>} : memref<256x16xf32, #tpu.memory_space<vmem>>, vector<16xf32>,
    %swap3A_643 = arith.constant 160 : i32
    %swap3A_644 = arith.index_cast %swap3A_643 : i32 to index
    %swap3A_645 = arith.constant 0 : index
    %swap3A_646 = tpu.vector_load %arg7[%swap3A_644, %swap3A_645] {strides = array<i32>} : memref<256x16xf32, #tpu.memory_space<vmem>>, vector<16xf32>,
    tpu.vector_store %arg7[%swap3A_644, %swap3A_645], %broadcast_in_dim3A_3 {strides = array<i32>} : memref<256x16xf32, #tpu.memory_space<vmem>>, vector<16xf32>,
    %swap3A_647 = arith.constant 161 : i32
    %swap3A_648 = arith.index_cast %swap3A_647 : i32 to index
    %swap3A_649 = arith.constant 0 : index
    %swap3A_650 = tpu.vector_load %arg7[%swap3A_648, %swap3A_649] {strides = array<i32>} : memref<256x16xf32, #tpu.memory_space<vmem>>, vector<16xf32>,
    tpu.vector_store %arg7[%swap3A_648, %swap3A_649], %broadcast_in_dim3A_3 {strides = array<i32>} : memref<256x16xf32, #tpu.memory_space<vmem>>, vector<16xf32>,
    %swap3A_651 = arith.constant 162 : i32
    %swap3A_652 = arith.index_cast %swap3A_651 : i32 to index
    %swap3A_653 = arith.constant 0 : index
    %swap3A_654 = tpu.vector_load %arg7[%swap3A_652, %swap3A_653] {strides = array<i32>} : memref<256x16xf32, #tpu.memory_space<vmem>>, vector<16xf32>,
    tpu.vector_store %arg7[%swap3A_652, %swap3A_653], %broadcast_in_dim3A_3 {strides = array<i32>} : memref<256x16xf32, #tpu.memory_space<vmem>>, vector<16xf32>,
    %swap3A_655 = arith.constant 163 : i32
    %swap3A_656 = arith.index_cast %swap3A_655 : i32 to index
    %swap3A_657 = arith.constant 0 : index
    %swap3A_658 = tpu.vector_load %arg7[%swap3A_656, %swap3A_657] {strides = array<i32>} : memref<256x16xf32, #tpu.memory_space<vmem>>, vector<16xf32>,
    tpu.vector_store %arg7[%swap3A_656, %swap3A_657], %broadcast_in_dim3A_3 {strides = array<i32>} : memref<256x16xf32, #tpu.memory_space<vmem>>, vector<16xf32>,
    %swap3A_659 = arith.constant 164 : i32
    %swap3A_660 = arith.index_cast %swap3A_659 : i32 to index
    %swap3A_661 = arith.constant 0 : index
    %swap3A_662 = tpu.vector_load %arg7[%swap3A_660, %swap3A_661] {strides = array<i32>} : memref<256x16xf32, #tpu.memory_space<vmem>>, vector<16xf32>,
    tpu.vector_store %arg7[%swap3A_660, %swap3A_661], %broadcast_in_dim3A_3 {strides = array<i32>} : memref<256x16xf32, #tpu.memory_space<vmem>>, vector<16xf32>,
    %swap3A_663 = arith.constant 165 : i32
    %swap3A_664 = arith.index_cast %swap3A_663 : i32 to index
    %swap3A_665 = arith.constant 0 : index
    %swap3A_666 = tpu.vector_load %arg7[%swap3A_664, %swap3A_665] {strides = array<i32>} : memref<256x16xf32, #tpu.memory_space<vmem>>, vector<16xf32>,
    tpu.vector_store %arg7[%swap3A_664, %swap3A_665], %broadcast_in_dim3A_3 {strides = array<i32>} : memref<256x16xf32, #tpu.memory_space<vmem>>, vector<16xf32>,
    %swap3A_667 = arith.constant 166 : i32
    %swap3A_668 = arith.index_cast %swap3A_667 : i32 to index
    %swap3A_669 = arith.constant 0 : index
    %swap3A_670 = tpu.vector_load %arg7[%swap3A_668, %swap3A_669] {strides = array<i32>} : memref<256x16xf32, #tpu.memory_space<vmem>>, vector<16xf32>,
    tpu.vector_store %arg7[%swap3A_668, %swap3A_669], %broadcast_in_dim3A_3 {strides = array<i32>} : memref<256x16xf32, #tpu.memory_space<vmem>>, vector<16xf32>,
    %swap3A_671 = arith.constant 167 : i32
    %swap3A_672 = arith.index_cast %swap3A_671 : i32 to index
    %swap3A_673 = arith.constant 0 : index
    %swap3A_674 = tpu.vector_load %arg7[%swap3A_672, %swap3A_673] {strides = array<i32>} : memref<256x16xf32, #tpu.memory_space<vmem>>, vector<16xf32>,
    tpu.vector_store %arg7[%swap3A_672, %swap3A_673], %broadcast_in_dim3A_3 {strides = array<i32>} : memref<256x16xf32, #tpu.memory_space<vmem>>, vector<16xf32>,
    %swap3A_675 = arith.constant 168 : i32
    %swap3A_676 = arith.index_cast %swap3A_675 : i32 to index
    %swap3A_677 = arith.constant 0 : index
    %swap3A_678 = tpu.vector_load %arg7[%swap3A_676, %swap3A_677] {strides = array<i32>} : memref<256x16xf32, #tpu.memory_space<vmem>>, vector<16xf32>,
    tpu.vector_store %arg7[%swap3A_676, %swap3A_677], %broadcast_in_dim3A_3 {strides = array<i32>} : memref<256x16xf32, #tpu.memory_space<vmem>>, vector<16xf32>,
    %swap3A_679 = arith.constant 169 : i32
    %swap3A_680 = arith.index_cast %swap3A_679 : i32 to index
    %swap3A_681 = arith.constant 0 : index
    %swap3A_682 = tpu.vector_load %arg7[%swap3A_680, %swap3A_681] {strides = array<i32>} : memref<256x16xf32, #tpu.memory_space<vmem>>, vector<16xf32>,
    tpu.vector_store %arg7[%swap3A_680, %swap3A_681], %broadcast_in_dim3A_3 {strides = array<i32>} : memref<256x16xf32, #tpu.memory_space<vmem>>, vector<16xf32>,
    %swap3A_683 = arith.constant 170 : i32
    %swap3A_684 = arith.index_cast %swap3A_683 : i32 to index
    %swap3A_685 = arith.constant 0 : index
    %swap3A_686 = tpu.vector_load %arg7[%swap3A_684, %swap3A_685] {strides = array<i32>} : memref<256x16xf32, #tpu.memory_space<vmem>>, vector<16xf32>,
    tpu.vector_store %arg7[%swap3A_684, %swap3A_685], %broadcast_in_dim3A_3 {strides = array<i32>} : memref<256x16xf32, #tpu.memory_space<vmem>>, vector<16xf32>,
    %swap3A_687 = arith.constant 171 : i32
    %swap3A_688 = arith.index_cast %swap3A_687 : i32 to index
    %swap3A_689 = arith.constant 0 : index
    %swap3A_690 = tpu.vector_load %arg7[%swap3A_688, %swap3A_689] {strides = array<i32>} : memref<256x16xf32, #tpu.memory_space<vmem>>, vector<16xf32>,
    tpu.vector_store %arg7[%swap3A_688, %swap3A_689], %broadcast_in_dim3A_3 {strides = array<i32>} : memref<256x16xf32, #tpu.memory_space<vmem>>, vector<16xf32>,
    %swap3A_691 = arith.constant 172 : i32
    %swap3A_692 = arith.index_cast %swap3A_691 : i32 to index
    %swap3A_693 = arith.constant 0 : index
    %swap3A_694 = tpu.vector_load %arg7[%swap3A_692, %swap3A_693] {strides = array<i32>} : memref<256x16xf32, #tpu.memory_space<vmem>>, vector<16xf32>,
    tpu.vector_store %arg7[%swap3A_692, %swap3A_693], %broadcast_in_dim3A_3 {strides = array<i32>} : memref<256x16xf32, #tpu.memory_space<vmem>>, vector<16xf32>,
    %swap3A_695 = arith.constant 173 : i32
    %swap3A_696 = arith.index_cast %swap3A_695 : i32 to index
    %swap3A_697 = arith.constant 0 : index
    %swap3A_698 = tpu.vector_load %arg7[%swap3A_696, %swap3A_697] {strides = array<i32>} : memref<256x16xf32, #tpu.memory_space<vmem>>, vector<16xf32>,
    tpu.vector_store %arg7[%swap3A_696, %swap3A_697], %broadcast_in_dim3A_3 {strides = array<i32>} : memref<256x16xf32, #tpu.memory_space<vmem>>, vector<16xf32>,
    %swap3A_699 = arith.constant 174 : i32
    %swap3A_700 = arith.index_cast %swap3A_699 : i32 to index
    %swap3A_701 = arith.constant 0 : index
    %swap3A_702 = tpu.vector_load %arg7[%swap3A_700, %swap3A_701] {strides = array<i32>} : memref<256x16xf32, #tpu.memory_space<vmem>>, vector<16xf32>,
    tpu.vector_store %arg7[%swap3A_700, %swap3A_701], %broadcast_in_dim3A_3 {strides = array<i32>} : memref<256x16xf32, #tpu.memory_space<vmem>>, vector<16xf32>,
    %swap3A_703 = arith.constant 175 : i32
    %swap3A_704 = arith.index_cast %swap3A_703 : i32 to index
    %swap3A_705 = arith.constant 0 : index
    %swap3A_706 = tpu.vector_load %arg7[%swap3A_704, %swap3A_705] {strides = array<i32>} : memref<256x16xf32, #tpu.memory_space<vmem>>, vector<16xf32>,
    tpu.vector_store %arg7[%swap3A_704, %swap3A_705], %broadcast_in_dim3A_3 {strides = array<i32>} : memref<256x16xf32, #tpu.memory_space<vmem>>, vector<16xf32>,
    %swap3A_707 = arith.constant 176 : i32
    %swap3A_708 = arith.index_cast %swap3A_707 : i32 to index
    %swap3A_709 = arith.constant 0 : index
    %swap3A_710 = tpu.vector_load %arg7[%swap3A_708, %swap3A_709] {strides = array<i32>} : memref<256x16xf32, #tpu.memory_space<vmem>>, vector<16xf32>,
    tpu.vector_store %arg7[%swap3A_708, %swap3A_709], %broadcast_in_dim3A_3 {strides = array<i32>} : memref<256x16xf32, #tpu.memory_space<vmem>>, vector<16xf32>,
    %swap3A_711 = arith.constant 177 : i32
    %swap3A_712 = arith.index_cast %swap3A_711 : i32 to index
    %swap3A_713 = arith.constant 0 : index
    %swap3A_714 = tpu.vector_load %arg7[%swap3A_712, %swap3A_713] {strides = array<i32>} : memref<256x16xf32, #tpu.memory_space<vmem>>, vector<16xf32>,
    tpu.vector_store %arg7[%swap3A_712, %swap3A_713], %broadcast_in_dim3A_3 {strides = array<i32>} : memref<256x16xf32, #tpu.memory_space<vmem>>, vector<16xf32>,
    %swap3A_715 = arith.constant 178 : i32
    %swap3A_716 = arith.index_cast %swap3A_715 : i32 to index
    %swap3A_717 = arith.constant 0 : index
    %swap3A_718 = tpu.vector_load %arg7[%swap3A_716, %swap3A_717] {strides = array<i32>} : memref<256x16xf32, #tpu.memory_space<vmem>>, vector<16xf32>,
    tpu.vector_store %arg7[%swap3A_716, %swap3A_717], %broadcast_in_dim3A_3 {strides = array<i32>} : memref<256x16xf32, #tpu.memory_space<vmem>>, vector<16xf32>,
    %swap3A_719 = arith.constant 179 : i32
    %swap3A_720 = arith.index_cast %swap3A_719 : i32 to index
    %swap3A_721 = arith.constant 0 : index
    %swap3A_722 = tpu.vector_load %arg7[%swap3A_720, %swap3A_721] {strides = array<i32>} : memref<256x16xf32, #tpu.memory_space<vmem>>, vector<16xf32>,
    tpu.vector_store %arg7[%swap3A_720, %swap3A_721], %broadcast_in_dim3A_3 {strides = array<i32>} : memref<256x16xf32, #tpu.memory_space<vmem>>, vector<16xf32>,
    %swap3A_723 = arith.constant 180 : i32
    %swap3A_724 = arith.index_cast %swap3A_723 : i32 to index
    %swap3A_725 = arith.constant 0 : index
    %swap3A_726 = tpu.vector_load %arg7[%swap3A_724, %swap3A_725] {strides = array<i32>} : memref<256x16xf32, #tpu.memory_space<vmem>>, vector<16xf32>,
    tpu.vector_store %arg7[%swap3A_724, %swap3A_725], %broadcast_in_dim3A_3 {strides = array<i32>} : memref<256x16xf32, #tpu.memory_space<vmem>>, vector<16xf32>,
    %swap3A_727 = arith.constant 181 : i32
    %swap3A_728 = arith.index_cast %swap3A_727 : i32 to index
    %swap3A_729 = arith.constant 0 : index
    %swap3A_730 = tpu.vector_load %arg7[%swap3A_728, %swap3A_729] {strides = array<i32>} : memref<256x16xf32, #tpu.memory_space<vmem>>, vector<16xf32>,
    tpu.vector_store %arg7[%swap3A_728, %swap3A_729], %broadcast_in_dim3A_3 {strides = array<i32>} : memref<256x16xf32, #tpu.memory_space<vmem>>, vector<16xf32>,
    %swap3A_731 = arith.constant 182 : i32
    %swap3A_732 = arith.index_cast %swap3A_731 : i32 to index
    %swap3A_733 = arith.constant 0 : index
    %swap3A_734 = tpu.vector_load %arg7[%swap3A_732, %swap3A_733] {strides = array<i32>} : memref<256x16xf32, #tpu.memory_space<vmem>>, vector<16xf32>,
    tpu.vector_store %arg7[%swap3A_732, %swap3A_733], %broadcast_in_dim3A_3 {strides = array<i32>} : memref<256x16xf32, #tpu.memory_space<vmem>>, vector<16xf32>,
    %swap3A_735 = arith.constant 183 : i32
    %swap3A_736 = arith.index_cast %swap3A_735 : i32 to index
    %swap3A_737 = arith.constant 0 : index
    %swap3A_738 = tpu.vector_load %arg7[%swap3A_736, %swap3A_737] {strides = array<i32>} : memref<256x16xf32, #tpu.memory_space<vmem>>, vector<16xf32>,
    tpu.vector_store %arg7[%swap3A_736, %swap3A_737], %broadcast_in_dim3A_3 {strides = array<i32>} : memref<256x16xf32, #tpu.memory_space<vmem>>, vector<16xf32>,
    %swap3A_739 = arith.constant 184 : i32
    %swap3A_740 = arith.index_cast %swap3A_739 : i32 to index
    %swap3A_741 = arith.constant 0 : index
    %swap3A_742 = tpu.vector_load %arg7[%swap3A_740, %swap3A_741] {strides = array<i32>} : memref<256x16xf32, #tpu.memory_space<vmem>>, vector<16xf32>,
    tpu.vector_store %arg7[%swap3A_740, %swap3A_741], %broadcast_in_dim3A_3 {strides = array<i32>} : memref<256x16xf32, #tpu.memory_space<vmem>>, vector<16xf32>,
    %swap3A_743 = arith.constant 185 : i32
    %swap3A_744 = arith.index_cast %swap3A_743 : i32 to index
    %swap3A_745 = arith.constant 0 : index
    %swap3A_746 = tpu.vector_load %arg7[%swap3A_744, %swap3A_745] {strides = array<i32>} : memref<256x16xf32, #tpu.memory_space<vmem>>, vector<16xf32>,
    tpu.vector_store %arg7[%swap3A_744, %swap3A_745], %broadcast_in_dim3A_3 {strides = array<i32>} : memref<256x16xf32, #tpu.memory_space<vmem>>, vector<16xf32>,
    %swap3A_747 = arith.constant 186 : i32
    %swap3A_748 = arith.index_cast %swap3A_747 : i32 to index
    %swap3A_749 = arith.constant 0 : index
    %swap3A_750 = tpu.vector_load %arg7[%swap3A_748, %swap3A_749] {strides = array<i32>} : memref<256x16xf32, #tpu.memory_space<vmem>>, vector<16xf32>,
    tpu.vector_store %arg7[%swap3A_748, %swap3A_749], %broadcast_in_dim3A_3 {strides = array<i32>} : memref<256x16xf32, #tpu.memory_space<vmem>>, vector<16xf32>,
    %swap3A_751 = arith.constant 187 : i32
    %swap3A_752 = arith.index_cast %swap3A_751 : i32 to index
    %swap3A_753 = arith.constant 0 : index
    %swap3A_754 = tpu.vector_load %arg7[%swap3A_752, %swap3A_753] {strides = array<i32>} : memref<256x16xf32, #tpu.memory_space<vmem>>, vector<16xf32>,
    tpu.vector_store %arg7[%swap3A_752, %swap3A_753], %broadcast_in_dim3A_3 {strides = array<i32>} : memref<256x16xf32, #tpu.memory_space<vmem>>, vector<16xf32>,
    %swap3A_755 = arith.constant 188 : i32
    %swap3A_756 = arith.index_cast %swap3A_755 : i32 to index
    %swap3A_757 = arith.constant 0 : index
    %swap3A_758 = tpu.vector_load %arg7[%swap3A_756, %swap3A_757] {strides = array<i32>} : memref<256x16xf32, #tpu.memory_space<vmem>>, vector<16xf32>,
    tpu.vector_store %arg7[%swap3A_756, %swap3A_757], %broadcast_in_dim3A_3 {strides = array<i32>} : memref<256x16xf32, #tpu.memory_space<vmem>>, vector<16xf32>,
    %swap3A_759 = arith.constant 189 : i32
    %swap3A_760 = arith.index_cast %swap3A_759 : i32 to index
    %swap3A_761 = arith.constant 0 : index
    %swap3A_762 = tpu.vector_load %arg7[%swap3A_760, %swap3A_761] {strides = array<i32>} : memref<256x16xf32, #tpu.memory_space<vmem>>, vector<16xf32>,
    tpu.vector_store %arg7[%swap3A_760, %swap3A_761], %broadcast_in_dim3A_3 {strides = array<i32>} : memref<256x16xf32, #tpu.memory_space<vmem>>, vector<16xf32>,
    %swap3A_763 = arith.constant 190 : i32
    %swap3A_764 = arith.index_cast %swap3A_763 : i32 to index
    %swap3A_765 = arith.constant 0 : index
    %swap3A_766 = tpu.vector_load %arg7[%swap3A_764, %swap3A_765] {strides = array<i32>} : memref<256x16xf32, #tpu.memory_space<vmem>>, vector<16xf32>,
    tpu.vector_store %arg7[%swap3A_764, %swap3A_765], %broadcast_in_dim3A_3 {strides = array<i32>} : memref<256x16xf32, #tpu.memory_space<vmem>>, vector<16xf32>,
    %swap3A_767 = arith.constant 191 : i32
    %swap3A_768 = arith.index_cast %swap3A_767 : i32 to index
    %swap3A_769 = arith.constant 0 : index
    %swap3A_770 = tpu.vector_load %arg7[%swap3A_768, %swap3A_769] {strides = array<i32>} : memref<256x16xf32, #tpu.memory_space<vmem>>, vector<16xf32>,
    tpu.vector_store %arg7[%swap3A_768, %swap3A_769], %broadcast_in_dim3A_3 {strides = array<i32>} : memref<256x16xf32, #tpu.memory_space<vmem>>, vector<16xf32>,
    %swap3A_771 = arith.constant 192 : i32
    %swap3A_772 = arith.index_cast %swap3A_771 : i32 to index
    %swap3A_773 = arith.constant 0 : index
    %swap3A_774 = tpu.vector_load %arg7[%swap3A_772, %swap3A_773] {strides = array<i32>} : memref<256x16xf32, #tpu.memory_space<vmem>>, vector<16xf32>,
    tpu.vector_store %arg7[%swap3A_772, %swap3A_773], %broadcast_in_dim3A_3 {strides = array<i32>} : memref<256x16xf32, #tpu.memory_space<vmem>>, vector<16xf32>,
    %swap3A_775 = arith.constant 193 : i32
    %swap3A_776 = arith.index_cast %swap3A_775 : i32 to index
    %swap3A_777 = arith.constant 0 : index
    %swap3A_778 = tpu.vector_load %arg7[%swap3A_776, %swap3A_777] {strides = array<i32>} : memref<256x16xf32, #tpu.memory_space<vmem>>, vector<16xf32>,
    tpu.vector_store %arg7[%swap3A_776, %swap3A_777], %broadcast_in_dim3A_3 {strides = array<i32>} : memref<256x16xf32, #tpu.memory_space<vmem>>, vector<16xf32>,
    %swap3A_779 = arith.constant 194 : i32
    %swap3A_780 = arith.index_cast %swap3A_779 : i32 to index
    %swap3A_781 = arith.constant 0 : index
    %swap3A_782 = tpu.vector_load %arg7[%swap3A_780, %swap3A_781] {strides = array<i32>} : memref<256x16xf32, #tpu.memory_space<vmem>>, vector<16xf32>,
    tpu.vector_store %arg7[%swap3A_780, %swap3A_781], %broadcast_in_dim3A_3 {strides = array<i32>} : memref<256x16xf32, #tpu.memory_space<vmem>>, vector<16xf32>,
    %swap3A_783 = arith.constant 195 : i32
    %swap3A_784 = arith.index_cast %swap3A_783 : i32 to index
    %swap3A_785 = arith.constant 0 : index
    %swap3A_786 = tpu.vector_load %arg7[%swap3A_784, %swap3A_785] {strides = array<i32>} : memref<256x16xf32, #tpu.memory_space<vmem>>, vector<16xf32>,
    tpu.vector_store %arg7[%swap3A_784, %swap3A_785], %broadcast_in_dim3A_3 {strides = array<i32>} : memref<256x16xf32, #tpu.memory_space<vmem>>, vector<16xf32>,
    %swap3A_787 = arith.constant 196 : i32
    %swap3A_788 = arith.index_cast %swap3A_787 : i32 to index
    %swap3A_789 = arith.constant 0 : index
    %swap3A_790 = tpu.vector_load %arg7[%swap3A_788, %swap3A_789] {strides = array<i32>} : memref<256x16xf32, #tpu.memory_space<vmem>>, vector<16xf32>,
    tpu.vector_store %arg7[%swap3A_788, %swap3A_789], %broadcast_in_dim3A_3 {strides = array<i32>} : memref<256x16xf32, #tpu.memory_space<vmem>>, vector<16xf32>,
    %swap3A_791 = arith.constant 197 : i32
    %swap3A_792 = arith.index_cast %swap3A_791 : i32 to index
    %swap3A_793 = arith.constant 0 : index
    %swap3A_794 = tpu.vector_load %arg7[%swap3A_792, %swap3A_793] {strides = array<i32>} : memref<256x16xf32, #tpu.memory_space<vmem>>, vector<16xf32>,
    tpu.vector_store %arg7[%swap3A_792, %swap3A_793], %broadcast_in_dim3A_3 {strides = array<i32>} : memref<256x16xf32, #tpu.memory_space<vmem>>, vector<16xf32>,
    %swap3A_795 = arith.constant 198 : i32
    %swap3A_796 = arith.index_cast %swap3A_795 : i32 to index
    %swap3A_797 = arith.constant 0 : index
    %swap3A_798 = tpu.vector_load %arg7[%swap3A_796, %swap3A_797] {strides = array<i32>} : memref<256x16xf32, #tpu.memory_space<vmem>>, vector<16xf32>,
    tpu.vector_store %arg7[%swap3A_796, %swap3A_797], %broadcast_in_dim3A_3 {strides = array<i32>} : memref<256x16xf32, #tpu.memory_space<vmem>>, vector<16xf32>,
    %swap3A_799 = arith.constant 199 : i32
    %swap3A_800 = arith.index_cast %swap3A_799 : i32 to index
    %swap3A_801 = arith.constant 0 : index
    %swap3A_802 = tpu.vector_load %arg7[%swap3A_800, %swap3A_801] {strides = array<i32>} : memref<256x16xf32, #tpu.memory_space<vmem>>, vector<16xf32>,
    tpu.vector_store %arg7[%swap3A_800, %swap3A_801], %broadcast_in_dim3A_3 {strides = array<i32>} : memref<256x16xf32, #tpu.memory_space<vmem>>, vector<16xf32>,
    %swap3A_803 = arith.constant 200 : i32
    %swap3A_804 = arith.index_cast %swap3A_803 : i32 to index
    %swap3A_805 = arith.constant 0 : index
    %swap3A_806 = tpu.vector_load %arg7[%swap3A_804, %swap3A_805] {strides = array<i32>} : memref<256x16xf32, #tpu.memory_space<vmem>>, vector<16xf32>,
    tpu.vector_store %arg7[%swap3A_804, %swap3A_805], %broadcast_in_dim3A_3 {strides = array<i32>} : memref<256x16xf32, #tpu.memory_space<vmem>>, vector<16xf32>,
    %swap3A_807 = arith.constant 201 : i32
    %swap3A_808 = arith.index_cast %swap3A_807 : i32 to index
    %swap3A_809 = arith.constant 0 : index
    %swap3A_810 = tpu.vector_load %arg7[%swap3A_808, %swap3A_809] {strides = array<i32>} : memref<256x16xf32, #tpu.memory_space<vmem>>, vector<16xf32>,
    tpu.vector_store %arg7[%swap3A_808, %swap3A_809], %broadcast_in_dim3A_3 {strides = array<i32>} : memref<256x16xf32, #tpu.memory_space<vmem>>, vector<16xf32>,
    %swap3A_811 = arith.constant 202 : i32
    %swap3A_812 = arith.index_cast %swap3A_811 : i32 to index
    %swap3A_813 = arith.constant 0 : index
    %swap3A_814 = tpu.vector_load %arg7[%swap3A_812, %swap3A_813] {strides = array<i32>} : memref<256x16xf32, #tpu.memory_space<vmem>>, vector<16xf32>,
    tpu.vector_store %arg7[%swap3A_812, %swap3A_813], %broadcast_in_dim3A_3 {strides = array<i32>} : memref<256x16xf32, #tpu.memory_space<vmem>>, vector<16xf32>,
    %swap3A_815 = arith.constant 203 : i32
    %swap3A_816 = arith.index_cast %swap3A_815 : i32 to index
    %swap3A_817 = arith.constant 0 : index
    %swap3A_818 = tpu.vector_load %arg7[%swap3A_816, %swap3A_817] {strides = array<i32>} : memref<256x16xf32, #tpu.memory_space<vmem>>, vector<16xf32>,
    tpu.vector_store %arg7[%swap3A_816, %swap3A_817], %broadcast_in_dim3A_3 {strides = array<i32>} : memref<256x16xf32, #tpu.memory_space<vmem>>, vector<16xf32>,
    %swap3A_819 = arith.constant 204 : i32
    %swap3A_820 = arith.index_cast %swap3A_819 : i32 to index
    %swap3A_821 = arith.constant 0 : index
    %swap3A_822 = tpu.vector_load %arg7[%swap3A_820, %swap3A_821] {strides = array<i32>} : memref<256x16xf32, #tpu.memory_space<vmem>>, vector<16xf32>,
    tpu.vector_store %arg7[%swap3A_820, %swap3A_821], %broadcast_in_dim3A_3 {strides = array<i32>} : memref<256x16xf32, #tpu.memory_space<vmem>>, vector<16xf32>,
    %swap3A_823 = arith.constant 205 : i32
    %swap3A_824 = arith.index_cast %swap3A_823 : i32 to index
    %swap3A_825 = arith.constant 0 : index
    %swap3A_826 = tpu.vector_load %arg7[%swap3A_824, %swap3A_825] {strides = array<i32>} : memref<256x16xf32, #tpu.memory_space<vmem>>, vector<16xf32>,
    tpu.vector_store %arg7[%swap3A_824, %swap3A_825], %broadcast_in_dim3A_3 {strides = array<i32>} : memref<256x16xf32, #tpu.memory_space<vmem>>, vector<16xf32>,
    %swap3A_827 = arith.constant 206 : i32
    %swap3A_828 = arith.index_cast %swap3A_827 : i32 to index
    %swap3A_829 = arith.constant 0 : index
    %swap3A_830 = tpu.vector_load %arg7[%swap3A_828, %swap3A_829] {strides = array<i32>} : memref<256x16xf32, #tpu.memory_space<vmem>>, vector<16xf32>,
    tpu.vector_store %arg7[%swap3A_828, %swap3A_829], %broadcast_in_dim3A_3 {strides = array<i32>} : memref<256x16xf32, #tpu.memory_space<vmem>>, vector<16xf32>,
    %swap3A_831 = arith.constant 207 : i32
    %swap3A_832 = arith.index_cast %swap3A_831 : i32 to index
    %swap3A_833 = arith.constant 0 : index
    %swap3A_834 = tpu.vector_load %arg7[%swap3A_832, %swap3A_833] {strides = array<i32>} : memref<256x16xf32, #tpu.memory_space<vmem>>, vector<16xf32>,
    tpu.vector_store %arg7[%swap3A_832, %swap3A_833], %broadcast_in_dim3A_3 {strides = array<i32>} : memref<256x16xf32, #tpu.memory_space<vmem>>, vector<16xf32>,
    %swap3A_835 = arith.constant 208 : i32
    %swap3A_836 = arith.index_cast %swap3A_835 : i32 to index
    %swap3A_837 = arith.constant 0 : index
    %swap3A_838 = tpu.vector_load %arg7[%swap3A_836, %swap3A_837] {strides = array<i32>} : memref<256x16xf32, #tpu.memory_space<vmem>>, vector<16xf32>,
    tpu.vector_store %arg7[%swap3A_836, %swap3A_837], %broadcast_in_dim3A_3 {strides = array<i32>} : memref<256x16xf32, #tpu.memory_space<vmem>>, vector<16xf32>,
    %swap3A_839 = arith.constant 209 : i32
    %swap3A_840 = arith.index_cast %swap3A_839 : i32 to index
    %swap3A_841 = arith.constant 0 : index
    %swap3A_842 = tpu.vector_load %arg7[%swap3A_840, %swap3A_841] {strides = array<i32>} : memref<256x16xf32, #tpu.memory_space<vmem>>, vector<16xf32>,
    tpu.vector_store %arg7[%swap3A_840, %swap3A_841], %broadcast_in_dim3A_3 {strides = array<i32>} : memref<256x16xf32, #tpu.memory_space<vmem>>, vector<16xf32>,
    %swap3A_843 = arith.constant 210 : i32
    %swap3A_844 = arith.index_cast %swap3A_843 : i32 to index
    %swap3A_845 = arith.constant 0 : index
    %swap3A_846 = tpu.vector_load %arg7[%swap3A_844, %swap3A_845] {strides = array<i32>} : memref<256x16xf32, #tpu.memory_space<vmem>>, vector<16xf32>,
    tpu.vector_store %arg7[%swap3A_844, %swap3A_845], %broadcast_in_dim3A_3 {strides = array<i32>} : memref<256x16xf32, #tpu.memory_space<vmem>>, vector<16xf32>,
    %swap3A_847 = arith.constant 211 : i32
    %swap3A_848 = arith.index_cast %swap3A_847 : i32 to index
    %swap3A_849 = arith.constant 0 : index
    %swap3A_850 = tpu.vector_load %arg7[%swap3A_848, %swap3A_849] {strides = array<i32>} : memref<256x16xf32, #tpu.memory_space<vmem>>, vector<16xf32>,
    tpu.vector_store %arg7[%swap3A_848, %swap3A_849], %broadcast_in_dim3A_3 {strides = array<i32>} : memref<256x16xf32, #tpu.memory_space<vmem>>, vector<16xf32>,
    %swap3A_851 = arith.constant 212 : i32
    %swap3A_852 = arith.index_cast %swap3A_851 : i32 to index
    %swap3A_853 = arith.constant 0 : index
    %swap3A_854 = tpu.vector_load %arg7[%swap3A_852, %swap3A_853] {strides = array<i32>} : memref<256x16xf32, #tpu.memory_space<vmem>>, vector<16xf32>,
    tpu.vector_store %arg7[%swap3A_852, %swap3A_853], %broadcast_in_dim3A_3 {strides = array<i32>} : memref<256x16xf32, #tpu.memory_space<vmem>>, vector<16xf32>,
    %swap3A_855 = arith.constant 213 : i32
    %swap3A_856 = arith.index_cast %swap3A_855 : i32 to index
    %swap3A_857 = arith.constant 0 : index
    %swap3A_858 = tpu.vector_load %arg7[%swap3A_856, %swap3A_857] {strides = array<i32>} : memref<256x16xf32, #tpu.memory_space<vmem>>, vector<16xf32>,
    tpu.vector_store %arg7[%swap3A_856, %swap3A_857], %broadcast_in_dim3A_3 {strides = array<i32>} : memref<256x16xf32, #tpu.memory_space<vmem>>, vector<16xf32>,
    %swap3A_859 = arith.constant 214 : i32
    %swap3A_860 = arith.index_cast %swap3A_859 : i32 to index
    %swap3A_861 = arith.constant 0 : index
    %swap3A_862 = tpu.vector_load %arg7[%swap3A_860, %swap3A_861] {strides = array<i32>} : memref<256x16xf32, #tpu.memory_space<vmem>>, vector<16xf32>,
    tpu.vector_store %arg7[%swap3A_860, %swap3A_861], %broadcast_in_dim3A_3 {strides = array<i32>} : memref<256x16xf32, #tpu.memory_space<vmem>>, vector<16xf32>,
    %swap3A_863 = arith.constant 215 : i32
    %swap3A_864 = arith.index_cast %swap3A_863 : i32 to index
    %swap3A_865 = arith.constant 0 : index
    %swap3A_866 = tpu.vector_load %arg7[%swap3A_864, %swap3A_865] {strides = array<i32>} : memref<256x16xf32, #tpu.memory_space<vmem>>, vector<16xf32>,
    tpu.vector_store %arg7[%swap3A_864, %swap3A_865], %broadcast_in_dim3A_3 {strides = array<i32>} : memref<256x16xf32, #tpu.memory_space<vmem>>, vector<16xf32>,
    %swap3A_867 = arith.constant 216 : i32
    %swap3A_868 = arith.index_cast %swap3A_867 : i32 to index
    %swap3A_869 = arith.constant 0 : index
    %swap3A_870 = tpu.vector_load %arg7[%swap3A_868, %swap3A_869] {strides = array<i32>} : memref<256x16xf32, #tpu.memory_space<vmem>>, vector<16xf32>,
    tpu.vector_store %arg7[%swap3A_868, %swap3A_869], %broadcast_in_dim3A_3 {strides = array<i32>} : memref<256x16xf32, #tpu.memory_space<vmem>>, vector<16xf32>,
    %swap3A_871 = arith.constant 217 : i32
    %swap3A_872 = arith.index_cast %swap3A_871 : i32 to index
    %swap3A_873 = arith.constant 0 : index
    %swap3A_874 = tpu.vector_load %arg7[%swap3A_872, %swap3A_873] {strides = array<i32>} : memref<256x16xf32, #tpu.memory_space<vmem>>, vector<16xf32>,
    tpu.vector_store %arg7[%swap3A_872, %swap3A_873], %broadcast_in_dim3A_3 {strides = array<i32>} : memref<256x16xf32, #tpu.memory_space<vmem>>, vector<16xf32>,
    %swap3A_875 = arith.constant 218 : i32
    %swap3A_876 = arith.index_cast %swap3A_875 : i32 to index
    %swap3A_877 = arith.constant 0 : index
    %swap3A_878 = tpu.vector_load %arg7[%swap3A_876, %swap3A_877] {strides = array<i32>} : memref<256x16xf32, #tpu.memory_space<vmem>>, vector<16xf32>,
    tpu.vector_store %arg7[%swap3A_876, %swap3A_877], %broadcast_in_dim3A_3 {strides = array<i32>} : memref<256x16xf32, #tpu.memory_space<vmem>>, vector<16xf32>,
    %swap3A_879 = arith.constant 219 : i32
    %swap3A_880 = arith.index_cast %swap3A_879 : i32 to index
    %swap3A_881 = arith.constant 0 : index
    %swap3A_882 = tpu.vector_load %arg7[%swap3A_880, %swap3A_881] {strides = array<i32>} : memref<256x16xf32, #tpu.memory_space<vmem>>, vector<16xf32>,
    tpu.vector_store %arg7[%swap3A_880, %swap3A_881], %broadcast_in_dim3A_3 {strides = array<i32>} : memref<256x16xf32, #tpu.memory_space<vmem>>, vector<16xf32>,
    %swap3A_883 = arith.constant 220 : i32
    %swap3A_884 = arith.index_cast %swap3A_883 : i32 to index
    %swap3A_885 = arith.constant 0 : index
    %swap3A_886 = tpu.vector_load %arg7[%swap3A_884, %swap3A_885] {strides = array<i32>} : memref<256x16xf32, #tpu.memory_space<vmem>>, vector<16xf32>,
    tpu.vector_store %arg7[%swap3A_884, %swap3A_885], %broadcast_in_dim3A_3 {strides = array<i32>} : memref<256x16xf32, #tpu.memory_space<vmem>>, vector<16xf32>,
    %swap3A_887 = arith.constant 221 : i32
    %swap3A_888 = arith.index_cast %swap3A_887 : i32 to index
    %swap3A_889 = arith.constant 0 : index
    %swap3A_890 = tpu.vector_load %arg7[%swap3A_888, %swap3A_889] {strides = array<i32>} : memref<256x16xf32, #tpu.memory_space<vmem>>, vector<16xf32>,
    tpu.vector_store %arg7[%swap3A_888, %swap3A_889], %broadcast_in_dim3A_3 {strides = array<i32>} : memref<256x16xf32, #tpu.memory_space<vmem>>, vector<16xf32>,
    %swap3A_891 = arith.constant 222 : i32
    %swap3A_892 = arith.index_cast %swap3A_891 : i32 to index
    %swap3A_893 = arith.constant 0 : index
    %swap3A_894 = tpu.vector_load %arg7[%swap3A_892, %swap3A_893] {strides = array<i32>} : memref<256x16xf32, #tpu.memory_space<vmem>>, vector<16xf32>,
    tpu.vector_store %arg7[%swap3A_892, %swap3A_893], %broadcast_in_dim3A_3 {strides = array<i32>} : memref<256x16xf32, #tpu.memory_space<vmem>>, vector<16xf32>,
    %swap3A_895 = arith.constant 223 : i32
    %swap3A_896 = arith.index_cast %swap3A_895 : i32 to index
    %swap3A_897 = arith.constant 0 : index
    %swap3A_898 = tpu.vector_load %arg7[%swap3A_896, %swap3A_897] {strides = array<i32>} : memref<256x16xf32, #tpu.memory_space<vmem>>, vector<16xf32>,
    tpu.vector_store %arg7[%swap3A_896, %swap3A_897], %broadcast_in_dim3A_3 {strides = array<i32>} : memref<256x16xf32, #tpu.memory_space<vmem>>, vector<16xf32>,
    %swap3A_899 = arith.constant 224 : i32
    %swap3A_900 = arith.index_cast %swap3A_899 : i32 to index
    %swap3A_901 = arith.constant 0 : index
    %swap3A_902 = tpu.vector_load %arg7[%swap3A_900, %swap3A_901] {strides = array<i32>} : memref<256x16xf32, #tpu.memory_space<vmem>>, vector<16xf32>,
    tpu.vector_store %arg7[%swap3A_900, %swap3A_901], %broadcast_in_dim3A_3 {strides = array<i32>} : memref<256x16xf32, #tpu.memory_space<vmem>>, vector<16xf32>,
    %swap3A_903 = arith.constant 225 : i32
    %swap3A_904 = arith.index_cast %swap3A_903 : i32 to index
    %swap3A_905 = arith.constant 0 : index
    %swap3A_906 = tpu.vector_load %arg7[%swap3A_904, %swap3A_905] {strides = array<i32>} : memref<256x16xf32, #tpu.memory_space<vmem>>, vector<16xf32>,
    tpu.vector_store %arg7[%swap3A_904, %swap3A_905], %broadcast_in_dim3A_3 {strides = array<i32>} : memref<256x16xf32, #tpu.memory_space<vmem>>, vector<16xf32>,
    %swap3A_907 = arith.constant 226 : i32
    %swap3A_908 = arith.index_cast %swap3A_907 : i32 to index
    %swap3A_909 = arith.constant 0 : index
    %swap3A_910 = tpu.vector_load %arg7[%swap3A_908, %swap3A_909] {strides = array<i32>} : memref<256x16xf32, #tpu.memory_space<vmem>>, vector<16xf32>,
    tpu.vector_store %arg7[%swap3A_908, %swap3A_909], %broadcast_in_dim3A_3 {strides = array<i32>} : memref<256x16xf32, #tpu.memory_space<vmem>>, vector<16xf32>,
    %swap3A_911 = arith.constant 227 : i32
    %swap3A_912 = arith.index_cast %swap3A_911 : i32 to index
    %swap3A_913 = arith.constant 0 : index
    %swap3A_914 = tpu.vector_load %arg7[%swap3A_912, %swap3A_913] {strides = array<i32>} : memref<256x16xf32, #tpu.memory_space<vmem>>, vector<16xf32>,
    tpu.vector_store %arg7[%swap3A_912, %swap3A_913], %broadcast_in_dim3A_3 {strides = array<i32>} : memref<256x16xf32, #tpu.memory_space<vmem>>, vector<16xf32>,
    %swap3A_915 = arith.constant 228 : i32
    %swap3A_916 = arith.index_cast %swap3A_915 : i32 to index
    %swap3A_917 = arith.constant 0 : index
    %swap3A_918 = tpu.vector_load %arg7[%swap3A_916, %swap3A_917] {strides = array<i32>} : memref<256x16xf32, #tpu.memory_space<vmem>>, vector<16xf32>,
    tpu.vector_store %arg7[%swap3A_916, %swap3A_917], %broadcast_in_dim3A_3 {strides = array<i32>} : memref<256x16xf32, #tpu.memory_space<vmem>>, vector<16xf32>,
    %swap3A_919 = arith.constant 229 : i32
    %swap3A_920 = arith.index_cast %swap3A_919 : i32 to index
    %swap3A_921 = arith.constant 0 : index
    %swap3A_922 = tpu.vector_load %arg7[%swap3A_920, %swap3A_921] {strides = array<i32>} : memref<256x16xf32, #tpu.memory_space<vmem>>, vector<16xf32>,
    tpu.vector_store %arg7[%swap3A_920, %swap3A_921], %broadcast_in_dim3A_3 {strides = array<i32>} : memref<256x16xf32, #tpu.memory_space<vmem>>, vector<16xf32>,
    %swap3A_923 = arith.constant 230 : i32
    %swap3A_924 = arith.index_cast %swap3A_923 : i32 to index
    %swap3A_925 = arith.constant 0 : index
    %swap3A_926 = tpu.vector_load %arg7[%swap3A_924, %swap3A_925] {strides = array<i32>} : memref<256x16xf32, #tpu.memory_space<vmem>>, vector<16xf32>,
    tpu.vector_store %arg7[%swap3A_924, %swap3A_925], %broadcast_in_dim3A_3 {strides = array<i32>} : memref<256x16xf32, #tpu.memory_space<vmem>>, vector<16xf32>,
    %swap3A_927 = arith.constant 231 : i32
    %swap3A_928 = arith.index_cast %swap3A_927 : i32 to index
    %swap3A_929 = arith.constant 0 : index
    %swap3A_930 = tpu.vector_load %arg7[%swap3A_928, %swap3A_929] {strides = array<i32>} : memref<256x16xf32, #tpu.memory_space<vmem>>, vector<16xf32>,
    tpu.vector_store %arg7[%swap3A_928, %swap3A_929], %broadcast_in_dim3A_3 {strides = array<i32>} : memref<256x16xf32, #tpu.memory_space<vmem>>, vector<16xf32>,
    %swap3A_931 = arith.constant 232 : i32
    %swap3A_932 = arith.index_cast %swap3A_931 : i32 to index
    %swap3A_933 = arith.constant 0 : index
    %swap3A_934 = tpu.vector_load %arg7[%swap3A_932, %swap3A_933] {strides = array<i32>} : memref<256x16xf32, #tpu.memory_space<vmem>>, vector<16xf32>,
    tpu.vector_store %arg7[%swap3A_932, %swap3A_933], %broadcast_in_dim3A_3 {strides = array<i32>} : memref<256x16xf32, #tpu.memory_space<vmem>>, vector<16xf32>,
    %swap3A_935 = arith.constant 233 : i32
    %swap3A_936 = arith.index_cast %swap3A_935 : i32 to index
    %swap3A_937 = arith.constant 0 : index
    %swap3A_938 = tpu.vector_load %arg7[%swap3A_936, %swap3A_937] {strides = array<i32>} : memref<256x16xf32, #tpu.memory_space<vmem>>, vector<16xf32>,
    tpu.vector_store %arg7[%swap3A_936, %swap3A_937], %broadcast_in_dim3A_3 {strides = array<i32>} : memref<256x16xf32, #tpu.memory_space<vmem>>, vector<16xf32>,
    %swap3A_939 = arith.constant 234 : i32
    %swap3A_940 = arith.index_cast %swap3A_939 : i32 to index
    %swap3A_941 = arith.constant 0 : index
    %swap3A_942 = tpu.vector_load %arg7[%swap3A_940, %swap3A_941] {strides = array<i32>} : memref<256x16xf32, #tpu.memory_space<vmem>>, vector<16xf32>,
    tpu.vector_store %arg7[%swap3A_940, %swap3A_941], %broadcast_in_dim3A_3 {strides = array<i32>} : memref<256x16xf32, #tpu.memory_space<vmem>>, vector<16xf32>,
    %swap3A_943 = arith.constant 235 : i32
    %swap3A_944 = arith.index_cast %swap3A_943 : i32 to index
    %swap3A_945 = arith.constant 0 : index
    %swap3A_946 = tpu.vector_load %arg7[%swap3A_944, %swap3A_945] {strides = array<i32>} : memref<256x16xf32, #tpu.memory_space<vmem>>, vector<16xf32>,
    tpu.vector_store %arg7[%swap3A_944, %swap3A_945], %broadcast_in_dim3A_3 {strides = array<i32>} : memref<256x16xf32, #tpu.memory_space<vmem>>, vector<16xf32>,
    %swap3A_947 = arith.constant 236 : i32
    %swap3A_948 = arith.index_cast %swap3A_947 : i32 to index
    %swap3A_949 = arith.constant 0 : index
    %swap3A_950 = tpu.vector_load %arg7[%swap3A_948, %swap3A_949] {strides = array<i32>} : memref<256x16xf32, #tpu.memory_space<vmem>>, vector<16xf32>,
    tpu.vector_store %arg7[%swap3A_948, %swap3A_949], %broadcast_in_dim3A_3 {strides = array<i32>} : memref<256x16xf32, #tpu.memory_space<vmem>>, vector<16xf32>,
    %swap3A_951 = arith.constant 237 : i32
    %swap3A_952 = arith.index_cast %swap3A_951 : i32 to index
    %swap3A_953 = arith.constant 0 : index
    %swap3A_954 = tpu.vector_load %arg7[%swap3A_952, %swap3A_953] {strides = array<i32>} : memref<256x16xf32, #tpu.memory_space<vmem>>, vector<16xf32>,
    tpu.vector_store %arg7[%swap3A_952, %swap3A_953], %broadcast_in_dim3A_3 {strides = array<i32>} : memref<256x16xf32, #tpu.memory_space<vmem>>, vector<16xf32>,
    %swap3A_955 = arith.constant 238 : i32
    %swap3A_956 = arith.index_cast %swap3A_955 : i32 to index
    %swap3A_957 = arith.constant 0 : index
    %swap3A_958 = tpu.vector_load %arg7[%swap3A_956, %swap3A_957] {strides = array<i32>} : memref<256x16xf32, #tpu.memory_space<vmem>>, vector<16xf32>,
    tpu.vector_store %arg7[%swap3A_956, %swap3A_957], %broadcast_in_dim3A_3 {strides = array<i32>} : memref<256x16xf32, #tpu.memory_space<vmem>>, vector<16xf32>,
    %swap3A_959 = arith.constant 239 : i32
    %swap3A_960 = arith.index_cast %swap3A_959 : i32 to index
    %swap3A_961 = arith.constant 0 : index
    %swap3A_962 = tpu.vector_load %arg7[%swap3A_960, %swap3A_961] {strides = array<i32>} : memref<256x16xf32, #tpu.memory_space<vmem>>, vector<16xf32>,
    tpu.vector_store %arg7[%swap3A_960, %swap3A_961], %broadcast_in_dim3A_3 {strides = array<i32>} : memref<256x16xf32, #tpu.memory_space<vmem>>, vector<16xf32>,
    %swap3A_963 = arith.constant 240 : i32
    %swap3A_964 = arith.index_cast %swap3A_963 : i32 to index
    %swap3A_965 = arith.constant 0 : index
    %swap3A_966 = tpu.vector_load %arg7[%swap3A_964, %swap3A_965] {strides = array<i32>} : memref<256x16xf32, #tpu.memory_space<vmem>>, vector<16xf32>,
    tpu.vector_store %arg7[%swap3A_964, %swap3A_965], %broadcast_in_dim3A_3 {strides = array<i32>} : memref<256x16xf32, #tpu.memory_space<vmem>>, vector<16xf32>,
    %swap3A_967 = arith.constant 241 : i32
    %swap3A_968 = arith.index_cast %swap3A_967 : i32 to index
    %swap3A_969 = arith.constant 0 : index
    %swap3A_970 = tpu.vector_load %arg7[%swap3A_968, %swap3A_969] {strides = array<i32>} : memref<256x16xf32, #tpu.memory_space<vmem>>, vector<16xf32>,
    tpu.vector_store %arg7[%swap3A_968, %swap3A_969], %broadcast_in_dim3A_3 {strides = array<i32>} : memref<256x16xf32, #tpu.memory_space<vmem>>, vector<16xf32>,
    %swap3A_971 = arith.constant 242 : i32
    %swap3A_972 = arith.index_cast %swap3A_971 : i32 to index
    %swap3A_973 = arith.constant 0 : index
    %swap3A_974 = tpu.vector_load %arg7[%swap3A_972, %swap3A_973] {strides = array<i32>} : memref<256x16xf32, #tpu.memory_space<vmem>>, vector<16xf32>,
    tpu.vector_store %arg7[%swap3A_972, %swap3A_973], %broadcast_in_dim3A_3 {strides = array<i32>} : memref<256x16xf32, #tpu.memory_space<vmem>>, vector<16xf32>,
    %swap3A_975 = arith.constant 243 : i32
    %swap3A_976 = arith.index_cast %swap3A_975 : i32 to index
    %swap3A_977 = arith.constant 0 : index
    %swap3A_978 = tpu.vector_load %arg7[%swap3A_976, %swap3A_977] {strides = array<i32>} : memref<256x16xf32, #tpu.memory_space<vmem>>, vector<16xf32>,
    tpu.vector_store %arg7[%swap3A_976, %swap3A_977], %broadcast_in_dim3A_3 {strides = array<i32>} : memref<256x16xf32, #tpu.memory_space<vmem>>, vector<16xf32>,
    %swap3A_979 = arith.constant 244 : i32
    %swap3A_980 = arith.index_cast %swap3A_979 : i32 to index
    %swap3A_981 = arith.constant 0 : index
    %swap3A_982 = tpu.vector_load %arg7[%swap3A_980, %swap3A_981] {strides = array<i32>} : memref<256x16xf32, #tpu.memory_space<vmem>>, vector<16xf32>,
    tpu.vector_store %arg7[%swap3A_980, %swap3A_981], %broadcast_in_dim3A_3 {strides = array<i32>} : memref<256x16xf32, #tpu.memory_space<vmem>>, vector<16xf32>,
    %swap3A_983 = arith.constant 245 : i32
    %swap3A_984 = arith.index_cast %swap3A_983 : i32 to index
    %swap3A_985 = arith.constant 0 : index
    %swap3A_986 = tpu.vector_load %arg7[%swap3A_984, %swap3A_985] {strides = array<i32>} : memref<256x16xf32, #tpu.memory_space<vmem>>, vector<16xf32>,
    tpu.vector_store %arg7[%swap3A_984, %swap3A_985], %broadcast_in_dim3A_3 {strides = array<i32>} : memref<256x16xf32, #tpu.memory_space<vmem>>, vector<16xf32>,
    %swap3A_987 = arith.constant 246 : i32
    %swap3A_988 = arith.index_cast %swap3A_987 : i32 to index
    %swap3A_989 = arith.constant 0 : index
    %swap3A_990 = tpu.vector_load %arg7[%swap3A_988, %swap3A_989] {strides = array<i32>} : memref<256x16xf32, #tpu.memory_space<vmem>>, vector<16xf32>,
    tpu.vector_store %arg7[%swap3A_988, %swap3A_989], %broadcast_in_dim3A_3 {strides = array<i32>} : memref<256x16xf32, #tpu.memory_space<vmem>>, vector<16xf32>,
    %swap3A_991 = arith.constant 247 : i32
    %swap3A_992 = arith.index_cast %swap3A_991 : i32 to index
    %swap3A_993 = arith.constant 0 : index
    %swap3A_994 = tpu.vector_load %arg7[%swap3A_992, %swap3A_993] {strides = array<i32>} : memref<256x16xf32, #tpu.memory_space<vmem>>, vector<16xf32>,
    tpu.vector_store %arg7[%swap3A_992, %swap3A_993], %broadcast_in_dim3A_3 {strides = array<i32>} : memref<256x16xf32, #tpu.memory_space<vmem>>, vector<16xf32>,
    %swap3A_995 = arith.constant 248 : i32
    %swap3A_996 = arith.index_cast %swap3A_995 : i32 to index
    %swap3A_997 = arith.constant 0 : index
    %swap3A_998 = tpu.vector_load %arg7[%swap3A_996, %swap3A_997] {strides = array<i32>} : memref<256x16xf32, #tpu.memory_space<vmem>>, vector<16xf32>,
    tpu.vector_store %arg7[%swap3A_996, %swap3A_997], %broadcast_in_dim3A_3 {strides = array<i32>} : memref<256x16xf32, #tpu.memory_space<vmem>>, vector<16xf32>,
    %swap3A_999 = arith.constant 249 : i32
    %swap3A_1000 = arith.index_cast %swap3A_999 : i32 to index
    %swap3A_1001 = arith.constant 0 : index
    %swap3A_1002 = tpu.vector_load %arg7[%swap3A_1000, %swap3A_1001] {strides = array<i32>} : memref<256x16xf32, #tpu.memory_space<vmem>>, vector<16xf32>,
    tpu.vector_store %arg7[%swap3A_1000, %swap3A_1001], %broadcast_in_dim3A_3 {strides = array<i32>} : memref<256x16xf32, #tpu.memory_space<vmem>>, vector<16xf32>,
    %swap3A_1003 = arith.constant 250 : i32
    %swap3A_1004 = arith.index_cast %swap3A_1003 : i32 to index
    %swap3A_1005 = arith.constant 0 : index
    %swap3A_1006 = tpu.vector_load %arg7[%swap3A_1004, %swap3A_1005] {strides = array<i32>} : memref<256x16xf32, #tpu.memory_space<vmem>>, vector<16xf32>,
    tpu.vector_store %arg7[%swap3A_1004, %swap3A_1005], %broadcast_in_dim3A_3 {strides = array<i32>} : memref<256x16xf32, #tpu.memory_space<vmem>>, vector<16xf32>,
    %swap3A_1007 = arith.constant 251 : i32
    %swap3A_1008 = arith.index_cast %swap3A_1007 : i32 to index
    %swap3A_1009 = arith.constant 0 : index
    %swap3A_1010 = tpu.vector_load %arg7[%swap3A_1008, %swap3A_1009] {strides = array<i32>} : memref<256x16xf32, #tpu.memory_space<vmem>>, vector<16xf32>,
    tpu.vector_store %arg7[%swap3A_1008, %swap3A_1009], %broadcast_in_dim3A_3 {strides = array<i32>} : memref<256x16xf32, #tpu.memory_space<vmem>>, vector<16xf32>,
    %swap3A_1011 = arith.constant 252 : i32
    %swap3A_1012 = arith.index_cast %swap3A_1011 : i32 to index
    %swap3A_1013 = arith.constant 0 : index
    %swap3A_1014 = tpu.vector_load %arg7[%swap3A_1012, %swap3A_1013] {strides = array<i32>} : memref<256x16xf32, #tpu.memory_space<vmem>>, vector<16xf32>,
    tpu.vector_store %arg7[%swap3A_1012, %swap3A_1013], %broadcast_in_dim3A_3 {strides = array<i32>} : memref<256x16xf32, #tpu.memory_space<vmem>>, vector<16xf32>,
    %swap3A_1015 = arith.constant 253 : i32
    %swap3A_1016 = arith.index_cast %swap3A_1015 : i32 to index
    %swap3A_1017 = arith.constant 0 : index
    %swap3A_1018 = tpu.vector_load %arg7[%swap3A_1016, %swap3A_1017] {strides = array<i32>} : memref<256x16xf32, #tpu.memory_space<vmem>>, vector<16xf32>,
    tpu.vector_store %arg7[%swap3A_1016, %swap3A_1017], %broadcast_in_dim3A_3 {strides = array<i32>} : memref<256x16xf32, #tpu.memory_space<vmem>>, vector<16xf32>,
    %swap3A_1019 = arith.constant 254 : i32
    %swap3A_1020 = arith.index_cast %swap3A_1019 : i32 to index
    %swap3A_1021 = arith.constant 0 : index
    %swap3A_1022 = tpu.vector_load %arg7[%swap3A_1020, %swap3A_1021] {strides = array<i32>} : memref<256x16xf32, #tpu.memory_space<vmem>>, vector<16xf32>,
    tpu.vector_store %arg7[%swap3A_1020, %swap3A_1021], %broadcast_in_dim3A_3 {strides = array<i32>} : memref<256x16xf32, #tpu.memory_space<vmem>>, vector<16xf32>,
    %swap3A_1023 = arith.constant 255 : i32
    %swap3A_1024 = arith.index_cast %swap3A_1023 : i32 to index
    %swap3A_1025 = arith.constant 0 : index
    %swap3A_1026 = tpu.vector_load %arg7[%swap3A_1024, %swap3A_1025] {strides = array<i32>} : memref<256x16xf32, #tpu.memory_space<vmem>>, vector<16xf32>,
    tpu.vector_store %arg7[%swap3A_1024, %swap3A_1025], %broadcast_in_dim3A_3 {strides = array<i32>} : memref<256x16xf32, #tpu.memory_space<vmem>>, vector<16xf32>,
    %add3A_1027 = arith.constant 0 : i32
    %add3A_1028 = vector.broadcast %add3A_1027 : i32 to vector<16xi32>
    %add3A_1029 = arith.addi %iota3A, %add3A_1028 : vector<16xi32>
    %broadcast_in_dim3A_1030 = arith.constant 0 : i32
    %broadcast_in_dim3A_1031 = vector.broadcast %broadcast_in_dim3A_1030 : i32 to vector<16xi32>
    %broadcast_in_dim3A_1032 = arith.constant 1 : i32
    %broadcast_in_dim3A_1033 = vector.broadcast %broadcast_in_dim3A_1032 : i32 to vector<16xi32>
    %broadcast_in_dim3A_1034 = arith.constant 2 : i32
    %broadcast_in_dim3A_1035 = vector.broadcast %broadcast_in_dim3A_1034 : i32 to vector<16xi32>
    %broadcast_in_dim3A_1036 = arith.constant 3 : i32
    %broadcast_in_dim3A_1037 = vector.broadcast %broadcast_in_dim3A_1036 : i32 to vector<16xi32>
    %broadcast_in_dim3A_1038 = arith.constant 4 : i32
    %broadcast_in_dim3A_1039 = vector.broadcast %broadcast_in_dim3A_1038 : i32 to vector<16xi32>
    %broadcast_in_dim3A_1040 = arith.constant 5 : i32
    %broadcast_in_dim3A_1041 = vector.broadcast %broadcast_in_dim3A_1040 : i32 to vector<16xi32>
    %broadcast_in_dim3A_1042 = arith.constant 6 : i32
    %broadcast_in_dim3A_1043 = vector.broadcast %broadcast_in_dim3A_1042 : i32 to vector<16xi32>
    %broadcast_in_dim3A_1044 = arith.constant 7 : i32
    %broadcast_in_dim3A_1045 = vector.broadcast %broadcast_in_dim3A_1044 : i32 to vector<16xi32>
    %gather3A = tpu.vector_load_idx %arg6[%add3A_1029, %broadcast_in_dim3A_1031] : memref<256x8xf32, #tpu.memory_space<vmem>>[vector<16xi32>, vector<16xi32>], vector<16xf32>,
    %gather3A_1046 = tpu.vector_load_idx %arg6[%add3A_1029, %broadcast_in_dim3A_1033] : memref<256x8xf32, #tpu.memory_space<vmem>>[vector<16xi32>, vector<16xi32>], vector<16xf32>,
    %gather3A_1047 = tpu.vector_load_idx %arg6[%add3A_1029, %broadcast_in_dim3A_1035] : memref<256x8xf32, #tpu.memory_space<vmem>>[vector<16xi32>, vector<16xi32>], vector<16xf32>,
    %gather3A_1048 = tpu.vector_load_idx %arg6[%add3A_1029, %broadcast_in_dim3A_1037] : memref<256x8xf32, #tpu.memory_space<vmem>>[vector<16xi32>, vector<16xi32>], vector<16xf32>,
    %gather3A_1049 = tpu.vector_load_idx %arg6[%add3A_1029, %broadcast_in_dim3A_1039] : memref<256x8xf32, #tpu.memory_space<vmem>>[vector<16xi32>, vector<16xi32>], vector<16xf32>,
    %gather3A_1050 = tpu.vector_load_idx %arg6[%add3A_1029, %broadcast_in_dim3A_1041] : memref<256x8xf32, #tpu.memory_space<vmem>>[vector<16xi32>, vector<16xi32>], vector<16xf32>,
    %gather3A_1051 = tpu.vector_load_idx %arg6[%add3A_1029, %broadcast_in_dim3A_1043] : memref<256x8xf32, #tpu.memory_space<vmem>>[vector<16xi32>, vector<16xi32>], vector<16xf32>,
    %gather3A_1052 = tpu.vector_load_idx %arg6[%add3A_1029, %broadcast_in_dim3A_1045] : memref<256x8xf32, #tpu.memory_space<vmem>>[vector<16xi32>, vector<16xi32>], vector<16xf32>,
    %max3A = arith.maximumf %gather3A, %gather3A_1046 : vector<16xf32>
    %max3A_1053 = arith.maximumf %max3A, %gather3A_1047 : vector<16xf32>
    %max3A_1054 = arith.maximumf %max3A_1053, %gather3A_1048 : vector<16xf32>
    %max3A_1055 = arith.maximumf %max3A_1054, %gather3A_1049 : vector<16xf32>
    %max3A_1056 = arith.maximumf %max3A_1055, %gather3A_1050 : vector<16xf32>
    %max3A_1057 = arith.maximumf %max3A_1056, %gather3A_1051 : vector<16xf32>
    %max3A_1058 = arith.maximumf %max3A_1057, %gather3A_1052 : vector<16xf32>
    %sub3A = arith.subf %gather3A, %max3A_1058 : vector<16xf32>
    %exp3A = math.exp %sub3A : vector<16xf32>
    %sub3A_1059 = arith.subf %gather3A_1046, %max3A_1058 : vector<16xf32>
    %exp3A_1060 = math.exp %sub3A_1059 : vector<16xf32>
    %sub3A_1061 = arith.subf %gather3A_1047, %max3A_1058 : vector<16xf32>
    %exp3A_1062 = math.exp %sub3A_1061 : vector<16xf32>
    %sub3A_1063 = arith.subf %gather3A_1048, %max3A_1058 : vector<16xf32>
    %exp3A_1064 = math.exp %sub3A_1063 : vector<16xf32>
    %sub3A_1065 = arith.subf %gather3A_1049, %max3A_1058 : vector<16xf32>
    %exp3A_1066 = math.exp %sub3A_1065 : vector<16xf32>
    %sub3A_1067 = arith.subf %gather3A_1050, %max3A_1058 : vector<16xf32>
    %exp3A_1068 = math.exp %sub3A_1067 : vector<16xf32>
    %sub3A_1069 = arith.subf %gather3A_1051, %max3A_1058 : vector<16xf32>
    %exp3A_1070 = math.exp %sub3A_1069 : vector<16xf32>
    %sub3A_1071 = arith.subf %gather3A_1052, %max3A_1058 : vector<16xf32>
    %exp3A_1072 = math.exp %sub3A_1071 : vector<16xf32>
    %add3A_1073 = arith.addf %exp3A, %exp3A_1060 : vector<16xf32>
    %add3A_1074 = arith.addf %add3A_1073, %exp3A_1062 : vector<16xf32>
    %add3A_1075 = arith.addf %add3A_1074, %exp3A_1064 : vector<16xf32>
    %add3A_1076 = arith.addf %add3A_1075, %exp3A_1066 : vector<16xf32>
    %add3A_1077 = arith.addf %add3A_1076, %exp3A_1068 : vector<16xf32>
    %add3A_1078 = arith.addf %add3A_1077, %exp3A_1070 : vector<16xf32>
    %add3A_1079 = arith.addf %add3A_1078, %exp3A_1072 : vector<16xf32>
    %div3A = arith.constant 1.000000e+00 : f32
    %div3A_1080 = vector.broadcast %div3A : f32 to vector<16xf32>
    %div3A_1081 = arith.divf %div3A_1080, %add3A_1079 : vector<16xf32>
    %gather3A_1082 = tpu.vector_load_idx %arg5[%add3A_1029, %broadcast_in_dim3A_1031] : memref<256x8xi32, #tpu.memory_space<vmem>>[vector<16xi32>, vector<16xi32>], vector<16xi32>,
    %mul3A_1083 = arith.mulf %exp3A, %div3A_1081 : vector<16xf32>
    tpu.vector_store_idx %arg7[%add3A_1029, %gather3A_1082], %mul3A_1083 {add = true} : memref<256x16xf32, #tpu.memory_space<vmem>>[vector<16xi32>, vector<16xi32>], vector<16xf32>,
    %gather3A_1084 = tpu.vector_load_idx %arg5[%add3A_1029, %broadcast_in_dim3A_1033] : memref<256x8xi32, #tpu.memory_space<vmem>>[vector<16xi32>, vector<16xi32>], vector<16xi32>,
    %mul3A_1085 = arith.mulf %exp3A_1060, %div3A_1081 : vector<16xf32>
    tpu.vector_store_idx %arg7[%add3A_1029, %gather3A_1084], %mul3A_1085 {add = true} : memref<256x16xf32, #tpu.memory_space<vmem>>[vector<16xi32>, vector<16xi32>], vector<16xf32>,
    %gather3A_1086 = tpu.vector_load_idx %arg5[%add3A_1029, %broadcast_in_dim3A_1035] : memref<256x8xi32, #tpu.memory_space<vmem>>[vector<16xi32>, vector<16xi32>], vector<16xi32>,
    %mul3A_1087 = arith.mulf %exp3A_1062, %div3A_1081 : vector<16xf32>
    tpu.vector_store_idx %arg7[%add3A_1029, %gather3A_1086], %mul3A_1087 {add = true} : memref<256x16xf32, #tpu.memory_space<vmem>>[vector<16xi32>, vector<16xi32>], vector<16xf32>,
    %gather3A_1088 = tpu.vector_load_idx %arg5[%add3A_1029, %broadcast_in_dim3A_1037] : memref<256x8xi32, #tpu.memory_space<vmem>>[vector<16xi32>, vector<16xi32>], vector<16xi32>,
    %mul3A_1089 = arith.mulf %exp3A_1064, %div3A_1081 : vector<16xf32>
    tpu.vector_store_idx %arg7[%add3A_1029, %gather3A_1088], %mul3A_1089 {add = true} : memref<256x16xf32, #tpu.memory_space<vmem>>[vector<16xi32>, vector<16xi32>], vector<16xf32>,
    %gather3A_1090 = tpu.vector_load_idx %arg5[%add3A_1029, %broadcast_in_dim3A_1039] : memref<256x8xi32, #tpu.memory_space<vmem>>[vector<16xi32>, vector<16xi32>], vector<16xi32>,
    %mul3A_1091 = arith.mulf %exp3A_1066, %div3A_1081 : vector<16xf32>
    tpu.vector_store_idx %arg7[%add3A_1029, %gather3A_1090], %mul3A_1091 {add = true} : memref<256x16xf32, #tpu.memory_space<vmem>>[vector<16xi32>, vector<16xi32>], vector<16xf32>,
    %gather3A_1092 = tpu.vector_load_idx %arg5[%add3A_1029, %broadcast_in_dim3A_1041] : memref<256x8xi32, #tpu.memory_space<vmem>>[vector<16xi32>, vector<16xi32>], vector<16xi32>,
    %mul3A_1093 = arith.mulf %exp3A_1068, %div3A_1081 : vector<16xf32>
    tpu.vector_store_idx %arg7[%add3A_1029, %gather3A_1092], %mul3A_1093 {add = true} : memref<256x16xf32, #tpu.memory_space<vmem>>[vector<16xi32>, vector<16xi32>], vector<16xf32>,
    %gather3A_1094 = tpu.vector_load_idx %arg5[%add3A_1029, %broadcast_in_dim3A_1043] : memref<256x8xi32, #tpu.memory_space<vmem>>[vector<16xi32>, vector<16xi32>], vector<16xi32>,
    %mul3A_1095 = arith.mulf %exp3A_1070, %div3A_1081 : vector<16xf32>
    tpu.vector_store_idx %arg7[%add3A_1029, %gather3A_1094], %mul3A_1095 {add = true} : memref<256x16xf32, #tpu.memory_space<vmem>>[vector<16xi32>, vector<16xi32>], vector<16xf32>,
    %gather3A_1096 = tpu.vector_load_idx %arg5[%add3A_1029, %broadcast_in_dim3A_1045] : memref<256x8xi32, #tpu.memory_space<vmem>>[vector<16xi32>, vector<16xi32>], vector<16xi32>,
    %mul3A_1097 = arith.mulf %exp3A_1072, %div3A_1081 : vector<16xf32>
    tpu.vector_store_idx %arg7[%add3A_1029, %gather3A_1096], %mul3A_1097 {add = true} : memref<256x16xf32, #tpu.memory_space<vmem>>[vector<16xi32>, vector<16xi32>], vector<16xf32>,
    %add3A_1098 = arith.constant 16 : i32
    %add3A_1099 = vector.broadcast %add3A_1098 : i32 to vector<16xi32>
    %add3A_1100 = arith.addi %iota3A, %add3A_1099 : vector<16xi32>
    %broadcast_in_dim3A_1101 = arith.constant 0 : i32
    %broadcast_in_dim3A_1102 = vector.broadcast %broadcast_in_dim3A_1101 : i32 to vector<16xi32>
    %broadcast_in_dim3A_1103 = arith.constant 1 : i32
    %broadcast_in_dim3A_1104 = vector.broadcast %broadcast_in_dim3A_1103 : i32 to vector<16xi32>
    %broadcast_in_dim3A_1105 = arith.constant 2 : i32
    %broadcast_in_dim3A_1106 = vector.broadcast %broadcast_in_dim3A_1105 : i32 to vector<16xi32>
    %broadcast_in_dim3A_1107 = arith.constant 3 : i32
    %broadcast_in_dim3A_1108 = vector.broadcast %broadcast_in_dim3A_1107 : i32 to vector<16xi32>
    %broadcast_in_dim3A_1109 = arith.constant 4 : i32
    %broadcast_in_dim3A_1110 = vector.broadcast %broadcast_in_dim3A_1109 : i32 to vector<16xi32>
    %broadcast_in_dim3A_1111 = arith.constant 5 : i32
    %broadcast_in_dim3A_1112 = vector.broadcast %broadcast_in_dim3A_1111 : i32 to vector<16xi32>
    %broadcast_in_dim3A_1113 = arith.constant 6 : i32
    %broadcast_in_dim3A_1114 = vector.broadcast %broadcast_in_dim3A_1113 : i32 to vector<16xi32>
    %broadcast_in_dim3A_1115 = arith.constant 7 : i32
    %broadcast_in_dim3A_1116 = vector.broadcast %broadcast_in_dim3A_1115 : i32 to vector<16xi32>
    %gather3A_1117 = tpu.vector_load_idx %arg6[%add3A_1100, %broadcast_in_dim3A_1102] : memref<256x8xf32, #tpu.memory_space<vmem>>[vector<16xi32>, vector<16xi32>], vector<16xf32>,
    %gather3A_1118 = tpu.vector_load_idx %arg6[%add3A_1100, %broadcast_in_dim3A_1104] : memref<256x8xf32, #tpu.memory_space<vmem>>[vector<16xi32>, vector<16xi32>], vector<16xf32>,
    %gather3A_1119 = tpu.vector_load_idx %arg6[%add3A_1100, %broadcast_in_dim3A_1106] : memref<256x8xf32, #tpu.memory_space<vmem>>[vector<16xi32>, vector<16xi32>], vector<16xf32>,
    %gather3A_1120 = tpu.vector_load_idx %arg6[%add3A_1100, %broadcast_in_dim3A_1108] : memref<256x8xf32, #tpu.memory_space<vmem>>[vector<16xi32>, vector<16xi32>], vector<16xf32>,
    %gather3A_1121 = tpu.vector_load_idx %arg6[%add3A_1100, %broadcast_in_dim3A_1110] : memref<256x8xf32, #tpu.memory_space<vmem>>[vector<16xi32>, vector<16xi32>], vector<16xf32>,
    %gather3A_1122 = tpu.vector_load_idx %arg6[%add3A_1100, %broadcast_in_dim3A_1112] : memref<256x8xf32, #tpu.memory_space<vmem>>[vector<16xi32>, vector<16xi32>], vector<16xf32>,
    %gather3A_1123 = tpu.vector_load_idx %arg6[%add3A_1100, %broadcast_in_dim3A_1114] : memref<256x8xf32, #tpu.memory_space<vmem>>[vector<16xi32>, vector<16xi32>], vector<16xf32>,
    %gather3A_1124 = tpu.vector_load_idx %arg6[%add3A_1100, %broadcast_in_dim3A_1116] : memref<256x8xf32, #tpu.memory_space<vmem>>[vector<16xi32>, vector<16xi32>], vector<16xf32>,
    %max3A_1125 = arith.maximumf %gather3A_1117, %gather3A_1118 : vector<16xf32>
    %max3A_1126 = arith.maximumf %max3A_1125, %gather3A_1119 : vector<16xf32>
    %max3A_1127 = arith.maximumf %max3A_1126, %gather3A_1120 : vector<16xf32>
    %max3A_1128 = arith.maximumf %max3A_1127, %gather3A_1121 : vector<16xf32>
    %max3A_1129 = arith.maximumf %max3A_1128, %gather3A_1122 : vector<16xf32>
    %max3A_1130 = arith.maximumf %max3A_1129, %gather3A_1123 : vector<16xf32>
    %max3A_1131 = arith.maximumf %max3A_1130, %gather3A_1124 : vector<16xf32>
    %sub3A_1132 = arith.subf %gather3A_1117, %max3A_1131 : vector<16xf32>
    %exp3A_1133 = math.exp %sub3A_1132 : vector<16xf32>
    %sub3A_1134 = arith.subf %gather3A_1118, %max3A_1131 : vector<16xf32>
    %exp3A_1135 = math.exp %sub3A_1134 : vector<16xf32>
    %sub3A_1136 = arith.subf %gather3A_1119, %max3A_1131 : vector<16xf32>
    %exp3A_1137 = math.exp %sub3A_1136 : vector<16xf32>
    %sub3A_1138 = arith.subf %gather3A_1120, %max3A_1131 : vector<16xf32>
    %exp3A_1139 = math.exp %sub3A_1138 : vector<16xf32>
    %sub3A_1140 = arith.subf %gather3A_1121, %max3A_1131 : vector<16xf32>
    %exp3A_1141 = math.exp %sub3A_1140 : vector<16xf32>
    %sub3A_1142 = arith.subf %gather3A_1122, %max3A_1131 : vector<16xf32>
    %exp3A_1143 = math.exp %sub3A_1142 : vector<16xf32>
    %sub3A_1144 = arith.subf %gather3A_1123, %max3A_1131 : vector<16xf32>
    %exp3A_1145 = math.exp %sub3A_1144 : vector<16xf32>
    %sub3A_1146 = arith.subf %gather3A_1124, %max3A_1131 : vector<16xf32>
    %exp3A_1147 = math.exp %sub3A_1146 : vector<16xf32>
    %add3A_1148 = arith.addf %exp3A_1133, %exp3A_1135 : vector<16xf32>
    %add3A_1149 = arith.addf %add3A_1148, %exp3A_1137 : vector<16xf32>
    %add3A_1150 = arith.addf %add3A_1149, %exp3A_1139 : vector<16xf32>
    %add3A_1151 = arith.addf %add3A_1150, %exp3A_1141 : vector<16xf32>
    %add3A_1152 = arith.addf %add3A_1151, %exp3A_1143 : vector<16xf32>
    %add3A_1153 = arith.addf %add3A_1152, %exp3A_1145 : vector<16xf32>
    %add3A_1154 = arith.addf %add3A_1153, %exp3A_1147 : vector<16xf32>
    %div3A_1155 = arith.constant 1.000000e+00 : f32
    %div3A_1156 = vector.broadcast %div3A_1155 : f32 to vector<16xf32>
    %div3A_1157 = arith.divf %div3A_1156, %add3A_1154 : vector<16xf32>
    %gather3A_1158 = tpu.vector_load_idx %arg5[%add3A_1100, %broadcast_in_dim3A_1102] : memref<256x8xi32, #tpu.memory_space<vmem>>[vector<16xi32>, vector<16xi32>], vector<16xi32>,
    %mul3A_1159 = arith.mulf %exp3A_1133, %div3A_1157 : vector<16xf32>
    tpu.vector_store_idx %arg7[%add3A_1100, %gather3A_1158], %mul3A_1159 {add = true} : memref<256x16xf32, #tpu.memory_space<vmem>>[vector<16xi32>, vector<16xi32>], vector<16xf32>,
    %gather3A_1160 = tpu.vector_load_idx %arg5[%add3A_1100, %broadcast_in_dim3A_1104] : memref<256x8xi32, #tpu.memory_space<vmem>>[vector<16xi32>, vector<16xi32>], vector<16xi32>,
    %mul3A_1161 = arith.mulf %exp3A_1135, %div3A_1157 : vector<16xf32>
    tpu.vector_store_idx %arg7[%add3A_1100, %gather3A_1160], %mul3A_1161 {add = true} : memref<256x16xf32, #tpu.memory_space<vmem>>[vector<16xi32>, vector<16xi32>], vector<16xf32>,
    %gather3A_1162 = tpu.vector_load_idx %arg5[%add3A_1100, %broadcast_in_dim3A_1106] : memref<256x8xi32, #tpu.memory_space<vmem>>[vector<16xi32>, vector<16xi32>], vector<16xi32>,
    %mul3A_1163 = arith.mulf %exp3A_1137, %div3A_1157 : vector<16xf32>
    tpu.vector_store_idx %arg7[%add3A_1100, %gather3A_1162], %mul3A_1163 {add = true} : memref<256x16xf32, #tpu.memory_space<vmem>>[vector<16xi32>, vector<16xi32>], vector<16xf32>,
    %gather3A_1164 = tpu.vector_load_idx %arg5[%add3A_1100, %broadcast_in_dim3A_1108] : memref<256x8xi32, #tpu.memory_space<vmem>>[vector<16xi32>, vector<16xi32>], vector<16xi32>,
    %mul3A_1165 = arith.mulf %exp3A_1139, %div3A_1157 : vector<16xf32>
    tpu.vector_store_idx %arg7[%add3A_1100, %gather3A_1164], %mul3A_1165 {add = true} : memref<256x16xf32, #tpu.memory_space<vmem>>[vector<16xi32>, vector<16xi32>], vector<16xf32>,
    %gather3A_1166 = tpu.vector_load_idx %arg5[%add3A_1100, %broadcast_in_dim3A_1110] : memref<256x8xi32, #tpu.memory_space<vmem>>[vector<16xi32>, vector<16xi32>], vector<16xi32>,
    %mul3A_1167 = arith.mulf %exp3A_1141, %div3A_1157 : vector<16xf32>
    tpu.vector_store_idx %arg7[%add3A_1100, %gather3A_1166], %mul3A_1167 {add = true} : memref<256x16xf32, #tpu.memory_space<vmem>>[vector<16xi32>, vector<16xi32>], vector<16xf32>,
    %gather3A_1168 = tpu.vector_load_idx %arg5[%add3A_1100, %broadcast_in_dim3A_1112] : memref<256x8xi32, #tpu.memory_space<vmem>>[vector<16xi32>, vector<16xi32>], vector<16xi32>,
    %mul3A_1169 = arith.mulf %exp3A_1143, %div3A_1157 : vector<16xf32>
    tpu.vector_store_idx %arg7[%add3A_1100, %gather3A_1168], %mul3A_1169 {add = true} : memref<256x16xf32, #tpu.memory_space<vmem>>[vector<16xi32>, vector<16xi32>], vector<16xf32>,
    %gather3A_1170 = tpu.vector_load_idx %arg5[%add3A_1100, %broadcast_in_dim3A_1114] : memref<256x8xi32, #tpu.memory_space<vmem>>[vector<16xi32>, vector<16xi32>], vector<16xi32>,
    %mul3A_1171 = arith.mulf %exp3A_1145, %div3A_1157 : vector<16xf32>
    tpu.vector_store_idx %arg7[%add3A_1100, %gather3A_1170], %mul3A_1171 {add = true} : memref<256x16xf32, #tpu.memory_space<vmem>>[vector<16xi32>, vector<16xi32>], vector<16xf32>,
    %gather3A_1172 = tpu.vector_load_idx %arg5[%add3A_1100, %broadcast_in_dim3A_1116] : memref<256x8xi32, #tpu.memory_space<vmem>>[vector<16xi32>, vector<16xi32>], vector<16xi32>,
    %mul3A_1173 = arith.mulf %exp3A_1147, %div3A_1157 : vector<16xf32>
    tpu.vector_store_idx %arg7[%add3A_1100, %gather3A_1172], %mul3A_1173 {add = true} : memref<256x16xf32, #tpu.memory_space<vmem>>[vector<16xi32>, vector<16xi32>], vector<16xf32>,
    %add3A_1174 = arith.constant 32 : i32
    %add3A_1175 = vector.broadcast %add3A_1174 : i32 to vector<16xi32>
    %add3A_1176 = arith.addi %iota3A, %add3A_1175 : vector<16xi32>
    %broadcast_in_dim3A_1177 = arith.constant 0 : i32
    %broadcast_in_dim3A_1178 = vector.broadcast %broadcast_in_dim3A_1177 : i32 to vector<16xi32>
    %broadcast_in_dim3A_1179 = arith.constant 1 : i32
    %broadcast_in_dim3A_1180 = vector.broadcast %broadcast_in_dim3A_1179 : i32 to vector<16xi32>
    %broadcast_in_dim3A_1181 = arith.constant 2 : i32
    %broadcast_in_dim3A_1182 = vector.broadcast %broadcast_in_dim3A_1181 : i32 to vector<16xi32>
    %broadcast_in_dim3A_1183 = arith.constant 3 : i32
    %broadcast_in_dim3A_1184 = vector.broadcast %broadcast_in_dim3A_1183 : i32 to vector<16xi32>
    %broadcast_in_dim3A_1185 = arith.constant 4 : i32
    %broadcast_in_dim3A_1186 = vector.broadcast %broadcast_in_dim3A_1185 : i32 to vector<16xi32>
    %broadcast_in_dim3A_1187 = arith.constant 5 : i32
    %broadcast_in_dim3A_1188 = vector.broadcast %broadcast_in_dim3A_1187 : i32 to vector<16xi32>
    %broadcast_in_dim3A_1189 = arith.constant 6 : i32
    %broadcast_in_dim3A_1190 = vector.broadcast %broadcast_in_dim3A_1189 : i32 to vector<16xi32>
    %broadcast_in_dim3A_1191 = arith.constant 7 : i32
    %broadcast_in_dim3A_1192 = vector.broadcast %broadcast_in_dim3A_1191 : i32 to vector<16xi32>
    %gather3A_1193 = tpu.vector_load_idx %arg6[%add3A_1176, %broadcast_in_dim3A_1178] : memref<256x8xf32, #tpu.memory_space<vmem>>[vector<16xi32>, vector<16xi32>], vector<16xf32>,
    %gather3A_1194 = tpu.vector_load_idx %arg6[%add3A_1176, %broadcast_in_dim3A_1180] : memref<256x8xf32, #tpu.memory_space<vmem>>[vector<16xi32>, vector<16xi32>], vector<16xf32>,
    %gather3A_1195 = tpu.vector_load_idx %arg6[%add3A_1176, %broadcast_in_dim3A_1182] : memref<256x8xf32, #tpu.memory_space<vmem>>[vector<16xi32>, vector<16xi32>], vector<16xf32>,
    %gather3A_1196 = tpu.vector_load_idx %arg6[%add3A_1176, %broadcast_in_dim3A_1184] : memref<256x8xf32, #tpu.memory_space<vmem>>[vector<16xi32>, vector<16xi32>], vector<16xf32>,
    %gather3A_1197 = tpu.vector_load_idx %arg6[%add3A_1176, %broadcast_in_dim3A_1186] : memref<256x8xf32, #tpu.memory_space<vmem>>[vector<16xi32>, vector<16xi32>], vector<16xf32>,
    %gather3A_1198 = tpu.vector_load_idx %arg6[%add3A_1176, %broadcast_in_dim3A_1188] : memref<256x8xf32, #tpu.memory_space<vmem>>[vector<16xi32>, vector<16xi32>], vector<16xf32>,
    %gather3A_1199 = tpu.vector_load_idx %arg6[%add3A_1176, %broadcast_in_dim3A_1190] : memref<256x8xf32, #tpu.memory_space<vmem>>[vector<16xi32>, vector<16xi32>], vector<16xf32>,
    %gather3A_1200 = tpu.vector_load_idx %arg6[%add3A_1176, %broadcast_in_dim3A_1192] : memref<256x8xf32, #tpu.memory_space<vmem>>[vector<16xi32>, vector<16xi32>], vector<16xf32>,
    %max3A_1201 = arith.maximumf %gather3A_1193, %gather3A_1194 : vector<16xf32>
    %max3A_1202 = arith.maximumf %max3A_1201, %gather3A_1195 : vector<16xf32>
    %max3A_1203 = arith.maximumf %max3A_1202, %gather3A_1196 : vector<16xf32>
    %max3A_1204 = arith.maximumf %max3A_1203, %gather3A_1197 : vector<16xf32>
    %max3A_1205 = arith.maximumf %max3A_1204, %gather3A_1198 : vector<16xf32>
    %max3A_1206 = arith.maximumf %max3A_1205, %gather3A_1199 : vector<16xf32>
    %max3A_1207 = arith.maximumf %max3A_1206, %gather3A_1200 : vector<16xf32>
    %sub3A_1208 = arith.subf %gather3A_1193, %max3A_1207 : vector<16xf32>
    %exp3A_1209 = math.exp %sub3A_1208 : vector<16xf32>
    %sub3A_1210 = arith.subf %gather3A_1194, %max3A_1207 : vector<16xf32>
    %exp3A_1211 = math.exp %sub3A_1210 : vector<16xf32>
    %sub3A_1212 = arith.subf %gather3A_1195, %max3A_1207 : vector<16xf32>
    %exp3A_1213 = math.exp %sub3A_1212 : vector<16xf32>
    %sub3A_1214 = arith.subf %gather3A_1196, %max3A_1207 : vector<16xf32>
    %exp3A_1215 = math.exp %sub3A_1214 : vector<16xf32>
    %sub3A_1216 = arith.subf %gather3A_1197, %max3A_1207 : vector<16xf32>
    %exp3A_1217 = math.exp %sub3A_1216 : vector<16xf32>
    %sub3A_1218 = arith.subf %gather3A_1198, %max3A_1207 : vector<16xf32>
    %exp3A_1219 = math.exp %sub3A_1218 : vector<16xf32>
    %sub3A_1220 = arith.subf %gather3A_1199, %max3A_1207 : vector<16xf32>
    %exp3A_1221 = math.exp %sub3A_1220 : vector<16xf32>
    %sub3A_1222 = arith.subf %gather3A_1200, %max3A_1207 : vector<16xf32>
    %exp3A_1223 = math.exp %sub3A_1222 : vector<16xf32>
    %add3A_1224 = arith.addf %exp3A_1209, %exp3A_1211 : vector<16xf32>
    %add3A_1225 = arith.addf %add3A_1224, %exp3A_1213 : vector<16xf32>
    %add3A_1226 = arith.addf %add3A_1225, %exp3A_1215 : vector<16xf32>
    %add3A_1227 = arith.addf %add3A_1226, %exp3A_1217 : vector<16xf32>
    %add3A_1228 = arith.addf %add3A_1227, %exp3A_1219 : vector<16xf32>
    %add3A_1229 = arith.addf %add3A_1228, %exp3A_1221 : vector<16xf32>
    %add3A_1230 = arith.addf %add3A_1229, %exp3A_1223 : vector<16xf32>
    %div3A_1231 = arith.constant 1.000000e+00 : f32
    %div3A_1232 = vector.broadcast %div3A_1231 : f32 to vector<16xf32>
    %div3A_1233 = arith.divf %div3A_1232, %add3A_1230 : vector<16xf32>
    %gather3A_1234 = tpu.vector_load_idx %arg5[%add3A_1176, %broadcast_in_dim3A_1178] : memref<256x8xi32, #tpu.memory_space<vmem>>[vector<16xi32>, vector<16xi32>], vector<16xi32>,
    %mul3A_1235 = arith.mulf %exp3A_1209, %div3A_1233 : vector<16xf32>
    tpu.vector_store_idx %arg7[%add3A_1176, %gather3A_1234], %mul3A_1235 {add = true} : memref<256x16xf32, #tpu.memory_space<vmem>>[vector<16xi32>, vector<16xi32>], vector<16xf32>,
    %gather3A_1236 = tpu.vector_load_idx %arg5[%add3A_1176, %broadcast_in_dim3A_1180] : memref<256x8xi32, #tpu.memory_space<vmem>>[vector<16xi32>, vector<16xi32>], vector<16xi32>,
    %mul3A_1237 = arith.mulf %exp3A_1211, %div3A_1233 : vector<16xf32>
    tpu.vector_store_idx %arg7[%add3A_1176, %gather3A_1236], %mul3A_1237 {add = true} : memref<256x16xf32, #tpu.memory_space<vmem>>[vector<16xi32>, vector<16xi32>], vector<16xf32>,
    %gather3A_1238 = tpu.vector_load_idx %arg5[%add3A_1176, %broadcast_in_dim3A_1182] : memref<256x8xi32, #tpu.memory_space<vmem>>[vector<16xi32>, vector<16xi32>], vector<16xi32>,
    %mul3A_1239 = arith.mulf %exp3A_1213, %div3A_1233 : vector<16xf32>
    tpu.vector_store_idx %arg7[%add3A_1176, %gather3A_1238], %mul3A_1239 {add = true} : memref<256x16xf32, #tpu.memory_space<vmem>>[vector<16xi32>, vector<16xi32>], vector<16xf32>,
    %gather3A_1240 = tpu.vector_load_idx %arg5[%add3A_1176, %broadcast_in_dim3A_1184] : memref<256x8xi32, #tpu.memory_space<vmem>>[vector<16xi32>, vector<16xi32>], vector<16xi32>,
    %mul3A_1241 = arith.mulf %exp3A_1215, %div3A_1233 : vector<16xf32>
    tpu.vector_store_idx %arg7[%add3A_1176, %gather3A_1240], %mul3A_1241 {add = true} : memref<256x16xf32, #tpu.memory_space<vmem>>[vector<16xi32>, vector<16xi32>], vector<16xf32>,
    %gather3A_1242 = tpu.vector_load_idx %arg5[%add3A_1176, %broadcast_in_dim3A_1186] : memref<256x8xi32, #tpu.memory_space<vmem>>[vector<16xi32>, vector<16xi32>], vector<16xi32>,
    %mul3A_1243 = arith.mulf %exp3A_1217, %div3A_1233 : vector<16xf32>
    tpu.vector_store_idx %arg7[%add3A_1176, %gather3A_1242], %mul3A_1243 {add = true} : memref<256x16xf32, #tpu.memory_space<vmem>>[vector<16xi32>, vector<16xi32>], vector<16xf32>,
    %gather3A_1244 = tpu.vector_load_idx %arg5[%add3A_1176, %broadcast_in_dim3A_1188] : memref<256x8xi32, #tpu.memory_space<vmem>>[vector<16xi32>, vector<16xi32>], vector<16xi32>,
    %mul3A_1245 = arith.mulf %exp3A_1219, %div3A_1233 : vector<16xf32>
    tpu.vector_store_idx %arg7[%add3A_1176, %gather3A_1244], %mul3A_1245 {add = true} : memref<256x16xf32, #tpu.memory_space<vmem>>[vector<16xi32>, vector<16xi32>], vector<16xf32>,
    %gather3A_1246 = tpu.vector_load_idx %arg5[%add3A_1176, %broadcast_in_dim3A_1190] : memref<256x8xi32, #tpu.memory_space<vmem>>[vector<16xi32>, vector<16xi32>], vector<16xi32>,
    %mul3A_1247 = arith.mulf %exp3A_1221, %div3A_1233 : vector<16xf32>
    tpu.vector_store_idx %arg7[%add3A_1176, %gather3A_1246], %mul3A_1247 {add = true} : memref<256x16xf32, #tpu.memory_space<vmem>>[vector<16xi32>, vector<16xi32>], vector<16xf32>,
    %gather3A_1248 = tpu.vector_load_idx %arg5[%add3A_1176, %broadcast_in_dim3A_1192] : memref<256x8xi32, #tpu.memory_space<vmem>>[vector<16xi32>, vector<16xi32>], vector<16xi32>,
    %mul3A_1249 = arith.mulf %exp3A_1223, %div3A_1233 : vector<16xf32>
    tpu.vector_store_idx %arg7[%add3A_1176, %gather3A_1248], %mul3A_1249 {add = true} : memref<256x16xf32, #tpu.memory_space<vmem>>[vector<16xi32>, vector<16xi32>], vector<16xf32>,
    %add3A_1250 = arith.constant 48 : i32
    %add3A_1251 = vector.broadcast %add3A_1250 : i32 to vector<16xi32>
    %add3A_1252 = arith.addi %iota3A, %add3A_1251 : vector<16xi32>
    %broadcast_in_dim3A_1253 = arith.constant 0 : i32
    %broadcast_in_dim3A_1254 = vector.broadcast %broadcast_in_dim3A_1253 : i32 to vector<16xi32>
    %broadcast_in_dim3A_1255 = arith.constant 1 : i32
    %broadcast_in_dim3A_1256 = vector.broadcast %broadcast_in_dim3A_1255 : i32 to vector<16xi32>
    %broadcast_in_dim3A_1257 = arith.constant 2 : i32
    %broadcast_in_dim3A_1258 = vector.broadcast %broadcast_in_dim3A_1257 : i32 to vector<16xi32>
    %broadcast_in_dim3A_1259 = arith.constant 3 : i32
    %broadcast_in_dim3A_1260 = vector.broadcast %broadcast_in_dim3A_1259 : i32 to vector<16xi32>
    %broadcast_in_dim3A_1261 = arith.constant 4 : i32
    %broadcast_in_dim3A_1262 = vector.broadcast %broadcast_in_dim3A_1261 : i32 to vector<16xi32>
    %broadcast_in_dim3A_1263 = arith.constant 5 : i32
    %broadcast_in_dim3A_1264 = vector.broadcast %broadcast_in_dim3A_1263 : i32 to vector<16xi32>
    %broadcast_in_dim3A_1265 = arith.constant 6 : i32
    %broadcast_in_dim3A_1266 = vector.broadcast %broadcast_in_dim3A_1265 : i32 to vector<16xi32>
    %broadcast_in_dim3A_1267 = arith.constant 7 : i32
    %broadcast_in_dim3A_1268 = vector.broadcast %broadcast_in_dim3A_1267 : i32 to vector<16xi32>
    %gather3A_1269 = tpu.vector_load_idx %arg6[%add3A_1252, %broadcast_in_dim3A_1254] : memref<256x8xf32, #tpu.memory_space<vmem>>[vector<16xi32>, vector<16xi32>], vector<16xf32>,
    %gather3A_1270 = tpu.vector_load_idx %arg6[%add3A_1252, %broadcast_in_dim3A_1256] : memref<256x8xf32, #tpu.memory_space<vmem>>[vector<16xi32>, vector<16xi32>], vector<16xf32>,
    %gather3A_1271 = tpu.vector_load_idx %arg6[%add3A_1252, %broadcast_in_dim3A_1258] : memref<256x8xf32, #tpu.memory_space<vmem>>[vector<16xi32>, vector<16xi32>], vector<16xf32>,
    %gather3A_1272 = tpu.vector_load_idx %arg6[%add3A_1252, %broadcast_in_dim3A_1260] : memref<256x8xf32, #tpu.memory_space<vmem>>[vector<16xi32>, vector<16xi32>], vector<16xf32>,
    %gather3A_1273 = tpu.vector_load_idx %arg6[%add3A_1252, %broadcast_in_dim3A_1262] : memref<256x8xf32, #tpu.memory_space<vmem>>[vector<16xi32>, vector<16xi32>], vector<16xf32>,
    %gather3A_1274 = tpu.vector_load_idx %arg6[%add3A_1252, %broadcast_in_dim3A_1264] : memref<256x8xf32, #tpu.memory_space<vmem>>[vector<16xi32>, vector<16xi32>], vector<16xf32>,
    %gather3A_1275 = tpu.vector_load_idx %arg6[%add3A_1252, %broadcast_in_dim3A_1266] : memref<256x8xf32, #tpu.memory_space<vmem>>[vector<16xi32>, vector<16xi32>], vector<16xf32>,
    %gather3A_1276 = tpu.vector_load_idx %arg6[%add3A_1252, %broadcast_in_dim3A_1268] : memref<256x8xf32, #tpu.memory_space<vmem>>[vector<16xi32>, vector<16xi32>], vector<16xf32>,
    %max3A_1277 = arith.maximumf %gather3A_1269, %gather3A_1270 : vector<16xf32>
    %max3A_1278 = arith.maximumf %max3A_1277, %gather3A_1271 : vector<16xf32>
    %max3A_1279 = arith.maximumf %max3A_1278, %gather3A_1272 : vector<16xf32>
    %max3A_1280 = arith.maximumf %max3A_1279, %gather3A_1273 : vector<16xf32>
    %max3A_1281 = arith.maximumf %max3A_1280, %gather3A_1274 : vector<16xf32>
    %max3A_1282 = arith.maximumf %max3A_1281, %gather3A_1275 : vector<16xf32>
    %max3A_1283 = arith.maximumf %max3A_1282, %gather3A_1276 : vector<16xf32>
    %sub3A_1284 = arith.subf %gather3A_1269, %max3A_1283 : vector<16xf32>
    %exp3A_1285 = math.exp %sub3A_1284 : vector<16xf32>
    %sub3A_1286 = arith.subf %gather3A_1270, %max3A_1283 : vector<16xf32>
    %exp3A_1287 = math.exp %sub3A_1286 : vector<16xf32>
    %sub3A_1288 = arith.subf %gather3A_1271, %max3A_1283 : vector<16xf32>
    %exp3A_1289 = math.exp %sub3A_1288 : vector<16xf32>
    %sub3A_1290 = arith.subf %gather3A_1272, %max3A_1283 : vector<16xf32>
    %exp3A_1291 = math.exp %sub3A_1290 : vector<16xf32>
    %sub3A_1292 = arith.subf %gather3A_1273, %max3A_1283 : vector<16xf32>
    %exp3A_1293 = math.exp %sub3A_1292 : vector<16xf32>
    %sub3A_1294 = arith.subf %gather3A_1274, %max3A_1283 : vector<16xf32>
    %exp3A_1295 = math.exp %sub3A_1294 : vector<16xf32>
    %sub3A_1296 = arith.subf %gather3A_1275, %max3A_1283 : vector<16xf32>
    %exp3A_1297 = math.exp %sub3A_1296 : vector<16xf32>
    %sub3A_1298 = arith.subf %gather3A_1276, %max3A_1283 : vector<16xf32>
    %exp3A_1299 = math.exp %sub3A_1298 : vector<16xf32>
    %add3A_1300 = arith.addf %exp3A_1285, %exp3A_1287 : vector<16xf32>
    %add3A_1301 = arith.addf %add3A_1300, %exp3A_1289 : vector<16xf32>
    %add3A_1302 = arith.addf %add3A_1301, %exp3A_1291 : vector<16xf32>
    %add3A_1303 = arith.addf %add3A_1302, %exp3A_1293 : vector<16xf32>
    %add3A_1304 = arith.addf %add3A_1303, %exp3A_1295 : vector<16xf32>
    %add3A_1305 = arith.addf %add3A_1304, %exp3A_1297 : vector<16xf32>
    %add3A_1306 = arith.addf %add3A_1305, %exp3A_1299 : vector<16xf32>
    %div3A_1307 = arith.constant 1.000000e+00 : f32
    %div3A_1308 = vector.broadcast %div3A_1307 : f32 to vector<16xf32>
    %div3A_1309 = arith.divf %div3A_1308, %add3A_1306 : vector<16xf32>
    %gather3A_1310 = tpu.vector_load_idx %arg5[%add3A_1252, %broadcast_in_dim3A_1254] : memref<256x8xi32, #tpu.memory_space<vmem>>[vector<16xi32>, vector<16xi32>], vector<16xi32>,
    %mul3A_1311 = arith.mulf %exp3A_1285, %div3A_1309 : vector<16xf32>
    tpu.vector_store_idx %arg7[%add3A_1252, %gather3A_1310], %mul3A_1311 {add = true} : memref<256x16xf32, #tpu.memory_space<vmem>>[vector<16xi32>, vector<16xi32>], vector<16xf32>,
    %gather3A_1312 = tpu.vector_load_idx %arg5[%add3A_1252, %broadcast_in_dim3A_1256] : memref<256x8xi32, #tpu.memory_space<vmem>>[vector<16xi32>, vector<16xi32>], vector<16xi32>,
    %mul3A_1313 = arith.mulf %exp3A_1287, %div3A_1309 : vector<16xf32>
    tpu.vector_store_idx %arg7[%add3A_1252, %gather3A_1312], %mul3A_1313 {add = true} : memref<256x16xf32, #tpu.memory_space<vmem>>[vector<16xi32>, vector<16xi32>], vector<16xf32>,
    %gather3A_1314 = tpu.vector_load_idx %arg5[%add3A_1252, %broadcast_in_dim3A_1258] : memref<256x8xi32, #tpu.memory_space<vmem>>[vector<16xi32>, vector<16xi32>], vector<16xi32>,
    %mul3A_1315 = arith.mulf %exp3A_1289, %div3A_1309 : vector<16xf32>
    tpu.vector_store_idx %arg7[%add3A_1252, %gather3A_1314], %mul3A_1315 {add = true} : memref<256x16xf32, #tpu.memory_space<vmem>>[vector<16xi32>, vector<16xi32>], vector<16xf32>,
    %gather3A_1316 = tpu.vector_load_idx %arg5[%add3A_1252, %broadcast_in_dim3A_1260] : memref<256x8xi32, #tpu.memory_space<vmem>>[vector<16xi32>, vector<16xi32>], vector<16xi32>,
    %mul3A_1317 = arith.mulf %exp3A_1291, %div3A_1309 : vector<16xf32>
    tpu.vector_store_idx %arg7[%add3A_1252, %gather3A_1316], %mul3A_1317 {add = true} : memref<256x16xf32, #tpu.memory_space<vmem>>[vector<16xi32>, vector<16xi32>], vector<16xf32>,
    %gather3A_1318 = tpu.vector_load_idx %arg5[%add3A_1252, %broadcast_in_dim3A_1262] : memref<256x8xi32, #tpu.memory_space<vmem>>[vector<16xi32>, vector<16xi32>], vector<16xi32>,
    %mul3A_1319 = arith.mulf %exp3A_1293, %div3A_1309 : vector<16xf32>
    tpu.vector_store_idx %arg7[%add3A_1252, %gather3A_1318], %mul3A_1319 {add = true} : memref<256x16xf32, #tpu.memory_space<vmem>>[vector<16xi32>, vector<16xi32>], vector<16xf32>,
    %gather3A_1320 = tpu.vector_load_idx %arg5[%add3A_1252, %broadcast_in_dim3A_1264] : memref<256x8xi32, #tpu.memory_space<vmem>>[vector<16xi32>, vector<16xi32>], vector<16xi32>,
    %mul3A_1321 = arith.mulf %exp3A_1295, %div3A_1309 : vector<16xf32>
    tpu.vector_store_idx %arg7[%add3A_1252, %gather3A_1320], %mul3A_1321 {add = true} : memref<256x16xf32, #tpu.memory_space<vmem>>[vector<16xi32>, vector<16xi32>], vector<16xf32>,
    %gather3A_1322 = tpu.vector_load_idx %arg5[%add3A_1252, %broadcast_in_dim3A_1266] : memref<256x8xi32, #tpu.memory_space<vmem>>[vector<16xi32>, vector<16xi32>], vector<16xi32>,
    %mul3A_1323 = arith.mulf %exp3A_1297, %div3A_1309 : vector<16xf32>
    tpu.vector_store_idx %arg7[%add3A_1252, %gather3A_1322], %mul3A_1323 {add = true} : memref<256x16xf32, #tpu.memory_space<vmem>>[vector<16xi32>, vector<16xi32>], vector<16xf32>,
    %gather3A_1324 = tpu.vector_load_idx %arg5[%add3A_1252, %broadcast_in_dim3A_1268] : memref<256x8xi32, #tpu.memory_space<vmem>>[vector<16xi32>, vector<16xi32>], vector<16xi32>,
    %mul3A_1325 = arith.mulf %exp3A_1299, %div3A_1309 : vector<16xf32>
    tpu.vector_store_idx %arg7[%add3A_1252, %gather3A_1324], %mul3A_1325 {add = true} : memref<256x16xf32, #tpu.memory_space<vmem>>[vector<16xi32>, vector<16xi32>], vector<16xf32>,
    %add3A_1326 = arith.constant 64 : i32
    %add3A_1327 = vector.broadcast %add3A_1326 : i32 to vector<16xi32>
    %add3A_1328 = arith.addi %iota3A, %add3A_1327 : vector<16xi32>
    %broadcast_in_dim3A_1329 = arith.constant 0 : i32
    %broadcast_in_dim3A_1330 = vector.broadcast %broadcast_in_dim3A_1329 : i32 to vector<16xi32>
    %broadcast_in_dim3A_1331 = arith.constant 1 : i32
    %broadcast_in_dim3A_1332 = vector.broadcast %broadcast_in_dim3A_1331 : i32 to vector<16xi32>
    %broadcast_in_dim3A_1333 = arith.constant 2 : i32
    %broadcast_in_dim3A_1334 = vector.broadcast %broadcast_in_dim3A_1333 : i32 to vector<16xi32>
    %broadcast_in_dim3A_1335 = arith.constant 3 : i32
    %broadcast_in_dim3A_1336 = vector.broadcast %broadcast_in_dim3A_1335 : i32 to vector<16xi32>
    %broadcast_in_dim3A_1337 = arith.constant 4 : i32
    %broadcast_in_dim3A_1338 = vector.broadcast %broadcast_in_dim3A_1337 : i32 to vector<16xi32>
    %broadcast_in_dim3A_1339 = arith.constant 5 : i32
    %broadcast_in_dim3A_1340 = vector.broadcast %broadcast_in_dim3A_1339 : i32 to vector<16xi32>
    %broadcast_in_dim3A_1341 = arith.constant 6 : i32
    %broadcast_in_dim3A_1342 = vector.broadcast %broadcast_in_dim3A_1341 : i32 to vector<16xi32>
    %broadcast_in_dim3A_1343 = arith.constant 7 : i32
    %broadcast_in_dim3A_1344 = vector.broadcast %broadcast_in_dim3A_1343 : i32 to vector<16xi32>
    %gather3A_1345 = tpu.vector_load_idx %arg6[%add3A_1328, %broadcast_in_dim3A_1330] : memref<256x8xf32, #tpu.memory_space<vmem>>[vector<16xi32>, vector<16xi32>], vector<16xf32>,
    %gather3A_1346 = tpu.vector_load_idx %arg6[%add3A_1328, %broadcast_in_dim3A_1332] : memref<256x8xf32, #tpu.memory_space<vmem>>[vector<16xi32>, vector<16xi32>], vector<16xf32>,
    %gather3A_1347 = tpu.vector_load_idx %arg6[%add3A_1328, %broadcast_in_dim3A_1334] : memref<256x8xf32, #tpu.memory_space<vmem>>[vector<16xi32>, vector<16xi32>], vector<16xf32>,
    %gather3A_1348 = tpu.vector_load_idx %arg6[%add3A_1328, %broadcast_in_dim3A_1336] : memref<256x8xf32, #tpu.memory_space<vmem>>[vector<16xi32>, vector<16xi32>], vector<16xf32>,
    %gather3A_1349 = tpu.vector_load_idx %arg6[%add3A_1328, %broadcast_in_dim3A_1338] : memref<256x8xf32, #tpu.memory_space<vmem>>[vector<16xi32>, vector<16xi32>], vector<16xf32>,
    %gather3A_1350 = tpu.vector_load_idx %arg6[%add3A_1328, %broadcast_in_dim3A_1340] : memref<256x8xf32, #tpu.memory_space<vmem>>[vector<16xi32>, vector<16xi32>], vector<16xf32>,
    %gather3A_1351 = tpu.vector_load_idx %arg6[%add3A_1328, %broadcast_in_dim3A_1342] : memref<256x8xf32, #tpu.memory_space<vmem>>[vector<16xi32>, vector<16xi32>], vector<16xf32>,
    %gather3A_1352 = tpu.vector_load_idx %arg6[%add3A_1328, %broadcast_in_dim3A_1344] : memref<256x8xf32, #tpu.memory_space<vmem>>[vector<16xi32>, vector<16xi32>], vector<16xf32>,
    %max3A_1353 = arith.maximumf %gather3A_1345, %gather3A_1346 : vector<16xf32>
    %max3A_1354 = arith.maximumf %max3A_1353, %gather3A_1347 : vector<16xf32>
    %max3A_1355 = arith.maximumf %max3A_1354, %gather3A_1348 : vector<16xf32>
    %max3A_1356 = arith.maximumf %max3A_1355, %gather3A_1349 : vector<16xf32>
    %max3A_1357 = arith.maximumf %max3A_1356, %gather3A_1350 : vector<16xf32>
    %max3A_1358 = arith.maximumf %max3A_1357, %gather3A_1351 : vector<16xf32>
    %max3A_1359 = arith.maximumf %max3A_1358, %gather3A_1352 : vector<16xf32>
    %sub3A_1360 = arith.subf %gather3A_1345, %max3A_1359 : vector<16xf32>
    %exp3A_1361 = math.exp %sub3A_1360 : vector<16xf32>
    %sub3A_1362 = arith.subf %gather3A_1346, %max3A_1359 : vector<16xf32>
    %exp3A_1363 = math.exp %sub3A_1362 : vector<16xf32>
    %sub3A_1364 = arith.subf %gather3A_1347, %max3A_1359 : vector<16xf32>
    %exp3A_1365 = math.exp %sub3A_1364 : vector<16xf32>
    %sub3A_1366 = arith.subf %gather3A_1348, %max3A_1359 : vector<16xf32>
    %exp3A_1367 = math.exp %sub3A_1366 : vector<16xf32>
    %sub3A_1368 = arith.subf %gather3A_1349, %max3A_1359 : vector<16xf32>
    %exp3A_1369 = math.exp %sub3A_1368 : vector<16xf32>
    %sub3A_1370 = arith.subf %gather3A_1350, %max3A_1359 : vector<16xf32>
    %exp3A_1371 = math.exp %sub3A_1370 : vector<16xf32>
    %sub3A_1372 = arith.subf %gather3A_1351, %max3A_1359 : vector<16xf32>
    %exp3A_1373 = math.exp %sub3A_1372 : vector<16xf32>
    %sub3A_1374 = arith.subf %gather3A_1352, %max3A_1359 : vector<16xf32>
    %exp3A_1375 = math.exp %sub3A_1374 : vector<16xf32>
    %add3A_1376 = arith.addf %exp3A_1361, %exp3A_1363 : vector<16xf32>
    %add3A_1377 = arith.addf %add3A_1376, %exp3A_1365 : vector<16xf32>
    %add3A_1378 = arith.addf %add3A_1377, %exp3A_1367 : vector<16xf32>
    %add3A_1379 = arith.addf %add3A_1378, %exp3A_1369 : vector<16xf32>
    %add3A_1380 = arith.addf %add3A_1379, %exp3A_1371 : vector<16xf32>
    %add3A_1381 = arith.addf %add3A_1380, %exp3A_1373 : vector<16xf32>
    %add3A_1382 = arith.addf %add3A_1381, %exp3A_1375 : vector<16xf32>
    %div3A_1383 = arith.constant 1.000000e+00 : f32
    %div3A_1384 = vector.broadcast %div3A_1383 : f32 to vector<16xf32>
    %div3A_1385 = arith.divf %div3A_1384, %add3A_1382 : vector<16xf32>
    %gather3A_1386 = tpu.vector_load_idx %arg5[%add3A_1328, %broadcast_in_dim3A_1330] : memref<256x8xi32, #tpu.memory_space<vmem>>[vector<16xi32>, vector<16xi32>], vector<16xi32>,
    %mul3A_1387 = arith.mulf %exp3A_1361, %div3A_1385 : vector<16xf32>
    tpu.vector_store_idx %arg7[%add3A_1328, %gather3A_1386], %mul3A_1387 {add = true} : memref<256x16xf32, #tpu.memory_space<vmem>>[vector<16xi32>, vector<16xi32>], vector<16xf32>,
    %gather3A_1388 = tpu.vector_load_idx %arg5[%add3A_1328, %broadcast_in_dim3A_1332] : memref<256x8xi32, #tpu.memory_space<vmem>>[vector<16xi32>, vector<16xi32>], vector<16xi32>,
    %mul3A_1389 = arith.mulf %exp3A_1363, %div3A_1385 : vector<16xf32>
    tpu.vector_store_idx %arg7[%add3A_1328, %gather3A_1388], %mul3A_1389 {add = true} : memref<256x16xf32, #tpu.memory_space<vmem>>[vector<16xi32>, vector<16xi32>], vector<16xf32>,
    %gather3A_1390 = tpu.vector_load_idx %arg5[%add3A_1328, %broadcast_in_dim3A_1334] : memref<256x8xi32, #tpu.memory_space<vmem>>[vector<16xi32>, vector<16xi32>], vector<16xi32>,
    %mul3A_1391 = arith.mulf %exp3A_1365, %div3A_1385 : vector<16xf32>
    tpu.vector_store_idx %arg7[%add3A_1328, %gather3A_1390], %mul3A_1391 {add = true} : memref<256x16xf32, #tpu.memory_space<vmem>>[vector<16xi32>, vector<16xi32>], vector<16xf32>,
    %gather3A_1392 = tpu.vector_load_idx %arg5[%add3A_1328, %broadcast_in_dim3A_1336] : memref<256x8xi32, #tpu.memory_space<vmem>>[vector<16xi32>, vector<16xi32>], vector<16xi32>,
    %mul3A_1393 = arith.mulf %exp3A_1367, %div3A_1385 : vector<16xf32>
    tpu.vector_store_idx %arg7[%add3A_1328, %gather3A_1392], %mul3A_1393 {add = true} : memref<256x16xf32, #tpu.memory_space<vmem>>[vector<16xi32>, vector<16xi32>], vector<16xf32>,
    %gather3A_1394 = tpu.vector_load_idx %arg5[%add3A_1328, %broadcast_in_dim3A_1338] : memref<256x8xi32, #tpu.memory_space<vmem>>[vector<16xi32>, vector<16xi32>], vector<16xi32>,
    %mul3A_1395 = arith.mulf %exp3A_1369, %div3A_1385 : vector<16xf32>
    tpu.vector_store_idx %arg7[%add3A_1328, %gather3A_1394], %mul3A_1395 {add = true} : memref<256x16xf32, #tpu.memory_space<vmem>>[vector<16xi32>, vector<16xi32>], vector<16xf32>,
    %gather3A_1396 = tpu.vector_load_idx %arg5[%add3A_1328, %broadcast_in_dim3A_1340] : memref<256x8xi32, #tpu.memory_space<vmem>>[vector<16xi32>, vector<16xi32>], vector<16xi32>,
    %mul3A_1397 = arith.mulf %exp3A_1371, %div3A_1385 : vector<16xf32>
    tpu.vector_store_idx %arg7[%add3A_1328, %gather3A_1396], %mul3A_1397 {add = true} : memref<256x16xf32, #tpu.memory_space<vmem>>[vector<16xi32>, vector<16xi32>], vector<16xf32>,
    %gather3A_1398 = tpu.vector_load_idx %arg5[%add3A_1328, %broadcast_in_dim3A_1342] : memref<256x8xi32, #tpu.memory_space<vmem>>[vector<16xi32>, vector<16xi32>], vector<16xi32>,
    %mul3A_1399 = arith.mulf %exp3A_1373, %div3A_1385 : vector<16xf32>
    tpu.vector_store_idx %arg7[%add3A_1328, %gather3A_1398], %mul3A_1399 {add = true} : memref<256x16xf32, #tpu.memory_space<vmem>>[vector<16xi32>, vector<16xi32>], vector<16xf32>,
    %gather3A_1400 = tpu.vector_load_idx %arg5[%add3A_1328, %broadcast_in_dim3A_1344] : memref<256x8xi32, #tpu.memory_space<vmem>>[vector<16xi32>, vector<16xi32>], vector<16xi32>,
    %mul3A_1401 = arith.mulf %exp3A_1375, %div3A_1385 : vector<16xf32>
    tpu.vector_store_idx %arg7[%add3A_1328, %gather3A_1400], %mul3A_1401 {add = true} : memref<256x16xf32, #tpu.memory_space<vmem>>[vector<16xi32>, vector<16xi32>], vector<16xf32>,
    %add3A_1402 = arith.constant 80 : i32
    %add3A_1403 = vector.broadcast %add3A_1402 : i32 to vector<16xi32>
    %add3A_1404 = arith.addi %iota3A, %add3A_1403 : vector<16xi32>
    %broadcast_in_dim3A_1405 = arith.constant 0 : i32
    %broadcast_in_dim3A_1406 = vector.broadcast %broadcast_in_dim3A_1405 : i32 to vector<16xi32>
    %broadcast_in_dim3A_1407 = arith.constant 1 : i32
    %broadcast_in_dim3A_1408 = vector.broadcast %broadcast_in_dim3A_1407 : i32 to vector<16xi32>
    %broadcast_in_dim3A_1409 = arith.constant 2 : i32
    %broadcast_in_dim3A_1410 = vector.broadcast %broadcast_in_dim3A_1409 : i32 to vector<16xi32>
    %broadcast_in_dim3A_1411 = arith.constant 3 : i32
    %broadcast_in_dim3A_1412 = vector.broadcast %broadcast_in_dim3A_1411 : i32 to vector<16xi32>
    %broadcast_in_dim3A_1413 = arith.constant 4 : i32
    %broadcast_in_dim3A_1414 = vector.broadcast %broadcast_in_dim3A_1413 : i32 to vector<16xi32>
    %broadcast_in_dim3A_1415 = arith.constant 5 : i32
    %broadcast_in_dim3A_1416 = vector.broadcast %broadcast_in_dim3A_1415 : i32 to vector<16xi32>
    %broadcast_in_dim3A_1417 = arith.constant 6 : i32
    %broadcast_in_dim3A_1418 = vector.broadcast %broadcast_in_dim3A_1417 : i32 to vector<16xi32>
    %broadcast_in_dim3A_1419 = arith.constant 7 : i32
    %broadcast_in_dim3A_1420 = vector.broadcast %broadcast_in_dim3A_1419 : i32 to vector<16xi32>
    %gather3A_1421 = tpu.vector_load_idx %arg6[%add3A_1404, %broadcast_in_dim3A_1406] : memref<256x8xf32, #tpu.memory_space<vmem>>[vector<16xi32>, vector<16xi32>], vector<16xf32>,
    %gather3A_1422 = tpu.vector_load_idx %arg6[%add3A_1404, %broadcast_in_dim3A_1408] : memref<256x8xf32, #tpu.memory_space<vmem>>[vector<16xi32>, vector<16xi32>], vector<16xf32>,
    %gather3A_1423 = tpu.vector_load_idx %arg6[%add3A_1404, %broadcast_in_dim3A_1410] : memref<256x8xf32, #tpu.memory_space<vmem>>[vector<16xi32>, vector<16xi32>], vector<16xf32>,
    %gather3A_1424 = tpu.vector_load_idx %arg6[%add3A_1404, %broadcast_in_dim3A_1412] : memref<256x8xf32, #tpu.memory_space<vmem>>[vector<16xi32>, vector<16xi32>], vector<16xf32>,
    %gather3A_1425 = tpu.vector_load_idx %arg6[%add3A_1404, %broadcast_in_dim3A_1414] : memref<256x8xf32, #tpu.memory_space<vmem>>[vector<16xi32>, vector<16xi32>], vector<16xf32>,
    %gather3A_1426 = tpu.vector_load_idx %arg6[%add3A_1404, %broadcast_in_dim3A_1416] : memref<256x8xf32, #tpu.memory_space<vmem>>[vector<16xi32>, vector<16xi32>], vector<16xf32>,
    %gather3A_1427 = tpu.vector_load_idx %arg6[%add3A_1404, %broadcast_in_dim3A_1418] : memref<256x8xf32, #tpu.memory_space<vmem>>[vector<16xi32>, vector<16xi32>], vector<16xf32>,
    %gather3A_1428 = tpu.vector_load_idx %arg6[%add3A_1404, %broadcast_in_dim3A_1420] : memref<256x8xf32, #tpu.memory_space<vmem>>[vector<16xi32>, vector<16xi32>], vector<16xf32>,
    %max3A_1429 = arith.maximumf %gather3A_1421, %gather3A_1422 : vector<16xf32>
    %max3A_1430 = arith.maximumf %max3A_1429, %gather3A_1423 : vector<16xf32>
    %max3A_1431 = arith.maximumf %max3A_1430, %gather3A_1424 : vector<16xf32>
    %max3A_1432 = arith.maximumf %max3A_1431, %gather3A_1425 : vector<16xf32>
    %max3A_1433 = arith.maximumf %max3A_1432, %gather3A_1426 : vector<16xf32>
    %max3A_1434 = arith.maximumf %max3A_1433, %gather3A_1427 : vector<16xf32>
    %max3A_1435 = arith.maximumf %max3A_1434, %gather3A_1428 : vector<16xf32>
    %sub3A_1436 = arith.subf %gather3A_1421, %max3A_1435 : vector<16xf32>
    %exp3A_1437 = math.exp %sub3A_1436 : vector<16xf32>
    %sub3A_1438 = arith.subf %gather3A_1422, %max3A_1435 : vector<16xf32>
    %exp3A_1439 = math.exp %sub3A_1438 : vector<16xf32>
    %sub3A_1440 = arith.subf %gather3A_1423, %max3A_1435 : vector<16xf32>
    %exp3A_1441 = math.exp %sub3A_1440 : vector<16xf32>
    %sub3A_1442 = arith.subf %gather3A_1424, %max3A_1435 : vector<16xf32>
    %exp3A_1443 = math.exp %sub3A_1442 : vector<16xf32>
    %sub3A_1444 = arith.subf %gather3A_1425, %max3A_1435 : vector<16xf32>
    %exp3A_1445 = math.exp %sub3A_1444 : vector<16xf32>
    %sub3A_1446 = arith.subf %gather3A_1426, %max3A_1435 : vector<16xf32>
    %exp3A_1447 = math.exp %sub3A_1446 : vector<16xf32>
    %sub3A_1448 = arith.subf %gather3A_1427, %max3A_1435 : vector<16xf32>
    %exp3A_1449 = math.exp %sub3A_1448 : vector<16xf32>
    %sub3A_1450 = arith.subf %gather3A_1428, %max3A_1435 : vector<16xf32>
    %exp3A_1451 = math.exp %sub3A_1450 : vector<16xf32>
    %add3A_1452 = arith.addf %exp3A_1437, %exp3A_1439 : vector<16xf32>
    %add3A_1453 = arith.addf %add3A_1452, %exp3A_1441 : vector<16xf32>
    %add3A_1454 = arith.addf %add3A_1453, %exp3A_1443 : vector<16xf32>
    %add3A_1455 = arith.addf %add3A_1454, %exp3A_1445 : vector<16xf32>
    %add3A_1456 = arith.addf %add3A_1455, %exp3A_1447 : vector<16xf32>
    %add3A_1457 = arith.addf %add3A_1456, %exp3A_1449 : vector<16xf32>
    %add3A_1458 = arith.addf %add3A_1457, %exp3A_1451 : vector<16xf32>
    %div3A_1459 = arith.constant 1.000000e+00 : f32
    %div3A_1460 = vector.broadcast %div3A_1459 : f32 to vector<16xf32>
    %div3A_1461 = arith.divf %div3A_1460, %add3A_1458 : vector<16xf32>
    %gather3A_1462 = tpu.vector_load_idx %arg5[%add3A_1404, %broadcast_in_dim3A_1406] : memref<256x8xi32, #tpu.memory_space<vmem>>[vector<16xi32>, vector<16xi32>], vector<16xi32>,
    %mul3A_1463 = arith.mulf %exp3A_1437, %div3A_1461 : vector<16xf32>
    tpu.vector_store_idx %arg7[%add3A_1404, %gather3A_1462], %mul3A_1463 {add = true} : memref<256x16xf32, #tpu.memory_space<vmem>>[vector<16xi32>, vector<16xi32>], vector<16xf32>,
    %gather3A_1464 = tpu.vector_load_idx %arg5[%add3A_1404, %broadcast_in_dim3A_1408] : memref<256x8xi32, #tpu.memory_space<vmem>>[vector<16xi32>, vector<16xi32>], vector<16xi32>,
    %mul3A_1465 = arith.mulf %exp3A_1439, %div3A_1461 : vector<16xf32>
    tpu.vector_store_idx %arg7[%add3A_1404, %gather3A_1464], %mul3A_1465 {add = true} : memref<256x16xf32, #tpu.memory_space<vmem>>[vector<16xi32>, vector<16xi32>], vector<16xf32>,
    %gather3A_1466 = tpu.vector_load_idx %arg5[%add3A_1404, %broadcast_in_dim3A_1410] : memref<256x8xi32, #tpu.memory_space<vmem>>[vector<16xi32>, vector<16xi32>], vector<16xi32>,
    %mul3A_1467 = arith.mulf %exp3A_1441, %div3A_1461 : vector<16xf32>
    tpu.vector_store_idx %arg7[%add3A_1404, %gather3A_1466], %mul3A_1467 {add = true} : memref<256x16xf32, #tpu.memory_space<vmem>>[vector<16xi32>, vector<16xi32>], vector<16xf32>,
    %gather3A_1468 = tpu.vector_load_idx %arg5[%add3A_1404, %broadcast_in_dim3A_1412] : memref<256x8xi32, #tpu.memory_space<vmem>>[vector<16xi32>, vector<16xi32>], vector<16xi32>,
    %mul3A_1469 = arith.mulf %exp3A_1443, %div3A_1461 : vector<16xf32>
    tpu.vector_store_idx %arg7[%add3A_1404, %gather3A_1468], %mul3A_1469 {add = true} : memref<256x16xf32, #tpu.memory_space<vmem>>[vector<16xi32>, vector<16xi32>], vector<16xf32>,
    %gather3A_1470 = tpu.vector_load_idx %arg5[%add3A_1404, %broadcast_in_dim3A_1414] : memref<256x8xi32, #tpu.memory_space<vmem>>[vector<16xi32>, vector<16xi32>], vector<16xi32>,
    %mul3A_1471 = arith.mulf %exp3A_1445, %div3A_1461 : vector<16xf32>
    tpu.vector_store_idx %arg7[%add3A_1404, %gather3A_1470], %mul3A_1471 {add = true} : memref<256x16xf32, #tpu.memory_space<vmem>>[vector<16xi32>, vector<16xi32>], vector<16xf32>,
    %gather3A_1472 = tpu.vector_load_idx %arg5[%add3A_1404, %broadcast_in_dim3A_1416] : memref<256x8xi32, #tpu.memory_space<vmem>>[vector<16xi32>, vector<16xi32>], vector<16xi32>,
    %mul3A_1473 = arith.mulf %exp3A_1447, %div3A_1461 : vector<16xf32>
    tpu.vector_store_idx %arg7[%add3A_1404, %gather3A_1472], %mul3A_1473 {add = true} : memref<256x16xf32, #tpu.memory_space<vmem>>[vector<16xi32>, vector<16xi32>], vector<16xf32>,
    %gather3A_1474 = tpu.vector_load_idx %arg5[%add3A_1404, %broadcast_in_dim3A_1418] : memref<256x8xi32, #tpu.memory_space<vmem>>[vector<16xi32>, vector<16xi32>], vector<16xi32>,
    %mul3A_1475 = arith.mulf %exp3A_1449, %div3A_1461 : vector<16xf32>
    tpu.vector_store_idx %arg7[%add3A_1404, %gather3A_1474], %mul3A_1475 {add = true} : memref<256x16xf32, #tpu.memory_space<vmem>>[vector<16xi32>, vector<16xi32>], vector<16xf32>,
    %gather3A_1476 = tpu.vector_load_idx %arg5[%add3A_1404, %broadcast_in_dim3A_1420] : memref<256x8xi32, #tpu.memory_space<vmem>>[vector<16xi32>, vector<16xi32>], vector<16xi32>,
    %mul3A_1477 = arith.mulf %exp3A_1451, %div3A_1461 : vector<16xf32>
    tpu.vector_store_idx %arg7[%add3A_1404, %gather3A_1476], %mul3A_1477 {add = true} : memref<256x16xf32, #tpu.memory_space<vmem>>[vector<16xi32>, vector<16xi32>], vector<16xf32>,
    %add3A_1478 = arith.constant 96 : i32
    %add3A_1479 = vector.broadcast %add3A_1478 : i32 to vector<16xi32>
    %add3A_1480 = arith.addi %iota3A, %add3A_1479 : vector<16xi32>
    %broadcast_in_dim3A_1481 = arith.constant 0 : i32
    %broadcast_in_dim3A_1482 = vector.broadcast %broadcast_in_dim3A_1481 : i32 to vector<16xi32>
    %broadcast_in_dim3A_1483 = arith.constant 1 : i32
    %broadcast_in_dim3A_1484 = vector.broadcast %broadcast_in_dim3A_1483 : i32 to vector<16xi32>
    %broadcast_in_dim3A_1485 = arith.constant 2 : i32
    %broadcast_in_dim3A_1486 = vector.broadcast %broadcast_in_dim3A_1485 : i32 to vector<16xi32>
    %broadcast_in_dim3A_1487 = arith.constant 3 : i32
    %broadcast_in_dim3A_1488 = vector.broadcast %broadcast_in_dim3A_1487 : i32 to vector<16xi32>
    %broadcast_in_dim3A_1489 = arith.constant 4 : i32
    %broadcast_in_dim3A_1490 = vector.broadcast %broadcast_in_dim3A_1489 : i32 to vector<16xi32>
    %broadcast_in_dim3A_1491 = arith.constant 5 : i32
    %broadcast_in_dim3A_1492 = vector.broadcast %broadcast_in_dim3A_1491 : i32 to vector<16xi32>
    %broadcast_in_dim3A_1493 = arith.constant 6 : i32
    %broadcast_in_dim3A_1494 = vector.broadcast %broadcast_in_dim3A_1493 : i32 to vector<16xi32>
    %broadcast_in_dim3A_1495 = arith.constant 7 : i32
    %broadcast_in_dim3A_1496 = vector.broadcast %broadcast_in_dim3A_1495 : i32 to vector<16xi32>
    %gather3A_1497 = tpu.vector_load_idx %arg6[%add3A_1480, %broadcast_in_dim3A_1482] : memref<256x8xf32, #tpu.memory_space<vmem>>[vector<16xi32>, vector<16xi32>], vector<16xf32>,
    %gather3A_1498 = tpu.vector_load_idx %arg6[%add3A_1480, %broadcast_in_dim3A_1484] : memref<256x8xf32, #tpu.memory_space<vmem>>[vector<16xi32>, vector<16xi32>], vector<16xf32>,
    %gather3A_1499 = tpu.vector_load_idx %arg6[%add3A_1480, %broadcast_in_dim3A_1486] : memref<256x8xf32, #tpu.memory_space<vmem>>[vector<16xi32>, vector<16xi32>], vector<16xf32>,
    %gather3A_1500 = tpu.vector_load_idx %arg6[%add3A_1480, %broadcast_in_dim3A_1488] : memref<256x8xf32, #tpu.memory_space<vmem>>[vector<16xi32>, vector<16xi32>], vector<16xf32>,
    %gather3A_1501 = tpu.vector_load_idx %arg6[%add3A_1480, %broadcast_in_dim3A_1490] : memref<256x8xf32, #tpu.memory_space<vmem>>[vector<16xi32>, vector<16xi32>], vector<16xf32>,
    %gather3A_1502 = tpu.vector_load_idx %arg6[%add3A_1480, %broadcast_in_dim3A_1492] : memref<256x8xf32, #tpu.memory_space<vmem>>[vector<16xi32>, vector<16xi32>], vector<16xf32>,
    %gather3A_1503 = tpu.vector_load_idx %arg6[%add3A_1480, %broadcast_in_dim3A_1494] : memref<256x8xf32, #tpu.memory_space<vmem>>[vector<16xi32>, vector<16xi32>], vector<16xf32>,
    %gather3A_1504 = tpu.vector_load_idx %arg6[%add3A_1480, %broadcast_in_dim3A_1496] : memref<256x8xf32, #tpu.memory_space<vmem>>[vector<16xi32>, vector<16xi32>], vector<16xf32>,
    %max3A_1505 = arith.maximumf %gather3A_1497, %gather3A_1498 : vector<16xf32>
    %max3A_1506 = arith.maximumf %max3A_1505, %gather3A_1499 : vector<16xf32>
    %max3A_1507 = arith.maximumf %max3A_1506, %gather3A_1500 : vector<16xf32>
    %max3A_1508 = arith.maximumf %max3A_1507, %gather3A_1501 : vector<16xf32>
    %max3A_1509 = arith.maximumf %max3A_1508, %gather3A_1502 : vector<16xf32>
    %max3A_1510 = arith.maximumf %max3A_1509, %gather3A_1503 : vector<16xf32>
    %max3A_1511 = arith.maximumf %max3A_1510, %gather3A_1504 : vector<16xf32>
    %sub3A_1512 = arith.subf %gather3A_1497, %max3A_1511 : vector<16xf32>
    %exp3A_1513 = math.exp %sub3A_1512 : vector<16xf32>
    %sub3A_1514 = arith.subf %gather3A_1498, %max3A_1511 : vector<16xf32>
    %exp3A_1515 = math.exp %sub3A_1514 : vector<16xf32>
    %sub3A_1516 = arith.subf %gather3A_1499, %max3A_1511 : vector<16xf32>
    %exp3A_1517 = math.exp %sub3A_1516 : vector<16xf32>
    %sub3A_1518 = arith.subf %gather3A_1500, %max3A_1511 : vector<16xf32>
    %exp3A_1519 = math.exp %sub3A_1518 : vector<16xf32>
    %sub3A_1520 = arith.subf %gather3A_1501, %max3A_1511 : vector<16xf32>
    %exp3A_1521 = math.exp %sub3A_1520 : vector<16xf32>
    %sub3A_1522 = arith.subf %gather3A_1502, %max3A_1511 : vector<16xf32>
    %exp3A_1523 = math.exp %sub3A_1522 : vector<16xf32>
    %sub3A_1524 = arith.subf %gather3A_1503, %max3A_1511 : vector<16xf32>
    %exp3A_1525 = math.exp %sub3A_1524 : vector<16xf32>
    %sub3A_1526 = arith.subf %gather3A_1504, %max3A_1511 : vector<16xf32>
    %exp3A_1527 = math.exp %sub3A_1526 : vector<16xf32>
    %add3A_1528 = arith.addf %exp3A_1513, %exp3A_1515 : vector<16xf32>
    %add3A_1529 = arith.addf %add3A_1528, %exp3A_1517 : vector<16xf32>
    %add3A_1530 = arith.addf %add3A_1529, %exp3A_1519 : vector<16xf32>
    %add3A_1531 = arith.addf %add3A_1530, %exp3A_1521 : vector<16xf32>
    %add3A_1532 = arith.addf %add3A_1531, %exp3A_1523 : vector<16xf32>
    %add3A_1533 = arith.addf %add3A_1532, %exp3A_1525 : vector<16xf32>
    %add3A_1534 = arith.addf %add3A_1533, %exp3A_1527 : vector<16xf32>
    %div3A_1535 = arith.constant 1.000000e+00 : f32
    %div3A_1536 = vector.broadcast %div3A_1535 : f32 to vector<16xf32>
    %div3A_1537 = arith.divf %div3A_1536, %add3A_1534 : vector<16xf32>
    %gather3A_1538 = tpu.vector_load_idx %arg5[%add3A_1480, %broadcast_in_dim3A_1482] : memref<256x8xi32, #tpu.memory_space<vmem>>[vector<16xi32>, vector<16xi32>], vector<16xi32>,
    %mul3A_1539 = arith.mulf %exp3A_1513, %div3A_1537 : vector<16xf32>
    tpu.vector_store_idx %arg7[%add3A_1480, %gather3A_1538], %mul3A_1539 {add = true} : memref<256x16xf32, #tpu.memory_space<vmem>>[vector<16xi32>, vector<16xi32>], vector<16xf32>,
    %gather3A_1540 = tpu.vector_load_idx %arg5[%add3A_1480, %broadcast_in_dim3A_1484] : memref<256x8xi32, #tpu.memory_space<vmem>>[vector<16xi32>, vector<16xi32>], vector<16xi32>,
    %mul3A_1541 = arith.mulf %exp3A_1515, %div3A_1537 : vector<16xf32>
    tpu.vector_store_idx %arg7[%add3A_1480, %gather3A_1540], %mul3A_1541 {add = true} : memref<256x16xf32, #tpu.memory_space<vmem>>[vector<16xi32>, vector<16xi32>], vector<16xf32>,
    %gather3A_1542 = tpu.vector_load_idx %arg5[%add3A_1480, %broadcast_in_dim3A_1486] : memref<256x8xi32, #tpu.memory_space<vmem>>[vector<16xi32>, vector<16xi32>], vector<16xi32>,
    %mul3A_1543 = arith.mulf %exp3A_1517, %div3A_1537 : vector<16xf32>
    tpu.vector_store_idx %arg7[%add3A_1480, %gather3A_1542], %mul3A_1543 {add = true} : memref<256x16xf32, #tpu.memory_space<vmem>>[vector<16xi32>, vector<16xi32>], vector<16xf32>,
    %gather3A_1544 = tpu.vector_load_idx %arg5[%add3A_1480, %broadcast_in_dim3A_1488] : memref<256x8xi32, #tpu.memory_space<vmem>>[vector<16xi32>, vector<16xi32>], vector<16xi32>,
    %mul3A_1545 = arith.mulf %exp3A_1519, %div3A_1537 : vector<16xf32>
    tpu.vector_store_idx %arg7[%add3A_1480, %gather3A_1544], %mul3A_1545 {add = true} : memref<256x16xf32, #tpu.memory_space<vmem>>[vector<16xi32>, vector<16xi32>], vector<16xf32>,
    %gather3A_1546 = tpu.vector_load_idx %arg5[%add3A_1480, %broadcast_in_dim3A_1490] : memref<256x8xi32, #tpu.memory_space<vmem>>[vector<16xi32>, vector<16xi32>], vector<16xi32>,
    %mul3A_1547 = arith.mulf %exp3A_1521, %div3A_1537 : vector<16xf32>
    tpu.vector_store_idx %arg7[%add3A_1480, %gather3A_1546], %mul3A_1547 {add = true} : memref<256x16xf32, #tpu.memory_space<vmem>>[vector<16xi32>, vector<16xi32>], vector<16xf32>,
    %gather3A_1548 = tpu.vector_load_idx %arg5[%add3A_1480, %broadcast_in_dim3A_1492] : memref<256x8xi32, #tpu.memory_space<vmem>>[vector<16xi32>, vector<16xi32>], vector<16xi32>,
    %mul3A_1549 = arith.mulf %exp3A_1523, %div3A_1537 : vector<16xf32>
    tpu.vector_store_idx %arg7[%add3A_1480, %gather3A_1548], %mul3A_1549 {add = true} : memref<256x16xf32, #tpu.memory_space<vmem>>[vector<16xi32>, vector<16xi32>], vector<16xf32>,
    %gather3A_1550 = tpu.vector_load_idx %arg5[%add3A_1480, %broadcast_in_dim3A_1494] : memref<256x8xi32, #tpu.memory_space<vmem>>[vector<16xi32>, vector<16xi32>], vector<16xi32>,
    %mul3A_1551 = arith.mulf %exp3A_1525, %div3A_1537 : vector<16xf32>
    tpu.vector_store_idx %arg7[%add3A_1480, %gather3A_1550], %mul3A_1551 {add = true} : memref<256x16xf32, #tpu.memory_space<vmem>>[vector<16xi32>, vector<16xi32>], vector<16xf32>,
    %gather3A_1552 = tpu.vector_load_idx %arg5[%add3A_1480, %broadcast_in_dim3A_1496] : memref<256x8xi32, #tpu.memory_space<vmem>>[vector<16xi32>, vector<16xi32>], vector<16xi32>,
    %mul3A_1553 = arith.mulf %exp3A_1527, %div3A_1537 : vector<16xf32>
    tpu.vector_store_idx %arg7[%add3A_1480, %gather3A_1552], %mul3A_1553 {add = true} : memref<256x16xf32, #tpu.memory_space<vmem>>[vector<16xi32>, vector<16xi32>], vector<16xf32>,
    %add3A_1554 = arith.constant 112 : i32
    %add3A_1555 = vector.broadcast %add3A_1554 : i32 to vector<16xi32>
    %add3A_1556 = arith.addi %iota3A, %add3A_1555 : vector<16xi32>
    %broadcast_in_dim3A_1557 = arith.constant 0 : i32
    %broadcast_in_dim3A_1558 = vector.broadcast %broadcast_in_dim3A_1557 : i32 to vector<16xi32>
    %broadcast_in_dim3A_1559 = arith.constant 1 : i32
    %broadcast_in_dim3A_1560 = vector.broadcast %broadcast_in_dim3A_1559 : i32 to vector<16xi32>
    %broadcast_in_dim3A_1561 = arith.constant 2 : i32
    %broadcast_in_dim3A_1562 = vector.broadcast %broadcast_in_dim3A_1561 : i32 to vector<16xi32>
    %broadcast_in_dim3A_1563 = arith.constant 3 : i32
    %broadcast_in_dim3A_1564 = vector.broadcast %broadcast_in_dim3A_1563 : i32 to vector<16xi32>
    %broadcast_in_dim3A_1565 = arith.constant 4 : i32
    %broadcast_in_dim3A_1566 = vector.broadcast %broadcast_in_dim3A_1565 : i32 to vector<16xi32>
    %broadcast_in_dim3A_1567 = arith.constant 5 : i32
    %broadcast_in_dim3A_1568 = vector.broadcast %broadcast_in_dim3A_1567 : i32 to vector<16xi32>
    %broadcast_in_dim3A_1569 = arith.constant 6 : i32
    %broadcast_in_dim3A_1570 = vector.broadcast %broadcast_in_dim3A_1569 : i32 to vector<16xi32>
    %broadcast_in_dim3A_1571 = arith.constant 7 : i32
    %broadcast_in_dim3A_1572 = vector.broadcast %broadcast_in_dim3A_1571 : i32 to vector<16xi32>
    %gather3A_1573 = tpu.vector_load_idx %arg6[%add3A_1556, %broadcast_in_dim3A_1558] : memref<256x8xf32, #tpu.memory_space<vmem>>[vector<16xi32>, vector<16xi32>], vector<16xf32>,
    %gather3A_1574 = tpu.vector_load_idx %arg6[%add3A_1556, %broadcast_in_dim3A_1560] : memref<256x8xf32, #tpu.memory_space<vmem>>[vector<16xi32>, vector<16xi32>], vector<16xf32>,
    %gather3A_1575 = tpu.vector_load_idx %arg6[%add3A_1556, %broadcast_in_dim3A_1562] : memref<256x8xf32, #tpu.memory_space<vmem>>[vector<16xi32>, vector<16xi32>], vector<16xf32>,
    %gather3A_1576 = tpu.vector_load_idx %arg6[%add3A_1556, %broadcast_in_dim3A_1564] : memref<256x8xf32, #tpu.memory_space<vmem>>[vector<16xi32>, vector<16xi32>], vector<16xf32>,
    %gather3A_1577 = tpu.vector_load_idx %arg6[%add3A_1556, %broadcast_in_dim3A_1566] : memref<256x8xf32, #tpu.memory_space<vmem>>[vector<16xi32>, vector<16xi32>], vector<16xf32>,
    %gather3A_1578 = tpu.vector_load_idx %arg6[%add3A_1556, %broadcast_in_dim3A_1568] : memref<256x8xf32, #tpu.memory_space<vmem>>[vector<16xi32>, vector<16xi32>], vector<16xf32>,
    %gather3A_1579 = tpu.vector_load_idx %arg6[%add3A_1556, %broadcast_in_dim3A_1570] : memref<256x8xf32, #tpu.memory_space<vmem>>[vector<16xi32>, vector<16xi32>], vector<16xf32>,
    %gather3A_1580 = tpu.vector_load_idx %arg6[%add3A_1556, %broadcast_in_dim3A_1572] : memref<256x8xf32, #tpu.memory_space<vmem>>[vector<16xi32>, vector<16xi32>], vector<16xf32>,
    %max3A_1581 = arith.maximumf %gather3A_1573, %gather3A_1574 : vector<16xf32>
    %max3A_1582 = arith.maximumf %max3A_1581, %gather3A_1575 : vector<16xf32>
    %max3A_1583 = arith.maximumf %max3A_1582, %gather3A_1576 : vector<16xf32>
    %max3A_1584 = arith.maximumf %max3A_1583, %gather3A_1577 : vector<16xf32>
    %max3A_1585 = arith.maximumf %max3A_1584, %gather3A_1578 : vector<16xf32>
    %max3A_1586 = arith.maximumf %max3A_1585, %gather3A_1579 : vector<16xf32>
    %max3A_1587 = arith.maximumf %max3A_1586, %gather3A_1580 : vector<16xf32>
    %sub3A_1588 = arith.subf %gather3A_1573, %max3A_1587 : vector<16xf32>
    %exp3A_1589 = math.exp %sub3A_1588 : vector<16xf32>
    %sub3A_1590 = arith.subf %gather3A_1574, %max3A_1587 : vector<16xf32>
    %exp3A_1591 = math.exp %sub3A_1590 : vector<16xf32>
    %sub3A_1592 = arith.subf %gather3A_1575, %max3A_1587 : vector<16xf32>
    %exp3A_1593 = math.exp %sub3A_1592 : vector<16xf32>
    %sub3A_1594 = arith.subf %gather3A_1576, %max3A_1587 : vector<16xf32>
    %exp3A_1595 = math.exp %sub3A_1594 : vector<16xf32>
    %sub3A_1596 = arith.subf %gather3A_1577, %max3A_1587 : vector<16xf32>
    %exp3A_1597 = math.exp %sub3A_1596 : vector<16xf32>
    %sub3A_1598 = arith.subf %gather3A_1578, %max3A_1587 : vector<16xf32>
    %exp3A_1599 = math.exp %sub3A_1598 : vector<16xf32>
    %sub3A_1600 = arith.subf %gather3A_1579, %max3A_1587 : vector<16xf32>
    %exp3A_1601 = math.exp %sub3A_1600 : vector<16xf32>
    %sub3A_1602 = arith.subf %gather3A_1580, %max3A_1587 : vector<16xf32>
    %exp3A_1603 = math.exp %sub3A_1602 : vector<16xf32>
    %add3A_1604 = arith.addf %exp3A_1589, %exp3A_1591 : vector<16xf32>
    %add3A_1605 = arith.addf %add3A_1604, %exp3A_1593 : vector<16xf32>
    %add3A_1606 = arith.addf %add3A_1605, %exp3A_1595 : vector<16xf32>
    %add3A_1607 = arith.addf %add3A_1606, %exp3A_1597 : vector<16xf32>
    %add3A_1608 = arith.addf %add3A_1607, %exp3A_1599 : vector<16xf32>
    %add3A_1609 = arith.addf %add3A_1608, %exp3A_1601 : vector<16xf32>
    %add3A_1610 = arith.addf %add3A_1609, %exp3A_1603 : vector<16xf32>
    %div3A_1611 = arith.constant 1.000000e+00 : f32
    %div3A_1612 = vector.broadcast %div3A_1611 : f32 to vector<16xf32>
    %div3A_1613 = arith.divf %div3A_1612, %add3A_1610 : vector<16xf32>
    %gather3A_1614 = tpu.vector_load_idx %arg5[%add3A_1556, %broadcast_in_dim3A_1558] : memref<256x8xi32, #tpu.memory_space<vmem>>[vector<16xi32>, vector<16xi32>], vector<16xi32>,
    %mul3A_1615 = arith.mulf %exp3A_1589, %div3A_1613 : vector<16xf32>
    tpu.vector_store_idx %arg7[%add3A_1556, %gather3A_1614], %mul3A_1615 {add = true} : memref<256x16xf32, #tpu.memory_space<vmem>>[vector<16xi32>, vector<16xi32>], vector<16xf32>,
    %gather3A_1616 = tpu.vector_load_idx %arg5[%add3A_1556, %broadcast_in_dim3A_1560] : memref<256x8xi32, #tpu.memory_space<vmem>>[vector<16xi32>, vector<16xi32>], vector<16xi32>,
    %mul3A_1617 = arith.mulf %exp3A_1591, %div3A_1613 : vector<16xf32>
    tpu.vector_store_idx %arg7[%add3A_1556, %gather3A_1616], %mul3A_1617 {add = true} : memref<256x16xf32, #tpu.memory_space<vmem>>[vector<16xi32>, vector<16xi32>], vector<16xf32>,
    %gather3A_1618 = tpu.vector_load_idx %arg5[%add3A_1556, %broadcast_in_dim3A_1562] : memref<256x8xi32, #tpu.memory_space<vmem>>[vector<16xi32>, vector<16xi32>], vector<16xi32>,
    %mul3A_1619 = arith.mulf %exp3A_1593, %div3A_1613 : vector<16xf32>
    tpu.vector_store_idx %arg7[%add3A_1556, %gather3A_1618], %mul3A_1619 {add = true} : memref<256x16xf32, #tpu.memory_space<vmem>>[vector<16xi32>, vector<16xi32>], vector<16xf32>,
    %gather3A_1620 = tpu.vector_load_idx %arg5[%add3A_1556, %broadcast_in_dim3A_1564] : memref<256x8xi32, #tpu.memory_space<vmem>>[vector<16xi32>, vector<16xi32>], vector<16xi32>,
    %mul3A_1621 = arith.mulf %exp3A_1595, %div3A_1613 : vector<16xf32>
    tpu.vector_store_idx %arg7[%add3A_1556, %gather3A_1620], %mul3A_1621 {add = true} : memref<256x16xf32, #tpu.memory_space<vmem>>[vector<16xi32>, vector<16xi32>], vector<16xf32>,
    %gather3A_1622 = tpu.vector_load_idx %arg5[%add3A_1556, %broadcast_in_dim3A_1566] : memref<256x8xi32, #tpu.memory_space<vmem>>[vector<16xi32>, vector<16xi32>], vector<16xi32>,
    %mul3A_1623 = arith.mulf %exp3A_1597, %div3A_1613 : vector<16xf32>
    tpu.vector_store_idx %arg7[%add3A_1556, %gather3A_1622], %mul3A_1623 {add = true} : memref<256x16xf32, #tpu.memory_space<vmem>>[vector<16xi32>, vector<16xi32>], vector<16xf32>,
    %gather3A_1624 = tpu.vector_load_idx %arg5[%add3A_1556, %broadcast_in_dim3A_1568] : memref<256x8xi32, #tpu.memory_space<vmem>>[vector<16xi32>, vector<16xi32>], vector<16xi32>,
    %mul3A_1625 = arith.mulf %exp3A_1599, %div3A_1613 : vector<16xf32>
    tpu.vector_store_idx %arg7[%add3A_1556, %gather3A_1624], %mul3A_1625 {add = true} : memref<256x16xf32, #tpu.memory_space<vmem>>[vector<16xi32>, vector<16xi32>], vector<16xf32>,
    %gather3A_1626 = tpu.vector_load_idx %arg5[%add3A_1556, %broadcast_in_dim3A_1570] : memref<256x8xi32, #tpu.memory_space<vmem>>[vector<16xi32>, vector<16xi32>], vector<16xi32>,
    %mul3A_1627 = arith.mulf %exp3A_1601, %div3A_1613 : vector<16xf32>
    tpu.vector_store_idx %arg7[%add3A_1556, %gather3A_1626], %mul3A_1627 {add = true} : memref<256x16xf32, #tpu.memory_space<vmem>>[vector<16xi32>, vector<16xi32>], vector<16xf32>,
    %gather3A_1628 = tpu.vector_load_idx %arg5[%add3A_1556, %broadcast_in_dim3A_1572] : memref<256x8xi32, #tpu.memory_space<vmem>>[vector<16xi32>, vector<16xi32>], vector<16xi32>,
    %mul3A_1629 = arith.mulf %exp3A_1603, %div3A_1613 : vector<16xf32>
    tpu.vector_store_idx %arg7[%add3A_1556, %gather3A_1628], %mul3A_1629 {add = true} : memref<256x16xf32, #tpu.memory_space<vmem>>[vector<16xi32>, vector<16xi32>], vector<16xf32>,
    %add3A_1630 = arith.constant 128 : i32
    %add3A_1631 = vector.broadcast %add3A_1630 : i32 to vector<16xi32>
    %add3A_1632 = arith.addi %iota3A, %add3A_1631 : vector<16xi32>
    %broadcast_in_dim3A_1633 = arith.constant 0 : i32
    %broadcast_in_dim3A_1634 = vector.broadcast %broadcast_in_dim3A_1633 : i32 to vector<16xi32>
    %broadcast_in_dim3A_1635 = arith.constant 1 : i32
    %broadcast_in_dim3A_1636 = vector.broadcast %broadcast_in_dim3A_1635 : i32 to vector<16xi32>
    %broadcast_in_dim3A_1637 = arith.constant 2 : i32
    %broadcast_in_dim3A_1638 = vector.broadcast %broadcast_in_dim3A_1637 : i32 to vector<16xi32>
    %broadcast_in_dim3A_1639 = arith.constant 3 : i32
    %broadcast_in_dim3A_1640 = vector.broadcast %broadcast_in_dim3A_1639 : i32 to vector<16xi32>
    %broadcast_in_dim3A_1641 = arith.constant 4 : i32
    %broadcast_in_dim3A_1642 = vector.broadcast %broadcast_in_dim3A_1641 : i32 to vector<16xi32>
    %broadcast_in_dim3A_1643 = arith.constant 5 : i32
    %broadcast_in_dim3A_1644 = vector.broadcast %broadcast_in_dim3A_1643 : i32 to vector<16xi32>
    %broadcast_in_dim3A_1645 = arith.constant 6 : i32
    %broadcast_in_dim3A_1646 = vector.broadcast %broadcast_in_dim3A_1645 : i32 to vector<16xi32>
    %broadcast_in_dim3A_1647 = arith.constant 7 : i32
    %broadcast_in_dim3A_1648 = vector.broadcast %broadcast_in_dim3A_1647 : i32 to vector<16xi32>
    %gather3A_1649 = tpu.vector_load_idx %arg6[%add3A_1632, %broadcast_in_dim3A_1634] : memref<256x8xf32, #tpu.memory_space<vmem>>[vector<16xi32>, vector<16xi32>], vector<16xf32>,
    %gather3A_1650 = tpu.vector_load_idx %arg6[%add3A_1632, %broadcast_in_dim3A_1636] : memref<256x8xf32, #tpu.memory_space<vmem>>[vector<16xi32>, vector<16xi32>], vector<16xf32>,
    %gather3A_1651 = tpu.vector_load_idx %arg6[%add3A_1632, %broadcast_in_dim3A_1638] : memref<256x8xf32, #tpu.memory_space<vmem>>[vector<16xi32>, vector<16xi32>], vector<16xf32>,
    %gather3A_1652 = tpu.vector_load_idx %arg6[%add3A_1632, %broadcast_in_dim3A_1640] : memref<256x8xf32, #tpu.memory_space<vmem>>[vector<16xi32>, vector<16xi32>], vector<16xf32>,
    %gather3A_1653 = tpu.vector_load_idx %arg6[%add3A_1632, %broadcast_in_dim3A_1642] : memref<256x8xf32, #tpu.memory_space<vmem>>[vector<16xi32>, vector<16xi32>], vector<16xf32>,
    %gather3A_1654 = tpu.vector_load_idx %arg6[%add3A_1632, %broadcast_in_dim3A_1644] : memref<256x8xf32, #tpu.memory_space<vmem>>[vector<16xi32>, vector<16xi32>], vector<16xf32>,
    %gather3A_1655 = tpu.vector_load_idx %arg6[%add3A_1632, %broadcast_in_dim3A_1646] : memref<256x8xf32, #tpu.memory_space<vmem>>[vector<16xi32>, vector<16xi32>], vector<16xf32>,
    %gather3A_1656 = tpu.vector_load_idx %arg6[%add3A_1632, %broadcast_in_dim3A_1648] : memref<256x8xf32, #tpu.memory_space<vmem>>[vector<16xi32>, vector<16xi32>], vector<16xf32>,
    %max3A_1657 = arith.maximumf %gather3A_1649, %gather3A_1650 : vector<16xf32>
    %max3A_1658 = arith.maximumf %max3A_1657, %gather3A_1651 : vector<16xf32>
    %max3A_1659 = arith.maximumf %max3A_1658, %gather3A_1652 : vector<16xf32>
    %max3A_1660 = arith.maximumf %max3A_1659, %gather3A_1653 : vector<16xf32>
    %max3A_1661 = arith.maximumf %max3A_1660, %gather3A_1654 : vector<16xf32>
    %max3A_1662 = arith.maximumf %max3A_1661, %gather3A_1655 : vector<16xf32>
    %max3A_1663 = arith.maximumf %max3A_1662, %gather3A_1656 : vector<16xf32>
    %sub3A_1664 = arith.subf %gather3A_1649, %max3A_1663 : vector<16xf32>
    %exp3A_1665 = math.exp %sub3A_1664 : vector<16xf32>
    %sub3A_1666 = arith.subf %gather3A_1650, %max3A_1663 : vector<16xf32>
    %exp3A_1667 = math.exp %sub3A_1666 : vector<16xf32>
    %sub3A_1668 = arith.subf %gather3A_1651, %max3A_1663 : vector<16xf32>
    %exp3A_1669 = math.exp %sub3A_1668 : vector<16xf32>
    %sub3A_1670 = arith.subf %gather3A_1652, %max3A_1663 : vector<16xf32>
    %exp3A_1671 = math.exp %sub3A_1670 : vector<16xf32>
    %sub3A_1672 = arith.subf %gather3A_1653, %max3A_1663 : vector<16xf32>
    %exp3A_1673 = math.exp %sub3A_1672 : vector<16xf32>
    %sub3A_1674 = arith.subf %gather3A_1654, %max3A_1663 : vector<16xf32>
    %exp3A_1675 = math.exp %sub3A_1674 : vector<16xf32>
    %sub3A_1676 = arith.subf %gather3A_1655, %max3A_1663 : vector<16xf32>
    %exp3A_1677 = math.exp %sub3A_1676 : vector<16xf32>
    %sub3A_1678 = arith.subf %gather3A_1656, %max3A_1663 : vector<16xf32>
    %exp3A_1679 = math.exp %sub3A_1678 : vector<16xf32>
    %add3A_1680 = arith.addf %exp3A_1665, %exp3A_1667 : vector<16xf32>
    %add3A_1681 = arith.addf %add3A_1680, %exp3A_1669 : vector<16xf32>
    %add3A_1682 = arith.addf %add3A_1681, %exp3A_1671 : vector<16xf32>
    %add3A_1683 = arith.addf %add3A_1682, %exp3A_1673 : vector<16xf32>
    %add3A_1684 = arith.addf %add3A_1683, %exp3A_1675 : vector<16xf32>
    %add3A_1685 = arith.addf %add3A_1684, %exp3A_1677 : vector<16xf32>
    %add3A_1686 = arith.addf %add3A_1685, %exp3A_1679 : vector<16xf32>
    %div3A_1687 = arith.constant 1.000000e+00 : f32
    %div3A_1688 = vector.broadcast %div3A_1687 : f32 to vector<16xf32>
    %div3A_1689 = arith.divf %div3A_1688, %add3A_1686 : vector<16xf32>
    %gather3A_1690 = tpu.vector_load_idx %arg5[%add3A_1632, %broadcast_in_dim3A_1634] : memref<256x8xi32, #tpu.memory_space<vmem>>[vector<16xi32>, vector<16xi32>], vector<16xi32>,
    %mul3A_1691 = arith.mulf %exp3A_1665, %div3A_1689 : vector<16xf32>
    tpu.vector_store_idx %arg7[%add3A_1632, %gather3A_1690], %mul3A_1691 {add = true} : memref<256x16xf32, #tpu.memory_space<vmem>>[vector<16xi32>, vector<16xi32>], vector<16xf32>,
    %gather3A_1692 = tpu.vector_load_idx %arg5[%add3A_1632, %broadcast_in_dim3A_1636] : memref<256x8xi32, #tpu.memory_space<vmem>>[vector<16xi32>, vector<16xi32>], vector<16xi32>,
    %mul3A_1693 = arith.mulf %exp3A_1667, %div3A_1689 : vector<16xf32>
    tpu.vector_store_idx %arg7[%add3A_1632, %gather3A_1692], %mul3A_1693 {add = true} : memref<256x16xf32, #tpu.memory_space<vmem>>[vector<16xi32>, vector<16xi32>], vector<16xf32>,
    %gather3A_1694 = tpu.vector_load_idx %arg5[%add3A_1632, %broadcast_in_dim3A_1638] : memref<256x8xi32, #tpu.memory_space<vmem>>[vector<16xi32>, vector<16xi32>], vector<16xi32>,
    %mul3A_1695 = arith.mulf %exp3A_1669, %div3A_1689 : vector<16xf32>
    tpu.vector_store_idx %arg7[%add3A_1632, %gather3A_1694], %mul3A_1695 {add = true} : memref<256x16xf32, #tpu.memory_space<vmem>>[vector<16xi32>, vector<16xi32>], vector<16xf32>,
    %gather3A_1696 = tpu.vector_load_idx %arg5[%add3A_1632, %broadcast_in_dim3A_1640] : memref<256x8xi32, #tpu.memory_space<vmem>>[vector<16xi32>, vector<16xi32>], vector<16xi32>,
    %mul3A_1697 = arith.mulf %exp3A_1671, %div3A_1689 : vector<16xf32>
    tpu.vector_store_idx %arg7[%add3A_1632, %gather3A_1696], %mul3A_1697 {add = true} : memref<256x16xf32, #tpu.memory_space<vmem>>[vector<16xi32>, vector<16xi32>], vector<16xf32>,
    %gather3A_1698 = tpu.vector_load_idx %arg5[%add3A_1632, %broadcast_in_dim3A_1642] : memref<256x8xi32, #tpu.memory_space<vmem>>[vector<16xi32>, vector<16xi32>], vector<16xi32>,
    %mul3A_1699 = arith.mulf %exp3A_1673, %div3A_1689 : vector<16xf32>
    tpu.vector_store_idx %arg7[%add3A_1632, %gather3A_1698], %mul3A_1699 {add = true} : memref<256x16xf32, #tpu.memory_space<vmem>>[vector<16xi32>, vector<16xi32>], vector<16xf32>,
    %gather3A_1700 = tpu.vector_load_idx %arg5[%add3A_1632, %broadcast_in_dim3A_1644] : memref<256x8xi32, #tpu.memory_space<vmem>>[vector<16xi32>, vector<16xi32>], vector<16xi32>,
    %mul3A_1701 = arith.mulf %exp3A_1675, %div3A_1689 : vector<16xf32>
    tpu.vector_store_idx %arg7[%add3A_1632, %gather3A_1700], %mul3A_1701 {add = true} : memref<256x16xf32, #tpu.memory_space<vmem>>[vector<16xi32>, vector<16xi32>], vector<16xf32>,
    %gather3A_1702 = tpu.vector_load_idx %arg5[%add3A_1632, %broadcast_in_dim3A_1646] : memref<256x8xi32, #tpu.memory_space<vmem>>[vector<16xi32>, vector<16xi32>], vector<16xi32>,
    %mul3A_1703 = arith.mulf %exp3A_1677, %div3A_1689 : vector<16xf32>
    tpu.vector_store_idx %arg7[%add3A_1632, %gather3A_1702], %mul3A_1703 {add = true} : memref<256x16xf32, #tpu.memory_space<vmem>>[vector<16xi32>, vector<16xi32>], vector<16xf32>,
    %gather3A_1704 = tpu.vector_load_idx %arg5[%add3A_1632, %broadcast_in_dim3A_1648] : memref<256x8xi32, #tpu.memory_space<vmem>>[vector<16xi32>, vector<16xi32>], vector<16xi32>,
    %mul3A_1705 = arith.mulf %exp3A_1679, %div3A_1689 : vector<16xf32>
    tpu.vector_store_idx %arg7[%add3A_1632, %gather3A_1704], %mul3A_1705 {add = true} : memref<256x16xf32, #tpu.memory_space<vmem>>[vector<16xi32>, vector<16xi32>], vector<16xf32>,
    %add3A_1706 = arith.constant 144 : i32
    %add3A_1707 = vector.broadcast %add3A_1706 : i32 to vector<16xi32>
    %add3A_1708 = arith.addi %iota3A, %add3A_1707 : vector<16xi32>
    %broadcast_in_dim3A_1709 = arith.constant 0 : i32
    %broadcast_in_dim3A_1710 = vector.broadcast %broadcast_in_dim3A_1709 : i32 to vector<16xi32>
    %broadcast_in_dim3A_1711 = arith.constant 1 : i32
    %broadcast_in_dim3A_1712 = vector.broadcast %broadcast_in_dim3A_1711 : i32 to vector<16xi32>
    %broadcast_in_dim3A_1713 = arith.constant 2 : i32
    %broadcast_in_dim3A_1714 = vector.broadcast %broadcast_in_dim3A_1713 : i32 to vector<16xi32>
    %broadcast_in_dim3A_1715 = arith.constant 3 : i32
    %broadcast_in_dim3A_1716 = vector.broadcast %broadcast_in_dim3A_1715 : i32 to vector<16xi32>
    %broadcast_in_dim3A_1717 = arith.constant 4 : i32
    %broadcast_in_dim3A_1718 = vector.broadcast %broadcast_in_dim3A_1717 : i32 to vector<16xi32>
    %broadcast_in_dim3A_1719 = arith.constant 5 : i32
    %broadcast_in_dim3A_1720 = vector.broadcast %broadcast_in_dim3A_1719 : i32 to vector<16xi32>
    %broadcast_in_dim3A_1721 = arith.constant 6 : i32
    %broadcast_in_dim3A_1722 = vector.broadcast %broadcast_in_dim3A_1721 : i32 to vector<16xi32>
    %broadcast_in_dim3A_1723 = arith.constant 7 : i32
    %broadcast_in_dim3A_1724 = vector.broadcast %broadcast_in_dim3A_1723 : i32 to vector<16xi32>
    %gather3A_1725 = tpu.vector_load_idx %arg6[%add3A_1708, %broadcast_in_dim3A_1710] : memref<256x8xf32, #tpu.memory_space<vmem>>[vector<16xi32>, vector<16xi32>], vector<16xf32>,
    %gather3A_1726 = tpu.vector_load_idx %arg6[%add3A_1708, %broadcast_in_dim3A_1712] : memref<256x8xf32, #tpu.memory_space<vmem>>[vector<16xi32>, vector<16xi32>], vector<16xf32>,
    %gather3A_1727 = tpu.vector_load_idx %arg6[%add3A_1708, %broadcast_in_dim3A_1714] : memref<256x8xf32, #tpu.memory_space<vmem>>[vector<16xi32>, vector<16xi32>], vector<16xf32>,
    %gather3A_1728 = tpu.vector_load_idx %arg6[%add3A_1708, %broadcast_in_dim3A_1716] : memref<256x8xf32, #tpu.memory_space<vmem>>[vector<16xi32>, vector<16xi32>], vector<16xf32>,
    %gather3A_1729 = tpu.vector_load_idx %arg6[%add3A_1708, %broadcast_in_dim3A_1718] : memref<256x8xf32, #tpu.memory_space<vmem>>[vector<16xi32>, vector<16xi32>], vector<16xf32>,
    %gather3A_1730 = tpu.vector_load_idx %arg6[%add3A_1708, %broadcast_in_dim3A_1720] : memref<256x8xf32, #tpu.memory_space<vmem>>[vector<16xi32>, vector<16xi32>], vector<16xf32>,
    %gather3A_1731 = tpu.vector_load_idx %arg6[%add3A_1708, %broadcast_in_dim3A_1722] : memref<256x8xf32, #tpu.memory_space<vmem>>[vector<16xi32>, vector<16xi32>], vector<16xf32>,
    %gather3A_1732 = tpu.vector_load_idx %arg6[%add3A_1708, %broadcast_in_dim3A_1724] : memref<256x8xf32, #tpu.memory_space<vmem>>[vector<16xi32>, vector<16xi32>], vector<16xf32>,
    %max3A_1733 = arith.maximumf %gather3A_1725, %gather3A_1726 : vector<16xf32>
    %max3A_1734 = arith.maximumf %max3A_1733, %gather3A_1727 : vector<16xf32>
    %max3A_1735 = arith.maximumf %max3A_1734, %gather3A_1728 : vector<16xf32>
    %max3A_1736 = arith.maximumf %max3A_1735, %gather3A_1729 : vector<16xf32>
    %max3A_1737 = arith.maximumf %max3A_1736, %gather3A_1730 : vector<16xf32>
    %max3A_1738 = arith.maximumf %max3A_1737, %gather3A_1731 : vector<16xf32>
    %max3A_1739 = arith.maximumf %max3A_1738, %gather3A_1732 : vector<16xf32>
    %sub3A_1740 = arith.subf %gather3A_1725, %max3A_1739 : vector<16xf32>
    %exp3A_1741 = math.exp %sub3A_1740 : vector<16xf32>
    %sub3A_1742 = arith.subf %gather3A_1726, %max3A_1739 : vector<16xf32>
    %exp3A_1743 = math.exp %sub3A_1742 : vector<16xf32>
    %sub3A_1744 = arith.subf %gather3A_1727, %max3A_1739 : vector<16xf32>
    %exp3A_1745 = math.exp %sub3A_1744 : vector<16xf32>
    %sub3A_1746 = arith.subf %gather3A_1728, %max3A_1739 : vector<16xf32>
    %exp3A_1747 = math.exp %sub3A_1746 : vector<16xf32>
    %sub3A_1748 = arith.subf %gather3A_1729, %max3A_1739 : vector<16xf32>
    %exp3A_1749 = math.exp %sub3A_1748 : vector<16xf32>
    %sub3A_1750 = arith.subf %gather3A_1730, %max3A_1739 : vector<16xf32>
    %exp3A_1751 = math.exp %sub3A_1750 : vector<16xf32>
    %sub3A_1752 = arith.subf %gather3A_1731, %max3A_1739 : vector<16xf32>
    %exp3A_1753 = math.exp %sub3A_1752 : vector<16xf32>
    %sub3A_1754 = arith.subf %gather3A_1732, %max3A_1739 : vector<16xf32>
    %exp3A_1755 = math.exp %sub3A_1754 : vector<16xf32>
    %add3A_1756 = arith.addf %exp3A_1741, %exp3A_1743 : vector<16xf32>
    %add3A_1757 = arith.addf %add3A_1756, %exp3A_1745 : vector<16xf32>
    %add3A_1758 = arith.addf %add3A_1757, %exp3A_1747 : vector<16xf32>
    %add3A_1759 = arith.addf %add3A_1758, %exp3A_1749 : vector<16xf32>
    %add3A_1760 = arith.addf %add3A_1759, %exp3A_1751 : vector<16xf32>
    %add3A_1761 = arith.addf %add3A_1760, %exp3A_1753 : vector<16xf32>
    %add3A_1762 = arith.addf %add3A_1761, %exp3A_1755 : vector<16xf32>
    %div3A_1763 = arith.constant 1.000000e+00 : f32
    %div3A_1764 = vector.broadcast %div3A_1763 : f32 to vector<16xf32>
    %div3A_1765 = arith.divf %div3A_1764, %add3A_1762 : vector<16xf32>
    %gather3A_1766 = tpu.vector_load_idx %arg5[%add3A_1708, %broadcast_in_dim3A_1710] : memref<256x8xi32, #tpu.memory_space<vmem>>[vector<16xi32>, vector<16xi32>], vector<16xi32>,
    %mul3A_1767 = arith.mulf %exp3A_1741, %div3A_1765 : vector<16xf32>
    tpu.vector_store_idx %arg7[%add3A_1708, %gather3A_1766], %mul3A_1767 {add = true} : memref<256x16xf32, #tpu.memory_space<vmem>>[vector<16xi32>, vector<16xi32>], vector<16xf32>,
    %gather3A_1768 = tpu.vector_load_idx %arg5[%add3A_1708, %broadcast_in_dim3A_1712] : memref<256x8xi32, #tpu.memory_space<vmem>>[vector<16xi32>, vector<16xi32>], vector<16xi32>,
    %mul3A_1769 = arith.mulf %exp3A_1743, %div3A_1765 : vector<16xf32>
    tpu.vector_store_idx %arg7[%add3A_1708, %gather3A_1768], %mul3A_1769 {add = true} : memref<256x16xf32, #tpu.memory_space<vmem>>[vector<16xi32>, vector<16xi32>], vector<16xf32>,
    %gather3A_1770 = tpu.vector_load_idx %arg5[%add3A_1708, %broadcast_in_dim3A_1714] : memref<256x8xi32, #tpu.memory_space<vmem>>[vector<16xi32>, vector<16xi32>], vector<16xi32>,
    %mul3A_1771 = arith.mulf %exp3A_1745, %div3A_1765 : vector<16xf32>
    tpu.vector_store_idx %arg7[%add3A_1708, %gather3A_1770], %mul3A_1771 {add = true} : memref<256x16xf32, #tpu.memory_space<vmem>>[vector<16xi32>, vector<16xi32>], vector<16xf32>,
    %gather3A_1772 = tpu.vector_load_idx %arg5[%add3A_1708, %broadcast_in_dim3A_1716] : memref<256x8xi32, #tpu.memory_space<vmem>>[vector<16xi32>, vector<16xi32>], vector<16xi32>,
    %mul3A_1773 = arith.mulf %exp3A_1747, %div3A_1765 : vector<16xf32>
    tpu.vector_store_idx %arg7[%add3A_1708, %gather3A_1772], %mul3A_1773 {add = true} : memref<256x16xf32, #tpu.memory_space<vmem>>[vector<16xi32>, vector<16xi32>], vector<16xf32>,
    %gather3A_1774 = tpu.vector_load_idx %arg5[%add3A_1708, %broadcast_in_dim3A_1718] : memref<256x8xi32, #tpu.memory_space<vmem>>[vector<16xi32>, vector<16xi32>], vector<16xi32>,
    %mul3A_1775 = arith.mulf %exp3A_1749, %div3A_1765 : vector<16xf32>
    tpu.vector_store_idx %arg7[%add3A_1708, %gather3A_1774], %mul3A_1775 {add = true} : memref<256x16xf32, #tpu.memory_space<vmem>>[vector<16xi32>, vector<16xi32>], vector<16xf32>,
    %gather3A_1776 = tpu.vector_load_idx %arg5[%add3A_1708, %broadcast_in_dim3A_1720] : memref<256x8xi32, #tpu.memory_space<vmem>>[vector<16xi32>, vector<16xi32>], vector<16xi32>,
    %mul3A_1777 = arith.mulf %exp3A_1751, %div3A_1765 : vector<16xf32>
    tpu.vector_store_idx %arg7[%add3A_1708, %gather3A_1776], %mul3A_1777 {add = true} : memref<256x16xf32, #tpu.memory_space<vmem>>[vector<16xi32>, vector<16xi32>], vector<16xf32>,
    %gather3A_1778 = tpu.vector_load_idx %arg5[%add3A_1708, %broadcast_in_dim3A_1722] : memref<256x8xi32, #tpu.memory_space<vmem>>[vector<16xi32>, vector<16xi32>], vector<16xi32>,
    %mul3A_1779 = arith.mulf %exp3A_1753, %div3A_1765 : vector<16xf32>
    tpu.vector_store_idx %arg7[%add3A_1708, %gather3A_1778], %mul3A_1779 {add = true} : memref<256x16xf32, #tpu.memory_space<vmem>>[vector<16xi32>, vector<16xi32>], vector<16xf32>,
    %gather3A_1780 = tpu.vector_load_idx %arg5[%add3A_1708, %broadcast_in_dim3A_1724] : memref<256x8xi32, #tpu.memory_space<vmem>>[vector<16xi32>, vector<16xi32>], vector<16xi32>,
    %mul3A_1781 = arith.mulf %exp3A_1755, %div3A_1765 : vector<16xf32>
    tpu.vector_store_idx %arg7[%add3A_1708, %gather3A_1780], %mul3A_1781 {add = true} : memref<256x16xf32, #tpu.memory_space<vmem>>[vector<16xi32>, vector<16xi32>], vector<16xf32>,
    %add3A_1782 = arith.constant 160 : i32
    %add3A_1783 = vector.broadcast %add3A_1782 : i32 to vector<16xi32>
    %add3A_1784 = arith.addi %iota3A, %add3A_1783 : vector<16xi32>
    %broadcast_in_dim3A_1785 = arith.constant 0 : i32
    %broadcast_in_dim3A_1786 = vector.broadcast %broadcast_in_dim3A_1785 : i32 to vector<16xi32>
    %broadcast_in_dim3A_1787 = arith.constant 1 : i32
    %broadcast_in_dim3A_1788 = vector.broadcast %broadcast_in_dim3A_1787 : i32 to vector<16xi32>
    %broadcast_in_dim3A_1789 = arith.constant 2 : i32
    %broadcast_in_dim3A_1790 = vector.broadcast %broadcast_in_dim3A_1789 : i32 to vector<16xi32>
    %broadcast_in_dim3A_1791 = arith.constant 3 : i32
    %broadcast_in_dim3A_1792 = vector.broadcast %broadcast_in_dim3A_1791 : i32 to vector<16xi32>
    %broadcast_in_dim3A_1793 = arith.constant 4 : i32
    %broadcast_in_dim3A_1794 = vector.broadcast %broadcast_in_dim3A_1793 : i32 to vector<16xi32>
    %broadcast_in_dim3A_1795 = arith.constant 5 : i32
    %broadcast_in_dim3A_1796 = vector.broadcast %broadcast_in_dim3A_1795 : i32 to vector<16xi32>
    %broadcast_in_dim3A_1797 = arith.constant 6 : i32
    %broadcast_in_dim3A_1798 = vector.broadcast %broadcast_in_dim3A_1797 : i32 to vector<16xi32>
    %broadcast_in_dim3A_1799 = arith.constant 7 : i32
    %broadcast_in_dim3A_1800 = vector.broadcast %broadcast_in_dim3A_1799 : i32 to vector<16xi32>
    %gather3A_1801 = tpu.vector_load_idx %arg6[%add3A_1784, %broadcast_in_dim3A_1786] : memref<256x8xf32, #tpu.memory_space<vmem>>[vector<16xi32>, vector<16xi32>], vector<16xf32>,
    %gather3A_1802 = tpu.vector_load_idx %arg6[%add3A_1784, %broadcast_in_dim3A_1788] : memref<256x8xf32, #tpu.memory_space<vmem>>[vector<16xi32>, vector<16xi32>], vector<16xf32>,
    %gather3A_1803 = tpu.vector_load_idx %arg6[%add3A_1784, %broadcast_in_dim3A_1790] : memref<256x8xf32, #tpu.memory_space<vmem>>[vector<16xi32>, vector<16xi32>], vector<16xf32>,
    %gather3A_1804 = tpu.vector_load_idx %arg6[%add3A_1784, %broadcast_in_dim3A_1792] : memref<256x8xf32, #tpu.memory_space<vmem>>[vector<16xi32>, vector<16xi32>], vector<16xf32>,
    %gather3A_1805 = tpu.vector_load_idx %arg6[%add3A_1784, %broadcast_in_dim3A_1794] : memref<256x8xf32, #tpu.memory_space<vmem>>[vector<16xi32>, vector<16xi32>], vector<16xf32>,
    %gather3A_1806 = tpu.vector_load_idx %arg6[%add3A_1784, %broadcast_in_dim3A_1796] : memref<256x8xf32, #tpu.memory_space<vmem>>[vector<16xi32>, vector<16xi32>], vector<16xf32>,
    %gather3A_1807 = tpu.vector_load_idx %arg6[%add3A_1784, %broadcast_in_dim3A_1798] : memref<256x8xf32, #tpu.memory_space<vmem>>[vector<16xi32>, vector<16xi32>], vector<16xf32>,
    %gather3A_1808 = tpu.vector_load_idx %arg6[%add3A_1784, %broadcast_in_dim3A_1800] : memref<256x8xf32, #tpu.memory_space<vmem>>[vector<16xi32>, vector<16xi32>], vector<16xf32>,
    %max3A_1809 = arith.maximumf %gather3A_1801, %gather3A_1802 : vector<16xf32>
    %max3A_1810 = arith.maximumf %max3A_1809, %gather3A_1803 : vector<16xf32>
    %max3A_1811 = arith.maximumf %max3A_1810, %gather3A_1804 : vector<16xf32>
    %max3A_1812 = arith.maximumf %max3A_1811, %gather3A_1805 : vector<16xf32>
    %max3A_1813 = arith.maximumf %max3A_1812, %gather3A_1806 : vector<16xf32>
    %max3A_1814 = arith.maximumf %max3A_1813, %gather3A_1807 : vector<16xf32>
    %max3A_1815 = arith.maximumf %max3A_1814, %gather3A_1808 : vector<16xf32>
    %sub3A_1816 = arith.subf %gather3A_1801, %max3A_1815 : vector<16xf32>
    %exp3A_1817 = math.exp %sub3A_1816 : vector<16xf32>
    %sub3A_1818 = arith.subf %gather3A_1802, %max3A_1815 : vector<16xf32>
    %exp3A_1819 = math.exp %sub3A_1818 : vector<16xf32>
    %sub3A_1820 = arith.subf %gather3A_1803, %max3A_1815 : vector<16xf32>
    %exp3A_1821 = math.exp %sub3A_1820 : vector<16xf32>
    %sub3A_1822 = arith.subf %gather3A_1804, %max3A_1815 : vector<16xf32>
    %exp3A_1823 = math.exp %sub3A_1822 : vector<16xf32>
    %sub3A_1824 = arith.subf %gather3A_1805, %max3A_1815 : vector<16xf32>
    %exp3A_1825 = math.exp %sub3A_1824 : vector<16xf32>
    %sub3A_1826 = arith.subf %gather3A_1806, %max3A_1815 : vector<16xf32>
    %exp3A_1827 = math.exp %sub3A_1826 : vector<16xf32>
    %sub3A_1828 = arith.subf %gather3A_1807, %max3A_1815 : vector<16xf32>
    %exp3A_1829 = math.exp %sub3A_1828 : vector<16xf32>
    %sub3A_1830 = arith.subf %gather3A_1808, %max3A_1815 : vector<16xf32>
    %exp3A_1831 = math.exp %sub3A_1830 : vector<16xf32>
    %add3A_1832 = arith.addf %exp3A_1817, %exp3A_1819 : vector<16xf32>
    %add3A_1833 = arith.addf %add3A_1832, %exp3A_1821 : vector<16xf32>
    %add3A_1834 = arith.addf %add3A_1833, %exp3A_1823 : vector<16xf32>
    %add3A_1835 = arith.addf %add3A_1834, %exp3A_1825 : vector<16xf32>
    %add3A_1836 = arith.addf %add3A_1835, %exp3A_1827 : vector<16xf32>
    %add3A_1837 = arith.addf %add3A_1836, %exp3A_1829 : vector<16xf32>
    %add3A_1838 = arith.addf %add3A_1837, %exp3A_1831 : vector<16xf32>
    %div3A_1839 = arith.constant 1.000000e+00 : f32
    %div3A_1840 = vector.broadcast %div3A_1839 : f32 to vector<16xf32>
    %div3A_1841 = arith.divf %div3A_1840, %add3A_1838 : vector<16xf32>
    %gather3A_1842 = tpu.vector_load_idx %arg5[%add3A_1784, %broadcast_in_dim3A_1786] : memref<256x8xi32, #tpu.memory_space<vmem>>[vector<16xi32>, vector<16xi32>], vector<16xi32>,
    %mul3A_1843 = arith.mulf %exp3A_1817, %div3A_1841 : vector<16xf32>
    tpu.vector_store_idx %arg7[%add3A_1784, %gather3A_1842], %mul3A_1843 {add = true} : memref<256x16xf32, #tpu.memory_space<vmem>>[vector<16xi32>, vector<16xi32>], vector<16xf32>,
    %gather3A_1844 = tpu.vector_load_idx %arg5[%add3A_1784, %broadcast_in_dim3A_1788] : memref<256x8xi32, #tpu.memory_space<vmem>>[vector<16xi32>, vector<16xi32>], vector<16xi32>,
    %mul3A_1845 = arith.mulf %exp3A_1819, %div3A_1841 : vector<16xf32>
    tpu.vector_store_idx %arg7[%add3A_1784, %gather3A_1844], %mul3A_1845 {add = true} : memref<256x16xf32, #tpu.memory_space<vmem>>[vector<16xi32>, vector<16xi32>], vector<16xf32>,
    %gather3A_1846 = tpu.vector_load_idx %arg5[%add3A_1784, %broadcast_in_dim3A_1790] : memref<256x8xi32, #tpu.memory_space<vmem>>[vector<16xi32>, vector<16xi32>], vector<16xi32>,
    %mul3A_1847 = arith.mulf %exp3A_1821, %div3A_1841 : vector<16xf32>
    tpu.vector_store_idx %arg7[%add3A_1784, %gather3A_1846], %mul3A_1847 {add = true} : memref<256x16xf32, #tpu.memory_space<vmem>>[vector<16xi32>, vector<16xi32>], vector<16xf32>,
    %gather3A_1848 = tpu.vector_load_idx %arg5[%add3A_1784, %broadcast_in_dim3A_1792] : memref<256x8xi32, #tpu.memory_space<vmem>>[vector<16xi32>, vector<16xi32>], vector<16xi32>,
    %mul3A_1849 = arith.mulf %exp3A_1823, %div3A_1841 : vector<16xf32>
    tpu.vector_store_idx %arg7[%add3A_1784, %gather3A_1848], %mul3A_1849 {add = true} : memref<256x16xf32, #tpu.memory_space<vmem>>[vector<16xi32>, vector<16xi32>], vector<16xf32>,
    %gather3A_1850 = tpu.vector_load_idx %arg5[%add3A_1784, %broadcast_in_dim3A_1794] : memref<256x8xi32, #tpu.memory_space<vmem>>[vector<16xi32>, vector<16xi32>], vector<16xi32>,
    %mul3A_1851 = arith.mulf %exp3A_1825, %div3A_1841 : vector<16xf32>
    tpu.vector_store_idx %arg7[%add3A_1784, %gather3A_1850], %mul3A_1851 {add = true} : memref<256x16xf32, #tpu.memory_space<vmem>>[vector<16xi32>, vector<16xi32>], vector<16xf32>,
    %gather3A_1852 = tpu.vector_load_idx %arg5[%add3A_1784, %broadcast_in_dim3A_1796] : memref<256x8xi32, #tpu.memory_space<vmem>>[vector<16xi32>, vector<16xi32>], vector<16xi32>,
    %mul3A_1853 = arith.mulf %exp3A_1827, %div3A_1841 : vector<16xf32>
    tpu.vector_store_idx %arg7[%add3A_1784, %gather3A_1852], %mul3A_1853 {add = true} : memref<256x16xf32, #tpu.memory_space<vmem>>[vector<16xi32>, vector<16xi32>], vector<16xf32>,
    %gather3A_1854 = tpu.vector_load_idx %arg5[%add3A_1784, %broadcast_in_dim3A_1798] : memref<256x8xi32, #tpu.memory_space<vmem>>[vector<16xi32>, vector<16xi32>], vector<16xi32>,
    %mul3A_1855 = arith.mulf %exp3A_1829, %div3A_1841 : vector<16xf32>
    tpu.vector_store_idx %arg7[%add3A_1784, %gather3A_1854], %mul3A_1855 {add = true} : memref<256x16xf32, #tpu.memory_space<vmem>>[vector<16xi32>, vector<16xi32>], vector<16xf32>,
    %gather3A_1856 = tpu.vector_load_idx %arg5[%add3A_1784, %broadcast_in_dim3A_1800] : memref<256x8xi32, #tpu.memory_space<vmem>>[vector<16xi32>, vector<16xi32>], vector<16xi32>,
    %mul3A_1857 = arith.mulf %exp3A_1831, %div3A_1841 : vector<16xf32>
    tpu.vector_store_idx %arg7[%add3A_1784, %gather3A_1856], %mul3A_1857 {add = true} : memref<256x16xf32, #tpu.memory_space<vmem>>[vector<16xi32>, vector<16xi32>], vector<16xf32>,
    %add3A_1858 = arith.constant 176 : i32
    %add3A_1859 = vector.broadcast %add3A_1858 : i32 to vector<16xi32>
    %add3A_1860 = arith.addi %iota3A, %add3A_1859 : vector<16xi32>
    %broadcast_in_dim3A_1861 = arith.constant 0 : i32
    %broadcast_in_dim3A_1862 = vector.broadcast %broadcast_in_dim3A_1861 : i32 to vector<16xi32>
    %broadcast_in_dim3A_1863 = arith.constant 1 : i32
    %broadcast_in_dim3A_1864 = vector.broadcast %broadcast_in_dim3A_1863 : i32 to vector<16xi32>
    %broadcast_in_dim3A_1865 = arith.constant 2 : i32
    %broadcast_in_dim3A_1866 = vector.broadcast %broadcast_in_dim3A_1865 : i32 to vector<16xi32>
    %broadcast_in_dim3A_1867 = arith.constant 3 : i32
    %broadcast_in_dim3A_1868 = vector.broadcast %broadcast_in_dim3A_1867 : i32 to vector<16xi32>
    %broadcast_in_dim3A_1869 = arith.constant 4 : i32
    %broadcast_in_dim3A_1870 = vector.broadcast %broadcast_in_dim3A_1869 : i32 to vector<16xi32>
    %broadcast_in_dim3A_1871 = arith.constant 5 : i32
    %broadcast_in_dim3A_1872 = vector.broadcast %broadcast_in_dim3A_1871 : i32 to vector<16xi32>
    %broadcast_in_dim3A_1873 = arith.constant 6 : i32
    %broadcast_in_dim3A_1874 = vector.broadcast %broadcast_in_dim3A_1873 : i32 to vector<16xi32>
    %broadcast_in_dim3A_1875 = arith.constant 7 : i32
    %broadcast_in_dim3A_1876 = vector.broadcast %broadcast_in_dim3A_1875 : i32 to vector<16xi32>
    %gather3A_1877 = tpu.vector_load_idx %arg6[%add3A_1860, %broadcast_in_dim3A_1862] : memref<256x8xf32, #tpu.memory_space<vmem>>[vector<16xi32>, vector<16xi32>], vector<16xf32>,
    %gather3A_1878 = tpu.vector_load_idx %arg6[%add3A_1860, %broadcast_in_dim3A_1864] : memref<256x8xf32, #tpu.memory_space<vmem>>[vector<16xi32>, vector<16xi32>], vector<16xf32>,
    %gather3A_1879 = tpu.vector_load_idx %arg6[%add3A_1860, %broadcast_in_dim3A_1866] : memref<256x8xf32, #tpu.memory_space<vmem>>[vector<16xi32>, vector<16xi32>], vector<16xf32>,
    %gather3A_1880 = tpu.vector_load_idx %arg6[%add3A_1860, %broadcast_in_dim3A_1868] : memref<256x8xf32, #tpu.memory_space<vmem>>[vector<16xi32>, vector<16xi32>], vector<16xf32>,
    %gather3A_1881 = tpu.vector_load_idx %arg6[%add3A_1860, %broadcast_in_dim3A_1870] : memref<256x8xf32, #tpu.memory_space<vmem>>[vector<16xi32>, vector<16xi32>], vector<16xf32>,
    %gather3A_1882 = tpu.vector_load_idx %arg6[%add3A_1860, %broadcast_in_dim3A_1872] : memref<256x8xf32, #tpu.memory_space<vmem>>[vector<16xi32>, vector<16xi32>], vector<16xf32>,
    %gather3A_1883 = tpu.vector_load_idx %arg6[%add3A_1860, %broadcast_in_dim3A_1874] : memref<256x8xf32, #tpu.memory_space<vmem>>[vector<16xi32>, vector<16xi32>], vector<16xf32>,
    %gather3A_1884 = tpu.vector_load_idx %arg6[%add3A_1860, %broadcast_in_dim3A_1876] : memref<256x8xf32, #tpu.memory_space<vmem>>[vector<16xi32>, vector<16xi32>], vector<16xf32>,
    %max3A_1885 = arith.maximumf %gather3A_1877, %gather3A_1878 : vector<16xf32>
    %max3A_1886 = arith.maximumf %max3A_1885, %gather3A_1879 : vector<16xf32>
    %max3A_1887 = arith.maximumf %max3A_1886, %gather3A_1880 : vector<16xf32>
    %max3A_1888 = arith.maximumf %max3A_1887, %gather3A_1881 : vector<16xf32>
    %max3A_1889 = arith.maximumf %max3A_1888, %gather3A_1882 : vector<16xf32>
    %max3A_1890 = arith.maximumf %max3A_1889, %gather3A_1883 : vector<16xf32>
    %max3A_1891 = arith.maximumf %max3A_1890, %gather3A_1884 : vector<16xf32>
    %sub3A_1892 = arith.subf %gather3A_1877, %max3A_1891 : vector<16xf32>
    %exp3A_1893 = math.exp %sub3A_1892 : vector<16xf32>
    %sub3A_1894 = arith.subf %gather3A_1878, %max3A_1891 : vector<16xf32>
    %exp3A_1895 = math.exp %sub3A_1894 : vector<16xf32>
    %sub3A_1896 = arith.subf %gather3A_1879, %max3A_1891 : vector<16xf32>
    %exp3A_1897 = math.exp %sub3A_1896 : vector<16xf32>
    %sub3A_1898 = arith.subf %gather3A_1880, %max3A_1891 : vector<16xf32>
    %exp3A_1899 = math.exp %sub3A_1898 : vector<16xf32>
    %sub3A_1900 = arith.subf %gather3A_1881, %max3A_1891 : vector<16xf32>
    %exp3A_1901 = math.exp %sub3A_1900 : vector<16xf32>
    %sub3A_1902 = arith.subf %gather3A_1882, %max3A_1891 : vector<16xf32>
    %exp3A_1903 = math.exp %sub3A_1902 : vector<16xf32>
    %sub3A_1904 = arith.subf %gather3A_1883, %max3A_1891 : vector<16xf32>
    %exp3A_1905 = math.exp %sub3A_1904 : vector<16xf32>
    %sub3A_1906 = arith.subf %gather3A_1884, %max3A_1891 : vector<16xf32>
    %exp3A_1907 = math.exp %sub3A_1906 : vector<16xf32>
    %add3A_1908 = arith.addf %exp3A_1893, %exp3A_1895 : vector<16xf32>
    %add3A_1909 = arith.addf %add3A_1908, %exp3A_1897 : vector<16xf32>
    %add3A_1910 = arith.addf %add3A_1909, %exp3A_1899 : vector<16xf32>
    %add3A_1911 = arith.addf %add3A_1910, %exp3A_1901 : vector<16xf32>
    %add3A_1912 = arith.addf %add3A_1911, %exp3A_1903 : vector<16xf32>
    %add3A_1913 = arith.addf %add3A_1912, %exp3A_1905 : vector<16xf32>
    %add3A_1914 = arith.addf %add3A_1913, %exp3A_1907 : vector<16xf32>
    %div3A_1915 = arith.constant 1.000000e+00 : f32
    %div3A_1916 = vector.broadcast %div3A_1915 : f32 to vector<16xf32>
    %div3A_1917 = arith.divf %div3A_1916, %add3A_1914 : vector<16xf32>
    %gather3A_1918 = tpu.vector_load_idx %arg5[%add3A_1860, %broadcast_in_dim3A_1862] : memref<256x8xi32, #tpu.memory_space<vmem>>[vector<16xi32>, vector<16xi32>], vector<16xi32>,
    %mul3A_1919 = arith.mulf %exp3A_1893, %div3A_1917 : vector<16xf32>
    tpu.vector_store_idx %arg7[%add3A_1860, %gather3A_1918], %mul3A_1919 {add = true} : memref<256x16xf32, #tpu.memory_space<vmem>>[vector<16xi32>, vector<16xi32>], vector<16xf32>,
    %gather3A_1920 = tpu.vector_load_idx %arg5[%add3A_1860, %broadcast_in_dim3A_1864] : memref<256x8xi32, #tpu.memory_space<vmem>>[vector<16xi32>, vector<16xi32>], vector<16xi32>,
    %mul3A_1921 = arith.mulf %exp3A_1895, %div3A_1917 : vector<16xf32>
    tpu.vector_store_idx %arg7[%add3A_1860, %gather3A_1920], %mul3A_1921 {add = true} : memref<256x16xf32, #tpu.memory_space<vmem>>[vector<16xi32>, vector<16xi32>], vector<16xf32>,
    %gather3A_1922 = tpu.vector_load_idx %arg5[%add3A_1860, %broadcast_in_dim3A_1866] : memref<256x8xi32, #tpu.memory_space<vmem>>[vector<16xi32>, vector<16xi32>], vector<16xi32>,
    %mul3A_1923 = arith.mulf %exp3A_1897, %div3A_1917 : vector<16xf32>
    tpu.vector_store_idx %arg7[%add3A_1860, %gather3A_1922], %mul3A_1923 {add = true} : memref<256x16xf32, #tpu.memory_space<vmem>>[vector<16xi32>, vector<16xi32>], vector<16xf32>,
    %gather3A_1924 = tpu.vector_load_idx %arg5[%add3A_1860, %broadcast_in_dim3A_1868] : memref<256x8xi32, #tpu.memory_space<vmem>>[vector<16xi32>, vector<16xi32>], vector<16xi32>,
    %mul3A_1925 = arith.mulf %exp3A_1899, %div3A_1917 : vector<16xf32>
    tpu.vector_store_idx %arg7[%add3A_1860, %gather3A_1924], %mul3A_1925 {add = true} : memref<256x16xf32, #tpu.memory_space<vmem>>[vector<16xi32>, vector<16xi32>], vector<16xf32>,
    %gather3A_1926 = tpu.vector_load_idx %arg5[%add3A_1860, %broadcast_in_dim3A_1870] : memref<256x8xi32, #tpu.memory_space<vmem>>[vector<16xi32>, vector<16xi32>], vector<16xi32>,
    %mul3A_1927 = arith.mulf %exp3A_1901, %div3A_1917 : vector<16xf32>
    tpu.vector_store_idx %arg7[%add3A_1860, %gather3A_1926], %mul3A_1927 {add = true} : memref<256x16xf32, #tpu.memory_space<vmem>>[vector<16xi32>, vector<16xi32>], vector<16xf32>,
    %gather3A_1928 = tpu.vector_load_idx %arg5[%add3A_1860, %broadcast_in_dim3A_1872] : memref<256x8xi32, #tpu.memory_space<vmem>>[vector<16xi32>, vector<16xi32>], vector<16xi32>,
    %mul3A_1929 = arith.mulf %exp3A_1903, %div3A_1917 : vector<16xf32>
    tpu.vector_store_idx %arg7[%add3A_1860, %gather3A_1928], %mul3A_1929 {add = true} : memref<256x16xf32, #tpu.memory_space<vmem>>[vector<16xi32>, vector<16xi32>], vector<16xf32>,
    %gather3A_1930 = tpu.vector_load_idx %arg5[%add3A_1860, %broadcast_in_dim3A_1874] : memref<256x8xi32, #tpu.memory_space<vmem>>[vector<16xi32>, vector<16xi32>], vector<16xi32>,
    %mul3A_1931 = arith.mulf %exp3A_1905, %div3A_1917 : vector<16xf32>
    tpu.vector_store_idx %arg7[%add3A_1860, %gather3A_1930], %mul3A_1931 {add = true} : memref<256x16xf32, #tpu.memory_space<vmem>>[vector<16xi32>, vector<16xi32>], vector<16xf32>,
    %gather3A_1932 = tpu.vector_load_idx %arg5[%add3A_1860, %broadcast_in_dim3A_1876] : memref<256x8xi32, #tpu.memory_space<vmem>>[vector<16xi32>, vector<16xi32>], vector<16xi32>,
    %mul3A_1933 = arith.mulf %exp3A_1907, %div3A_1917 : vector<16xf32>
    tpu.vector_store_idx %arg7[%add3A_1860, %gather3A_1932], %mul3A_1933 {add = true} : memref<256x16xf32, #tpu.memory_space<vmem>>[vector<16xi32>, vector<16xi32>], vector<16xf32>,
    %add3A_1934 = arith.constant 192 : i32
    %add3A_1935 = vector.broadcast %add3A_1934 : i32 to vector<16xi32>
    %add3A_1936 = arith.addi %iota3A, %add3A_1935 : vector<16xi32>
    %broadcast_in_dim3A_1937 = arith.constant 0 : i32
    %broadcast_in_dim3A_1938 = vector.broadcast %broadcast_in_dim3A_1937 : i32 to vector<16xi32>
    %broadcast_in_dim3A_1939 = arith.constant 1 : i32
    %broadcast_in_dim3A_1940 = vector.broadcast %broadcast_in_dim3A_1939 : i32 to vector<16xi32>
    %broadcast_in_dim3A_1941 = arith.constant 2 : i32
    %broadcast_in_dim3A_1942 = vector.broadcast %broadcast_in_dim3A_1941 : i32 to vector<16xi32>
    %broadcast_in_dim3A_1943 = arith.constant 3 : i32
    %broadcast_in_dim3A_1944 = vector.broadcast %broadcast_in_dim3A_1943 : i32 to vector<16xi32>
    %broadcast_in_dim3A_1945 = arith.constant 4 : i32
    %broadcast_in_dim3A_1946 = vector.broadcast %broadcast_in_dim3A_1945 : i32 to vector<16xi32>
    %broadcast_in_dim3A_1947 = arith.constant 5 : i32
    %broadcast_in_dim3A_1948 = vector.broadcast %broadcast_in_dim3A_1947 : i32 to vector<16xi32>
    %broadcast_in_dim3A_1949 = arith.constant 6 : i32
    %broadcast_in_dim3A_1950 = vector.broadcast %broadcast_in_dim3A_1949 : i32 to vector<16xi32>
    %broadcast_in_dim3A_1951 = arith.constant 7 : i32
    %broadcast_in_dim3A_1952 = vector.broadcast %broadcast_in_dim3A_1951 : i32 to vector<16xi32>
    %gather3A_1953 = tpu.vector_load_idx %arg6[%add3A_1936, %broadcast_in_dim3A_1938] : memref<256x8xf32, #tpu.memory_space<vmem>>[vector<16xi32>, vector<16xi32>], vector<16xf32>,
    %gather3A_1954 = tpu.vector_load_idx %arg6[%add3A_1936, %broadcast_in_dim3A_1940] : memref<256x8xf32, #tpu.memory_space<vmem>>[vector<16xi32>, vector<16xi32>], vector<16xf32>,
    %gather3A_1955 = tpu.vector_load_idx %arg6[%add3A_1936, %broadcast_in_dim3A_1942] : memref<256x8xf32, #tpu.memory_space<vmem>>[vector<16xi32>, vector<16xi32>], vector<16xf32>,
    %gather3A_1956 = tpu.vector_load_idx %arg6[%add3A_1936, %broadcast_in_dim3A_1944] : memref<256x8xf32, #tpu.memory_space<vmem>>[vector<16xi32>, vector<16xi32>], vector<16xf32>,
    %gather3A_1957 = tpu.vector_load_idx %arg6[%add3A_1936, %broadcast_in_dim3A_1946] : memref<256x8xf32, #tpu.memory_space<vmem>>[vector<16xi32>, vector<16xi32>], vector<16xf32>,
    %gather3A_1958 = tpu.vector_load_idx %arg6[%add3A_1936, %broadcast_in_dim3A_1948] : memref<256x8xf32, #tpu.memory_space<vmem>>[vector<16xi32>, vector<16xi32>], vector<16xf32>,
    %gather3A_1959 = tpu.vector_load_idx %arg6[%add3A_1936, %broadcast_in_dim3A_1950] : memref<256x8xf32, #tpu.memory_space<vmem>>[vector<16xi32>, vector<16xi32>], vector<16xf32>,
    %gather3A_1960 = tpu.vector_load_idx %arg6[%add3A_1936, %broadcast_in_dim3A_1952] : memref<256x8xf32, #tpu.memory_space<vmem>>[vector<16xi32>, vector<16xi32>], vector<16xf32>,
    %max3A_1961 = arith.maximumf %gather3A_1953, %gather3A_1954 : vector<16xf32>
    %max3A_1962 = arith.maximumf %max3A_1961, %gather3A_1955 : vector<16xf32>
    %max3A_1963 = arith.maximumf %max3A_1962, %gather3A_1956 : vector<16xf32>
    %max3A_1964 = arith.maximumf %max3A_1963, %gather3A_1957 : vector<16xf32>
    %max3A_1965 = arith.maximumf %max3A_1964, %gather3A_1958 : vector<16xf32>
    %max3A_1966 = arith.maximumf %max3A_1965, %gather3A_1959 : vector<16xf32>
    %max3A_1967 = arith.maximumf %max3A_1966, %gather3A_1960 : vector<16xf32>
    %sub3A_1968 = arith.subf %gather3A_1953, %max3A_1967 : vector<16xf32>
    %exp3A_1969 = math.exp %sub3A_1968 : vector<16xf32>
    %sub3A_1970 = arith.subf %gather3A_1954, %max3A_1967 : vector<16xf32>
    %exp3A_1971 = math.exp %sub3A_1970 : vector<16xf32>
    %sub3A_1972 = arith.subf %gather3A_1955, %max3A_1967 : vector<16xf32>
    %exp3A_1973 = math.exp %sub3A_1972 : vector<16xf32>
    %sub3A_1974 = arith.subf %gather3A_1956, %max3A_1967 : vector<16xf32>
    %exp3A_1975 = math.exp %sub3A_1974 : vector<16xf32>
    %sub3A_1976 = arith.subf %gather3A_1957, %max3A_1967 : vector<16xf32>
    %exp3A_1977 = math.exp %sub3A_1976 : vector<16xf32>
    %sub3A_1978 = arith.subf %gather3A_1958, %max3A_1967 : vector<16xf32>
    %exp3A_1979 = math.exp %sub3A_1978 : vector<16xf32>
    %sub3A_1980 = arith.subf %gather3A_1959, %max3A_1967 : vector<16xf32>
    %exp3A_1981 = math.exp %sub3A_1980 : vector<16xf32>
    %sub3A_1982 = arith.subf %gather3A_1960, %max3A_1967 : vector<16xf32>
    %exp3A_1983 = math.exp %sub3A_1982 : vector<16xf32>
    %add3A_1984 = arith.addf %exp3A_1969, %exp3A_1971 : vector<16xf32>
    %add3A_1985 = arith.addf %add3A_1984, %exp3A_1973 : vector<16xf32>
    %add3A_1986 = arith.addf %add3A_1985, %exp3A_1975 : vector<16xf32>
    %add3A_1987 = arith.addf %add3A_1986, %exp3A_1977 : vector<16xf32>
    %add3A_1988 = arith.addf %add3A_1987, %exp3A_1979 : vector<16xf32>
    %add3A_1989 = arith.addf %add3A_1988, %exp3A_1981 : vector<16xf32>
    %add3A_1990 = arith.addf %add3A_1989, %exp3A_1983 : vector<16xf32>
    %div3A_1991 = arith.constant 1.000000e+00 : f32
    %div3A_1992 = vector.broadcast %div3A_1991 : f32 to vector<16xf32>
    %div3A_1993 = arith.divf %div3A_1992, %add3A_1990 : vector<16xf32>
    %gather3A_1994 = tpu.vector_load_idx %arg5[%add3A_1936, %broadcast_in_dim3A_1938] : memref<256x8xi32, #tpu.memory_space<vmem>>[vector<16xi32>, vector<16xi32>], vector<16xi32>,
    %mul3A_1995 = arith.mulf %exp3A_1969, %div3A_1993 : vector<16xf32>
    tpu.vector_store_idx %arg7[%add3A_1936, %gather3A_1994], %mul3A_1995 {add = true} : memref<256x16xf32, #tpu.memory_space<vmem>>[vector<16xi32>, vector<16xi32>], vector<16xf32>,
    %gather3A_1996 = tpu.vector_load_idx %arg5[%add3A_1936, %broadcast_in_dim3A_1940] : memref<256x8xi32, #tpu.memory_space<vmem>>[vector<16xi32>, vector<16xi32>], vector<16xi32>,
    %mul3A_1997 = arith.mulf %exp3A_1971, %div3A_1993 : vector<16xf32>
    tpu.vector_store_idx %arg7[%add3A_1936, %gather3A_1996], %mul3A_1997 {add = true} : memref<256x16xf32, #tpu.memory_space<vmem>>[vector<16xi32>, vector<16xi32>], vector<16xf32>,
    %gather3A_1998 = tpu.vector_load_idx %arg5[%add3A_1936, %broadcast_in_dim3A_1942] : memref<256x8xi32, #tpu.memory_space<vmem>>[vector<16xi32>, vector<16xi32>], vector<16xi32>,
    %mul3A_1999 = arith.mulf %exp3A_1973, %div3A_1993 : vector<16xf32>
    tpu.vector_store_idx %arg7[%add3A_1936, %gather3A_1998], %mul3A_1999 {add = true} : memref<256x16xf32, #tpu.memory_space<vmem>>[vector<16xi32>, vector<16xi32>], vector<16xf32>,
    %gather3A_2000 = tpu.vector_load_idx %arg5[%add3A_1936, %broadcast_in_dim3A_1944] : memref<256x8xi32, #tpu.memory_space<vmem>>[vector<16xi32>, vector<16xi32>], vector<16xi32>,
    %mul3A_2001 = arith.mulf %exp3A_1975, %div3A_1993 : vector<16xf32>
    tpu.vector_store_idx %arg7[%add3A_1936, %gather3A_2000], %mul3A_2001 {add = true} : memref<256x16xf32, #tpu.memory_space<vmem>>[vector<16xi32>, vector<16xi32>], vector<16xf32>,
    %gather3A_2002 = tpu.vector_load_idx %arg5[%add3A_1936, %broadcast_in_dim3A_1946] : memref<256x8xi32, #tpu.memory_space<vmem>>[vector<16xi32>, vector<16xi32>], vector<16xi32>,
    %mul3A_2003 = arith.mulf %exp3A_1977, %div3A_1993 : vector<16xf32>
    tpu.vector_store_idx %arg7[%add3A_1936, %gather3A_2002], %mul3A_2003 {add = true} : memref<256x16xf32, #tpu.memory_space<vmem>>[vector<16xi32>, vector<16xi32>], vector<16xf32>,
    %gather3A_2004 = tpu.vector_load_idx %arg5[%add3A_1936, %broadcast_in_dim3A_1948] : memref<256x8xi32, #tpu.memory_space<vmem>>[vector<16xi32>, vector<16xi32>], vector<16xi32>,
    %mul3A_2005 = arith.mulf %exp3A_1979, %div3A_1993 : vector<16xf32>
    tpu.vector_store_idx %arg7[%add3A_1936, %gather3A_2004], %mul3A_2005 {add = true} : memref<256x16xf32, #tpu.memory_space<vmem>>[vector<16xi32>, vector<16xi32>], vector<16xf32>,
    %gather3A_2006 = tpu.vector_load_idx %arg5[%add3A_1936, %broadcast_in_dim3A_1950] : memref<256x8xi32, #tpu.memory_space<vmem>>[vector<16xi32>, vector<16xi32>], vector<16xi32>,
    %mul3A_2007 = arith.mulf %exp3A_1981, %div3A_1993 : vector<16xf32>
    tpu.vector_store_idx %arg7[%add3A_1936, %gather3A_2006], %mul3A_2007 {add = true} : memref<256x16xf32, #tpu.memory_space<vmem>>[vector<16xi32>, vector<16xi32>], vector<16xf32>,
    %gather3A_2008 = tpu.vector_load_idx %arg5[%add3A_1936, %broadcast_in_dim3A_1952] : memref<256x8xi32, #tpu.memory_space<vmem>>[vector<16xi32>, vector<16xi32>], vector<16xi32>,
    %mul3A_2009 = arith.mulf %exp3A_1983, %div3A_1993 : vector<16xf32>
    tpu.vector_store_idx %arg7[%add3A_1936, %gather3A_2008], %mul3A_2009 {add = true} : memref<256x16xf32, #tpu.memory_space<vmem>>[vector<16xi32>, vector<16xi32>], vector<16xf32>,
    %add3A_2010 = arith.constant 208 : i32
    %add3A_2011 = vector.broadcast %add3A_2010 : i32 to vector<16xi32>
    %add3A_2012 = arith.addi %iota3A, %add3A_2011 : vector<16xi32>
    %broadcast_in_dim3A_2013 = arith.constant 0 : i32
    %broadcast_in_dim3A_2014 = vector.broadcast %broadcast_in_dim3A_2013 : i32 to vector<16xi32>
    %broadcast_in_dim3A_2015 = arith.constant 1 : i32
    %broadcast_in_dim3A_2016 = vector.broadcast %broadcast_in_dim3A_2015 : i32 to vector<16xi32>
    %broadcast_in_dim3A_2017 = arith.constant 2 : i32
    %broadcast_in_dim3A_2018 = vector.broadcast %broadcast_in_dim3A_2017 : i32 to vector<16xi32>
    %broadcast_in_dim3A_2019 = arith.constant 3 : i32
    %broadcast_in_dim3A_2020 = vector.broadcast %broadcast_in_dim3A_2019 : i32 to vector<16xi32>
    %broadcast_in_dim3A_2021 = arith.constant 4 : i32
    %broadcast_in_dim3A_2022 = vector.broadcast %broadcast_in_dim3A_2021 : i32 to vector<16xi32>
    %broadcast_in_dim3A_2023 = arith.constant 5 : i32
    %broadcast_in_dim3A_2024 = vector.broadcast %broadcast_in_dim3A_2023 : i32 to vector<16xi32>
    %broadcast_in_dim3A_2025 = arith.constant 6 : i32
    %broadcast_in_dim3A_2026 = vector.broadcast %broadcast_in_dim3A_2025 : i32 to vector<16xi32>
    %broadcast_in_dim3A_2027 = arith.constant 7 : i32
    %broadcast_in_dim3A_2028 = vector.broadcast %broadcast_in_dim3A_2027 : i32 to vector<16xi32>
    %gather3A_2029 = tpu.vector_load_idx %arg6[%add3A_2012, %broadcast_in_dim3A_2014] : memref<256x8xf32, #tpu.memory_space<vmem>>[vector<16xi32>, vector<16xi32>], vector<16xf32>,
    %gather3A_2030 = tpu.vector_load_idx %arg6[%add3A_2012, %broadcast_in_dim3A_2016] : memref<256x8xf32, #tpu.memory_space<vmem>>[vector<16xi32>, vector<16xi32>], vector<16xf32>,
    %gather3A_2031 = tpu.vector_load_idx %arg6[%add3A_2012, %broadcast_in_dim3A_2018] : memref<256x8xf32, #tpu.memory_space<vmem>>[vector<16xi32>, vector<16xi32>], vector<16xf32>,
    %gather3A_2032 = tpu.vector_load_idx %arg6[%add3A_2012, %broadcast_in_dim3A_2020] : memref<256x8xf32, #tpu.memory_space<vmem>>[vector<16xi32>, vector<16xi32>], vector<16xf32>,
    %gather3A_2033 = tpu.vector_load_idx %arg6[%add3A_2012, %broadcast_in_dim3A_2022] : memref<256x8xf32, #tpu.memory_space<vmem>>[vector<16xi32>, vector<16xi32>], vector<16xf32>,
    %gather3A_2034 = tpu.vector_load_idx %arg6[%add3A_2012, %broadcast_in_dim3A_2024] : memref<256x8xf32, #tpu.memory_space<vmem>>[vector<16xi32>, vector<16xi32>], vector<16xf32>,
    %gather3A_2035 = tpu.vector_load_idx %arg6[%add3A_2012, %broadcast_in_dim3A_2026] : memref<256x8xf32, #tpu.memory_space<vmem>>[vector<16xi32>, vector<16xi32>], vector<16xf32>,
    %gather3A_2036 = tpu.vector_load_idx %arg6[%add3A_2012, %broadcast_in_dim3A_2028] : memref<256x8xf32, #tpu.memory_space<vmem>>[vector<16xi32>, vector<16xi32>], vector<16xf32>,
    %max3A_2037 = arith.maximumf %gather3A_2029, %gather3A_2030 : vector<16xf32>
    %max3A_2038 = arith.maximumf %max3A_2037, %gather3A_2031 : vector<16xf32>
    %max3A_2039 = arith.maximumf %max3A_2038, %gather3A_2032 : vector<16xf32>
    %max3A_2040 = arith.maximumf %max3A_2039, %gather3A_2033 : vector<16xf32>
    %max3A_2041 = arith.maximumf %max3A_2040, %gather3A_2034 : vector<16xf32>
    %max3A_2042 = arith.maximumf %max3A_2041, %gather3A_2035 : vector<16xf32>
    %max3A_2043 = arith.maximumf %max3A_2042, %gather3A_2036 : vector<16xf32>
    %sub3A_2044 = arith.subf %gather3A_2029, %max3A_2043 : vector<16xf32>
    %exp3A_2045 = math.exp %sub3A_2044 : vector<16xf32>
    %sub3A_2046 = arith.subf %gather3A_2030, %max3A_2043 : vector<16xf32>
    %exp3A_2047 = math.exp %sub3A_2046 : vector<16xf32>
    %sub3A_2048 = arith.subf %gather3A_2031, %max3A_2043 : vector<16xf32>
    %exp3A_2049 = math.exp %sub3A_2048 : vector<16xf32>
    %sub3A_2050 = arith.subf %gather3A_2032, %max3A_2043 : vector<16xf32>
    %exp3A_2051 = math.exp %sub3A_2050 : vector<16xf32>
    %sub3A_2052 = arith.subf %gather3A_2033, %max3A_2043 : vector<16xf32>
    %exp3A_2053 = math.exp %sub3A_2052 : vector<16xf32>
    %sub3A_2054 = arith.subf %gather3A_2034, %max3A_2043 : vector<16xf32>
    %exp3A_2055 = math.exp %sub3A_2054 : vector<16xf32>
    %sub3A_2056 = arith.subf %gather3A_2035, %max3A_2043 : vector<16xf32>
    %exp3A_2057 = math.exp %sub3A_2056 : vector<16xf32>
    %sub3A_2058 = arith.subf %gather3A_2036, %max3A_2043 : vector<16xf32>
    %exp3A_2059 = math.exp %sub3A_2058 : vector<16xf32>
    %add3A_2060 = arith.addf %exp3A_2045, %exp3A_2047 : vector<16xf32>
    %add3A_2061 = arith.addf %add3A_2060, %exp3A_2049 : vector<16xf32>
    %add3A_2062 = arith.addf %add3A_2061, %exp3A_2051 : vector<16xf32>
    %add3A_2063 = arith.addf %add3A_2062, %exp3A_2053 : vector<16xf32>
    %add3A_2064 = arith.addf %add3A_2063, %exp3A_2055 : vector<16xf32>
    %add3A_2065 = arith.addf %add3A_2064, %exp3A_2057 : vector<16xf32>
    %add3A_2066 = arith.addf %add3A_2065, %exp3A_2059 : vector<16xf32>
    %div3A_2067 = arith.constant 1.000000e+00 : f32
    %div3A_2068 = vector.broadcast %div3A_2067 : f32 to vector<16xf32>
    %div3A_2069 = arith.divf %div3A_2068, %add3A_2066 : vector<16xf32>
    %gather3A_2070 = tpu.vector_load_idx %arg5[%add3A_2012, %broadcast_in_dim3A_2014] : memref<256x8xi32, #tpu.memory_space<vmem>>[vector<16xi32>, vector<16xi32>], vector<16xi32>,
    %mul3A_2071 = arith.mulf %exp3A_2045, %div3A_2069 : vector<16xf32>
    tpu.vector_store_idx %arg7[%add3A_2012, %gather3A_2070], %mul3A_2071 {add = true} : memref<256x16xf32, #tpu.memory_space<vmem>>[vector<16xi32>, vector<16xi32>], vector<16xf32>,
    %gather3A_2072 = tpu.vector_load_idx %arg5[%add3A_2012, %broadcast_in_dim3A_2016] : memref<256x8xi32, #tpu.memory_space<vmem>>[vector<16xi32>, vector<16xi32>], vector<16xi32>,
    %mul3A_2073 = arith.mulf %exp3A_2047, %div3A_2069 : vector<16xf32>
    tpu.vector_store_idx %arg7[%add3A_2012, %gather3A_2072], %mul3A_2073 {add = true} : memref<256x16xf32, #tpu.memory_space<vmem>>[vector<16xi32>, vector<16xi32>], vector<16xf32>,
    %gather3A_2074 = tpu.vector_load_idx %arg5[%add3A_2012, %broadcast_in_dim3A_2018] : memref<256x8xi32, #tpu.memory_space<vmem>>[vector<16xi32>, vector<16xi32>], vector<16xi32>,
    %mul3A_2075 = arith.mulf %exp3A_2049, %div3A_2069 : vector<16xf32>
    tpu.vector_store_idx %arg7[%add3A_2012, %gather3A_2074], %mul3A_2075 {add = true} : memref<256x16xf32, #tpu.memory_space<vmem>>[vector<16xi32>, vector<16xi32>], vector<16xf32>,
    %gather3A_2076 = tpu.vector_load_idx %arg5[%add3A_2012, %broadcast_in_dim3A_2020] : memref<256x8xi32, #tpu.memory_space<vmem>>[vector<16xi32>, vector<16xi32>], vector<16xi32>,
    %mul3A_2077 = arith.mulf %exp3A_2051, %div3A_2069 : vector<16xf32>
    tpu.vector_store_idx %arg7[%add3A_2012, %gather3A_2076], %mul3A_2077 {add = true} : memref<256x16xf32, #tpu.memory_space<vmem>>[vector<16xi32>, vector<16xi32>], vector<16xf32>,
    %gather3A_2078 = tpu.vector_load_idx %arg5[%add3A_2012, %broadcast_in_dim3A_2022] : memref<256x8xi32, #tpu.memory_space<vmem>>[vector<16xi32>, vector<16xi32>], vector<16xi32>,
    %mul3A_2079 = arith.mulf %exp3A_2053, %div3A_2069 : vector<16xf32>
    tpu.vector_store_idx %arg7[%add3A_2012, %gather3A_2078], %mul3A_2079 {add = true} : memref<256x16xf32, #tpu.memory_space<vmem>>[vector<16xi32>, vector<16xi32>], vector<16xf32>,
    %gather3A_2080 = tpu.vector_load_idx %arg5[%add3A_2012, %broadcast_in_dim3A_2024] : memref<256x8xi32, #tpu.memory_space<vmem>>[vector<16xi32>, vector<16xi32>], vector<16xi32>,
    %mul3A_2081 = arith.mulf %exp3A_2055, %div3A_2069 : vector<16xf32>
    tpu.vector_store_idx %arg7[%add3A_2012, %gather3A_2080], %mul3A_2081 {add = true} : memref<256x16xf32, #tpu.memory_space<vmem>>[vector<16xi32>, vector<16xi32>], vector<16xf32>,
    %gather3A_2082 = tpu.vector_load_idx %arg5[%add3A_2012, %broadcast_in_dim3A_2026] : memref<256x8xi32, #tpu.memory_space<vmem>>[vector<16xi32>, vector<16xi32>], vector<16xi32>,
    %mul3A_2083 = arith.mulf %exp3A_2057, %div3A_2069 : vector<16xf32>
    tpu.vector_store_idx %arg7[%add3A_2012, %gather3A_2082], %mul3A_2083 {add = true} : memref<256x16xf32, #tpu.memory_space<vmem>>[vector<16xi32>, vector<16xi32>], vector<16xf32>,
    %gather3A_2084 = tpu.vector_load_idx %arg5[%add3A_2012, %broadcast_in_dim3A_2028] : memref<256x8xi32, #tpu.memory_space<vmem>>[vector<16xi32>, vector<16xi32>], vector<16xi32>,
    %mul3A_2085 = arith.mulf %exp3A_2059, %div3A_2069 : vector<16xf32>
    tpu.vector_store_idx %arg7[%add3A_2012, %gather3A_2084], %mul3A_2085 {add = true} : memref<256x16xf32, #tpu.memory_space<vmem>>[vector<16xi32>, vector<16xi32>], vector<16xf32>,
    %add3A_2086 = arith.constant 224 : i32
    %add3A_2087 = vector.broadcast %add3A_2086 : i32 to vector<16xi32>
    %add3A_2088 = arith.addi %iota3A, %add3A_2087 : vector<16xi32>
    %broadcast_in_dim3A_2089 = arith.constant 0 : i32
    %broadcast_in_dim3A_2090 = vector.broadcast %broadcast_in_dim3A_2089 : i32 to vector<16xi32>
    %broadcast_in_dim3A_2091 = arith.constant 1 : i32
    %broadcast_in_dim3A_2092 = vector.broadcast %broadcast_in_dim3A_2091 : i32 to vector<16xi32>
    %broadcast_in_dim3A_2093 = arith.constant 2 : i32
    %broadcast_in_dim3A_2094 = vector.broadcast %broadcast_in_dim3A_2093 : i32 to vector<16xi32>
    %broadcast_in_dim3A_2095 = arith.constant 3 : i32
    %broadcast_in_dim3A_2096 = vector.broadcast %broadcast_in_dim3A_2095 : i32 to vector<16xi32>
    %broadcast_in_dim3A_2097 = arith.constant 4 : i32
    %broadcast_in_dim3A_2098 = vector.broadcast %broadcast_in_dim3A_2097 : i32 to vector<16xi32>
    %broadcast_in_dim3A_2099 = arith.constant 5 : i32
    %broadcast_in_dim3A_2100 = vector.broadcast %broadcast_in_dim3A_2099 : i32 to vector<16xi32>
    %broadcast_in_dim3A_2101 = arith.constant 6 : i32
    %broadcast_in_dim3A_2102 = vector.broadcast %broadcast_in_dim3A_2101 : i32 to vector<16xi32>
    %broadcast_in_dim3A_2103 = arith.constant 7 : i32
    %broadcast_in_dim3A_2104 = vector.broadcast %broadcast_in_dim3A_2103 : i32 to vector<16xi32>
    %gather3A_2105 = tpu.vector_load_idx %arg6[%add3A_2088, %broadcast_in_dim3A_2090] : memref<256x8xf32, #tpu.memory_space<vmem>>[vector<16xi32>, vector<16xi32>], vector<16xf32>,
    %gather3A_2106 = tpu.vector_load_idx %arg6[%add3A_2088, %broadcast_in_dim3A_2092] : memref<256x8xf32, #tpu.memory_space<vmem>>[vector<16xi32>, vector<16xi32>], vector<16xf32>,
    %gather3A_2107 = tpu.vector_load_idx %arg6[%add3A_2088, %broadcast_in_dim3A_2094] : memref<256x8xf32, #tpu.memory_space<vmem>>[vector<16xi32>, vector<16xi32>], vector<16xf32>,
    %gather3A_2108 = tpu.vector_load_idx %arg6[%add3A_2088, %broadcast_in_dim3A_2096] : memref<256x8xf32, #tpu.memory_space<vmem>>[vector<16xi32>, vector<16xi32>], vector<16xf32>,
    %gather3A_2109 = tpu.vector_load_idx %arg6[%add3A_2088, %broadcast_in_dim3A_2098] : memref<256x8xf32, #tpu.memory_space<vmem>>[vector<16xi32>, vector<16xi32>], vector<16xf32>,
    %gather3A_2110 = tpu.vector_load_idx %arg6[%add3A_2088, %broadcast_in_dim3A_2100] : memref<256x8xf32, #tpu.memory_space<vmem>>[vector<16xi32>, vector<16xi32>], vector<16xf32>,
    %gather3A_2111 = tpu.vector_load_idx %arg6[%add3A_2088, %broadcast_in_dim3A_2102] : memref<256x8xf32, #tpu.memory_space<vmem>>[vector<16xi32>, vector<16xi32>], vector<16xf32>,
    %gather3A_2112 = tpu.vector_load_idx %arg6[%add3A_2088, %broadcast_in_dim3A_2104] : memref<256x8xf32, #tpu.memory_space<vmem>>[vector<16xi32>, vector<16xi32>], vector<16xf32>,
    %max3A_2113 = arith.maximumf %gather3A_2105, %gather3A_2106 : vector<16xf32>
    %max3A_2114 = arith.maximumf %max3A_2113, %gather3A_2107 : vector<16xf32>
    %max3A_2115 = arith.maximumf %max3A_2114, %gather3A_2108 : vector<16xf32>
    %max3A_2116 = arith.maximumf %max3A_2115, %gather3A_2109 : vector<16xf32>
    %max3A_2117 = arith.maximumf %max3A_2116, %gather3A_2110 : vector<16xf32>
    %max3A_2118 = arith.maximumf %max3A_2117, %gather3A_2111 : vector<16xf32>
    %max3A_2119 = arith.maximumf %max3A_2118, %gather3A_2112 : vector<16xf32>
    %sub3A_2120 = arith.subf %gather3A_2105, %max3A_2119 : vector<16xf32>
    %exp3A_2121 = math.exp %sub3A_2120 : vector<16xf32>
    %sub3A_2122 = arith.subf %gather3A_2106, %max3A_2119 : vector<16xf32>
    %exp3A_2123 = math.exp %sub3A_2122 : vector<16xf32>
    %sub3A_2124 = arith.subf %gather3A_2107, %max3A_2119 : vector<16xf32>
    %exp3A_2125 = math.exp %sub3A_2124 : vector<16xf32>
    %sub3A_2126 = arith.subf %gather3A_2108, %max3A_2119 : vector<16xf32>
    %exp3A_2127 = math.exp %sub3A_2126 : vector<16xf32>
    %sub3A_2128 = arith.subf %gather3A_2109, %max3A_2119 : vector<16xf32>
    %exp3A_2129 = math.exp %sub3A_2128 : vector<16xf32>
    %sub3A_2130 = arith.subf %gather3A_2110, %max3A_2119 : vector<16xf32>
    %exp3A_2131 = math.exp %sub3A_2130 : vector<16xf32>
    %sub3A_2132 = arith.subf %gather3A_2111, %max3A_2119 : vector<16xf32>
    %exp3A_2133 = math.exp %sub3A_2132 : vector<16xf32>
    %sub3A_2134 = arith.subf %gather3A_2112, %max3A_2119 : vector<16xf32>
    %exp3A_2135 = math.exp %sub3A_2134 : vector<16xf32>
    %add3A_2136 = arith.addf %exp3A_2121, %exp3A_2123 : vector<16xf32>
    %add3A_2137 = arith.addf %add3A_2136, %exp3A_2125 : vector<16xf32>
    %add3A_2138 = arith.addf %add3A_2137, %exp3A_2127 : vector<16xf32>
    %add3A_2139 = arith.addf %add3A_2138, %exp3A_2129 : vector<16xf32>
    %add3A_2140 = arith.addf %add3A_2139, %exp3A_2131 : vector<16xf32>
    %add3A_2141 = arith.addf %add3A_2140, %exp3A_2133 : vector<16xf32>
    %add3A_2142 = arith.addf %add3A_2141, %exp3A_2135 : vector<16xf32>
    %div3A_2143 = arith.constant 1.000000e+00 : f32
    %div3A_2144 = vector.broadcast %div3A_2143 : f32 to vector<16xf32>
    %div3A_2145 = arith.divf %div3A_2144, %add3A_2142 : vector<16xf32>
    %gather3A_2146 = tpu.vector_load_idx %arg5[%add3A_2088, %broadcast_in_dim3A_2090] : memref<256x8xi32, #tpu.memory_space<vmem>>[vector<16xi32>, vector<16xi32>], vector<16xi32>,
    %mul3A_2147 = arith.mulf %exp3A_2121, %div3A_2145 : vector<16xf32>
    tpu.vector_store_idx %arg7[%add3A_2088, %gather3A_2146], %mul3A_2147 {add = true} : memref<256x16xf32, #tpu.memory_space<vmem>>[vector<16xi32>, vector<16xi32>], vector<16xf32>,
    %gather3A_2148 = tpu.vector_load_idx %arg5[%add3A_2088, %broadcast_in_dim3A_2092] : memref<256x8xi32, #tpu.memory_space<vmem>>[vector<16xi32>, vector<16xi32>], vector<16xi32>,
    %mul3A_2149 = arith.mulf %exp3A_2123, %div3A_2145 : vector<16xf32>
    tpu.vector_store_idx %arg7[%add3A_2088, %gather3A_2148], %mul3A_2149 {add = true} : memref<256x16xf32, #tpu.memory_space<vmem>>[vector<16xi32>, vector<16xi32>], vector<16xf32>,
    %gather3A_2150 = tpu.vector_load_idx %arg5[%add3A_2088, %broadcast_in_dim3A_2094] : memref<256x8xi32, #tpu.memory_space<vmem>>[vector<16xi32>, vector<16xi32>], vector<16xi32>,
    %mul3A_2151 = arith.mulf %exp3A_2125, %div3A_2145 : vector<16xf32>
    tpu.vector_store_idx %arg7[%add3A_2088, %gather3A_2150], %mul3A_2151 {add = true} : memref<256x16xf32, #tpu.memory_space<vmem>>[vector<16xi32>, vector<16xi32>], vector<16xf32>,
    %gather3A_2152 = tpu.vector_load_idx %arg5[%add3A_2088, %broadcast_in_dim3A_2096] : memref<256x8xi32, #tpu.memory_space<vmem>>[vector<16xi32>, vector<16xi32>], vector<16xi32>,
    %mul3A_2153 = arith.mulf %exp3A_2127, %div3A_2145 : vector<16xf32>
    tpu.vector_store_idx %arg7[%add3A_2088, %gather3A_2152], %mul3A_2153 {add = true} : memref<256x16xf32, #tpu.memory_space<vmem>>[vector<16xi32>, vector<16xi32>], vector<16xf32>,
    %gather3A_2154 = tpu.vector_load_idx %arg5[%add3A_2088, %broadcast_in_dim3A_2098] : memref<256x8xi32, #tpu.memory_space<vmem>>[vector<16xi32>, vector<16xi32>], vector<16xi32>,
    %mul3A_2155 = arith.mulf %exp3A_2129, %div3A_2145 : vector<16xf32>
    tpu.vector_store_idx %arg7[%add3A_2088, %gather3A_2154], %mul3A_2155 {add = true} : memref<256x16xf32, #tpu.memory_space<vmem>>[vector<16xi32>, vector<16xi32>], vector<16xf32>,
    %gather3A_2156 = tpu.vector_load_idx %arg5[%add3A_2088, %broadcast_in_dim3A_2100] : memref<256x8xi32, #tpu.memory_space<vmem>>[vector<16xi32>, vector<16xi32>], vector<16xi32>,
    %mul3A_2157 = arith.mulf %exp3A_2131, %div3A_2145 : vector<16xf32>
    tpu.vector_store_idx %arg7[%add3A_2088, %gather3A_2156], %mul3A_2157 {add = true} : memref<256x16xf32, #tpu.memory_space<vmem>>[vector<16xi32>, vector<16xi32>], vector<16xf32>,
    %gather3A_2158 = tpu.vector_load_idx %arg5[%add3A_2088, %broadcast_in_dim3A_2102] : memref<256x8xi32, #tpu.memory_space<vmem>>[vector<16xi32>, vector<16xi32>], vector<16xi32>,
    %mul3A_2159 = arith.mulf %exp3A_2133, %div3A_2145 : vector<16xf32>
    tpu.vector_store_idx %arg7[%add3A_2088, %gather3A_2158], %mul3A_2159 {add = true} : memref<256x16xf32, #tpu.memory_space<vmem>>[vector<16xi32>, vector<16xi32>], vector<16xf32>,
    %gather3A_2160 = tpu.vector_load_idx %arg5[%add3A_2088, %broadcast_in_dim3A_2104] : memref<256x8xi32, #tpu.memory_space<vmem>>[vector<16xi32>, vector<16xi32>], vector<16xi32>,
    %mul3A_2161 = arith.mulf %exp3A_2135, %div3A_2145 : vector<16xf32>
    tpu.vector_store_idx %arg7[%add3A_2088, %gather3A_2160], %mul3A_2161 {add = true} : memref<256x16xf32, #tpu.memory_space<vmem>>[vector<16xi32>, vector<16xi32>], vector<16xf32>,
    %add3A_2162 = arith.constant 240 : i32
    %add3A_2163 = vector.broadcast %add3A_2162 : i32 to vector<16xi32>
    %add3A_2164 = arith.addi %iota3A, %add3A_2163 : vector<16xi32>
    %broadcast_in_dim3A_2165 = arith.constant 0 : i32
    %broadcast_in_dim3A_2166 = vector.broadcast %broadcast_in_dim3A_2165 : i32 to vector<16xi32>
    %broadcast_in_dim3A_2167 = arith.constant 1 : i32
    %broadcast_in_dim3A_2168 = vector.broadcast %broadcast_in_dim3A_2167 : i32 to vector<16xi32>
    %broadcast_in_dim3A_2169 = arith.constant 2 : i32
    %broadcast_in_dim3A_2170 = vector.broadcast %broadcast_in_dim3A_2169 : i32 to vector<16xi32>
    %broadcast_in_dim3A_2171 = arith.constant 3 : i32
    %broadcast_in_dim3A_2172 = vector.broadcast %broadcast_in_dim3A_2171 : i32 to vector<16xi32>
    %broadcast_in_dim3A_2173 = arith.constant 4 : i32
    %broadcast_in_dim3A_2174 = vector.broadcast %broadcast_in_dim3A_2173 : i32 to vector<16xi32>
    %broadcast_in_dim3A_2175 = arith.constant 5 : i32
    %broadcast_in_dim3A_2176 = vector.broadcast %broadcast_in_dim3A_2175 : i32 to vector<16xi32>
    %broadcast_in_dim3A_2177 = arith.constant 6 : i32
    %broadcast_in_dim3A_2178 = vector.broadcast %broadcast_in_dim3A_2177 : i32 to vector<16xi32>
    %broadcast_in_dim3A_2179 = arith.constant 7 : i32
    %broadcast_in_dim3A_2180 = vector.broadcast %broadcast_in_dim3A_2179 : i32 to vector<16xi32>
    %gather3A_2181 = tpu.vector_load_idx %arg6[%add3A_2164, %broadcast_in_dim3A_2166] : memref<256x8xf32, #tpu.memory_space<vmem>>[vector<16xi32>, vector<16xi32>], vector<16xf32>,
    %gather3A_2182 = tpu.vector_load_idx %arg6[%add3A_2164, %broadcast_in_dim3A_2168] : memref<256x8xf32, #tpu.memory_space<vmem>>[vector<16xi32>, vector<16xi32>], vector<16xf32>,
    %gather3A_2183 = tpu.vector_load_idx %arg6[%add3A_2164, %broadcast_in_dim3A_2170] : memref<256x8xf32, #tpu.memory_space<vmem>>[vector<16xi32>, vector<16xi32>], vector<16xf32>,
    %gather3A_2184 = tpu.vector_load_idx %arg6[%add3A_2164, %broadcast_in_dim3A_2172] : memref<256x8xf32, #tpu.memory_space<vmem>>[vector<16xi32>, vector<16xi32>], vector<16xf32>,
    %gather3A_2185 = tpu.vector_load_idx %arg6[%add3A_2164, %broadcast_in_dim3A_2174] : memref<256x8xf32, #tpu.memory_space<vmem>>[vector<16xi32>, vector<16xi32>], vector<16xf32>,
    %gather3A_2186 = tpu.vector_load_idx %arg6[%add3A_2164, %broadcast_in_dim3A_2176] : memref<256x8xf32, #tpu.memory_space<vmem>>[vector<16xi32>, vector<16xi32>], vector<16xf32>,
    %gather3A_2187 = tpu.vector_load_idx %arg6[%add3A_2164, %broadcast_in_dim3A_2178] : memref<256x8xf32, #tpu.memory_space<vmem>>[vector<16xi32>, vector<16xi32>], vector<16xf32>,
    %gather3A_2188 = tpu.vector_load_idx %arg6[%add3A_2164, %broadcast_in_dim3A_2180] : memref<256x8xf32, #tpu.memory_space<vmem>>[vector<16xi32>, vector<16xi32>], vector<16xf32>,
    %max3A_2189 = arith.maximumf %gather3A_2181, %gather3A_2182 : vector<16xf32>
    %max3A_2190 = arith.maximumf %max3A_2189, %gather3A_2183 : vector<16xf32>
    %max3A_2191 = arith.maximumf %max3A_2190, %gather3A_2184 : vector<16xf32>
    %max3A_2192 = arith.maximumf %max3A_2191, %gather3A_2185 : vector<16xf32>
    %max3A_2193 = arith.maximumf %max3A_2192, %gather3A_2186 : vector<16xf32>
    %max3A_2194 = arith.maximumf %max3A_2193, %gather3A_2187 : vector<16xf32>
    %max3A_2195 = arith.maximumf %max3A_2194, %gather3A_2188 : vector<16xf32>
    %sub3A_2196 = arith.subf %gather3A_2181, %max3A_2195 : vector<16xf32>
    %exp3A_2197 = math.exp %sub3A_2196 : vector<16xf32>
    %sub3A_2198 = arith.subf %gather3A_2182, %max3A_2195 : vector<16xf32>
    %exp3A_2199 = math.exp %sub3A_2198 : vector<16xf32>
    %sub3A_2200 = arith.subf %gather3A_2183, %max3A_2195 : vector<16xf32>
    %exp3A_2201 = math.exp %sub3A_2200 : vector<16xf32>
    %sub3A_2202 = arith.subf %gather3A_2184, %max3A_2195 : vector<16xf32>
    %exp3A_2203 = math.exp %sub3A_2202 : vector<16xf32>
    %sub3A_2204 = arith.subf %gather3A_2185, %max3A_2195 : vector<16xf32>
    %exp3A_2205 = math.exp %sub3A_2204 : vector<16xf32>
    %sub3A_2206 = arith.subf %gather3A_2186, %max3A_2195 : vector<16xf32>
    %exp3A_2207 = math.exp %sub3A_2206 : vector<16xf32>
    %sub3A_2208 = arith.subf %gather3A_2187, %max3A_2195 : vector<16xf32>
    %exp3A_2209 = math.exp %sub3A_2208 : vector<16xf32>
    %sub3A_2210 = arith.subf %gather3A_2188, %max3A_2195 : vector<16xf32>
    %exp3A_2211 = math.exp %sub3A_2210 : vector<16xf32>
    %add3A_2212 = arith.addf %exp3A_2197, %exp3A_2199 : vector<16xf32>
    %add3A_2213 = arith.addf %add3A_2212, %exp3A_2201 : vector<16xf32>
    %add3A_2214 = arith.addf %add3A_2213, %exp3A_2203 : vector<16xf32>
    %add3A_2215 = arith.addf %add3A_2214, %exp3A_2205 : vector<16xf32>
    %add3A_2216 = arith.addf %add3A_2215, %exp3A_2207 : vector<16xf32>
    %add3A_2217 = arith.addf %add3A_2216, %exp3A_2209 : vector<16xf32>
    %add3A_2218 = arith.addf %add3A_2217, %exp3A_2211 : vector<16xf32>
    %div3A_2219 = arith.constant 1.000000e+00 : f32
    %div3A_2220 = vector.broadcast %div3A_2219 : f32 to vector<16xf32>
    %div3A_2221 = arith.divf %div3A_2220, %add3A_2218 : vector<16xf32>
    %gather3A_2222 = tpu.vector_load_idx %arg5[%add3A_2164, %broadcast_in_dim3A_2166] : memref<256x8xi32, #tpu.memory_space<vmem>>[vector<16xi32>, vector<16xi32>], vector<16xi32>,
    %mul3A_2223 = arith.mulf %exp3A_2197, %div3A_2221 : vector<16xf32>
    tpu.vector_store_idx %arg7[%add3A_2164, %gather3A_2222], %mul3A_2223 {add = true} : memref<256x16xf32, #tpu.memory_space<vmem>>[vector<16xi32>, vector<16xi32>], vector<16xf32>,
    %gather3A_2224 = tpu.vector_load_idx %arg5[%add3A_2164, %broadcast_in_dim3A_2168] : memref<256x8xi32, #tpu.memory_space<vmem>>[vector<16xi32>, vector<16xi32>], vector<16xi32>,
    %mul3A_2225 = arith.mulf %exp3A_2199, %div3A_2221 : vector<16xf32>
    tpu.vector_store_idx %arg7[%add3A_2164, %gather3A_2224], %mul3A_2225 {add = true} : memref<256x16xf32, #tpu.memory_space<vmem>>[vector<16xi32>, vector<16xi32>], vector<16xf32>,
    %gather3A_2226 = tpu.vector_load_idx %arg5[%add3A_2164, %broadcast_in_dim3A_2170] : memref<256x8xi32, #tpu.memory_space<vmem>>[vector<16xi32>, vector<16xi32>], vector<16xi32>,
    %mul3A_2227 = arith.mulf %exp3A_2201, %div3A_2221 : vector<16xf32>
    tpu.vector_store_idx %arg7[%add3A_2164, %gather3A_2226], %mul3A_2227 {add = true} : memref<256x16xf32, #tpu.memory_space<vmem>>[vector<16xi32>, vector<16xi32>], vector<16xf32>,
    %gather3A_2228 = tpu.vector_load_idx %arg5[%add3A_2164, %broadcast_in_dim3A_2172] : memref<256x8xi32, #tpu.memory_space<vmem>>[vector<16xi32>, vector<16xi32>], vector<16xi32>,
    %mul3A_2229 = arith.mulf %exp3A_2203, %div3A_2221 : vector<16xf32>
    tpu.vector_store_idx %arg7[%add3A_2164, %gather3A_2228], %mul3A_2229 {add = true} : memref<256x16xf32, #tpu.memory_space<vmem>>[vector<16xi32>, vector<16xi32>], vector<16xf32>,
    %gather3A_2230 = tpu.vector_load_idx %arg5[%add3A_2164, %broadcast_in_dim3A_2174] : memref<256x8xi32, #tpu.memory_space<vmem>>[vector<16xi32>, vector<16xi32>], vector<16xi32>,
    %mul3A_2231 = arith.mulf %exp3A_2205, %div3A_2221 : vector<16xf32>
    tpu.vector_store_idx %arg7[%add3A_2164, %gather3A_2230], %mul3A_2231 {add = true} : memref<256x16xf32, #tpu.memory_space<vmem>>[vector<16xi32>, vector<16xi32>], vector<16xf32>,
    %gather3A_2232 = tpu.vector_load_idx %arg5[%add3A_2164, %broadcast_in_dim3A_2176] : memref<256x8xi32, #tpu.memory_space<vmem>>[vector<16xi32>, vector<16xi32>], vector<16xi32>,
    %mul3A_2233 = arith.mulf %exp3A_2207, %div3A_2221 : vector<16xf32>
    tpu.vector_store_idx %arg7[%add3A_2164, %gather3A_2232], %mul3A_2233 {add = true} : memref<256x16xf32, #tpu.memory_space<vmem>>[vector<16xi32>, vector<16xi32>], vector<16xf32>,
    %gather3A_2234 = tpu.vector_load_idx %arg5[%add3A_2164, %broadcast_in_dim3A_2178] : memref<256x8xi32, #tpu.memory_space<vmem>>[vector<16xi32>, vector<16xi32>], vector<16xi32>,
    %mul3A_2235 = arith.mulf %exp3A_2209, %div3A_2221 : vector<16xf32>
    tpu.vector_store_idx %arg7[%add3A_2164, %gather3A_2234], %mul3A_2235 {add = true} : memref<256x16xf32, #tpu.memory_space<vmem>>[vector<16xi32>, vector<16xi32>], vector<16xf32>,
    %gather3A_2236 = tpu.vector_load_idx %arg5[%add3A_2164, %broadcast_in_dim3A_2180] : memref<256x8xi32, #tpu.memory_space<vmem>>[vector<16xi32>, vector<16xi32>], vector<16xi32>,
    %mul3A_2237 = arith.mulf %exp3A_2211, %div3A_2221 : vector<16xf32>
    tpu.vector_store_idx %arg7[%add3A_2164, %gather3A_2236], %mul3A_2237 {add = true} : memref<256x16xf32, #tpu.memory_space<vmem>>[vector<16xi32>, vector<16xi32>], vector<16xf32>,
    %barrier3A = arith.constant 0 : index
    tpu.barrier barrier_id(%barrier3A)
    "tpu.region"() ({
      %run_scoped3A = tpu.sem_alloc : memref<!tpu.dma_semaphore, #tpu.memory_space<semaphore_mem>>
      %dma_start3A = arith.constant 0 : i32
      %dma_start3A_2238 = tpu.memref_slice %arg4[%mul3A_2, %dma_start3A] : memref<8192x16xf32, #tpu.memory_space<hbm>> -> memref<256x16xf32, #tpu.memory_space<hbm>>
      %dma_start3A_2239 = arith.constant 0 : i32
      %dma_start3A_2240 = tpu.memref_slice %arg4[%mul3A_2, %dma_start3A_2239] : memref<8192x16xf32, #tpu.memory_space<hbm>> -> memref<256x16xf32, #tpu.memory_space<hbm>>
      tpu.enqueue_dma source(%arg7 : memref<256x16xf32, #tpu.memory_space<vmem>>) target(%dma_start3A_2240 : memref<256x16xf32, #tpu.memory_space<hbm>>) target_semaphore(%run_scoped3A : memref<!tpu.dma_semaphore, #tpu.memory_space<semaphore_mem>>)
      %dma_wait3A = arith.constant 0 : i32
      %dma_wait3A_2241 = tpu.memref_slice %arg4[%mul3A_2, %dma_wait3A] : memref<8192x16xf32, #tpu.memory_space<hbm>> -> memref<256x16xf32, #tpu.memory_space<hbm>>
      %dma_wait3A_2242 = arith.constant 0 : i32
      %dma_wait3A_2243 = tpu.memref_slice %arg4[%mul3A_2, %dma_wait3A_2242] : memref<8192x16xf32, #tpu.memory_space<hbm>> -> memref<256x16xf32, #tpu.memory_space<hbm>>
      tpu.wait_dma2 semaphore(%run_scoped3A : memref<!tpu.dma_semaphore, #tpu.memory_space<semaphore_mem>>) src(%arg7 : memref<256x16xf32, #tpu.memory_space<vmem>>) dst(%dma_wait3A_2243 : memref<256x16xf32, #tpu.memory_space<hbm>>)
      tpu.yield
    }) : () -> ()
    return
  }
}

module attributes {stable_mosaic.version = 14 : i64} {
  func.func @_adapter_kernel(%arg0: i32, %arg1: i32, %arg2: memref<2048x16xf32, #tpu.memory_space<vmem>>, %arg3: memref<2048x256xf32, #tpu.memory_space<vmem>>, %arg4: memref<1x256x256xf32, #tpu.memory_space<vmem>>, %arg5: memref<1x1x256xbf16, #tpu.memory_space<vmem>>, %arg6: memref<1x256x256xf32, #tpu.memory_space<vmem>>, %arg7: memref<1x1x256xf32, #tpu.memory_space<vmem>>, %arg8: memref<2048x256xf32, #tpu.memory_space<vmem>>) attributes {dimension_semantics = [#tpu.dimension_semantics<arbitrary>, #tpu.dimension_semantics<arbitrary>], iteration_bounds = array<i64: 16, 4>, scalar_prefetch = 0 : i64, scratch_operands = 0 : i64, tpu.core_type = #tpu.core_type<tc>, window_params = [{transform_indices = @transform_0, window_bounds = array<i64: 2048, 16>}, {transform_indices = @transform_1, window_bounds = array<i64: 2048, 256>}, {transform_indices = @transform_2, window_bounds = array<i64: 1, 256, 256>}, {transform_indices = @transform_3, window_bounds = array<i64: 1, 1, 256>}, {transform_indices = @transform_4, window_bounds = array<i64: 1, 256, 256>}, {transform_indices = @transform_5, window_bounds = array<i64: 1, 1, 256>}, {transform_indices = @transform_6, window_bounds = array<i64: 2048, 256>}]} {
    %iota3A = tpu.iota {dimensions = array<i32: 1>} : vector<1x16xi32>
    %eq3A = vector.broadcast %arg0 : i32 to vector<1x16xi32>
    %eq3A_0 = arith.cmpi eq, %iota3A, %eq3A : vector<1x16xi32>
    %get3A = arith.constant 0 : index
    %get3A_1 = arith.constant 0 : index
    %get3A_2 = vector.load %arg2[%get3A, %get3A_1] : memref<2048x16xf32, #tpu.memory_space<vmem>>, vector<2048x16xf32>
    %jit3A = arith.constant 0.000000e+00 : f32
    %broadcast_in_dim3A = vector.shape_cast %eq3A_0 : vector<1x16xi1> to vector<1x16xi1>
    %broadcast_in_dim3A_3 = vector.broadcast %broadcast_in_dim3A : vector<1x16xi1> to vector<2048x16xi1>
    %broadcast_in_dim3A_4 = vector.broadcast %jit3A : f32 to vector<2048x16xf32>
    %select_n3A = arith.select %broadcast_in_dim3A_3, %get3A_2, %broadcast_in_dim3A_4 : vector<2048x16xi1>, vector<2048x16xf32>
    %reduce_sum3A = arith.constant dense<0.000000e+00> : vector<2048xf32>
    %reduce_sum3A_5 = vector.multi_reduction <add>, %select_n3A, %reduce_sum3A [1] : vector<2048x16xf32> to vector<2048xf32>
    %broadcast_in_dim3A_6 = vector.shape_cast %reduce_sum3A_5 : vector<2048xf32> to vector<2048x1xf32>
    %get3A_7 = arith.constant 0 : index
    %get3A_8 = arith.constant 0 : index
    %get3A_9 = vector.load %arg3[%get3A_7, %get3A_8] : memref<2048x256xf32, #tpu.memory_space<vmem>>, vector<2048x256xf32>
    %convert_element_type3A = arith.truncf %get3A_9 : vector<2048x256xf32> to vector<2048x256xbf16>
    %get3A_10 = arith.constant 0 : index
    %get3A_11 = arith.constant 0 : index
    %get3A_12 = arith.constant 0 : index
    %get3A_13 = vector.load %arg4[%get3A_10, %get3A_11, %get3A_12] : memref<1x256x256xf32, #tpu.memory_space<vmem>>, vector<1x256x256xf32>
    %get3A_14 = vector.shape_cast %get3A_13 : vector<1x256x256xf32> to vector<256x256xf32>
    %convert_element_type3A_15 = arith.truncf %get3A_14 : vector<256x256xf32> to vector<256x256xbf16>
    %get3A_16 = arith.constant 0 : index
    %get3A_17 = arith.constant 0 : index
    %get3A_18 = arith.constant 0 : index
    %get3A_19 = vector.load %arg6[%get3A_16, %get3A_17, %get3A_18] : memref<1x256x256xf32, #tpu.memory_space<vmem>>, vector<1x256x256xf32>
    %get3A_20 = vector.shape_cast %get3A_19 : vector<1x256x256xf32> to vector<256x256xf32>
    %convert_element_type3A_21 = arith.truncf %get3A_20 : vector<256x256xf32> to vector<256x256xbf16>
    %dot_general3A = arith.constant dense<0.000000e+00> : vector<2048x256xf32>
    %dot_general3A_22 = tpu.matmul %convert_element_type3A, %convert_element_type3A_15, %dot_general3A {dimension_numbers = #tpu.dot_dimension_numbers<[1], [0], [0], [1], [0, 0, 1, 1], [], []>, transpose_lhs_hint = false} : vector<2048x256xbf16>, vector<256x256xbf16>, vector<2048x256xf32> -> vector<2048x256xf32>
    %convert_element_type3A_23 = arith.truncf %dot_general3A_22 : vector<2048x256xf32> to vector<2048x256xbf16>
    %get3A_24 = arith.constant 0 : index
    %get3A_25 = arith.constant 0 : index
    %get3A_26 = arith.constant 0 : index
    %get3A_27 = vector.load %arg5[%get3A_24, %get3A_25, %get3A_26] : memref<1x1x256xbf16, #tpu.memory_space<vmem>>, vector<1x1x256xbf16>
    %get3A_28 = vector.shape_cast %get3A_27 : vector<1x1x256xbf16> to vector<1x256xbf16>
    %add3A = vector.broadcast %get3A_28 : vector<1x256xbf16> to vector<2048x256xbf16>
    %add3A_29 = arith.addf %convert_element_type3A_23, %add3A : vector<2048x256xbf16>
    %mul3A = arith.constant 5.000000e-01 : bf16
    %mul3A_30 = vector.broadcast %mul3A : bf16 to vector<2048x256xbf16>
    %mul3A_31 = arith.mulf %add3A_29, %mul3A_30 : vector<2048x256xbf16>
    %tanh3A = math.tanh %mul3A_31 : vector<2048x256xbf16>
    %mul3A_32 = arith.mulf %mul3A_31, %tanh3A : vector<2048x256xbf16>
    %add3A_33 = arith.addf %mul3A_31, %mul3A_32 : vector<2048x256xbf16>
    %dot_general3A_34 = arith.constant dense<0.000000e+00> : vector<2048x256xf32>
    %dot_general3A_35 = tpu.matmul %add3A_33, %convert_element_type3A_21, %dot_general3A_34 {dimension_numbers = #tpu.dot_dimension_numbers<[1], [0], [0], [1], [0, 0, 1, 1], [], []>, transpose_lhs_hint = false} : vector<2048x256xbf16>, vector<256x256xbf16>, vector<2048x256xf32> -> vector<2048x256xf32>
    %get3A_36 = arith.constant 0 : index
    %get3A_37 = arith.constant 0 : index
    %get3A_38 = arith.constant 0 : index
    %get3A_39 = vector.load %arg7[%get3A_36, %get3A_37, %get3A_38] : memref<1x1x256xf32, #tpu.memory_space<vmem>>, vector<1x1x256xf32>
    %get3A_40 = vector.shape_cast %get3A_39 : vector<1x1x256xf32> to vector<1x256xf32>
    %add3A_41 = vector.broadcast %get3A_40 : vector<1x256xf32> to vector<2048x256xf32>
    %add3A_42 = arith.addf %dot_general3A_35, %add3A_41 : vector<2048x256xf32>
    %mul3A_43 = vector.broadcast %broadcast_in_dim3A_6 : vector<2048x1xf32> to vector<2048x256xf32>
    %mul3A_44 = arith.mulf %add3A_42, %mul3A_43 : vector<2048x256xf32>
    %swap3A = arith.constant 0 : index
    %swap3A_45 = arith.constant 0 : index
    %swap3A_46 = vector.load %arg8[%swap3A, %swap3A_45] : memref<2048x256xf32, #tpu.memory_space<vmem>>, vector<2048x256xf32>
    tpu.vector_store %arg8[%swap3A, %swap3A_45], %mul3A_44 {strides = array<i32>} : memref<2048x256xf32, #tpu.memory_space<vmem>>, vector<2048x256xf32>,
    return
  }
  func.func @transform_0(%arg0: i32, %arg1: i32) -> (i32, i32) {
    %c0_i32 = arith.constant 0 : i32
    %c0_i32_0 = arith.constant 0 : i32
    return %arg1, %c0_i32 : i32, i32
  }
  func.func @transform_1(%arg0: i32, %arg1: i32) -> (i32, i32) {
    %c0_i32 = arith.constant 0 : i32
    return %arg1, %arg0 : i32, i32
  }
  func.func @transform_2(%arg0: i32, %arg1: i32) -> (i32, i32, i32) {
    %c0_i32 = arith.constant 0 : i32
    %c0_i32_0 = arith.constant 0 : i32
    %c0_i32_1 = arith.constant 0 : i32
    return %arg0, %c0_i32, %c0_i32_0 : i32, i32, i32
  }
  func.func @transform_3(%arg0: i32, %arg1: i32) -> (i32, i32, i32) {
    %c0_i32 = arith.constant 0 : i32
    %c0_i32_0 = arith.constant 0 : i32
    %c0_i32_1 = arith.constant 0 : i32
    return %arg0, %c0_i32, %c0_i32_0 : i32, i32, i32
  }
  func.func @transform_4(%arg0: i32, %arg1: i32) -> (i32, i32, i32) {
    %c0_i32 = arith.constant 0 : i32
    %c0_i32_0 = arith.constant 0 : i32
    %c0_i32_1 = arith.constant 0 : i32
    return %arg0, %c0_i32, %c0_i32_0 : i32, i32, i32
  }
  func.func @transform_5(%arg0: i32, %arg1: i32) -> (i32, i32, i32) {
    %c0_i32 = arith.constant 0 : i32
    %c0_i32_0 = arith.constant 0 : i32
    %c0_i32_1 = arith.constant 0 : i32
    return %arg0, %c0_i32, %c0_i32_0 : i32, i32, i32
  }
  func.func @transform_6(%arg0: i32, %arg1: i32) -> (i32, i32) {
    %c0_i32 = arith.constant 0 : i32
    return %arg1, %arg0 : i32, i32
  }
}

</mosaic_0001>

<sc_bundles>
// kernel: kernel.4.cloned.1.call-start
scs
__scs_entry_jumppad:
0x0: {  	(pc) =	sbr.rel $0x88, $3  }
0x1: {  	(tag) =	ssettag $0x0;
	lr =	simm.s32 $0x1  }
0x2: {  	[smem:$0x3F9A] =	sst lr;
	_ =	strace $0xD0000000  }
0x3: {  	_ = 	snop  }
0x4: {  	_ = 	snop  }
0x5: {  	_ = 	snop  }
0x6: {  	_ = 	snop  }
0x7: {  	_ = 	snop  }
__scs_overlays_trampoline_lowered:
0x8: {  	[smem:$0x3FA9] =	sst s0  }
0x9: {  	[smem:$0x3FAA] =	sst s1  }
0xa: {  	[smem:$0x3FAB] =	sst s2  }
0xb: {  	[smem:$0x3FAC] =	sst s3  }
0xc: {  	[smem:$0x3FAD] =	sst s4  }
0xd: {  	[smem:$0x3FAE] =	sst s5  }
0xe: {  	[smem:$0x3FAF] =	sst s6  }
0xf: {  	[smem:$0x3FB0] =	sst s7  }
0x10: {  	[smem:$0x3FB1] =	sst s8  }
0x11: {  	[smem:$0x3FB2] =	sst s9;
	s0 =	simm.s32 @!p0 $0x0  }
0x12: {  	s1 =	sld [smem:$0x3F98];
	s0 =	simm.s32 @p0 $0x1  }
0x13: {  	[smem:$0x3FB3] =	sst s0;
	s0 =	simm.s32 @!p1 $0x0  }
0x14: {  	s2 =	sld [smem:$0x3F97];
	s0 =	simm.s32 @p1 $0x1  }
0x15: {  	[smem:$0x3FB4] =	sst s0;
	s0 =	simm.s32 @!p2 $0x0  }
0x16: {  	s3 =	sld [smem:$0x3FDB];
	s0 =	simm.s32 @p2 $0x1  }
0x17: {  	s4 =	simm.s32 $0x1BF5;
	[smem:$0x3FB6] =	sst s0  }
0x18: {  	s0 =	sld [smem:$0x3F99];
	_ =	swait.ge [sflag:s4], $0x0  }
0x19: {  	s7 =	sld [smem:$0x3F9A]  }
0x1a: {  	s8 =	sadd.s32 $0xFFFFE003, lr  }
0x1b: {  	s9 =	sadd.s32 $0xFFFFFEF7, lr;
	s5 =	simm.s32 $0xFFFFFFFF;
	p2 =	slt.u32 s8, $0xFFFFF086  }
0x1c: {  	p1 =	slt.u32 s9, $0xF7A;
	s5 =	simm.s32 @!p2 $0x0  }
0x1d: {  	s5 =	simm.s32 @p1 $0x1;
	p0 =	seq.s32 s7, s2  }
0x1e: {  	s7 =	smul.u32 @!p0 $0xF7A, s2;
	p2 =	seq.s32 @!p0 s5, $0x0  }
0x1f: {  	s9 =	smul.u32 $0xF7A, s1;
	s8 =	simm.s32 @!p0 $0x1BF5;
	p2 =	por !p2, p0  }
0x20: {  	[sflag:s8] =	ssyncset.s32 @!p0 $0xFFFFF086;
	s6 =	sadd.s32 @!p0 s3, s7;
	s7 =	simm.s32 @!p0 $0x108  }
0x21: {  	s3 =	sadd.s32 s3, s9;
	s6 =	sadd.s32 @!p0 $0x88, s6;
	s7 =	simm.s32 @p2 $0x1082  }
0x22: {  	[simem:s7], [sflag:s8] =	dma.local @!p0 [hbm:s6], $0xF7A  }
0x23: {  	s9 =	sor.u32 $0xD0000000, s2;
	s6 =	simm.s32 $0x108;
	_ =	swait.ge @!p0 [sflag:s8], $0x0  }
0x24: {  	s3 =	sadd.s32 $0x88, s3;
	s6 =	simm.s32 @!p1 $0x1082;
	[sflag:s4] =	ssyncset.s32 $0xFFFFF086  }
0x25: {  	[simem:s6], [sflag:s4] =	dma.local [hbm:s3], $0xF7A  }
0x26: {  	[smem:$0x3F9A] =	sst s1;
	(tag) =	ssettag s2;
	_ =	strace s9  }
0x27: {  	s1 =	sld [smem:$0x3FAA]  }
0x28: {  	s2 =	sld [smem:$0x3FAB]  }
0x29: {  	s4 =	sld [smem:$0x3FAD]  }
0x2a: {  	p0 =	seq.s32 s5, $0x0;
	s5 =	sld [smem:$0x3FAE]  }
0x2b: {  	s6 =	sld [smem:$0x3FAF]  }
0x2c: {  	s7 =	sld [smem:$0x3FB0]  }
0x2d: {  	s3 =	simm.s32 $0x108;
	s8 =	sld [smem:$0x3FB1]  }
0x2e: {  	s3 =	simm.s32 @!p0 $0x1082;
	s9 =	sld [smem:$0x3FB2]  }
0x2f: {  	lr =	sadd.s32 s0, s3;
	s0 =	sld [smem:$0x3FA9]  }
0x30: {  	s3 =	sld [smem:$0x3FAC]  }
0x31: {  	[smem:$0x3FB5] =	sst s10  }
0x32: {  	s10 =	sld [smem:$0x3FB3];
	_ =	sdelay $0x3  }
0x33: {  	p0 =	seq.s32 s10, $0x1;
	s10 =	sld [smem:$0x3FB5];
	_ =	sdelay $0x3  }
0x34: {  	[smem:$0x3FB5] =	sst s10  }
0x35: {  	s10 =	sld [smem:$0x3FB4];
	_ =	sdelay $0x3  }
0x36: {  	p1 =	seq.s32 s10, $0x1;
	s10 =	sld [smem:$0x3FB5];
	_ =	sdelay $0x3  }
0x37: {  	[smem:$0x3FB5] =	sst s10  }
0x38: {  	s10 =	sld [smem:$0x3FB6]  }
0x39: {  	_ = 	snop;
	(pc) =	sbr.ind lr, $3  }
0x3a: {  	_ = 	snop  }
0x3b: {  	_ = 	snop  }
0x3c: {  	p2 =	seq.s32 s10, $0x1;
	s10 =	sld [smem:$0x3FB5]  }
0x3d: {  	_ =	shalt  }
0x3e: {  	_ =	shalt  }
0x3f: {  	_ =	shalt  }
0x40: {  	_ =	shalt  }
0x41: {  	_ =	shalt  }
0x42: {  	_ =	shalt  }
0x43: {  	_ =	shalt  }
0x44: {  	_ =	shalt  }
0x45: {  	_ =	shalt  }
0x46: {  	_ =	shalt  }
0x47: {  	_ =	shalt  }
0x48: {  	_ =	shalt  }
0x49: {  	_ =	shalt  }
0x4a: {  	_ =	shalt  }
0x4b: {  	_ =	shalt  }
0x4c: {  	_ =	shalt  }
0x4d: {  	_ =	shalt  }
0x4e: {  	_ =	shalt  }
0x4f: {  	_ =	shalt  }
0x50: {  	_ =	shalt  }
0x51: {  	_ =	shalt  }
0x52: {  	_ =	shalt  }
0x53: {  	_ =	shalt  }
0x54: {  	_ =	shalt  }
0x55: {  	_ =	shalt  }
0x56: {  	_ =	shalt  }
0x57: {  	_ =	shalt  }
0x58: {  	_ =	shalt  }
0x59: {  	_ =	shalt  }
0x5a: {  	_ =	shalt  }
0x5b: {  	_ =	shalt  }
0x5c: {  	_ =	shalt  }
0x5d: {  	_ =	shalt  }
0x5e: {  	_ =	shalt  }
0x5f: {  	_ =	shalt  }
0x60: {  	_ =	shalt  }
0x61: {  	_ =	shalt  }
0x62: {  	_ =	shalt  }
0x63: {  	_ =	shalt  }
0x64: {  	_ =	shalt  }
0x65: {  	_ =	shalt  }
0x66: {  	_ =	shalt  }
0x67: {  	_ =	shalt  }
0x68: {  	_ =	shalt  }
0x69: {  	_ =	shalt  }
0x6a: {  	_ =	shalt  }
0x6b: {  	_ =	shalt  }
0x6c: {  	_ =	shalt  }
0x6d: {  	_ =	shalt  }
0x6e: {  	_ =	shalt  }
0x6f: {  	_ =	shalt  }
0x70: {  	_ =	shalt  }
0x71: {  	_ =	shalt  }
0x72: {  	_ =	shalt  }
0x73: {  	_ =	shalt  }
0x74: {  	_ =	shalt  }
0x75: {  	_ =	shalt  }
0x76: {  	_ =	shalt  }
0x77: {  	_ =	shalt  }
0x78: {  	_ =	shalt  }
0x79: {  	_ =	shalt  }
0x7a: {  	_ =	shalt  }
0x7b: {  	_ =	shalt  }
0x7c: {  	_ =	shalt  }
0x7d: {  	_ =	shalt  }
0x7e: {  	_ =	shalt  }
0x7f: {  	_ =	shalt  }
0x80: {  	_ =	shalt  }
0x81: {  	_ =	shalt  }
0x82: {  	_ =	shalt  }
0x83: {  	_ =	shalt  }
0x84: {  	_ =	shalt  }
0x85: {  	_ =	shalt  }
0x86: {  	_ =	shalt  }
0x87: {  	_ =	shalt  }
.Lfunc_end0:
.L_simem_size_0:
called_computation_lowered:
.L_overlay_start_0:
0x88: {  	s2 =	sld [smem:$0x3FD9]  }
0x89: {  	s3 =	sld [smem:$0x3FFE];
	_ =	sdelay $0x1  }
0x8a: {  	s1 =	srdreg.scid  }
0x8b: {  	s0 =	sand.u32 $0x1, s1  }
0x8c: {  	s17 =	sshll.u32 s0, $0xA;
	s2 =	sadd.s32 s3, s2  }
0x8d: {  	s2 =	sadd.s32 s2, s17  }
0x8e: {  	[smem:$0x3FC1] =	sst s2  }
0x8f: {  	_ = 	snop  }
0x90: {  	s2 =	sld [smem:$0x3FD0];
	(tm) =	ssettm $0x1  }
0x91: {  	s18 =	sld [smem:$0x3FFB];
	_ =	sdelay $0x3  }
0x92: {  	_ =	strace s18  }
0x93: {  	s3 =	sld [smem:$0x3FFC];
	_ =	sdelay $0x3  }
0x94: {  	_ =	strace s3  }
0x95: {  	s3 =	sld [smem:$0x3FFD];
	_ =	sdelay $0x3  }
0x96: {  	_ =	strace s3  }
0x97: {  	_ =	strace $0x8FFFFFFF  }
0x98: {  	s19 =	sld [smem:$0x3FDB];
	_ =	sdelay $0x1  }
0x99: {  	s4 =	simm.s32 $_scs_section_size  }
0x9a: {  	s5 =	simm.s32 $_size__tile_overlayer_lowered;
	s6 =	simm.s32 $_tile_overlayer_lowered  }
0x9b: {  	s22 =	simm.s32 $0x1BFF;
	s21 =	sshll.u32 s6, $0x1;
	s3 =	sadd.s32 s4, s19  }
0x9c: {  	s7 =	simm.s32 $0x0;
	s20 =	sshll.u32 s5, $0x1;
	s5 =	sadd.s32 s21, s3  }
0x9d: {  	[timem:s7], [sflag:s22] =	dma.local [hbm:s5], s20  }
0x9e: {  	_ =	swait.ge [sflag:s22], s20  }
0x9f: {  	s4 =	ssub.s32 $0x0, s20;
	[sflag:s22] =	ssyncset.done $0x0  }
0xa0: {  	[sflag:s22] =	ssyncadd.s32 s4;
	_ =	sdelay $0x1  }
0xa1: {  	s23 =	simm.s32 $0x1B8B  }
0xa2: {  	_ =	swait.ge [sflag:s23], $0x1  }
0xa3: {  	[sflag:s23] =	ssyncset.done $0x0  }
0xa4: {  	s25 =	simm.s32 $0x1B8E;
	s24 =	sld [smem:$0x3FFE];
	[sflag:s23] =	ssyncadd.s32 $0xFFFFFFFF  }
0xa5: {  	s26 =	simm.s32 $execute0_lowered;
	[smem:$0x3FD2] =	sst s25  }
0xa6: {  	s5 =	sshll.u32 s26, $0x1;
	_ =	strace $0x80000046;
	[dreg:$0x1] =	wrdreg $0xFFFFFFFF  }
0xa7: {  	s28 =	simm.s32 $_size_execute0_lowered;
	s3 =	sadd.s32 s3, s5;
	[dreg:$0x0] =	wrdreg $0x0  }
0xa8: {  	s5 =	sshll.u32 s28, $0x1;
	[dreg:$0x2] =	wrdreg s3  }
0xa9: {  	[dreg:$0x3] =	wrdreg s5  }
0xaa: {  	[dreg:$0x4] =	wrdreg $0xC0  }
0xab: {  	_ =	task [dreg:s7], $0x5FFFF  }
0xac: {  	[dreg:$0x1] =	wrdreg $0xFFFFFFFF  }
0xad: {  	[dreg:$0x0] =	wrdreg $0x60  }
0xae: {  	[dreg:$0x2] =	wrdreg s2  }
0xaf: {  	[dreg:$0x3] =	wrdreg s24  }
0xb0: {  	[dreg:$0x4] =	wrdreg $0x9  }
0xb1: {  	_ =	task.clear_ibuf [dreg:s7], $0x5FFFF;
	_ =	strace $0x90000046  }
0xb2: {  	s29 =	simm.s32 $0x9;
	_ =	strace $0x80000048  }
0xb3: {  	_ =	swait.ge [sflag:s29], $0x1  }
0xb4: {  	[sflag:s29] =	ssyncadd.s32 $0xFFFFFFFF  }
0xb5: {  	_ =	strace $0x90000048  }
0xb6: {  	_ =	sfence  }
0xb7: {  	s30 =	sld [smem:$0x0];
	_ =	sdelay $0x2  }
0xb8: {  	s31 =	sshll.u32 s1, $0xD;
	s1 =	sshrl.u32 s1, $0x2  }
0xb9: {  	s3 =	sand.u32 $0x4000, s31;
	s1 =	sadd.s32 s1, s30  }
0xba: {  	s0 =	sor.u32 s3, s0;
	s1 =	sshll.u32 s1, $0x11  }
0xbb: {  	s0 =	sor.u32 s1, s0  }
0xbc: {  	s0 =	sadd.s32 $0x8F2B, s0  }
0xbd: {  	[sflag:s0] =	ssyncadd.remote.s32 $0x1  }
0xbe: {  	_ =	sfence.sel $0xFFFF  }
0xbf: {  	[dreg:$0x0] =	wrdreg $0xFFFFFFFF;
	(pc) =	sbr.abs _section_cstart, $3  }
0xc0: {  	[dreg:$0x1] =	wrdreg $0xFFFFFFFF  }
0xc1: {  	_ =	task.clear_ibuf [dreg:s7], $0x2FFFF;
	_ =	strace $0x9FFFFFFF  }
0xc2: {  	(tm) =	ssettm $0x7FFFFFFF  }
0xc3: {  	_ =	shalt  }
tec
execute0_lowered:
.L_overlay_start_1:
0x0: {  	(tag) =	ssettag $0x1  }
0x1: {  	v0 =	vlaneseq.u32  }
0x2: {  	v0 =	vmul.u32 $0x80, v0;
	_ =	sdelay $0x1  }
0x3: {  	v1 =	vimm.f32 $0.0e+00;
	v2 =	vor.u32 $0x1, v0;
	v9 =	vor.u32 $0x800, v0  }
0x4: {  	v17 =	vor.u32 $0x1000, v0;
	v22 =	vor.u32 $0x1005, v0;
	v23 =	vor.u32 $0x1006, v0  }
0x5: {  	v24 =	vor.u32 $0x1007, v0;
	v25 =	vor.u32 $0x1800, v0;
	[tilespmem:$0x1FEE0] =	vst v2;
	v2 =	vor.u32 $0x2, v0  }
0x6: {  	v26 =	vor.u32 $0x1801, v0;
	v27 =	vor.u32 $0x1802, v0;
	[tilespmem:$0x1FEF0] =	vst v2;
	v2 =	vor.u32 $0x3, v0  }
0x7: {  	v28 =	vor.u32 $0x1803, v0;
	v29 =	vor.u32 $0x1804, v0;
	[tilespmem:$0x1FF00] =	vst v2;
	v2 =	vor.u32 $0x4, v0  }
0x8: {  	v30 =	vor.u32 $0x1805, v0;
	v31 =	vor.u32 $0x1806, v0;
	[tilespmem:$0x1FF10] =	vst v2;
	v2 =	vor.u32 $0x5, v0  }
0x9: {  	v32 =	vor.u32 $0x1807, v0;
	v33 =	vor.u32 $0x2000, v0;
	[tilespmem:$0x1FF20] =	vst v2;
	v2 =	vor.u32 $0x6, v0  }
0xa: {  	v34 =	vor.u32 $0x2001, v0;
	v35 =	vor.u32 $0x2002, v0;
	[tilespmem:$0x1FF30] =	vst v2;
	v2 =	vor.u32 $0x7, v0  }
0xb: {  	v36 =	vor.u32 $0x2003, v0;
	v37 =	vor.u32 $0x2004, v0;
	[tilespmem:$0x1FF40] =	vst v2;
	v2 =	vor.u32 $0x801, v0  }
0xc: {  	v38 =	vor.u32 $0x2005, v0;
	v39 =	vor.u32 $0x2006, v0;
	[tilespmem:$0x1FF50] =	vst v2;
	v2 =	vor.u32 $0x802, v0  }
0xd: {  	v40 =	vor.u32 $0x2007, v0;
	v41 =	vor.u32 $0x2800, v0;
	[tilespmem:$0x1FF60] =	vst v2;
	v2 =	vor.u32 $0x803, v0  }
0xe: {  	v42 =	vor.u32 $0x2801, v0;
	v43 =	vor.u32 $0x2802, v0;
	[tilespmem:$0x1FF70] =	vst v2;
	v2 =	vor.u32 $0x804, v0  }
0xf: {  	s3 =	rddreg [dreg:$0x0];
	v44 =	vor.u32 $0x2803, v0;
	v45 =	vor.u32 $0x2804, v0;
	[tilespmem:$0x1FF80] =	vst v2;
	v2 =	vor.u32 $0x805, v0  }
0x10: {  	s4 =	rddreg [dreg:$0x1];
	v46 =	vor.u32 $0x2805, v0;
	v47 =	vor.u32 $0x2806, v0;
	[tilespmem:$0x1FF90] =	vst v2;
	v2 =	vor.u32 $0x806, v0  }
0x11: {  	s0 =	rddreg [dreg:$0x2];
	s1 =	simm.s32 $0x0;
	s5 =	srdreg.scid;
	v48 =	vor.u32 $0x2807, v0;
	v49 =	vor.u32 $0x3000, v0;
	[tilespmem:$0x1FFA0] =	vst v2;
	v2 =	vor.u32 $0x807, v0  }
0x12: {  	s2 =	stileid.u32;
	s9 =	simm.s32 $0x10000;
	s5 =	sand.u32 $0x1, s5;
	v50 =	vor.u32 $0x3001, v0;
	v51 =	vor.u32 $0x3002, v0;
	[tilespmem:$0x1FFB0] =	vst v2;
	v2 =	vor.u32 $0x1001, v0  }
0x13: {  	s6 =	sshll.u32 s2, $0xD;
	s7 =	sshll.u32 s5, $0xC;
	s5 =	ssub.s32 $0x2, s5;
	v52 =	vor.u32 $0x3003, v0;
	v53 =	vor.u32 $0x3004, v0;
	[tilespmem:$0x1FFC0] =	vst v2;
	v2 =	vor.u32 $0x1002, v0  }
0x14: {  	[smem:$0x7FF] =	sst s1;
	s6 =	sor.u32 s7, s6;
	s31 =	sshrl.u32 s5, $0x1;
	v54 =	vor.u32 $0x3005, v0;
	v55 =	vor.u32 $0x3006, v0;
	[tilespmem:$0x1FFD0] =	vst v2;
	v2 =	vor.u32 $0x1003, v0  }
0x15: {  	v56 =	vor.u32 $0x3007, v0;
	v57 =	vor.u32 $0x3800, v0;
	s8 =	sadd.s32 s6, s4;
	s7 =	ssub.s32 s5, s31;
	s3 =	sadd.s32 s3, s6;
	[tilespmem:$0x1FFE0] =	vst v2;
	v2 =	vor.u32 $0x1004, v0  }
0x16: {  	v58 =	vor.u32 $0x3801, v0;
	v59 =	vor.u32 $0x3802, v0;
	v60 =	vor.u32 $0x3803, v0;
	s4 =	sadd.s32 $0x1000, s8;
	s5 =	sadd.s32 $0x21000, s8;
	s6 =	smax.u32 s7, $0x1;
	[tilespmem:$0x1FFF0] =	vst v2  }
0x17: {  	v61 =	vor.u32 $0x3804, v0;
	v62 =	vor.u32 $0x3805, v0;
	v63 =	vor.u32 $0x3806, v0;
	s7 =	simm.s32 $0x1;
	s8 =	simm.s32 $0x8000;
	_ =	strace $0x80000047  }
.LBB2_1:
0x18: {  	[tilespmem:s1], [sflag:$0x1] =	stream.linear.gather [hbm4b:s3+s1], $0x8000, $0x38;
	[tilespmem:$0x18000] =	vst v63  }
0x19: {  	_ =	swait.ge [sflag:s7], $0x8000  }
0x1a: {  	[sflag:s7] =	ssyncset.done $0x0  }
0x1b: {  	[sflag:s7] =	ssyncadd.s32 $0xFFFF8000  }
0x1c: {  	[tilespmem:s8], [sflag:$0x1] =	stream.linear.gather [hbm4b:s4+s1], $0x8000, $0x38;
	[tilespmem:$0x18000] =	vst v63  }
0x1d: {  	_ =	swait.ge [sflag:s7], $0x8000  }
0x1e: {  	[sflag:s7] =	ssyncset.done $0x0  }
0x1f: {  	[sflag:s7] =	ssyncadd.s32 $0xFFFF8000  }
0x20: {  	[tilespmem:$0x10000] =	vst v1  }
0x21: {  	[tilespmem:$0x10080] =	vst v1  }
0x22: {  	[tilespmem:$0x10100] =	vst v1  }
0x23: {  	[tilespmem:$0x10180] =	vst v1  }
0x24: {  	[tilespmem:$0x10200] =	vst v1  }
0x25: {  	[tilespmem:$0x10280] =	vst v1  }
0x26: {  	[tilespmem:$0x10300] =	vst v1  }
0x27: {  	[tilespmem:$0x10380] =	vst v1  }
0x28: {  	[tilespmem:$0x10400] =	vst v1  }
0x29: {  	[tilespmem:$0x10480] =	vst v1  }
0x2a: {  	[tilespmem:$0x10500] =	vst v1  }
0x2b: {  	[tilespmem:$0x10580] =	vst v1  }
0x2c: {  	[tilespmem:$0x10600] =	vst v1  }
0x2d: {  	[tilespmem:$0x10680] =	vst v1  }
0x2e: {  	[tilespmem:$0x10700] =	vst v1  }
0x2f: {  	[tilespmem:$0x10780] =	vst v1  }
0x30: {  	[tilespmem:$0x10800] =	vst v1  }
0x31: {  	[tilespmem:$0x10880] =	vst v1  }
0x32: {  	[tilespmem:$0x10900] =	vst v1  }
0x33: {  	[tilespmem:$0x10980] =	vst v1  }
0x34: {  	[tilespmem:$0x10A00] =	vst v1  }
0x35: {  	[tilespmem:$0x10A80] =	vst v1  }
0x36: {  	[tilespmem:$0x10B00] =	vst v1  }
0x37: {  	[tilespmem:$0x10B80] =	vst v1  }
0x38: {  	[tilespmem:$0x10C00] =	vst v1  }
0x39: {  	[tilespmem:$0x10C80] =	vst v1  }
0x3a: {  	[tilespmem:$0x10D00] =	vst v1  }
0x3b: {  	[tilespmem:$0x10D80] =	vst v1  }
0x3c: {  	[tilespmem:$0x10E00] =	vst v1  }
0x3d: {  	[tilespmem:$0x10E80] =	vst v1  }
0x3e: {  	[tilespmem:$0x10F00] =	vst v1  }
0x3f: {  	[tilespmem:$0x10F80] =	vst v1  }
0x40: {  	[tilespmem:$0x11000] =	vst v1  }
0x41: {  	[tilespmem:$0x11080] =	vst v1  }
0x42: {  	[tilespmem:$0x11100] =	vst v1  }
0x43: {  	[tilespmem:$0x11180] =	vst v1  }
0x44: {  	[tilespmem:$0x11200] =	vst v1  }
0x45: {  	[tilespmem:$0x11280] =	vst v1  }
0x46: {  	[tilespmem:$0x11300] =	vst v1  }
0x47: {  	[tilespmem:$0x11380] =	vst v1  }
0x48: {  	[tilespmem:$0x11400] =	vst v1  }
0x49: {  	[tilespmem:$0x11480] =	vst v1  }
0x4a: {  	[tilespmem:$0x11500] =	vst v1  }
0x4b: {  	[tilespmem:$0x11580] =	vst v1  }
0x4c: {  	[tilespmem:$0x11600] =	vst v1  }
0x4d: {  	[tilespmem:$0x11680] =	vst v1  }
0x4e: {  	[tilespmem:$0x11700] =	vst v1  }
0x4f: {  	[tilespmem:$0x11780] =	vst v1  }
0x50: {  	[tilespmem:$0x11800] =	vst v1  }
0x51: {  	[tilespmem:$0x11880] =	vst v1  }
0x52: {  	[tilespmem:$0x11900] =	vst v1  }
0x53: {  	[tilespmem:$0x11980] =	vst v1  }
0x54: {  	[tilespmem:$0x11A00] =	vst v1  }
0x55: {  	[tilespmem:$0x11A80] =	vst v1  }
0x56: {  	[tilespmem:$0x11B00] =	vst v1  }
0x57: {  	[tilespmem:$0x11B80] =	vst v1  }
0x58: {  	[tilespmem:$0x11C00] =	vst v1  }
0x59: {  	[tilespmem:$0x11C80] =	vst v1  }
0x5a: {  	[tilespmem:$0x11D00] =	vst v1  }
0x5b: {  	[tilespmem:$0x11D80] =	vst v1  }
0x5c: {  	[tilespmem:$0x11E00] =	vst v1  }
0x5d: {  	[tilespmem:$0x11E80] =	vst v1  }
0x5e: {  	[tilespmem:$0x11F00] =	vst v1  }
0x5f: {  	[tilespmem:$0x11F80] =	vst v1  }
0x60: {  	[tilespmem:$0x12000] =	vst v1  }
0x61: {  	[tilespmem:$0x12080] =	vst v1  }
0x62: {  	[tilespmem:$0x12100] =	vst v1  }
0x63: {  	[tilespmem:$0x12180] =	vst v1  }
0x64: {  	[tilespmem:$0x12200] =	vst v1  }
0x65: {  	[tilespmem:$0x12280] =	vst v1  }
0x66: {  	[tilespmem:$0x12300] =	vst v1  }
0x67: {  	[tilespmem:$0x12380] =	vst v1  }
0x68: {  	[tilespmem:$0x12400] =	vst v1  }
0x69: {  	[tilespmem:$0x12480] =	vst v1  }
0x6a: {  	[tilespmem:$0x12500] =	vst v1  }
0x6b: {  	[tilespmem:$0x12580] =	vst v1  }
0x6c: {  	[tilespmem:$0x12600] =	vst v1  }
0x6d: {  	[tilespmem:$0x12680] =	vst v1  }
0x6e: {  	[tilespmem:$0x12700] =	vst v1  }
0x6f: {  	[tilespmem:$0x12780] =	vst v1  }
0x70: {  	[tilespmem:$0x12800] =	vst v1  }
0x71: {  	[tilespmem:$0x12880] =	vst v1  }
0x72: {  	[tilespmem:$0x12900] =	vst v1  }
0x73: {  	[tilespmem:$0x12980] =	vst v1  }
0x74: {  	[tilespmem:$0x12A00] =	vst v1  }
0x75: {  	[tilespmem:$0x12A80] =	vst v1  }
0x76: {  	[tilespmem:$0x12B00] =	vst v1  }
0x77: {  	[tilespmem:$0x12B80] =	vst v1  }
0x78: {  	[tilespmem:$0x12C00] =	vst v1  }
0x79: {  	[tilespmem:$0x12C80] =	vst v1  }
0x7a: {  	[tilespmem:$0x12D00] =	vst v1  }
0x7b: {  	[tilespmem:$0x12D80] =	vst v1  }
0x7c: {  	[tilespmem:$0x12E00] =	vst v1  }
0x7d: {  	[tilespmem:$0x12E80] =	vst v1  }
0x7e: {  	[tilespmem:$0x12F00] =	vst v1  }
0x7f: {  	[tilespmem:$0x12F80] =	vst v1  }
0x80: {  	[tilespmem:$0x13000] =	vst v1  }
0x81: {  	[tilespmem:$0x13080] =	vst v1  }
0x82: {  	[tilespmem:$0x13100] =	vst v1  }
0x83: {  	[tilespmem:$0x13180] =	vst v1  }
0x84: {  	[tilespmem:$0x13200] =	vst v1  }
0x85: {  	[tilespmem:$0x13280] =	vst v1  }
0x86: {  	[tilespmem:$0x13300] =	vst v1  }
0x87: {  	[tilespmem:$0x13380] =	vst v1  }
0x88: {  	[tilespmem:$0x13400] =	vst v1  }
0x89: {  	[tilespmem:$0x13480] =	vst v1  }
0x8a: {  	[tilespmem:$0x13500] =	vst v1  }
0x8b: {  	[tilespmem:$0x13580] =	vst v1  }
0x8c: {  	[tilespmem:$0x13600] =	vst v1  }
0x8d: {  	[tilespmem:$0x13680] =	vst v1  }
0x8e: {  	[tilespmem:$0x13700] =	vst v1  }
0x8f: {  	[tilespmem:$0x13780] =	vst v1  }
0x90: {  	[tilespmem:$0x13800] =	vst v1  }
0x91: {  	[tilespmem:$0x13880] =	vst v1  }
0x92: {  	[tilespmem:$0x13900] =	vst v1  }
0x93: {  	[tilespmem:$0x13980] =	vst v1  }
0x94: {  	[tilespmem:$0x13A00] =	vst v1  }
0x95: {  	[tilespmem:$0x13A80] =	vst v1  }
0x96: {  	[tilespmem:$0x13B00] =	vst v1  }
0x97: {  	[tilespmem:$0x13B80] =	vst v1  }
0x98: {  	[tilespmem:$0x13C00] =	vst v1  }
0x99: {  	[tilespmem:$0x13C80] =	vst v1  }
0x9a: {  	[tilespmem:$0x13D00] =	vst v1  }
0x9b: {  	[tilespmem:$0x13D80] =	vst v1  }
0x9c: {  	[tilespmem:$0x13E00] =	vst v1  }
0x9d: {  	[tilespmem:$0x13E80] =	vst v1  }
0x9e: {  	[tilespmem:$0x13F00] =	vst v1  }
0x9f: {  	[tilespmem:$0x13F80] =	vst v1  }
0xa0: {  	[tilespmem:$0x14000] =	vst v1  }
0xa1: {  	[tilespmem:$0x14080] =	vst v1  }
0xa2: {  	[tilespmem:$0x14100] =	vst v1  }
0xa3: {  	[tilespmem:$0x14180] =	vst v1  }
0xa4: {  	[tilespmem:$0x14200] =	vst v1  }
0xa5: {  	[tilespmem:$0x14280] =	vst v1  }
0xa6: {  	[tilespmem:$0x14300] =	vst v1  }
0xa7: {  	[tilespmem:$0x14380] =	vst v1  }
0xa8: {  	[tilespmem:$0x14400] =	vst v1  }
0xa9: {  	[tilespmem:$0x14480] =	vst v1  }
0xaa: {  	[tilespmem:$0x14500] =	vst v1  }
0xab: {  	[tilespmem:$0x14580] =	vst v1  }
0xac: {  	[tilespmem:$0x14600] =	vst v1  }
0xad: {  	[tilespmem:$0x14680] =	vst v1  }
0xae: {  	[tilespmem:$0x14700] =	vst v1  }
0xaf: {  	[tilespmem:$0x14780] =	vst v1  }
0xb0: {  	[tilespmem:$0x14800] =	vst v1  }
0xb1: {  	[tilespmem:$0x14880] =	vst v1  }
0xb2: {  	[tilespmem:$0x14900] =	vst v1  }
0xb3: {  	[tilespmem:$0x14980] =	vst v1  }
0xb4: {  	[tilespmem:$0x14A00] =	vst v1  }
0xb5: {  	[tilespmem:$0x14A80] =	vst v1  }
0xb6: {  	[tilespmem:$0x14B00] =	vst v1  }
0xb7: {  	[tilespmem:$0x14B80] =	vst v1  }
0xb8: {  	[tilespmem:$0x14C00] =	vst v1  }
0xb9: {  	[tilespmem:$0x14C80] =	vst v1  }
0xba: {  	[tilespmem:$0x14D00] =	vst v1  }
0xbb: {  	[tilespmem:$0x14D80] =	vst v1  }
0xbc: {  	[tilespmem:$0x14E00] =	vst v1  }
0xbd: {  	[tilespmem:$0x14E80] =	vst v1  }
0xbe: {  	[tilespmem:$0x14F00] =	vst v1  }
0xbf: {  	[tilespmem:$0x14F80] =	vst v1  }
0xc0: {  	[tilespmem:$0x15000] =	vst v1  }
0xc1: {  	[tilespmem:$0x15080] =	vst v1  }
0xc2: {  	[tilespmem:$0x15100] =	vst v1  }
0xc3: {  	[tilespmem:$0x15180] =	vst v1  }
0xc4: {  	[tilespmem:$0x15200] =	vst v1  }
0xc5: {  	[tilespmem:$0x15280] =	vst v1  }
0xc6: {  	[tilespmem:$0x15300] =	vst v1  }
0xc7: {  	[tilespmem:$0x15380] =	vst v1  }
0xc8: {  	[tilespmem:$0x15400] =	vst v1  }
0xc9: {  	[tilespmem:$0x15480] =	vst v1  }
0xca: {  	[tilespmem:$0x15500] =	vst v1  }
0xcb: {  	[tilespmem:$0x15580] =	vst v1  }
0xcc: {  	[tilespmem:$0x15600] =	vst v1  }
0xcd: {  	[tilespmem:$0x15680] =	vst v1  }
0xce: {  	[tilespmem:$0x15700] =	vst v1  }
0xcf: {  	[tilespmem:$0x15780] =	vst v1  }
0xd0: {  	[tilespmem:$0x15800] =	vst v1  }
0xd1: {  	[tilespmem:$0x15880] =	vst v1  }
0xd2: {  	[tilespmem:$0x15900] =	vst v1  }
0xd3: {  	[tilespmem:$0x15980] =	vst v1  }
0xd4: {  	[tilespmem:$0x15A00] =	vst v1  }
0xd5: {  	[tilespmem:$0x15A80] =	vst v1  }
0xd6: {  	[tilespmem:$0x15B00] =	vst v1  }
0xd7: {  	[tilespmem:$0x15B80] =	vst v1  }
0xd8: {  	[tilespmem:$0x15C00] =	vst v1  }
0xd9: {  	[tilespmem:$0x15C80] =	vst v1  }
0xda: {  	[tilespmem:$0x15D00] =	vst v1  }
0xdb: {  	[tilespmem:$0x15D80] =	vst v1  }
0xdc: {  	[tilespmem:$0x15E00] =	vst v1  }
0xdd: {  	[tilespmem:$0x15E80] =	vst v1  }
0xde: {  	[tilespmem:$0x15F00] =	vst v1  }
0xdf: {  	[tilespmem:$0x15F80] =	vst v1  }
0xe0: {  	[tilespmem:$0x16000] =	vst v1  }
0xe1: {  	[tilespmem:$0x16080] =	vst v1  }
0xe2: {  	[tilespmem:$0x16100] =	vst v1  }
0xe3: {  	[tilespmem:$0x16180] =	vst v1  }
0xe4: {  	[tilespmem:$0x16200] =	vst v1  }
0xe5: {  	[tilespmem:$0x16280] =	vst v1  }
0xe6: {  	[tilespmem:$0x16300] =	vst v1  }
0xe7: {  	[tilespmem:$0x16380] =	vst v1  }
0xe8: {  	[tilespmem:$0x16400] =	vst v1  }
0xe9: {  	[tilespmem:$0x16480] =	vst v1  }
0xea: {  	[tilespmem:$0x16500] =	vst v1  }
0xeb: {  	[tilespmem:$0x16580] =	vst v1  }
0xec: {  	[tilespmem:$0x16600] =	vst v1  }
0xed: {  	[tilespmem:$0x16680] =	vst v1  }
0xee: {  	[tilespmem:$0x16700] =	vst v1  }
0xef: {  	[tilespmem:$0x16780] =	vst v1  }
0xf0: {  	[tilespmem:$0x16800] =	vst v1  }
0xf1: {  	[tilespmem:$0x16880] =	vst v1  }
0xf2: {  	[tilespmem:$0x16900] =	vst v1  }
0xf3: {  	[tilespmem:$0x16980] =	vst v1  }
0xf4: {  	[tilespmem:$0x16A00] =	vst v1  }
0xf5: {  	[tilespmem:$0x16A80] =	vst v1  }
0xf6: {  	[tilespmem:$0x16B00] =	vst v1  }
0xf7: {  	[tilespmem:$0x16B80] =	vst v1  }
0xf8: {  	[tilespmem:$0x16C00] =	vst v1  }
0xf9: {  	[tilespmem:$0x16C80] =	vst v1  }
0xfa: {  	[tilespmem:$0x16D00] =	vst v1  }
0xfb: {  	[tilespmem:$0x16D80] =	vst v1  }
0xfc: {  	[tilespmem:$0x16E00] =	vst v1  }
0xfd: {  	[tilespmem:$0x16E80] =	vst v1  }
0xfe: {  	[tilespmem:$0x16F00] =	vst v1  }
0xff: {  	[tilespmem:$0x16F80] =	vst v1  }
0x100: {  	[tilespmem:$0x17000] =	vst v1  }
0x101: {  	[tilespmem:$0x17080] =	vst v1  }
0x102: {  	[tilespmem:$0x17100] =	vst v1  }
0x103: {  	[tilespmem:$0x17180] =	vst v1  }
0x104: {  	[tilespmem:$0x17200] =	vst v1  }
0x105: {  	[tilespmem:$0x17280] =	vst v1  }
0x106: {  	[tilespmem:$0x17300] =	vst v1  }
0x107: {  	[tilespmem:$0x17380] =	vst v1  }
0x108: {  	[tilespmem:$0x17400] =	vst v1  }
0x109: {  	[tilespmem:$0x17480] =	vst v1  }
0x10a: {  	[tilespmem:$0x17500] =	vst v1  }
0x10b: {  	[tilespmem:$0x17580] =	vst v1  }
0x10c: {  	[tilespmem:$0x17600] =	vst v1  }
0x10d: {  	[tilespmem:$0x17680] =	vst v1  }
0x10e: {  	[tilespmem:$0x17700] =	vst v1  }
0x10f: {  	[tilespmem:$0x17780] =	vst v1  }
0x110: {  	[tilespmem:$0x17800] =	vst v1  }
0x111: {  	[tilespmem:$0x17880] =	vst v1  }
0x112: {  	[tilespmem:$0x17900] =	vst v1  }
0x113: {  	[tilespmem:$0x17980] =	vst v1  }
0x114: {  	[tilespmem:$0x17A00] =	vst v1  }
0x115: {  	[tilespmem:$0x17A80] =	vst v1  }
0x116: {  	[tilespmem:$0x17B00] =	vst v1  }
0x117: {  	[tilespmem:$0x17B80] =	vst v1  }
0x118: {  	[tilespmem:$0x17C00] =	vst v1  }
0x119: {  	v13 =	vld [tilespmem:$0x1FEE0];
	[tilespmem:$0x17C80] =	vst v1  }
0x11a: {  	v14 =	vld [tilespmem:$0x1FEF0];
	[tilespmem:$0x17D00] =	vst v1  }
0x11b: {  	v15 =	vld [tilespmem:$0x1FF00];
	[tilespmem:$0x17D80] =	vst v1  }
0x11c: {  	v16 =	vld [tilespmem:$0x1FF10];
	[tilespmem:$0x17E00] =	vst v1  }
0x11d: {  	v18 =	vld [tilespmem:$0x1FF20];
	[tilespmem:$0x17E80] =	vst v1  }
0x11e: {  	v19 =	vld [tilespmem:$0x1FF30];
	[tilespmem:$0x17F80] =	vst v1  }
0x11f: {  	v20 =	vld [tilespmem:$0x1FF40];
	[tilespmem:$0x17F00] =	vst v1  }
0x120: {  	v2 =	vld.idx.msk [tilespmem:v0+s8+$0x0], $0xffff  }
0x121: {  	v3 =	vld.idx.msk [tilespmem:v13+s8+$0x0], $0xffff  }
0x122: {  	v4 =	vld.idx.msk [tilespmem:v14+s8+$0x0], $0xffff  }
0x123: {  	v5 =	vld.idx.msk [tilespmem:v15+s8+$0x0], $0xffff  }
0x124: {  	v6 =	vld.idx.msk [tilespmem:v16+s8+$0x0], $0xffff  }
0x125: {  	v7 =	vld.idx.msk [tilespmem:v18+s8+$0x0], $0xffff  }
0x126: {  	v8 =	vld.idx.msk [tilespmem:v19+s8+$0x0], $0xffff;
	v10 =	vmax.f32 v2, v3  }
0x127: {  	v11 =	vld.idx.msk [tilespmem:v20+s8+$0x0], $0xffff;
	v10 =	vmax.f32 v10, v4  }
0x128: {  	v10 =	vmax.f32 v10, v5  }
0x129: {  	v10 =	vmax.f32 v10, v6  }
0x12a: {  	v10 =	vmax.f32 v10, v7  }
0x12b: {  	v10 =	vmax.f32 v10, v8  }
0x12c: {  	v10 =	vmax.f32 v10, v11  }
0x12d: {  	v2 =	vsub.f32 v2, v10  }
0x12e: {  	v3 =	vsub.f32 v3, v10  }
0x12f: {  	v2 =	vmul.f32 $1.442695020e+00, v2  }
0x130: {  	v4 =	vsub.f32 v4, v10;
	v3 =	vmul.f32 $1.442695020e+00, v3  }
0x131: {  	(erf) = vpow2.f32 v2  }
0x132: {  	v2 =	vmul.f32 $1.442695020e+00, v4;
	(erf) = vpow2.f32 v3;
	v3 =	vsub.f32 v5, v10;
	_ =	sdelay $0x1  }
0x133: {  	(erf) = vpow2.f32 v2;
	v2 =	vmul.f32 $1.442695020e+00, v3;
	v3 =	vsub.f32 v6, v10;
	_ =	sdelay $0x1  }
0x134: {  	(erf) = vpow2.f32 v2;
	v2 =	vmul.f32 $1.442695020e+00, v3;
	v3 =	vsub.f32 v7, v10;
	_ =	sdelay $0x1  }
0x135: {  	(erf) = vpow2.f32 v2;
	v2 =	vmul.f32 $1.442695020e+00, v3;
	v3 =	vsub.f32 v8, v10;
	_ =	sdelay $0x1  }
0x136: {  	v4 =	vpop (erf);
	(erf) = vpow2.f32 v2;
	v2 =	vmul.f32 $1.442695020e+00, v3;
	v3 =	vsub.f32 v11, v10  }
0x137: {  	v5 =	vpop (erf)  }
0x138: {  	(erf) = vpow2.f32 v2;
	v2 =	vmul.f32 $1.442695020e+00, v3;
	v3 =	vadd.f32 v5, v4;
	_ =	sdelay $0x1  }
0x139: {  	v6 =	vpop (erf)  }
0x13a: {  	(erf) = vpow2.f32 v2;
	v2 =	vadd.f32 v3, v6  }
0x13b: {  	v3 =	vpop (erf)  }
0x13c: {  	v2 =	vadd.f32 v2, v3  }
0x13d: {  	v7 =	vpop (erf)  }
0x13e: {  	v2 =	vadd.f32 v2, v7  }
0x13f: {  	v8 =	vpop (erf)  }
0x140: {  	v2 =	vadd.f32 v2, v8  }
0x141: {  	v10 =	vpop (erf)  }
0x142: {  	v2 =	vadd.f32 v2, v10  }
0x143: {  	v11 =	vpop (erf)  }
0x144: {  	v2 =	vadd.f32 v2, v11;
	_ =	sdelay $0x1  }
0x145: {  	(erf) = vrcp.f32 v2;
	_ =	sdelay $0x1  }
0x146: {  	v2 =	vld.idx.msk [tilespmem:v0+s1+$0x0], $0xffff;
	_ =	sdelay $0x4  }
0x147: {  	v2 =	vadd.s32 v0, v2;
	_ =	sdelay $0x1  }
0x148: {  	v12 =	vpop (erf)  }
0x149: {  	v4 =	vmul.f32 v12, v4;
	_ =	sdelay $0x1  }
0x14a: {  	[tilespmem:v2+s9+$0x0] =	vst.idx.add.f32.msk $0xffff, v4  }
0x14b: {  	v2 =	vld.idx.msk [tilespmem:v13+s1+$0x0], $0xffff;
	_ =	sdelay $0x4  }
0x14c: {  	v2 =	vadd.s32 v0, v2;
	_ =	sdelay $0x2  }
0x14d: {  	v13 =	vmul.f32 v12, v5;
	_ =	sdelay $0x1  }
0x14e: {  	[tilespmem:v2+s9+$0x0] =	vst.idx.add.f32.msk $0xffff, v13  }
0x14f: {  	v2 =	vld.idx.msk [tilespmem:v14+s1+$0x0], $0xffff;
	_ =	sdelay $0x4  }
0x150: {  	v2 =	vadd.s32 v0, v2;
	_ =	sdelay $0x2  }
0x151: {  	v14 =	vmul.f32 v12, v6;
	_ =	sdelay $0x1  }
0x152: {  	[tilespmem:v2+s9+$0x0] =	vst.idx.add.f32.msk $0xffff, v14  }
0x153: {  	v2 =	vld.idx.msk [tilespmem:v15+s1+$0x0], $0xffff;
	_ =	sdelay $0x4  }
0x154: {  	v2 =	vadd.s32 v0, v2;
	_ =	sdelay $0x2  }
0x155: {  	v3 =	vmul.f32 v12, v3;
	_ =	sdelay $0x1  }
0x156: {  	[tilespmem:v2+s9+$0x0] =	vst.idx.add.f32.msk $0xffff, v3  }
0x157: {  	v2 =	vld.idx.msk [tilespmem:v16+s1+$0x0], $0xffff;
	_ =	sdelay $0x4  }
0x158: {  	v2 =	vadd.s32 v0, v2;
	_ =	sdelay $0x2  }
0x159: {  	v3 =	vmul.f32 v12, v7;
	_ =	sdelay $0x1  }
0x15a: {  	[tilespmem:v2+s9+$0x0] =	vst.idx.add.f32.msk $0xffff, v3  }
0x15b: {  	v2 =	vld.idx.msk [tilespmem:v18+s1+$0x0], $0xffff;
	_ =	sdelay $0x4  }
0x15c: {  	v2 =	vadd.s32 v0, v2;
	_ =	sdelay $0x2  }
0x15d: {  	v3 =	vmul.f32 v12, v8;
	_ =	sdelay $0x1  }
0x15e: {  	[tilespmem:v2+s9+$0x0] =	vst.idx.add.f32.msk $0xffff, v3  }
0x15f: {  	v2 =	vld.idx.msk [tilespmem:v19+s1+$0x0], $0xffff;
	_ =	sdelay $0x4  }
0x160: {  	v2 =	vadd.s32 v0, v2;
	_ =	sdelay $0x2  }
0x161: {  	v3 =	vmul.f32 v12, v10;
	_ =	sdelay $0x1  }
0x162: {  	[tilespmem:v2+s9+$0x0] =	vst.idx.add.f32.msk $0xffff, v3  }
0x163: {  	v2 =	vld.idx.msk [tilespmem:v20+s1+$0x0], $0xffff;
	_ =	sdelay $0x2  }
0x164: {  	v13 =	vld [tilespmem:$0x1FF50]  }
0x165: {  	v14 =	vld [tilespmem:$0x1FF60]  }
0x166: {  	v15 =	vld [tilespmem:$0x1FF70];
	v2 =	vadd.s32 v0, v2  }
0x167: {  	v16 =	vld [tilespmem:$0x1FF80]  }
0x168: {  	v18 =	vld [tilespmem:$0x1FF90]  }
0x169: {  	v19 =	vld [tilespmem:$0x1FFA0];
	v3 =	vmul.f32 v12, v11  }
0x16a: {  	v20 =	vld [tilespmem:$0x1FFB0]  }
0x16b: {  	[tilespmem:v2+s9+$0x0] =	vst.idx.add.f32.msk $0xffff, v3  }
0x16c: {  	v2 =	vld.idx.msk [tilespmem:v9+s8+$0x0], $0xffff  }
0x16d: {  	v3 =	vld.idx.msk [tilespmem:v13+s8+$0x0], $0xffff  }
0x16e: {  	v4 =	vld.idx.msk [tilespmem:v14+s8+$0x0], $0xffff  }
0x16f: {  	v5 =	vld.idx.msk [tilespmem:v15+s8+$0x0], $0xffff  }
0x170: {  	v6 =	vld.idx.msk [tilespmem:v16+s8+$0x0], $0xffff  }
0x171: {  	v12 =	vld.idx.msk [tilespmem:v18+s8+$0x0], $0xffff  }
0x172: {  	v8 =	vld.idx.msk [tilespmem:v19+s8+$0x0], $0xffff;
	v10 =	vmax.f32 v2, v3  }
0x173: {  	v11 =	vld.idx.msk [tilespmem:v20+s8+$0x0], $0xffff;
	v10 =	vmax.f32 v10, v4  }
0x174: {  	v10 =	vmax.f32 v10, v5  }
0x175: {  	v10 =	vmax.f32 v10, v6  }
0x176: {  	v10 =	vmax.f32 v10, v12  }
0x177: {  	v10 =	vmax.f32 v10, v8  }
0x178: {  	v10 =	vmax.f32 v10, v11  }
0x179: {  	v2 =	vsub.f32 v2, v10  }
0x17a: {  	v3 =	vsub.f32 v3, v10  }
0x17b: {  	v2 =	vmul.f32 $1.442695020e+00, v2  }
0x17c: {  	v4 =	vsub.f32 v4, v10;
	v3 =	vmul.f32 $1.442695020e+00, v3  }
0x17d: {  	(erf) = vpow2.f32 v2  }
0x17e: {  	v2 =	vmul.f32 $1.442695020e+00, v4;
	(erf) = vpow2.f32 v3;
	v3 =	vsub.f32 v5, v10;
	_ =	sdelay $0x1  }
0x17f: {  	(erf) = vpow2.f32 v2;
	v2 =	vmul.f32 $1.442695020e+00, v3;
	v3 =	vsub.f32 v6, v10;
	_ =	sdelay $0x1  }
0x180: {  	(erf) = vpow2.f32 v2;
	v2 =	vmul.f32 $1.442695020e+00, v3;
	v3 =	vsub.f32 v12, v10;
	_ =	sdelay $0x1  }
0x181: {  	(erf) = vpow2.f32 v2;
	v2 =	vmul.f32 $1.442695020e+00, v3;
	v3 =	vsub.f32 v8, v10;
	_ =	sdelay $0x1  }
0x182: {  	v4 =	vpop (erf);
	(erf) = vpow2.f32 v2;
	v2 =	vmul.f32 $1.442695020e+00, v3;
	v3 =	vsub.f32 v11, v10  }
0x183: {  	v5 =	vpop (erf)  }
0x184: {  	(erf) = vpow2.f32 v2;
	v2 =	vmul.f32 $1.442695020e+00, v3;
	v3 =	vadd.f32 v5, v4;
	_ =	sdelay $0x1  }
0x185: {  	v6 =	vpop (erf)  }
0x186: {  	(erf) = vpow2.f32 v2;
	v2 =	vadd.f32 v3, v6  }
0x187: {  	v3 =	vpop (erf)  }
0x188: {  	v2 =	vadd.f32 v2, v3  }
0x189: {  	v7 =	vpop (erf)  }
0x18a: {  	v2 =	vadd.f32 v2, v7  }
0x18b: {  	v8 =	vpop (erf)  }
0x18c: {  	v2 =	vadd.f32 v2, v8  }
0x18d: {  	v10 =	vpop (erf)  }
0x18e: {  	v2 =	vadd.f32 v2, v10  }
0x18f: {  	v11 =	vpop (erf)  }
0x190: {  	v2 =	vadd.f32 v2, v11;
	_ =	sdelay $0x1  }
0x191: {  	(erf) = vrcp.f32 v2;
	_ =	sdelay $0x1  }
0x192: {  	v2 =	vld.idx.msk [tilespmem:v9+s1+$0x0], $0xffff;
	_ =	sdelay $0x4  }
0x193: {  	v2 =	vadd.s32 v9, v2;
	_ =	sdelay $0x1  }
0x194: {  	v12 =	vpop (erf)  }
0x195: {  	v4 =	vmul.f32 v12, v4;
	_ =	sdelay $0x1  }
0x196: {  	[tilespmem:v2+s9+$0x0] =	vst.idx.add.f32.msk $0xffff, v4  }
0x197: {  	v2 =	vld.idx.msk [tilespmem:v13+s1+$0x0], $0xffff;
	_ =	sdelay $0x4  }
0x198: {  	v2 =	vadd.s32 v9, v2;
	_ =	sdelay $0x2  }
0x199: {  	v13 =	vmul.f32 v12, v5;
	_ =	sdelay $0x1  }
0x19a: {  	[tilespmem:v2+s9+$0x0] =	vst.idx.add.f32.msk $0xffff, v13  }
0x19b: {  	v2 =	vld.idx.msk [tilespmem:v14+s1+$0x0], $0xffff;
	_ =	sdelay $0x4  }
0x19c: {  	v2 =	vadd.s32 v9, v2;
	_ =	sdelay $0x2  }
0x19d: {  	v14 =	vmul.f32 v12, v6;
	_ =	sdelay $0x1  }
0x19e: {  	[tilespmem:v2+s9+$0x0] =	vst.idx.add.f32.msk $0xffff, v14  }
0x19f: {  	v2 =	vld.idx.msk [tilespmem:v15+s1+$0x0], $0xffff;
	_ =	sdelay $0x4  }
0x1a0: {  	v2 =	vadd.s32 v9, v2;
	_ =	sdelay $0x2  }
0x1a1: {  	v3 =	vmul.f32 v12, v3;
	_ =	sdelay $0x1  }
0x1a2: {  	[tilespmem:v2+s9+$0x0] =	vst.idx.add.f32.msk $0xffff, v3  }
0x1a3: {  	v2 =	vld.idx.msk [tilespmem:v16+s1+$0x0], $0xffff;
	_ =	sdelay $0x4  }
0x1a4: {  	v2 =	vadd.s32 v9, v2;
	_ =	sdelay $0x2  }
0x1a5: {  	v3 =	vmul.f32 v12, v7;
	_ =	sdelay $0x1  }
0x1a6: {  	[tilespmem:v2+s9+$0x0] =	vst.idx.add.f32.msk $0xffff, v3  }
0x1a7: {  	v2 =	vld.idx.msk [tilespmem:v18+s1+$0x0], $0xffff;
	_ =	sdelay $0x4  }
0x1a8: {  	v2 =	vadd.s32 v9, v2;
	_ =	sdelay $0x2  }
0x1a9: {  	v3 =	vmul.f32 v12, v8;
	_ =	sdelay $0x1  }
0x1aa: {  	[tilespmem:v2+s9+$0x0] =	vst.idx.add.f32.msk $0xffff, v3  }
0x1ab: {  	v2 =	vld.idx.msk [tilespmem:v19+s1+$0x0], $0xffff;
	_ =	sdelay $0x4  }
0x1ac: {  	v2 =	vadd.s32 v9, v2;
	_ =	sdelay $0x2  }
0x1ad: {  	v3 =	vmul.f32 v12, v10;
	_ =	sdelay $0x1  }
0x1ae: {  	[tilespmem:v2+s9+$0x0] =	vst.idx.add.f32.msk $0xffff, v3  }
0x1af: {  	v2 =	vld.idx.msk [tilespmem:v20+s1+$0x0], $0xffff;
	_ =	sdelay $0x3  }
0x1b0: {  	v13 =	vld [tilespmem:$0x1FFC0]  }
0x1b1: {  	v14 =	vld [tilespmem:$0x1FFD0];
	v2 =	vadd.s32 v9, v2  }
0x1b2: {  	v15 =	vld [tilespmem:$0x1FFE0]  }
0x1b3: {  	v16 =	vld [tilespmem:$0x1FFF0]  }
0x1b4: {  	v3 =	vmul.f32 v12, v11;
	_ =	sdelay $0x1  }
0x1b5: {  	[tilespmem:v2+s9+$0x0] =	vst.idx.add.f32.msk $0xffff, v3  }
0x1b6: {  	v2 =	vld.idx.msk [tilespmem:v17+s8+$0x0], $0xffff  }
0x1b7: {  	v3 =	vld.idx.msk [tilespmem:v13+s8+$0x0], $0xffff  }
0x1b8: {  	v4 =	vld.idx.msk [tilespmem:v14+s8+$0x0], $0xffff  }
0x1b9: {  	v5 =	vld.idx.msk [tilespmem:v15+s8+$0x0], $0xffff  }
0x1ba: {  	v6 =	vld.idx.msk [tilespmem:v16+s8+$0x0], $0xffff  }
0x1bb: {  	v12 =	vld.idx.msk [tilespmem:v22+s8+$0x0], $0xffff  }
0x1bc: {  	v8 =	vld.idx.msk [tilespmem:v23+s8+$0x0], $0xffff;
	v10 =	vmax.f32 v2, v3  }
0x1bd: {  	v11 =	vld.idx.msk [tilespmem:v24+s8+$0x0], $0xffff;
	v10 =	vmax.f32 v10, v4  }
0x1be: {  	v10 =	vmax.f32 v10, v5  }
0x1bf: {  	v10 =	vmax.f32 v10, v6  }
0x1c0: {  	v10 =	vmax.f32 v10, v12  }
0x1c1: {  	v10 =	vmax.f32 v10, v8  }
0x1c2: {  	v10 =	vmax.f32 v10, v11  }
0x1c3: {  	v2 =	vsub.f32 v2, v10  }
0x1c4: {  	v3 =	vsub.f32 v3, v10  }
0x1c5: {  	v2 =	vmul.f32 $1.442695020e+00, v2  }
0x1c6: {  	v4 =	vsub.f32 v4, v10;
	v3 =	vmul.f32 $1.442695020e+00, v3  }
0x1c7: {  	(erf) = vpow2.f32 v2  }
0x1c8: {  	v2 =	vmul.f32 $1.442695020e+00, v4;
	(erf) = vpow2.f32 v3;
	v3 =	vsub.f32 v5, v10;
	_ =	sdelay $0x1  }
0x1c9: {  	(erf) = vpow2.f32 v2;
	v2 =	vmul.f32 $1.442695020e+00, v3;
	v3 =	vsub.f32 v6, v10;
	_ =	sdelay $0x1  }
0x1ca: {  	(erf) = vpow2.f32 v2;
	v2 =	vmul.f32 $1.442695020e+00, v3;
	v3 =	vsub.f32 v12, v10;
	_ =	sdelay $0x1  }
0x1cb: {  	(erf) = vpow2.f32 v2;
	v2 =	vmul.f32 $1.442695020e+00, v3;
	v3 =	vsub.f32 v8, v10;
	_ =	sdelay $0x1  }
0x1cc: {  	v4 =	vpop (erf);
	(erf) = vpow2.f32 v2;
	v2 =	vmul.f32 $1.442695020e+00, v3;
	v3 =	vsub.f32 v11, v10  }
0x1cd: {  	v5 =	vpop (erf)  }
0x1ce: {  	(erf) = vpow2.f32 v2;
	v2 =	vmul.f32 $1.442695020e+00, v3;
	v3 =	vadd.f32 v5, v4;
	_ =	sdelay $0x1  }
0x1cf: {  	v6 =	vpop (erf)  }
0x1d0: {  	(erf) = vpow2.f32 v2;
	v2 =	vadd.f32 v3, v6  }
0x1d1: {  	v3 =	vpop (erf)  }
0x1d2: {  	v2 =	vadd.f32 v2, v3  }
0x1d3: {  	v7 =	vpop (erf)  }
0x1d4: {  	v2 =	vadd.f32 v2, v7  }
0x1d5: {  	v8 =	vpop (erf)  }
0x1d6: {  	v2 =	vadd.f32 v2, v8  }
0x1d7: {  	v10 =	vpop (erf)  }
0x1d8: {  	v2 =	vadd.f32 v2, v10  }
0x1d9: {  	v11 =	vpop (erf)  }
0x1da: {  	v2 =	vadd.f32 v2, v11;
	_ =	sdelay $0x1  }
0x1db: {  	(erf) = vrcp.f32 v2;
	_ =	sdelay $0x1  }
0x1dc: {  	v2 =	vld.idx.msk [tilespmem:v17+s1+$0x0], $0xffff;
	_ =	sdelay $0x4  }
0x1dd: {  	v2 =	vadd.s32 v17, v2;
	_ =	sdelay $0x1  }
0x1de: {  	v12 =	vpop (erf)  }
0x1df: {  	v4 =	vmul.f32 v12, v4;
	_ =	sdelay $0x1  }
0x1e0: {  	[tilespmem:v2+s9+$0x0] =	vst.idx.add.f32.msk $0xffff, v4  }
0x1e1: {  	v2 =	vld.idx.msk [tilespmem:v13+s1+$0x0], $0xffff;
	_ =	sdelay $0x4  }
0x1e2: {  	v2 =	vadd.s32 v17, v2;
	_ =	sdelay $0x2  }
0x1e3: {  	v13 =	vmul.f32 v12, v5;
	_ =	sdelay $0x1  }
0x1e4: {  	[tilespmem:v2+s9+$0x0] =	vst.idx.add.f32.msk $0xffff, v13  }
0x1e5: {  	v2 =	vld.idx.msk [tilespmem:v14+s1+$0x0], $0xffff;
	_ =	sdelay $0x4  }
0x1e6: {  	v2 =	vadd.s32 v17, v2;
	_ =	sdelay $0x2  }
0x1e7: {  	v13 =	vmul.f32 v12, v6;
	_ =	sdelay $0x1  }
0x1e8: {  	[tilespmem:v2+s9+$0x0] =	vst.idx.add.f32.msk $0xffff, v13  }
0x1e9: {  	v2 =	vld.idx.msk [tilespmem:v15+s1+$0x0], $0xffff;
	_ =	sdelay $0x4  }
0x1ea: {  	v2 =	vadd.s32 v17, v2;
	_ =	sdelay $0x2  }
0x1eb: {  	v3 =	vmul.f32 v12, v3;
	_ =	sdelay $0x1  }
0x1ec: {  	[tilespmem:v2+s9+$0x0] =	vst.idx.add.f32.msk $0xffff, v3  }
0x1ed: {  	v2 =	vld.idx.msk [tilespmem:v16+s1+$0x0], $0xffff;
	_ =	sdelay $0x4  }
0x1ee: {  	v2 =	vadd.s32 v17, v2;
	_ =	sdelay $0x2  }
0x1ef: {  	v3 =	vmul.f32 v12, v7;
	_ =	sdelay $0x1  }
0x1f0: {  	[tilespmem:v2+s9+$0x0] =	vst.idx.add.f32.msk $0xffff, v3  }
0x1f1: {  	v2 =	vld.idx.msk [tilespmem:v22+s1+$0x0], $0xffff;
	_ =	sdelay $0x4  }
0x1f2: {  	v2 =	vadd.s32 v17, v2;
	_ =	sdelay $0x2  }
0x1f3: {  	v3 =	vmul.f32 v12, v8;
	_ =	sdelay $0x1  }
0x1f4: {  	[tilespmem:v2+s9+$0x0] =	vst.idx.add.f32.msk $0xffff, v3  }
0x1f5: {  	v2 =	vld.idx.msk [tilespmem:v23+s1+$0x0], $0xffff;
	_ =	sdelay $0x4  }
0x1f6: {  	v2 =	vadd.s32 v17, v2;
	_ =	sdelay $0x2  }
0x1f7: {  	v3 =	vmul.f32 v12, v10;
	_ =	sdelay $0x1  }
0x1f8: {  	[tilespmem:v2+s9+$0x0] =	vst.idx.add.f32.msk $0xffff, v3  }
0x1f9: {  	v2 =	vld.idx.msk [tilespmem:v24+s1+$0x0], $0xffff;
	_ =	sdelay $0x4  }
0x1fa: {  	v2 =	vadd.s32 v17, v2;
	_ =	sdelay $0x2  }
0x1fb: {  	v3 =	vmul.f32 v12, v11;
	_ =	sdelay $0x1  }
0x1fc: {  	[tilespmem:v2+s9+$0x0] =	vst.idx.add.f32.msk $0xffff, v3  }
0x1fd: {  	v2 =	vld.idx.msk [tilespmem:v25+s8+$0x0], $0xffff  }
0x1fe: {  	v3 =	vld.idx.msk [tilespmem:v26+s8+$0x0], $0xffff  }
0x1ff: {  	v4 =	vld.idx.msk [tilespmem:v27+s8+$0x0], $0xffff  }
0x200: {  	v14 =	vld.idx.msk [tilespmem:v28+s8+$0x0], $0xffff  }
0x201: {  	v12 =	vld.idx.msk [tilespmem:v29+s8+$0x0], $0xffff  }
0x202: {  	v13 =	vld.idx.msk [tilespmem:v30+s8+$0x0], $0xffff  }
0x203: {  	v8 =	vld.idx.msk [tilespmem:v31+s8+$0x0], $0xffff;
	v10 =	vmax.f32 v2, v3  }
0x204: {  	v11 =	vld.idx.msk [tilespmem:v32+s8+$0x0], $0xffff;
	v10 =	vmax.f32 v10, v4  }
0x205: {  	v10 =	vmax.f32 v10, v14  }
0x206: {  	v10 =	vmax.f32 v10, v12  }
0x207: {  	v10 =	vmax.f32 v10, v13  }
0x208: {  	v10 =	vmax.f32 v10, v8  }
0x209: {  	v10 =	vmax.f32 v10, v11  }
0x20a: {  	v2 =	vsub.f32 v2, v10  }
0x20b: {  	v3 =	vsub.f32 v3, v10  }
0x20c: {  	v2 =	vmul.f32 $1.442695020e+00, v2  }
0x20d: {  	v4 =	vsub.f32 v4, v10;
	v3 =	vmul.f32 $1.442695020e+00, v3  }
0x20e: {  	(erf) = vpow2.f32 v2  }
0x20f: {  	v2 =	vmul.f32 $1.442695020e+00, v4;
	(erf) = vpow2.f32 v3;
	v3 =	vsub.f32 v14, v10;
	_ =	sdelay $0x1  }
0x210: {  	(erf) = vpow2.f32 v2;
	v2 =	vmul.f32 $1.442695020e+00, v3;
	v3 =	vsub.f32 v12, v10;
	_ =	sdelay $0x1  }
0x211: {  	(erf) = vpow2.f32 v2;
	v2 =	vmul.f32 $1.442695020e+00, v3;
	v3 =	vsub.f32 v13, v10;
	_ =	sdelay $0x1  }
0x212: {  	(erf) = vpow2.f32 v2;
	v2 =	vmul.f32 $1.442695020e+00, v3;
	v3 =	vsub.f32 v8, v10;
	_ =	sdelay $0x1  }
0x213: {  	v4 =	vpop (erf);
	(erf) = vpow2.f32 v2;
	v2 =	vmul.f32 $1.442695020e+00, v3;
	v3 =	vsub.f32 v11, v10  }
0x214: {  	v5 =	vpop (erf)  }
0x215: {  	(erf) = vpow2.f32 v2;
	v2 =	vmul.f32 $1.442695020e+00, v3;
	v3 =	vadd.f32 v5, v4;
	_ =	sdelay $0x1  }
0x216: {  	v6 =	vpop (erf)  }
0x217: {  	(erf) = vpow2.f32 v2;
	v2 =	vadd.f32 v3, v6  }
0x218: {  	v3 =	vpop (erf)  }
0x219: {  	v2 =	vadd.f32 v2, v3  }
0x21a: {  	v7 =	vpop (erf)  }
0x21b: {  	v2 =	vadd.f32 v2, v7  }
0x21c: {  	v8 =	vpop (erf)  }
0x21d: {  	v2 =	vadd.f32 v2, v8  }
0x21e: {  	v10 =	vpop (erf)  }
0x21f: {  	v2 =	vadd.f32 v2, v10  }
0x220: {  	v11 =	vpop (erf)  }
0x221: {  	v2 =	vadd.f32 v2, v11;
	_ =	sdelay $0x1  }
0x222: {  	(erf) = vrcp.f32 v2;
	_ =	sdelay $0x1  }
0x223: {  	v2 =	vld.idx.msk [tilespmem:v25+s1+$0x0], $0xffff;
	_ =	sdelay $0x4  }
0x224: {  	v2 =	vadd.s32 v25, v2;
	_ =	sdelay $0x1  }
0x225: {  	v12 =	vpop (erf)  }
0x226: {  	v4 =	vmul.f32 v12, v4;
	_ =	sdelay $0x1  }
0x227: {  	[tilespmem:v2+s9+$0x0] =	vst.idx.add.f32.msk $0xffff, v4  }
0x228: {  	v2 =	vld.idx.msk [tilespmem:v26+s1+$0x0], $0xffff;
	_ =	sdelay $0x4  }
0x229: {  	v2 =	vadd.s32 v25, v2;
	_ =	sdelay $0x2  }
0x22a: {  	v14 =	vmul.f32 v12, v5;
	_ =	sdelay $0x1  }
0x22b: {  	[tilespmem:v2+s9+$0x0] =	vst.idx.add.f32.msk $0xffff, v14  }
0x22c: {  	v2 =	vld.idx.msk [tilespmem:v27+s1+$0x0], $0xffff;
	_ =	sdelay $0x4  }
0x22d: {  	v2 =	vadd.s32 v25, v2;
	_ =	sdelay $0x2  }
0x22e: {  	v13 =	vmul.f32 v12, v6;
	_ =	sdelay $0x1  }
0x22f: {  	[tilespmem:v2+s9+$0x0] =	vst.idx.add.f32.msk $0xffff, v13  }
0x230: {  	v2 =	vld.idx.msk [tilespmem:v28+s1+$0x0], $0xffff;
	_ =	sdelay $0x4  }
0x231: {  	v2 =	vadd.s32 v25, v2;
	_ =	sdelay $0x2  }
0x232: {  	v3 =	vmul.f32 v12, v3;
	_ =	sdelay $0x1  }
0x233: {  	[tilespmem:v2+s9+$0x0] =	vst.idx.add.f32.msk $0xffff, v3  }
0x234: {  	v2 =	vld.idx.msk [tilespmem:v29+s1+$0x0], $0xffff;
	_ =	sdelay $0x4  }
0x235: {  	v2 =	vadd.s32 v25, v2;
	_ =	sdelay $0x2  }
0x236: {  	v3 =	vmul.f32 v12, v7;
	_ =	sdelay $0x1  }
0x237: {  	[tilespmem:v2+s9+$0x0] =	vst.idx.add.f32.msk $0xffff, v3  }
0x238: {  	v2 =	vld.idx.msk [tilespmem:v30+s1+$0x0], $0xffff;
	_ =	sdelay $0x4  }
0x239: {  	v2 =	vadd.s32 v25, v2;
	_ =	sdelay $0x2  }
0x23a: {  	v3 =	vmul.f32 v12, v8;
	_ =	sdelay $0x1  }
0x23b: {  	[tilespmem:v2+s9+$0x0] =	vst.idx.add.f32.msk $0xffff, v3  }
0x23c: {  	v2 =	vld.idx.msk [tilespmem:v31+s1+$0x0], $0xffff;
	_ =	sdelay $0x4  }
0x23d: {  	v2 =	vadd.s32 v25, v2;
	_ =	sdelay $0x2  }
0x23e: {  	v3 =	vmul.f32 v12, v10;
	_ =	sdelay $0x1  }
0x23f: {  	[tilespmem:v2+s9+$0x0] =	vst.idx.add.f32.msk $0xffff, v3  }
0x240: {  	v2 =	vld.idx.msk [tilespmem:v32+s1+$0x0], $0xffff;
	_ =	sdelay $0x4  }
0x241: {  	v2 =	vadd.s32 v25, v2;
	_ =	sdelay $0x2  }
0x242: {  	v3 =	vmul.f32 v12, v11;
	_ =	sdelay $0x1  }
0x243: {  	[tilespmem:v2+s9+$0x0] =	vst.idx.add.f32.msk $0xffff, v3  }
0x244: {  	v2 =	vld.idx.msk [tilespmem:v33+s8+$0x0], $0xffff  }
0x245: {  	v3 =	vld.idx.msk [tilespmem:v34+s8+$0x0], $0xffff  }
0x246: {  	v4 =	vld.idx.msk [tilespmem:v35+s8+$0x0], $0xffff  }
0x247: {  	v14 =	vld.idx.msk [tilespmem:v36+s8+$0x0], $0xffff  }
0x248: {  	v12 =	vld.idx.msk [tilespmem:v37+s8+$0x0], $0xffff  }
0x249: {  	v13 =	vld.idx.msk [tilespmem:v38+s8+$0x0], $0xffff  }
0x24a: {  	v8 =	vld.idx.msk [tilespmem:v39+s8+$0x0], $0xffff;
	v10 =	vmax.f32 v2, v3  }
0x24b: {  	v11 =	vld.idx.msk [tilespmem:v40+s8+$0x0], $0xffff;
	v10 =	vmax.f32 v10, v4  }
0x24c: {  	v10 =	vmax.f32 v10, v14  }
0x24d: {  	v10 =	vmax.f32 v10, v12  }
0x24e: {  	v10 =	vmax.f32 v10, v13  }
0x24f: {  	v10 =	vmax.f32 v10, v8  }
0x250: {  	v10 =	vmax.f32 v10, v11  }
0x251: {  	v2 =	vsub.f32 v2, v10  }
0x252: {  	v3 =	vsub.f32 v3, v10  }
0x253: {  	v2 =	vmul.f32 $1.442695020e+00, v2  }
0x254: {  	v4 =	vsub.f32 v4, v10;
	v3 =	vmul.f32 $1.442695020e+00, v3  }
0x255: {  	(erf) = vpow2.f32 v2  }
0x256: {  	v2 =	vmul.f32 $1.442695020e+00, v4;
	(erf) = vpow2.f32 v3;
	v3 =	vsub.f32 v14, v10;
	_ =	sdelay $0x1  }
0x257: {  	(erf) = vpow2.f32 v2;
	v2 =	vmul.f32 $1.442695020e+00, v3;
	v3 =	vsub.f32 v12, v10;
	_ =	sdelay $0x1  }
0x258: {  	(erf) = vpow2.f32 v2;
	v2 =	vmul.f32 $1.442695020e+00, v3;
	v3 =	vsub.f32 v13, v10;
	_ =	sdelay $0x1  }
0x259: {  	(erf) = vpow2.f32 v2;
	v2 =	vmul.f32 $1.442695020e+00, v3;
	v3 =	vsub.f32 v8, v10;
	_ =	sdelay $0x1  }
0x25a: {  	v4 =	vpop (erf);
	(erf) = vpow2.f32 v2;
	v2 =	vmul.f32 $1.442695020e+00, v3;
	v3 =	vsub.f32 v11, v10  }
0x25b: {  	v5 =	vpop (erf)  }
0x25c: {  	(erf) = vpow2.f32 v2;
	v2 =	vmul.f32 $1.442695020e+00, v3;
	v3 =	vadd.f32 v5, v4;
	_ =	sdelay $0x1  }
0x25d: {  	v6 =	vpop (erf)  }
0x25e: {  	(erf) = vpow2.f32 v2;
	v2 =	vadd.f32 v3, v6  }
0x25f: {  	v3 =	vpop (erf)  }
0x260: {  	v2 =	vadd.f32 v2, v3  }
0x261: {  	v7 =	vpop (erf)  }
0x262: {  	v2 =	vadd.f32 v2, v7  }
0x263: {  	v8 =	vpop (erf)  }
0x264: {  	v2 =	vadd.f32 v2, v8  }
0x265: {  	v10 =	vpop (erf)  }
0x266: {  	v2 =	vadd.f32 v2, v10  }
0x267: {  	v11 =	vpop (erf)  }
0x268: {  	v2 =	vadd.f32 v2, v11;
	_ =	sdelay $0x1  }
0x269: {  	(erf) = vrcp.f32 v2;
	_ =	sdelay $0x1  }
0x26a: {  	v2 =	vld.idx.msk [tilespmem:v33+s1+$0x0], $0xffff;
	_ =	sdelay $0x4  }
0x26b: {  	v2 =	vadd.s32 v33, v2;
	_ =	sdelay $0x1  }
0x26c: {  	v12 =	vpop (erf)  }
0x26d: {  	v4 =	vmul.f32 v12, v4;
	_ =	sdelay $0x1  }
0x26e: {  	[tilespmem:v2+s9+$0x0] =	vst.idx.add.f32.msk $0xffff, v4  }
0x26f: {  	v2 =	vld.idx.msk [tilespmem:v34+s1+$0x0], $0xffff;
	_ =	sdelay $0x4  }
0x270: {  	v2 =	vadd.s32 v33, v2;
	_ =	sdelay $0x2  }
0x271: {  	v14 =	vmul.f32 v12, v5;
	_ =	sdelay $0x1  }
0x272: {  	[tilespmem:v2+s9+$0x0] =	vst.idx.add.f32.msk $0xffff, v14  }
0x273: {  	v2 =	vld.idx.msk [tilespmem:v35+s1+$0x0], $0xffff;
	_ =	sdelay $0x4  }
0x274: {  	v2 =	vadd.s32 v33, v2;
	_ =	sdelay $0x2  }
0x275: {  	v13 =	vmul.f32 v12, v6;
	_ =	sdelay $0x1  }
0x276: {  	[tilespmem:v2+s9+$0x0] =	vst.idx.add.f32.msk $0xffff, v13  }
0x277: {  	v2 =	vld.idx.msk [tilespmem:v36+s1+$0x0], $0xffff;
	_ =	sdelay $0x4  }
0x278: {  	v2 =	vadd.s32 v33, v2;
	_ =	sdelay $0x2  }
0x279: {  	v3 =	vmul.f32 v12, v3;
	_ =	sdelay $0x1  }
0x27a: {  	[tilespmem:v2+s9+$0x0] =	vst.idx.add.f32.msk $0xffff, v3  }
0x27b: {  	v2 =	vld.idx.msk [tilespmem:v37+s1+$0x0], $0xffff;
	_ =	sdelay $0x4  }
0x27c: {  	v2 =	vadd.s32 v33, v2;
	_ =	sdelay $0x2  }
0x27d: {  	v3 =	vmul.f32 v12, v7;
	_ =	sdelay $0x1  }
0x27e: {  	[tilespmem:v2+s9+$0x0] =	vst.idx.add.f32.msk $0xffff, v3  }
0x27f: {  	v2 =	vld.idx.msk [tilespmem:v38+s1+$0x0], $0xffff;
	_ =	sdelay $0x4  }
0x280: {  	v2 =	vadd.s32 v33, v2;
	_ =	sdelay $0x2  }
0x281: {  	v3 =	vmul.f32 v12, v8;
	_ =	sdelay $0x1  }
0x282: {  	[tilespmem:v2+s9+$0x0] =	vst.idx.add.f32.msk $0xffff, v3  }
0x283: {  	v2 =	vld.idx.msk [tilespmem:v39+s1+$0x0], $0xffff;
	_ =	sdelay $0x4  }
0x284: {  	v2 =	vadd.s32 v33, v2;
	_ =	sdelay $0x2  }
0x285: {  	v3 =	vmul.f32 v12, v10;
	_ =	sdelay $0x1  }
0x286: {  	[tilespmem:v2+s9+$0x0] =	vst.idx.add.f32.msk $0xffff, v3  }
0x287: {  	v2 =	vld.idx.msk [tilespmem:v40+s1+$0x0], $0xffff;
	_ =	sdelay $0x4  }
0x288: {  	v2 =	vadd.s32 v33, v2;
	_ =	sdelay $0x2  }
0x289: {  	v3 =	vmul.f32 v12, v11;
	_ =	sdelay $0x1  }
0x28a: {  	[tilespmem:v2+s9+$0x0] =	vst.idx.add.f32.msk $0xffff, v3  }
0x28b: {  	v2 =	vld.idx.msk [tilespmem:v41+s8+$0x0], $0xffff  }
0x28c: {  	v3 =	vld.idx.msk [tilespmem:v42+s8+$0x0], $0xffff  }
0x28d: {  	v4 =	vld.idx.msk [tilespmem:v43+s8+$0x0], $0xffff  }
0x28e: {  	v14 =	vld.idx.msk [tilespmem:v44+s8+$0x0], $0xffff  }
0x28f: {  	v12 =	vld.idx.msk [tilespmem:v45+s8+$0x0], $0xffff  }
0x290: {  	v13 =	vld.idx.msk [tilespmem:v46+s8+$0x0], $0xffff  }
0x291: {  	v8 =	vld.idx.msk [tilespmem:v47+s8+$0x0], $0xffff;
	v10 =	vmax.f32 v2, v3  }
0x292: {  	v11 =	vld.idx.msk [tilespmem:v48+s8+$0x0], $0xffff;
	v10 =	vmax.f32 v10, v4  }
0x293: {  	v10 =	vmax.f32 v10, v14  }
0x294: {  	v10 =	vmax.f32 v10, v12  }
0x295: {  	v10 =	vmax.f32 v10, v13  }
0x296: {  	v10 =	vmax.f32 v10, v8  }
0x297: {  	v10 =	vmax.f32 v10, v11  }
0x298: {  	v2 =	vsub.f32 v2, v10  }
0x299: {  	v3 =	vsub.f32 v3, v10  }
0x29a: {  	v2 =	vmul.f32 $1.442695020e+00, v2  }
0x29b: {  	v4 =	vsub.f32 v4, v10;
	v3 =	vmul.f32 $1.442695020e+00, v3  }
0x29c: {  	(erf) = vpow2.f32 v2  }
0x29d: {  	v2 =	vmul.f32 $1.442695020e+00, v4;
	(erf) = vpow2.f32 v3;
	v3 =	vsub.f32 v14, v10;
	_ =	sdelay $0x1  }
0x29e: {  	(erf) = vpow2.f32 v2;
	v2 =	vmul.f32 $1.442695020e+00, v3;
	v3 =	vsub.f32 v12, v10;
	_ =	sdelay $0x1  }
0x29f: {  	(erf) = vpow2.f32 v2;
	v2 =	vmul.f32 $1.442695020e+00, v3;
	v3 =	vsub.f32 v13, v10;
	_ =	sdelay $0x1  }
0x2a0: {  	(erf) = vpow2.f32 v2;
	v2 =	vmul.f32 $1.442695020e+00, v3;
	v3 =	vsub.f32 v8, v10;
	_ =	sdelay $0x1  }
0x2a1: {  	v4 =	vpop (erf);
	(erf) = vpow2.f32 v2;
	v2 =	vmul.f32 $1.442695020e+00, v3;
	v3 =	vsub.f32 v11, v10  }
0x2a2: {  	v5 =	vpop (erf)  }
0x2a3: {  	(erf) = vpow2.f32 v2;
	v2 =	vmul.f32 $1.442695020e+00, v3;
	v3 =	vadd.f32 v5, v4;
	_ =	sdelay $0x1  }
0x2a4: {  	v6 =	vpop (erf)  }
0x2a5: {  	(erf) = vpow2.f32 v2;
	v2 =	vadd.f32 v3, v6  }
0x2a6: {  	v3 =	vpop (erf)  }
0x2a7: {  	v2 =	vadd.f32 v2, v3  }
0x2a8: {  	v7 =	vpop (erf)  }
0x2a9: {  	v2 =	vadd.f32 v2, v7  }
0x2aa: {  	v8 =	vpop (erf)  }
0x2ab: {  	v2 =	vadd.f32 v2, v8  }
0x2ac: {  	v10 =	vpop (erf)  }
0x2ad: {  	v2 =	vadd.f32 v2, v10  }
0x2ae: {  	v11 =	vpop (erf)  }
0x2af: {  	v2 =	vadd.f32 v2, v11;
	_ =	sdelay $0x1  }
0x2b0: {  	(erf) = vrcp.f32 v2;
	_ =	sdelay $0x1  }
0x2b1: {  	v2 =	vld.idx.msk [tilespmem:v41+s1+$0x0], $0xffff;
	_ =	sdelay $0x4  }
0x2b2: {  	v2 =	vadd.s32 v41, v2;
	_ =	sdelay $0x1  }
0x2b3: {  	v12 =	vpop (erf)  }
0x2b4: {  	v4 =	vmul.f32 v12, v4;
	_ =	sdelay $0x1  }
0x2b5: {  	[tilespmem:v2+s9+$0x0] =	vst.idx.add.f32.msk $0xffff, v4  }
0x2b6: {  	v2 =	vld.idx.msk [tilespmem:v42+s1+$0x0], $0xffff;
	_ =	sdelay $0x4  }
0x2b7: {  	v2 =	vadd.s32 v41, v2;
	_ =	sdelay $0x2  }
0x2b8: {  	v14 =	vmul.f32 v12, v5;
	_ =	sdelay $0x1  }
0x2b9: {  	[tilespmem:v2+s9+$0x0] =	vst.idx.add.f32.msk $0xffff, v14  }
0x2ba: {  	v2 =	vld.idx.msk [tilespmem:v43+s1+$0x0], $0xffff;
	_ =	sdelay $0x4  }
0x2bb: {  	v2 =	vadd.s32 v41, v2;
	_ =	sdelay $0x2  }
0x2bc: {  	v13 =	vmul.f32 v12, v6;
	_ =	sdelay $0x1  }
0x2bd: {  	[tilespmem:v2+s9+$0x0] =	vst.idx.add.f32.msk $0xffff, v13  }
0x2be: {  	v2 =	vld.idx.msk [tilespmem:v44+s1+$0x0], $0xffff;
	_ =	sdelay $0x4  }
0x2bf: {  	v2 =	vadd.s32 v41, v2;
	_ =	sdelay $0x2  }
0x2c0: {  	v3 =	vmul.f32 v12, v3;
	_ =	sdelay $0x1  }
0x2c1: {  	[tilespmem:v2+s9+$0x0] =	vst.idx.add.f32.msk $0xffff, v3  }
0x2c2: {  	v2 =	vld.idx.msk [tilespmem:v45+s1+$0x0], $0xffff;
	_ =	sdelay $0x4  }
0x2c3: {  	v2 =	vadd.s32 v41, v2;
	_ =	sdelay $0x2  }
0x2c4: {  	v3 =	vmul.f32 v12, v7;
	_ =	sdelay $0x1  }
0x2c5: {  	[tilespmem:v2+s9+$0x0] =	vst.idx.add.f32.msk $0xffff, v3  }
0x2c6: {  	v2 =	vld.idx.msk [tilespmem:v46+s1+$0x0], $0xffff;
	_ =	sdelay $0x4  }
0x2c7: {  	v2 =	vadd.s32 v41, v2;
	_ =	sdelay $0x2  }
0x2c8: {  	v3 =	vmul.f32 v12, v8;
	_ =	sdelay $0x1  }
0x2c9: {  	[tilespmem:v2+s9+$0x0] =	vst.idx.add.f32.msk $0xffff, v3  }
0x2ca: {  	v2 =	vld.idx.msk [tilespmem:v47+s1+$0x0], $0xffff;
	_ =	sdelay $0x4  }
0x2cb: {  	v2 =	vadd.s32 v41, v2;
	_ =	sdelay $0x2  }
0x2cc: {  	v3 =	vmul.f32 v12, v10;
	_ =	sdelay $0x1  }
0x2cd: {  	[tilespmem:v2+s9+$0x0] =	vst.idx.add.f32.msk $0xffff, v3  }
0x2ce: {  	v2 =	vld.idx.msk [tilespmem:v48+s1+$0x0], $0xffff;
	_ =	sdelay $0x4  }
0x2cf: {  	v2 =	vadd.s32 v41, v2;
	_ =	sdelay $0x2  }
0x2d0: {  	v3 =	vmul.f32 v12, v11;
	_ =	sdelay $0x1  }
0x2d1: {  	[tilespmem:v2+s9+$0x0] =	vst.idx.add.f32.msk $0xffff, v3  }
0x2d2: {  	v2 =	vld.idx.msk [tilespmem:v49+s8+$0x0], $0xffff  }
0x2d3: {  	v3 =	vld.idx.msk [tilespmem:v50+s8+$0x0], $0xffff  }
0x2d4: {  	v4 =	vld.idx.msk [tilespmem:v51+s8+$0x0], $0xffff  }
0x2d5: {  	v14 =	vld.idx.msk [tilespmem:v52+s8+$0x0], $0xffff  }
0x2d6: {  	v12 =	vld.idx.msk [tilespmem:v53+s8+$0x0], $0xffff  }
0x2d7: {  	v13 =	vld.idx.msk [tilespmem:v54+s8+$0x0], $0xffff  }
0x2d8: {  	v8 =	vld.idx.msk [tilespmem:v55+s8+$0x0], $0xffff;
	v10 =	vmax.f32 v2, v3  }
0x2d9: {  	v11 =	vld.idx.msk [tilespmem:v56+s8+$0x0], $0xffff;
	v10 =	vmax.f32 v10, v4  }
0x2da: {  	v10 =	vmax.f32 v10, v14  }
0x2db: {  	v10 =	vmax.f32 v10, v12  }
0x2dc: {  	v10 =	vmax.f32 v10, v13  }
0x2dd: {  	v10 =	vmax.f32 v10, v8  }
0x2de: {  	v10 =	vmax.f32 v10, v11  }
0x2df: {  	v2 =	vsub.f32 v2, v10  }
0x2e0: {  	v3 =	vsub.f32 v3, v10  }
0x2e1: {  	v2 =	vmul.f32 $1.442695020e+00, v2  }
0x2e2: {  	v4 =	vsub.f32 v4, v10;
	v3 =	vmul.f32 $1.442695020e+00, v3  }
0x2e3: {  	(erf) = vpow2.f32 v2  }
0x2e4: {  	v2 =	vmul.f32 $1.442695020e+00, v4;
	(erf) = vpow2.f32 v3;
	v3 =	vsub.f32 v14, v10;
	_ =	sdelay $0x1  }
0x2e5: {  	(erf) = vpow2.f32 v2;
	v2 =	vmul.f32 $1.442695020e+00, v3;
	v3 =	vsub.f32 v12, v10;
	_ =	sdelay $0x1  }
0x2e6: {  	(erf) = vpow2.f32 v2;
	v2 =	vmul.f32 $1.442695020e+00, v3;
	v3 =	vsub.f32 v13, v10;
	_ =	sdelay $0x1  }
0x2e7: {  	(erf) = vpow2.f32 v2;
	v2 =	vmul.f32 $1.442695020e+00, v3;
	v3 =	vsub.f32 v8, v10;
	_ =	sdelay $0x1  }
0x2e8: {  	v4 =	vpop (erf);
	(erf) = vpow2.f32 v2;
	v2 =	vmul.f32 $1.442695020e+00, v3;
	v3 =	vsub.f32 v11, v10  }
0x2e9: {  	v5 =	vpop (erf)  }
0x2ea: {  	(erf) = vpow2.f32 v2;
	v2 =	vmul.f32 $1.442695020e+00, v3;
	v3 =	vadd.f32 v5, v4;
	_ =	sdelay $0x1  }
0x2eb: {  	v6 =	vpop (erf)  }
0x2ec: {  	(erf) = vpow2.f32 v2;
	v2 =	vadd.f32 v3, v6  }
0x2ed: {  	v3 =	vpop (erf)  }
0x2ee: {  	v2 =	vadd.f32 v2, v3  }
0x2ef: {  	v7 =	vpop (erf)  }
0x2f0: {  	v2 =	vadd.f32 v2, v7  }
0x2f1: {  	v8 =	vpop (erf)  }
0x2f2: {  	v2 =	vadd.f32 v2, v8  }
0x2f3: {  	v10 =	vpop (erf)  }
0x2f4: {  	v2 =	vadd.f32 v2, v10  }
0x2f5: {  	v11 =	vpop (erf)  }
0x2f6: {  	v2 =	vadd.f32 v2, v11;
	_ =	sdelay $0x1  }
0x2f7: {  	(erf) = vrcp.f32 v2;
	_ =	sdelay $0x1  }
0x2f8: {  	v2 =	vld.idx.msk [tilespmem:v49+s1+$0x0], $0xffff;
	_ =	sdelay $0x4  }
0x2f9: {  	v2 =	vadd.s32 v49, v2;
	_ =	sdelay $0x1  }
0x2fa: {  	v12 =	vpop (erf)  }
0x2fb: {  	v4 =	vmul.f32 v12, v4;
	_ =	sdelay $0x1  }
0x2fc: {  	[tilespmem:v2+s9+$0x0] =	vst.idx.add.f32.msk $0xffff, v4  }
0x2fd: {  	v2 =	vld.idx.msk [tilespmem:v50+s1+$0x0], $0xffff;
	_ =	sdelay $0x4  }
0x2fe: {  	v2 =	vadd.s32 v49, v2;
	_ =	sdelay $0x2  }
0x2ff: {  	v14 =	vmul.f32 v12, v5;
	_ =	sdelay $0x1  }
0x300: {  	[tilespmem:v2+s9+$0x0] =	vst.idx.add.f32.msk $0xffff, v14  }
0x301: {  	v2 =	vld.idx.msk [tilespmem:v51+s1+$0x0], $0xffff;
	_ =	sdelay $0x4  }
0x302: {  	v2 =	vadd.s32 v49, v2;
	_ =	sdelay $0x2  }
0x303: {  	v13 =	vmul.f32 v12, v6;
	_ =	sdelay $0x1  }
0x304: {  	[tilespmem:v2+s9+$0x0] =	vst.idx.add.f32.msk $0xffff, v13  }
0x305: {  	v2 =	vld.idx.msk [tilespmem:v52+s1+$0x0], $0xffff;
	_ =	sdelay $0x4  }
0x306: {  	v2 =	vadd.s32 v49, v2;
	_ =	sdelay $0x2  }
0x307: {  	v3 =	vmul.f32 v12, v3;
	_ =	sdelay $0x1  }
0x308: {  	[tilespmem:v2+s9+$0x0] =	vst.idx.add.f32.msk $0xffff, v3  }
0x309: {  	v2 =	vld.idx.msk [tilespmem:v53+s1+$0x0], $0xffff;
	_ =	sdelay $0x4  }
0x30a: {  	v2 =	vadd.s32 v49, v2;
	_ =	sdelay $0x2  }
0x30b: {  	v3 =	vmul.f32 v12, v7;
	_ =	sdelay $0x1  }
0x30c: {  	[tilespmem:v2+s9+$0x0] =	vst.idx.add.f32.msk $0xffff, v3  }
0x30d: {  	v2 =	vld.idx.msk [tilespmem:v54+s1+$0x0], $0xffff;
	_ =	sdelay $0x4  }
0x30e: {  	v2 =	vadd.s32 v49, v2;
	_ =	sdelay $0x2  }
0x30f: {  	v3 =	vmul.f32 v12, v8;
	_ =	sdelay $0x1  }
0x310: {  	[tilespmem:v2+s9+$0x0] =	vst.idx.add.f32.msk $0xffff, v3  }
0x311: {  	v2 =	vld.idx.msk [tilespmem:v55+s1+$0x0], $0xffff;
	_ =	sdelay $0x4  }
0x312: {  	v2 =	vadd.s32 v49, v2;
	_ =	sdelay $0x2  }
0x313: {  	v3 =	vmul.f32 v12, v10;
	_ =	sdelay $0x1  }
0x314: {  	[tilespmem:v2+s9+$0x0] =	vst.idx.add.f32.msk $0xffff, v3  }
0x315: {  	v2 =	vld.idx.msk [tilespmem:v56+s1+$0x0], $0xffff;
	_ =	sdelay $0x4  }
0x316: {  	v2 =	vadd.s32 v49, v2;
	_ =	sdelay $0x2  }
0x317: {  	v3 =	vmul.f32 v12, v11;
	_ =	sdelay $0x1  }
0x318: {  	[tilespmem:v2+s9+$0x0] =	vst.idx.add.f32.msk $0xffff, v3  }
0x319: {  	v2 =	vld.idx.msk [tilespmem:v57+s8+$0x0], $0xffff  }
0x31a: {  	v3 =	vld.idx.msk [tilespmem:v58+s8+$0x0], $0xffff  }
0x31b: {  	v5 =	vor.u32 $0x3807, v0;
	v4 =	vld.idx.msk [tilespmem:v59+s8+$0x0], $0xffff  }
0x31c: {  	v6 =	vld.idx.msk [tilespmem:v60+s8+$0x0], $0xffff  }
0x31d: {  	v7 =	vld.idx.msk [tilespmem:v61+s8+$0x0], $0xffff  }
0x31e: {  	v8 =	vld.idx.msk [tilespmem:v62+s8+$0x0], $0xffff  }
0x31f: {  	v10 =	vld.idx.msk [tilespmem:v63+s8+$0x0], $0xffff;
	v11 =	vmax.f32 v2, v3  }
0x320: {  	v12 =	vld.idx.msk [tilespmem:v5+s8+$0x0], $0xffff;
	v11 =	vmax.f32 v11, v4  }
0x321: {  	v11 =	vmax.f32 v11, v6  }
0x322: {  	v11 =	vmax.f32 v11, v7  }
0x323: {  	v11 =	vmax.f32 v11, v8  }
0x324: {  	v11 =	vmax.f32 v11, v10  }
0x325: {  	v11 =	vmax.f32 v11, v12  }
0x326: {  	v2 =	vsub.f32 v2, v11  }
0x327: {  	v3 =	vsub.f32 v3, v11  }
0x328: {  	v2 =	vmul.f32 $1.442695020e+00, v2  }
0x329: {  	v4 =	vsub.f32 v4, v11;
	v3 =	vmul.f32 $1.442695020e+00, v3  }
0x32a: {  	(erf) = vpow2.f32 v2  }
0x32b: {  	v2 =	vmul.f32 $1.442695020e+00, v4;
	(erf) = vpow2.f32 v3;
	v3 =	vsub.f32 v6, v11;
	_ =	sdelay $0x1  }
0x32c: {  	(erf) = vpow2.f32 v2;
	v2 =	vmul.f32 $1.442695020e+00, v3;
	v3 =	vsub.f32 v7, v11;
	_ =	sdelay $0x1  }
0x32d: {  	(erf) = vpow2.f32 v2;
	v2 =	vmul.f32 $1.442695020e+00, v3;
	v3 =	vsub.f32 v8, v11;
	_ =	sdelay $0x1  }
0x32e: {  	(erf) = vpow2.f32 v2;
	v2 =	vmul.f32 $1.442695020e+00, v3;
	v3 =	vsub.f32 v10, v11;
	_ =	sdelay $0x1  }
0x32f: {  	v4 =	vpop (erf);
	(erf) = vpow2.f32 v2;
	v2 =	vmul.f32 $1.442695020e+00, v3;
	v3 =	vsub.f32 v12, v11  }
0x330: {  	v6 =	vpop (erf)  }
0x331: {  	(erf) = vpow2.f32 v2;
	v2 =	vmul.f32 $1.442695020e+00, v3;
	v3 =	vadd.f32 v6, v4;
	_ =	sdelay $0x1  }
0x332: {  	v7 =	vpop (erf)  }
0x333: {  	(erf) = vpow2.f32 v2;
	v2 =	vadd.f32 v3, v7  }
0x334: {  	v3 =	vpop (erf)  }
0x335: {  	v2 =	vadd.f32 v2, v3  }
0x336: {  	v8 =	vpop (erf)  }
0x337: {  	v2 =	vadd.f32 v2, v8  }
0x338: {  	v10 =	vpop (erf)  }
0x339: {  	v2 =	vadd.f32 v2, v10  }
0x33a: {  	v11 =	vpop (erf)  }
0x33b: {  	v2 =	vadd.f32 v2, v11  }
0x33c: {  	v12 =	vpop (erf)  }
0x33d: {  	v2 =	vadd.f32 v2, v12;
	_ =	sdelay $0x1  }
0x33e: {  	(erf) = vrcp.f32 v2;
	_ =	sdelay $0x1  }
0x33f: {  	v2 =	vld.idx.msk [tilespmem:v57+s1+$0x0], $0xffff;
	_ =	sdelay $0x4  }
0x340: {  	v2 =	vadd.s32 v57, v2;
	_ =	sdelay $0x1  }
0x341: {  	v13 =	vpop (erf)  }
0x342: {  	v4 =	vmul.f32 v13, v4;
	_ =	sdelay $0x1  }
0x343: {  	[tilespmem:v2+s9+$0x0] =	vst.idx.add.f32.msk $0xffff, v4  }
0x344: {  	v2 =	vld.idx.msk [tilespmem:v58+s1+$0x0], $0xffff;
	_ =	sdelay $0x4  }
0x345: {  	v2 =	vadd.s32 v57, v2;
	_ =	sdelay $0x2  }
0x346: {  	v14 =	vmul.f32 v13, v6;
	_ =	sdelay $0x1  }
0x347: {  	[tilespmem:v2+s9+$0x0] =	vst.idx.add.f32.msk $0xffff, v14  }
0x348: {  	v2 =	vld.idx.msk [tilespmem:v59+s1+$0x0], $0xffff;
	_ =	sdelay $0x4  }
0x349: {  	v2 =	vadd.s32 v57, v2;
	_ =	sdelay $0x2  }
0x34a: {  	v14 =	vmul.f32 v13, v7;
	_ =	sdelay $0x1  }
0x34b: {  	[tilespmem:v2+s9+$0x0] =	vst.idx.add.f32.msk $0xffff, v14  }
0x34c: {  	v2 =	vld.idx.msk [tilespmem:v60+s1+$0x0], $0xffff;
	_ =	sdelay $0x4  }
0x34d: {  	v2 =	vadd.s32 v57, v2;
	_ =	sdelay $0x2  }
0x34e: {  	v3 =	vmul.f32 v13, v3;
	_ =	sdelay $0x1  }
0x34f: {  	[tilespmem:v2+s9+$0x0] =	vst.idx.add.f32.msk $0xffff, v3  }
0x350: {  	v2 =	vld.idx.msk [tilespmem:v61+s1+$0x0], $0xffff;
	_ =	sdelay $0x4  }
0x351: {  	v2 =	vadd.s32 v57, v2;
	_ =	sdelay $0x2  }
0x352: {  	v3 =	vmul.f32 v13, v8;
	_ =	sdelay $0x1  }
0x353: {  	[tilespmem:v2+s9+$0x0] =	vst.idx.add.f32.msk $0xffff, v3  }
0x354: {  	v2 =	vld.idx.msk [tilespmem:v62+s1+$0x0], $0xffff;
	_ =	sdelay $0x4  }
0x355: {  	v2 =	vadd.s32 v57, v2;
	_ =	sdelay $0x2  }
0x356: {  	v3 =	vmul.f32 v13, v10;
	_ =	sdelay $0x1  }
0x357: {  	[tilespmem:v2+s9+$0x0] =	vst.idx.add.f32.msk $0xffff, v3  }
0x358: {  	v2 =	vld.idx.msk [tilespmem:v63+s1+$0x0], $0xffff;
	_ =	sdelay $0x4  }
0x359: {  	v2 =	vadd.s32 v57, v2;
	_ =	sdelay $0x2  }
0x35a: {  	v3 =	vmul.f32 v13, v11;
	_ =	sdelay $0x1  }
0x35b: {  	[tilespmem:v2+s9+$0x0] =	vst.idx.add.f32.msk $0xffff, v3  }
0x35c: {  	v2 =	vld.idx.msk [tilespmem:v5+s1+$0x0], $0xffff;
	_ =	sdelay $0x4  }
0x35d: {  	v2 =	vadd.s32 v57, v2  }
0x35e: {  	v3 =	vor.u32 $0x4000, v0  }
0x35f: {  	v4 =	vor.u32 $0x4001, v0  }
0x360: {  	v6 =	vor.u32 $0x4002, v0;
	v14 =	vmul.f32 v13, v12  }
0x361: {  	v7 =	vor.u32 $0x4003, v0  }
0x362: {  	[tilespmem:v2+s9+$0x0] =	vst.idx.add.f32.msk $0xffff, v14;
	v2 =	vor.u32 $0x4004, v0  }
0x363: {  	v8 =	vor.u32 $0x4005, v0;
	v5 =	vld.idx.msk [tilespmem:v3+s8+$0x0], $0xffff  }
0x364: {  	v11 =	vor.u32 $0x4006, v0;
	v10 =	vld.idx.msk [tilespmem:v4+s8+$0x0], $0xffff  }
0x365: {  	v13 =	vor.u32 $0x4007, v0;
	v12 =	vld.idx.msk [tilespmem:v6+s8+$0x0], $0xffff  }
0x366: {  	v14 =	vld.idx.msk [tilespmem:v7+s8+$0x0], $0xffff  }
0x367: {  	v15 =	vld.idx.msk [tilespmem:v2+s8+$0x0], $0xffff  }
0x368: {  	v16 =	vld.idx.msk [tilespmem:v8+s8+$0x0], $0xffff  }
0x369: {  	v18 =	vld.idx.msk [tilespmem:v11+s8+$0x0], $0xffff;
	v19 =	vmax.f32 v5, v10  }
0x36a: {  	v20 =	vld.idx.msk [tilespmem:v13+s8+$0x0], $0xffff;
	v19 =	vmax.f32 v19, v12  }
0x36b: {  	v19 =	vmax.f32 v19, v14  }
0x36c: {  	v19 =	vmax.f32 v19, v15  }
0x36d: {  	v19 =	vmax.f32 v19, v16  }
0x36e: {  	v19 =	vmax.f32 v19, v18  }
0x36f: {  	v19 =	vmax.f32 v19, v20  }
0x370: {  	v5 =	vsub.f32 v5, v19  }
0x371: {  	v10 =	vsub.f32 v10, v19  }
0x372: {  	v5 =	vmul.f32 $1.442695020e+00, v5  }
0x373: {  	v10 =	vmul.f32 $1.442695020e+00, v10  }
0x374: {  	v12 =	vsub.f32 v12, v19;
	(erf) = vpow2.f32 v5  }
0x375: {  	(erf) = vpow2.f32 v10;
	v10 =	vsub.f32 v14, v19  }
0x376: {  	v12 =	vmul.f32 $1.442695020e+00, v12  }
0x377: {  	v14 =	vmul.f32 $1.442695020e+00, v10;
	v10 =	vsub.f32 v15, v19  }
0x378: {  	(erf) = vpow2.f32 v12  }
0x379: {  	v12 =	vmul.f32 $1.442695020e+00, v10;
	v10 =	vsub.f32 v16, v19  }
0x37a: {  	(erf) = vpow2.f32 v14  }
0x37b: {  	v5 =	vmul.f32 $1.442695020e+00, v10;
	v10 =	vsub.f32 v18, v19  }
0x37c: {  	(erf) = vpow2.f32 v12  }
0x37d: {  	v12 =	vpop (erf);
	(erf) = vpow2.f32 v5;
	v5 =	vmul.f32 $1.442695020e+00, v10;
	v10 =	vsub.f32 v20, v19  }
0x37e: {  	v14 =	vpop (erf)  }
0x37f: {  	(erf) = vpow2.f32 v5;
	v5 =	vmul.f32 $1.442695020e+00, v10;
	v10 =	vadd.f32 v14, v12;
	_ =	sdelay $0x1  }
0x380: {  	v15 =	vpop (erf)  }
0x381: {  	(erf) = vpow2.f32 v5;
	v5 =	vadd.f32 v10, v15  }
0x382: {  	v10 =	vpop (erf)  }
0x383: {  	v5 =	vadd.f32 v5, v10  }
0x384: {  	v16 =	vpop (erf)  }
0x385: {  	v5 =	vadd.f32 v5, v16  }
0x386: {  	v18 =	vpop (erf)  }
0x387: {  	v5 =	vadd.f32 v5, v18  }
0x388: {  	v19 =	vpop (erf)  }
0x389: {  	v5 =	vadd.f32 v5, v19  }
0x38a: {  	v20 =	vpop (erf)  }
0x38b: {  	v5 =	vadd.f32 v5, v20;
	_ =	sdelay $0x1  }
0x38c: {  	(erf) = vrcp.f32 v5;
	_ =	sdelay $0x1  }
0x38d: {  	v5 =	vld.idx.msk [tilespmem:v3+s1+$0x0], $0xffff;
	_ =	sdelay $0x4  }
0x38e: {  	v5 =	vadd.s32 v3, v5;
	_ =	sdelay $0x1  }
0x38f: {  	v21 =	vpop (erf)  }
0x390: {  	v12 =	vmul.f32 v21, v12;
	_ =	sdelay $0x1  }
0x391: {  	[tilespmem:v5+s9+$0x0] =	vst.idx.add.f32.msk $0xffff, v12  }
0x392: {  	v4 =	vld.idx.msk [tilespmem:v4+s1+$0x0], $0xffff;
	_ =	sdelay $0x4  }
0x393: {  	v4 =	vadd.s32 v3, v4;
	_ =	sdelay $0x2  }
0x394: {  	v14 =	vmul.f32 v21, v14;
	_ =	sdelay $0x1  }
0x395: {  	[tilespmem:v4+s9+$0x0] =	vst.idx.add.f32.msk $0xffff, v14  }
0x396: {  	v4 =	vld.idx.msk [tilespmem:v6+s1+$0x0], $0xffff;
	_ =	sdelay $0x4  }
0x397: {  	v4 =	vadd.s32 v3, v4;
	_ =	sdelay $0x2  }
0x398: {  	v12 =	vmul.f32 v21, v15;
	_ =	sdelay $0x1  }
0x399: {  	[tilespmem:v4+s9+$0x0] =	vst.idx.add.f32.msk $0xffff, v12  }
0x39a: {  	v4 =	vld.idx.msk [tilespmem:v7+s1+$0x0], $0xffff;
	_ =	sdelay $0x4  }
0x39b: {  	v4 =	vadd.s32 v3, v4;
	_ =	sdelay $0x2  }
0x39c: {  	v14 =	vmul.f32 v21, v10;
	_ =	sdelay $0x1  }
0x39d: {  	[tilespmem:v4+s9+$0x0] =	vst.idx.add.f32.msk $0xffff, v14  }
0x39e: {  	v2 =	vld.idx.msk [tilespmem:v2+s1+$0x0], $0xffff;
	_ =	sdelay $0x4  }
0x39f: {  	v2 =	vadd.s32 v3, v2;
	_ =	sdelay $0x2  }
0x3a0: {  	v12 =	vmul.f32 v21, v16;
	_ =	sdelay $0x1  }
0x3a1: {  	[tilespmem:v2+s9+$0x0] =	vst.idx.add.f32.msk $0xffff, v12  }
0x3a2: {  	v2 =	vld.idx.msk [tilespmem:v8+s1+$0x0], $0xffff;
	_ =	sdelay $0x4  }
0x3a3: {  	v2 =	vadd.s32 v3, v2;
	_ =	sdelay $0x2  }
0x3a4: {  	v14 =	vmul.f32 v21, v18;
	_ =	sdelay $0x1  }
0x3a5: {  	[tilespmem:v2+s9+$0x0] =	vst.idx.add.f32.msk $0xffff, v14  }
0x3a6: {  	v2 =	vld.idx.msk [tilespmem:v11+s1+$0x0], $0xffff;
	_ =	sdelay $0x4  }
0x3a7: {  	v2 =	vadd.s32 v3, v2;
	_ =	sdelay $0x2  }
0x3a8: {  	v12 =	vmul.f32 v21, v19;
	_ =	sdelay $0x1  }
0x3a9: {  	[tilespmem:v2+s9+$0x0] =	vst.idx.add.f32.msk $0xffff, v12  }
0x3aa: {  	v2 =	vld.idx.msk [tilespmem:v13+s1+$0x0], $0xffff;
	_ =	sdelay $0x4  }
0x3ab: {  	v2 =	vadd.s32 v3, v2  }
0x3ac: {  	v3 =	vor.u32 $0x4800, v0  }
0x3ad: {  	v4 =	vor.u32 $0x4801, v0  }
0x3ae: {  	v6 =	vor.u32 $0x4802, v0;
	v14 =	vmul.f32 v21, v20  }
0x3af: {  	v7 =	vor.u32 $0x4803, v0  }
0x3b0: {  	[tilespmem:v2+s9+$0x0] =	vst.idx.add.f32.msk $0xffff, v14;
	v2 =	vor.u32 $0x4804, v0  }
0x3b1: {  	v8 =	vor.u32 $0x4805, v0;
	v5 =	vld.idx.msk [tilespmem:v3+s8+$0x0], $0xffff  }
0x3b2: {  	v11 =	vor.u32 $0x4806, v0;
	v10 =	vld.idx.msk [tilespmem:v4+s8+$0x0], $0xffff  }
0x3b3: {  	v13 =	vor.u32 $0x4807, v0;
	v12 =	vld.idx.msk [tilespmem:v6+s8+$0x0], $0xffff  }
0x3b4: {  	v14 =	vld.idx.msk [tilespmem:v7+s8+$0x0], $0xffff  }
0x3b5: {  	v15 =	vld.idx.msk [tilespmem:v2+s8+$0x0], $0xffff  }
0x3b6: {  	v16 =	vld.idx.msk [tilespmem:v8+s8+$0x0], $0xffff  }
0x3b7: {  	v18 =	vld.idx.msk [tilespmem:v11+s8+$0x0], $0xffff;
	v19 =	vmax.f32 v5, v10  }
0x3b8: {  	v20 =	vld.idx.msk [tilespmem:v13+s8+$0x0], $0xffff;
	v19 =	vmax.f32 v19, v12  }
0x3b9: {  	v19 =	vmax.f32 v19, v14  }
0x3ba: {  	v19 =	vmax.f32 v19, v15  }
0x3bb: {  	v19 =	vmax.f32 v19, v16  }
0x3bc: {  	v19 =	vmax.f32 v19, v18  }
0x3bd: {  	v19 =	vmax.f32 v19, v20  }
0x3be: {  	v5 =	vsub.f32 v5, v19  }
0x3bf: {  	v10 =	vsub.f32 v10, v19  }
0x3c0: {  	v5 =	vmul.f32 $1.442695020e+00, v5  }
0x3c1: {  	v10 =	vmul.f32 $1.442695020e+00, v10  }
0x3c2: {  	v12 =	vsub.f32 v12, v19;
	(erf) = vpow2.f32 v5  }
0x3c3: {  	(erf) = vpow2.f32 v10;
	v10 =	vsub.f32 v14, v19  }
0x3c4: {  	v12 =	vmul.f32 $1.442695020e+00, v12  }
0x3c5: {  	v14 =	vmul.f32 $1.442695020e+00, v10;
	v10 =	vsub.f32 v15, v19  }
0x3c6: {  	(erf) = vpow2.f32 v12  }
0x3c7: {  	v12 =	vmul.f32 $1.442695020e+00, v10;
	v10 =	vsub.f32 v16, v19  }
0x3c8: {  	(erf) = vpow2.f32 v14  }
0x3c9: {  	v5 =	vmul.f32 $1.442695020e+00, v10;
	v10 =	vsub.f32 v18, v19  }
0x3ca: {  	(erf) = vpow2.f32 v12  }
0x3cb: {  	v12 =	vpop (erf);
	(erf) = vpow2.f32 v5;
	v5 =	vmul.f32 $1.442695020e+00, v10;
	v10 =	vsub.f32 v20, v19  }
0x3cc: {  	v14 =	vpop (erf)  }
0x3cd: {  	(erf) = vpow2.f32 v5;
	v5 =	vmul.f32 $1.442695020e+00, v10;
	v10 =	vadd.f32 v14, v12;
	_ =	sdelay $0x1  }
0x3ce: {  	v15 =	vpop (erf)  }
0x3cf: {  	(erf) = vpow2.f32 v5;
	v5 =	vadd.f32 v10, v15  }
0x3d0: {  	v10 =	vpop (erf)  }
0x3d1: {  	v5 =	vadd.f32 v5, v10  }
0x3d2: {  	v16 =	vpop (erf)  }
0x3d3: {  	v5 =	vadd.f32 v5, v16  }
0x3d4: {  	v18 =	vpop (erf)  }
0x3d5: {  	v5 =	vadd.f32 v5, v18  }
0x3d6: {  	v19 =	vpop (erf)  }
0x3d7: {  	v5 =	vadd.f32 v5, v19  }
0x3d8: {  	v20 =	vpop (erf)  }
0x3d9: {  	v5 =	vadd.f32 v5, v20;
	_ =	sdelay $0x1  }
0x3da: {  	(erf) = vrcp.f32 v5;
	_ =	sdelay $0x1  }
0x3db: {  	v5 =	vld.idx.msk [tilespmem:v3+s1+$0x0], $0xffff;
	_ =	sdelay $0x4  }
0x3dc: {  	v5 =	vadd.s32 v3, v5;
	_ =	sdelay $0x1  }
0x3dd: {  	v21 =	vpop (erf)  }
0x3de: {  	v12 =	vmul.f32 v21, v12;
	_ =	sdelay $0x1  }
0x3df: {  	[tilespmem:v5+s9+$0x0] =	vst.idx.add.f32.msk $0xffff, v12  }
0x3e0: {  	v4 =	vld.idx.msk [tilespmem:v4+s1+$0x0], $0xffff;
	_ =	sdelay $0x4  }
0x3e1: {  	v4 =	vadd.s32 v3, v4;
	_ =	sdelay $0x2  }
0x3e2: {  	v14 =	vmul.f32 v21, v14;
	_ =	sdelay $0x1  }
0x3e3: {  	[tilespmem:v4+s9+$0x0] =	vst.idx.add.f32.msk $0xffff, v14  }
0x3e4: {  	v4 =	vld.idx.msk [tilespmem:v6+s1+$0x0], $0xffff;
	_ =	sdelay $0x4  }
0x3e5: {  	v4 =	vadd.s32 v3, v4;
	_ =	sdelay $0x2  }
0x3e6: {  	v12 =	vmul.f32 v21, v15;
	_ =	sdelay $0x1  }
0x3e7: {  	[tilespmem:v4+s9+$0x0] =	vst.idx.add.f32.msk $0xffff, v12  }
0x3e8: {  	v4 =	vld.idx.msk [tilespmem:v7+s1+$0x0], $0xffff;
	_ =	sdelay $0x4  }
0x3e9: {  	v4 =	vadd.s32 v3, v4;
	_ =	sdelay $0x2  }
0x3ea: {  	v14 =	vmul.f32 v21, v10;
	_ =	sdelay $0x1  }
0x3eb: {  	[tilespmem:v4+s9+$0x0] =	vst.idx.add.f32.msk $0xffff, v14  }
0x3ec: {  	v2 =	vld.idx.msk [tilespmem:v2+s1+$0x0], $0xffff;
	_ =	sdelay $0x4  }
0x3ed: {  	v2 =	vadd.s32 v3, v2;
	_ =	sdelay $0x2  }
0x3ee: {  	v12 =	vmul.f32 v21, v16;
	_ =	sdelay $0x1  }
0x3ef: {  	[tilespmem:v2+s9+$0x0] =	vst.idx.add.f32.msk $0xffff, v12  }
0x3f0: {  	v2 =	vld.idx.msk [tilespmem:v8+s1+$0x0], $0xffff;
	_ =	sdelay $0x4  }
0x3f1: {  	v2 =	vadd.s32 v3, v2;
	_ =	sdelay $0x2  }
0x3f2: {  	v14 =	vmul.f32 v21, v18;
	_ =	sdelay $0x1  }
0x3f3: {  	[tilespmem:v2+s9+$0x0] =	vst.idx.add.f32.msk $0xffff, v14  }
0x3f4: {  	v2 =	vld.idx.msk [tilespmem:v11+s1+$0x0], $0xffff;
	_ =	sdelay $0x4  }
0x3f5: {  	v2 =	vadd.s32 v3, v2;
	_ =	sdelay $0x2  }
0x3f6: {  	v12 =	vmul.f32 v21, v19;
	_ =	sdelay $0x1  }
0x3f7: {  	[tilespmem:v2+s9+$0x0] =	vst.idx.add.f32.msk $0xffff, v12  }
0x3f8: {  	v2 =	vld.idx.msk [tilespmem:v13+s1+$0x0], $0xffff;
	_ =	sdelay $0x4  }
0x3f9: {  	v2 =	vadd.s32 v3, v2  }
0x3fa: {  	v3 =	vor.u32 $0x5000, v0  }
0x3fb: {  	v4 =	vor.u32 $0x5001, v0  }
0x3fc: {  	v6 =	vor.u32 $0x5002, v0;
	v14 =	vmul.f32 v21, v20  }
0x3fd: {  	v7 =	vor.u32 $0x5003, v0  }
0x3fe: {  	[tilespmem:v2+s9+$0x0] =	vst.idx.add.f32.msk $0xffff, v14;
	v2 =	vor.u32 $0x5004, v0  }
0x3ff: {  	v8 =	vor.u32 $0x5005, v0;
	v5 =	vld.idx.msk [tilespmem:v3+s8+$0x0], $0xffff  }
0x400: {  	v11 =	vor.u32 $0x5006, v0;
	v10 =	vld.idx.msk [tilespmem:v4+s8+$0x0], $0xffff  }
0x401: {  	v13 =	vor.u32 $0x5007, v0;
	v12 =	vld.idx.msk [tilespmem:v6+s8+$0x0], $0xffff  }
0x402: {  	v14 =	vld.idx.msk [tilespmem:v7+s8+$0x0], $0xffff  }
0x403: {  	v15 =	vld.idx.msk [tilespmem:v2+s8+$0x0], $0xffff  }
0x404: {  	v16 =	vld.idx.msk [tilespmem:v8+s8+$0x0], $0xffff  }
0x405: {  	v18 =	vld.idx.msk [tilespmem:v11+s8+$0x0], $0xffff;
	v19 =	vmax.f32 v5, v10  }
0x406: {  	v20 =	vld.idx.msk [tilespmem:v13+s8+$0x0], $0xffff;
	v19 =	vmax.f32 v19, v12  }
0x407: {  	v19 =	vmax.f32 v19, v14  }
0x408: {  	v19 =	vmax.f32 v19, v15  }
0x409: {  	v19 =	vmax.f32 v19, v16  }
0x40a: {  	v19 =	vmax.f32 v19, v18  }
0x40b: {  	v19 =	vmax.f32 v19, v20  }
0x40c: {  	v5 =	vsub.f32 v5, v19  }
0x40d: {  	v10 =	vsub.f32 v10, v19  }
0x40e: {  	v5 =	vmul.f32 $1.442695020e+00, v5  }
0x40f: {  	v10 =	vmul.f32 $1.442695020e+00, v10  }
0x410: {  	v12 =	vsub.f32 v12, v19;
	(erf) = vpow2.f32 v5  }
0x411: {  	(erf) = vpow2.f32 v10;
	v10 =	vsub.f32 v14, v19  }
0x412: {  	v12 =	vmul.f32 $1.442695020e+00, v12  }
0x413: {  	v14 =	vmul.f32 $1.442695020e+00, v10;
	v10 =	vsub.f32 v15, v19  }
0x414: {  	(erf) = vpow2.f32 v12  }
0x415: {  	v12 =	vmul.f32 $1.442695020e+00, v10;
	v10 =	vsub.f32 v16, v19  }
0x416: {  	(erf) = vpow2.f32 v14  }
0x417: {  	v5 =	vmul.f32 $1.442695020e+00, v10;
	v10 =	vsub.f32 v18, v19  }
0x418: {  	(erf) = vpow2.f32 v12  }
0x419: {  	v12 =	vpop (erf);
	(erf) = vpow2.f32 v5;
	v5 =	vmul.f32 $1.442695020e+00, v10;
	v10 =	vsub.f32 v20, v19  }
0x41a: {  	v14 =	vpop (erf)  }
0x41b: {  	(erf) = vpow2.f32 v5;
	v5 =	vmul.f32 $1.442695020e+00, v10;
	v10 =	vadd.f32 v14, v12;
	_ =	sdelay $0x1  }
0x41c: {  	v15 =	vpop (erf)  }
0x41d: {  	(erf) = vpow2.f32 v5;
	v5 =	vadd.f32 v10, v15  }
0x41e: {  	v10 =	vpop (erf)  }
0x41f: {  	v5 =	vadd.f32 v5, v10  }
0x420: {  	v16 =	vpop (erf)  }
0x421: {  	v5 =	vadd.f32 v5, v16  }
0x422: {  	v18 =	vpop (erf)  }
0x423: {  	v5 =	vadd.f32 v5, v18  }
0x424: {  	v19 =	vpop (erf)  }
0x425: {  	v5 =	vadd.f32 v5, v19  }
0x426: {  	v20 =	vpop (erf)  }
0x427: {  	v5 =	vadd.f32 v5, v20;
	_ =	sdelay $0x1  }
0x428: {  	(erf) = vrcp.f32 v5;
	_ =	sdelay $0x1  }
0x429: {  	v5 =	vld.idx.msk [tilespmem:v3+s1+$0x0], $0xffff;
	_ =	sdelay $0x4  }
0x42a: {  	v5 =	vadd.s32 v3, v5;
	_ =	sdelay $0x1  }
0x42b: {  	v21 =	vpop (erf)  }
0x42c: {  	v12 =	vmul.f32 v21, v12;
	_ =	sdelay $0x1  }
0x42d: {  	[tilespmem:v5+s9+$0x0] =	vst.idx.add.f32.msk $0xffff, v12  }
0x42e: {  	v4 =	vld.idx.msk [tilespmem:v4+s1+$0x0], $0xffff;
	_ =	sdelay $0x4  }
0x42f: {  	v4 =	vadd.s32 v3, v4;
	_ =	sdelay $0x2  }
0x430: {  	v14 =	vmul.f32 v21, v14;
	_ =	sdelay $0x1  }
0x431: {  	[tilespmem:v4+s9+$0x0] =	vst.idx.add.f32.msk $0xffff, v14  }
0x432: {  	v4 =	vld.idx.msk [tilespmem:v6+s1+$0x0], $0xffff;
	_ =	sdelay $0x4  }
0x433: {  	v4 =	vadd.s32 v3, v4;
	_ =	sdelay $0x2  }
0x434: {  	v12 =	vmul.f32 v21, v15;
	_ =	sdelay $0x1  }
0x435: {  	[tilespmem:v4+s9+$0x0] =	vst.idx.add.f32.msk $0xffff, v12  }
0x436: {  	v4 =	vld.idx.msk [tilespmem:v7+s1+$0x0], $0xffff;
	_ =	sdelay $0x4  }
0x437: {  	v4 =	vadd.s32 v3, v4;
	_ =	sdelay $0x2  }
0x438: {  	v14 =	vmul.f32 v21, v10;
	_ =	sdelay $0x1  }
0x439: {  	[tilespmem:v4+s9+$0x0] =	vst.idx.add.f32.msk $0xffff, v14  }
0x43a: {  	v2 =	vld.idx.msk [tilespmem:v2+s1+$0x0], $0xffff;
	_ =	sdelay $0x4  }
0x43b: {  	v2 =	vadd.s32 v3, v2;
	_ =	sdelay $0x2  }
0x43c: {  	v12 =	vmul.f32 v21, v16;
	_ =	sdelay $0x1  }
0x43d: {  	[tilespmem:v2+s9+$0x0] =	vst.idx.add.f32.msk $0xffff, v12  }
0x43e: {  	v2 =	vld.idx.msk [tilespmem:v8+s1+$0x0], $0xffff;
	_ =	sdelay $0x4  }
0x43f: {  	v2 =	vadd.s32 v3, v2;
	_ =	sdelay $0x2  }
0x440: {  	v14 =	vmul.f32 v21, v18;
	_ =	sdelay $0x1  }
0x441: {  	[tilespmem:v2+s9+$0x0] =	vst.idx.add.f32.msk $0xffff, v14  }
0x442: {  	v2 =	vld.idx.msk [tilespmem:v11+s1+$0x0], $0xffff;
	_ =	sdelay $0x4  }
0x443: {  	v2 =	vadd.s32 v3, v2;
	_ =	sdelay $0x2  }
0x444: {  	v12 =	vmul.f32 v21, v19;
	_ =	sdelay $0x1  }
0x445: {  	[tilespmem:v2+s9+$0x0] =	vst.idx.add.f32.msk $0xffff, v12  }
0x446: {  	v2 =	vld.idx.msk [tilespmem:v13+s1+$0x0], $0xffff;
	_ =	sdelay $0x4  }
0x447: {  	v2 =	vadd.s32 v3, v2  }
0x448: {  	v3 =	vor.u32 $0x5800, v0  }
0x449: {  	v4 =	vor.u32 $0x5801, v0  }
0x44a: {  	v6 =	vor.u32 $0x5802, v0;
	v14 =	vmul.f32 v21, v20  }
0x44b: {  	v7 =	vor.u32 $0x5803, v0  }
0x44c: {  	[tilespmem:v2+s9+$0x0] =	vst.idx.add.f32.msk $0xffff, v14;
	v2 =	vor.u32 $0x5804, v0  }
0x44d: {  	v8 =	vor.u32 $0x5805, v0;
	v5 =	vld.idx.msk [tilespmem:v3+s8+$0x0], $0xffff  }
0x44e: {  	v11 =	vor.u32 $0x5806, v0;
	v10 =	vld.idx.msk [tilespmem:v4+s8+$0x0], $0xffff  }
0x44f: {  	v13 =	vor.u32 $0x5807, v0;
	v12 =	vld.idx.msk [tilespmem:v6+s8+$0x0], $0xffff  }
0x450: {  	v14 =	vld.idx.msk [tilespmem:v7+s8+$0x0], $0xffff  }
0x451: {  	v15 =	vld.idx.msk [tilespmem:v2+s8+$0x0], $0xffff  }
0x452: {  	v16 =	vld.idx.msk [tilespmem:v8+s8+$0x0], $0xffff  }
0x453: {  	v18 =	vld.idx.msk [tilespmem:v11+s8+$0x0], $0xffff;
	v19 =	vmax.f32 v5, v10  }
0x454: {  	v20 =	vld.idx.msk [tilespmem:v13+s8+$0x0], $0xffff;
	v19 =	vmax.f32 v19, v12  }
0x455: {  	v19 =	vmax.f32 v19, v14  }
0x456: {  	v19 =	vmax.f32 v19, v15  }
0x457: {  	v19 =	vmax.f32 v19, v16  }
0x458: {  	v19 =	vmax.f32 v19, v18  }
0x459: {  	v19 =	vmax.f32 v19, v20  }
0x45a: {  	v5 =	vsub.f32 v5, v19  }
0x45b: {  	v10 =	vsub.f32 v10, v19  }
0x45c: {  	v5 =	vmul.f32 $1.442695020e+00, v5  }
0x45d: {  	v10 =	vmul.f32 $1.442695020e+00, v10  }
0x45e: {  	v12 =	vsub.f32 v12, v19;
	(erf) = vpow2.f32 v5  }
0x45f: {  	(erf) = vpow2.f32 v10;
	v10 =	vsub.f32 v14, v19  }
0x460: {  	v12 =	vmul.f32 $1.442695020e+00, v12  }
0x461: {  	v14 =	vmul.f32 $1.442695020e+00, v10;
	v10 =	vsub.f32 v15, v19  }
0x462: {  	(erf) = vpow2.f32 v12  }
0x463: {  	v12 =	vmul.f32 $1.442695020e+00, v10;
	v10 =	vsub.f32 v16, v19  }
0x464: {  	(erf) = vpow2.f32 v14  }
0x465: {  	v5 =	vmul.f32 $1.442695020e+00, v10;
	v10 =	vsub.f32 v18, v19  }
0x466: {  	(erf) = vpow2.f32 v12  }
0x467: {  	v12 =	vpop (erf);
	(erf) = vpow2.f32 v5;
	v5 =	vmul.f32 $1.442695020e+00, v10;
	v10 =	vsub.f32 v20, v19  }
0x468: {  	v14 =	vpop (erf)  }
0x469: {  	(erf) = vpow2.f32 v5;
	v5 =	vmul.f32 $1.442695020e+00, v10;
	v10 =	vadd.f32 v14, v12;
	_ =	sdelay $0x1  }
0x46a: {  	v15 =	vpop (erf)  }
0x46b: {  	(erf) = vpow2.f32 v5;
	v5 =	vadd.f32 v10, v15  }
0x46c: {  	v10 =	vpop (erf)  }
0x46d: {  	v5 =	vadd.f32 v5, v10  }
0x46e: {  	v16 =	vpop (erf)  }
0x46f: {  	v5 =	vadd.f32 v5, v16  }
0x470: {  	v18 =	vpop (erf)  }
0x471: {  	v5 =	vadd.f32 v5, v18  }
0x472: {  	v19 =	vpop (erf)  }
0x473: {  	v5 =	vadd.f32 v5, v19  }
0x474: {  	v20 =	vpop (erf)  }
0x475: {  	v5 =	vadd.f32 v5, v20;
	_ =	sdelay $0x1  }
0x476: {  	(erf) = vrcp.f32 v5;
	_ =	sdelay $0x1  }
0x477: {  	v5 =	vld.idx.msk [tilespmem:v3+s1+$0x0], $0xffff;
	_ =	sdelay $0x4  }
0x478: {  	v5 =	vadd.s32 v3, v5;
	_ =	sdelay $0x1  }
0x479: {  	v21 =	vpop (erf)  }
0x47a: {  	v12 =	vmul.f32 v21, v12;
	_ =	sdelay $0x1  }
0x47b: {  	[tilespmem:v5+s9+$0x0] =	vst.idx.add.f32.msk $0xffff, v12  }
0x47c: {  	v4 =	vld.idx.msk [tilespmem:v4+s1+$0x0], $0xffff;
	_ =	sdelay $0x4  }
0x47d: {  	v4 =	vadd.s32 v3, v4;
	_ =	sdelay $0x2  }
0x47e: {  	v14 =	vmul.f32 v21, v14;
	_ =	sdelay $0x1  }
0x47f: {  	[tilespmem:v4+s9+$0x0] =	vst.idx.add.f32.msk $0xffff, v14  }
0x480: {  	v4 =	vld.idx.msk [tilespmem:v6+s1+$0x0], $0xffff;
	_ =	sdelay $0x4  }
0x481: {  	v4 =	vadd.s32 v3, v4;
	_ =	sdelay $0x2  }
0x482: {  	v12 =	vmul.f32 v21, v15;
	_ =	sdelay $0x1  }
0x483: {  	[tilespmem:v4+s9+$0x0] =	vst.idx.add.f32.msk $0xffff, v12  }
0x484: {  	v4 =	vld.idx.msk [tilespmem:v7+s1+$0x0], $0xffff;
	_ =	sdelay $0x4  }
0x485: {  	v4 =	vadd.s32 v3, v4;
	_ =	sdelay $0x2  }
0x486: {  	v14 =	vmul.f32 v21, v10;
	_ =	sdelay $0x1  }
0x487: {  	[tilespmem:v4+s9+$0x0] =	vst.idx.add.f32.msk $0xffff, v14  }
0x488: {  	v2 =	vld.idx.msk [tilespmem:v2+s1+$0x0], $0xffff;
	_ =	sdelay $0x4  }
0x489: {  	v2 =	vadd.s32 v3, v2;
	_ =	sdelay $0x2  }
0x48a: {  	v12 =	vmul.f32 v21, v16;
	_ =	sdelay $0x1  }
0x48b: {  	[tilespmem:v2+s9+$0x0] =	vst.idx.add.f32.msk $0xffff, v12  }
0x48c: {  	v2 =	vld.idx.msk [tilespmem:v8+s1+$0x0], $0xffff;
	_ =	sdelay $0x4  }
0x48d: {  	v2 =	vadd.s32 v3, v2;
	_ =	sdelay $0x2  }
0x48e: {  	v14 =	vmul.f32 v21, v18;
	_ =	sdelay $0x1  }
0x48f: {  	[tilespmem:v2+s9+$0x0] =	vst.idx.add.f32.msk $0xffff, v14  }
0x490: {  	v2 =	vld.idx.msk [tilespmem:v11+s1+$0x0], $0xffff;
	_ =	sdelay $0x4  }
0x491: {  	v2 =	vadd.s32 v3, v2;
	_ =	sdelay $0x2  }
0x492: {  	v12 =	vmul.f32 v21, v19;
	_ =	sdelay $0x1  }
0x493: {  	[tilespmem:v2+s9+$0x0] =	vst.idx.add.f32.msk $0xffff, v12  }
0x494: {  	v2 =	vld.idx.msk [tilespmem:v13+s1+$0x0], $0xffff;
	_ =	sdelay $0x4  }
0x495: {  	v2 =	vadd.s32 v3, v2  }
0x496: {  	v3 =	vor.u32 $0x6000, v0  }
0x497: {  	v4 =	vor.u32 $0x6001, v0  }
0x498: {  	v6 =	vor.u32 $0x6002, v0;
	v14 =	vmul.f32 v21, v20  }
0x499: {  	v7 =	vor.u32 $0x6003, v0  }
0x49a: {  	[tilespmem:v2+s9+$0x0] =	vst.idx.add.f32.msk $0xffff, v14;
	v2 =	vor.u32 $0x6004, v0  }
0x49b: {  	v8 =	vor.u32 $0x6005, v0;
	v5 =	vld.idx.msk [tilespmem:v3+s8+$0x0], $0xffff  }
0x49c: {  	v11 =	vor.u32 $0x6006, v0;
	v10 =	vld.idx.msk [tilespmem:v4+s8+$0x0], $0xffff  }
0x49d: {  	v13 =	vor.u32 $0x6007, v0;
	v12 =	vld.idx.msk [tilespmem:v6+s8+$0x0], $0xffff  }
0x49e: {  	v14 =	vld.idx.msk [tilespmem:v7+s8+$0x0], $0xffff  }
0x49f: {  	v15 =	vld.idx.msk [tilespmem:v2+s8+$0x0], $0xffff  }
0x4a0: {  	v16 =	vld.idx.msk [tilespmem:v8+s8+$0x0], $0xffff  }
0x4a1: {  	v18 =	vld.idx.msk [tilespmem:v11+s8+$0x0], $0xffff;
	v19 =	vmax.f32 v5, v10  }
0x4a2: {  	v20 =	vld.idx.msk [tilespmem:v13+s8+$0x0], $0xffff;
	v19 =	vmax.f32 v19, v12  }
0x4a3: {  	v19 =	vmax.f32 v19, v14  }
0x4a4: {  	v19 =	vmax.f32 v19, v15  }
0x4a5: {  	v19 =	vmax.f32 v19, v16  }
0x4a6: {  	v19 =	vmax.f32 v19, v18  }
0x4a7: {  	v19 =	vmax.f32 v19, v20  }
0x4a8: {  	v5 =	vsub.f32 v5, v19  }
0x4a9: {  	v10 =	vsub.f32 v10, v19  }
0x4aa: {  	v5 =	vmul.f32 $1.442695020e+00, v5  }
0x4ab: {  	v10 =	vmul.f32 $1.442695020e+00, v10  }
0x4ac: {  	v12 =	vsub.f32 v12, v19;
	(erf) = vpow2.f32 v5  }
0x4ad: {  	(erf) = vpow2.f32 v10;
	v10 =	vsub.f32 v14, v19  }
0x4ae: {  	v12 =	vmul.f32 $1.442695020e+00, v12  }
0x4af: {  	v14 =	vmul.f32 $1.442695020e+00, v10;
	v10 =	vsub.f32 v15, v19  }
0x4b0: {  	(erf) = vpow2.f32 v12  }
0x4b1: {  	v12 =	vmul.f32 $1.442695020e+00, v10;
	v10 =	vsub.f32 v16, v19  }
0x4b2: {  	(erf) = vpow2.f32 v14  }
0x4b3: {  	v5 =	vmul.f32 $1.442695020e+00, v10;
	v10 =	vsub.f32 v18, v19  }
0x4b4: {  	(erf) = vpow2.f32 v12  }
0x4b5: {  	v12 =	vpop (erf);
	(erf) = vpow2.f32 v5;
	v5 =	vmul.f32 $1.442695020e+00, v10;
	v10 =	vsub.f32 v20, v19  }
0x4b6: {  	v14 =	vpop (erf)  }
0x4b7: {  	(erf) = vpow2.f32 v5;
	v5 =	vmul.f32 $1.442695020e+00, v10;
	v10 =	vadd.f32 v14, v12;
	_ =	sdelay $0x1  }
0x4b8: {  	v15 =	vpop (erf)  }
0x4b9: {  	(erf) = vpow2.f32 v5;
	v5 =	vadd.f32 v10, v15  }
0x4ba: {  	v10 =	vpop (erf)  }
0x4bb: {  	v5 =	vadd.f32 v5, v10  }
0x4bc: {  	v16 =	vpop (erf)  }
0x4bd: {  	v5 =	vadd.f32 v5, v16  }
0x4be: {  	v18 =	vpop (erf)  }
0x4bf: {  	v5 =	vadd.f32 v5, v18  }
0x4c0: {  	v19 =	vpop (erf)  }
0x4c1: {  	v5 =	vadd.f32 v5, v19  }
0x4c2: {  	v20 =	vpop (erf)  }
0x4c3: {  	v5 =	vadd.f32 v5, v20;
	_ =	sdelay $0x1  }
0x4c4: {  	(erf) = vrcp.f32 v5;
	_ =	sdelay $0x1  }
0x4c5: {  	v5 =	vld.idx.msk [tilespmem:v3+s1+$0x0], $0xffff;
	_ =	sdelay $0x4  }
0x4c6: {  	v5 =	vadd.s32 v3, v5;
	_ =	sdelay $0x1  }
0x4c7: {  	v21 =	vpop (erf)  }
0x4c8: {  	v12 =	vmul.f32 v21, v12;
	_ =	sdelay $0x1  }
0x4c9: {  	[tilespmem:v5+s9+$0x0] =	vst.idx.add.f32.msk $0xffff, v12  }
0x4ca: {  	v4 =	vld.idx.msk [tilespmem:v4+s1+$0x0], $0xffff;
	_ =	sdelay $0x4  }
0x4cb: {  	v4 =	vadd.s32 v3, v4;
	_ =	sdelay $0x2  }
0x4cc: {  	v14 =	vmul.f32 v21, v14;
	_ =	sdelay $0x1  }
0x4cd: {  	[tilespmem:v4+s9+$0x0] =	vst.idx.add.f32.msk $0xffff, v14  }
0x4ce: {  	v4 =	vld.idx.msk [tilespmem:v6+s1+$0x0], $0xffff;
	_ =	sdelay $0x4  }
0x4cf: {  	v4 =	vadd.s32 v3, v4;
	_ =	sdelay $0x2  }
0x4d0: {  	v12 =	vmul.f32 v21, v15;
	_ =	sdelay $0x1  }
0x4d1: {  	[tilespmem:v4+s9+$0x0] =	vst.idx.add.f32.msk $0xffff, v12  }
0x4d2: {  	v4 =	vld.idx.msk [tilespmem:v7+s1+$0x0], $0xffff;
	_ =	sdelay $0x4  }
0x4d3: {  	v4 =	vadd.s32 v3, v4;
	_ =	sdelay $0x2  }
0x4d4: {  	v14 =	vmul.f32 v21, v10;
	_ =	sdelay $0x1  }
0x4d5: {  	[tilespmem:v4+s9+$0x0] =	vst.idx.add.f32.msk $0xffff, v14  }
0x4d6: {  	v2 =	vld.idx.msk [tilespmem:v2+s1+$0x0], $0xffff;
	_ =	sdelay $0x4  }
0x4d7: {  	v2 =	vadd.s32 v3, v2;
	_ =	sdelay $0x2  }
0x4d8: {  	v12 =	vmul.f32 v21, v16;
	_ =	sdelay $0x1  }
0x4d9: {  	[tilespmem:v2+s9+$0x0] =	vst.idx.add.f32.msk $0xffff, v12  }
0x4da: {  	v2 =	vld.idx.msk [tilespmem:v8+s1+$0x0], $0xffff;
	_ =	sdelay $0x4  }
0x4db: {  	v2 =	vadd.s32 v3, v2;
	_ =	sdelay $0x2  }
0x4dc: {  	v14 =	vmul.f32 v21, v18;
	_ =	sdelay $0x1  }
0x4dd: {  	[tilespmem:v2+s9+$0x0] =	vst.idx.add.f32.msk $0xffff, v14  }
0x4de: {  	v2 =	vld.idx.msk [tilespmem:v11+s1+$0x0], $0xffff;
	_ =	sdelay $0x4  }
0x4df: {  	v2 =	vadd.s32 v3, v2;
	_ =	sdelay $0x2  }
0x4e0: {  	v12 =	vmul.f32 v21, v19;
	_ =	sdelay $0x1  }
0x4e1: {  	[tilespmem:v2+s9+$0x0] =	vst.idx.add.f32.msk $0xffff, v12  }
0x4e2: {  	v2 =	vld.idx.msk [tilespmem:v13+s1+$0x0], $0xffff;
	_ =	sdelay $0x4  }
0x4e3: {  	v2 =	vadd.s32 v3, v2  }
0x4e4: {  	v3 =	vor.u32 $0x6800, v0  }
0x4e5: {  	v4 =	vor.u32 $0x6801, v0  }
0x4e6: {  	v6 =	vor.u32 $0x6802, v0;
	v14 =	vmul.f32 v21, v20  }
0x4e7: {  	v7 =	vor.u32 $0x6803, v0  }
0x4e8: {  	[tilespmem:v2+s9+$0x0] =	vst.idx.add.f32.msk $0xffff, v14;
	v2 =	vor.u32 $0x6804, v0  }
0x4e9: {  	v8 =	vor.u32 $0x6805, v0;
	v5 =	vld.idx.msk [tilespmem:v3+s8+$0x0], $0xffff  }
0x4ea: {  	v11 =	vor.u32 $0x6806, v0;
	v10 =	vld.idx.msk [tilespmem:v4+s8+$0x0], $0xffff  }
0x4eb: {  	v13 =	vor.u32 $0x6807, v0;
	v12 =	vld.idx.msk [tilespmem:v6+s8+$0x0], $0xffff  }
0x4ec: {  	v14 =	vld.idx.msk [tilespmem:v7+s8+$0x0], $0xffff  }
0x4ed: {  	v15 =	vld.idx.msk [tilespmem:v2+s8+$0x0], $0xffff  }
0x4ee: {  	v16 =	vld.idx.msk [tilespmem:v8+s8+$0x0], $0xffff  }
0x4ef: {  	v18 =	vld.idx.msk [tilespmem:v11+s8+$0x0], $0xffff;
	v19 =	vmax.f32 v5, v10  }
0x4f0: {  	v20 =	vld.idx.msk [tilespmem:v13+s8+$0x0], $0xffff;
	v19 =	vmax.f32 v19, v12  }
0x4f1: {  	v19 =	vmax.f32 v19, v14  }
0x4f2: {  	v19 =	vmax.f32 v19, v15  }
0x4f3: {  	v19 =	vmax.f32 v19, v16  }
0x4f4: {  	v19 =	vmax.f32 v19, v18  }
0x4f5: {  	v19 =	vmax.f32 v19, v20  }
0x4f6: {  	v5 =	vsub.f32 v5, v19  }
0x4f7: {  	v10 =	vsub.f32 v10, v19  }
0x4f8: {  	v5 =	vmul.f32 $1.442695020e+00, v5  }
0x4f9: {  	v10 =	vmul.f32 $1.442695020e+00, v10  }
0x4fa: {  	v12 =	vsub.f32 v12, v19;
	(erf) = vpow2.f32 v5  }
0x4fb: {  	(erf) = vpow2.f32 v10;
	v10 =	vsub.f32 v14, v19  }
0x4fc: {  	v12 =	vmul.f32 $1.442695020e+00, v12  }
0x4fd: {  	v14 =	vmul.f32 $1.442695020e+00, v10;
	v10 =	vsub.f32 v15, v19  }
0x4fe: {  	(erf) = vpow2.f32 v12  }
0x4ff: {  	v12 =	vmul.f32 $1.442695020e+00, v10;
	v10 =	vsub.f32 v16, v19  }
0x500: {  	(erf) = vpow2.f32 v14  }
0x501: {  	v5 =	vmul.f32 $1.442695020e+00, v10;
	v10 =	vsub.f32 v18, v19  }
0x502: {  	(erf) = vpow2.f32 v12  }
0x503: {  	v12 =	vpop (erf);
	(erf) = vpow2.f32 v5;
	v5 =	vmul.f32 $1.442695020e+00, v10;
	v10 =	vsub.f32 v20, v19  }
0x504: {  	v14 =	vpop (erf)  }
0x505: {  	(erf) = vpow2.f32 v5;
	v5 =	vmul.f32 $1.442695020e+00, v10;
	v10 =	vadd.f32 v14, v12;
	_ =	sdelay $0x1  }
0x506: {  	v15 =	vpop (erf)  }
0x507: {  	(erf) = vpow2.f32 v5;
	v5 =	vadd.f32 v10, v15  }
0x508: {  	v10 =	vpop (erf)  }
0x509: {  	v5 =	vadd.f32 v5, v10  }
0x50a: {  	v16 =	vpop (erf)  }
0x50b: {  	v5 =	vadd.f32 v5, v16  }
0x50c: {  	v18 =	vpop (erf)  }
0x50d: {  	v5 =	vadd.f32 v5, v18  }
0x50e: {  	v19 =	vpop (erf)  }
0x50f: {  	v5 =	vadd.f32 v5, v19  }
0x510: {  	v20 =	vpop (erf)  }
0x511: {  	v5 =	vadd.f32 v5, v20;
	_ =	sdelay $0x1  }
0x512: {  	(erf) = vrcp.f32 v5;
	_ =	sdelay $0x1  }
0x513: {  	v5 =	vld.idx.msk [tilespmem:v3+s1+$0x0], $0xffff;
	_ =	sdelay $0x4  }
0x514: {  	v5 =	vadd.s32 v3, v5;
	_ =	sdelay $0x1  }
0x515: {  	v21 =	vpop (erf)  }
0x516: {  	v12 =	vmul.f32 v21, v12;
	_ =	sdelay $0x1  }
0x517: {  	[tilespmem:v5+s9+$0x0] =	vst.idx.add.f32.msk $0xffff, v12  }
0x518: {  	v4 =	vld.idx.msk [tilespmem:v4+s1+$0x0], $0xffff;
	_ =	sdelay $0x4  }
0x519: {  	v4 =	vadd.s32 v3, v4;
	_ =	sdelay $0x2  }
0x51a: {  	v14 =	vmul.f32 v21, v14;
	_ =	sdelay $0x1  }
0x51b: {  	[tilespmem:v4+s9+$0x0] =	vst.idx.add.f32.msk $0xffff, v14  }
0x51c: {  	v4 =	vld.idx.msk [tilespmem:v6+s1+$0x0], $0xffff;
	_ =	sdelay $0x4  }
0x51d: {  	v4 =	vadd.s32 v3, v4;
	_ =	sdelay $0x2  }
0x51e: {  	v12 =	vmul.f32 v21, v15;
	_ =	sdelay $0x1  }
0x51f: {  	[tilespmem:v4+s9+$0x0] =	vst.idx.add.f32.msk $0xffff, v12  }
0x520: {  	v4 =	vld.idx.msk [tilespmem:v7+s1+$0x0], $0xffff;
	_ =	sdelay $0x4  }
0x521: {  	v4 =	vadd.s32 v3, v4;
	_ =	sdelay $0x2  }
0x522: {  	v14 =	vmul.f32 v21, v10;
	_ =	sdelay $0x1  }
0x523: {  	[tilespmem:v4+s9+$0x0] =	vst.idx.add.f32.msk $0xffff, v14  }
0x524: {  	v2 =	vld.idx.msk [tilespmem:v2+s1+$0x0], $0xffff;
	_ =	sdelay $0x4  }
0x525: {  	v2 =	vadd.s32 v3, v2;
	_ =	sdelay $0x2  }
0x526: {  	v12 =	vmul.f32 v21, v16;
	_ =	sdelay $0x1  }
0x527: {  	[tilespmem:v2+s9+$0x0] =	vst.idx.add.f32.msk $0xffff, v12  }
0x528: {  	v2 =	vld.idx.msk [tilespmem:v8+s1+$0x0], $0xffff;
	_ =	sdelay $0x4  }
0x529: {  	v2 =	vadd.s32 v3, v2;
	_ =	sdelay $0x2  }
0x52a: {  	v14 =	vmul.f32 v21, v18;
	_ =	sdelay $0x1  }
0x52b: {  	[tilespmem:v2+s9+$0x0] =	vst.idx.add.f32.msk $0xffff, v14  }
0x52c: {  	v2 =	vld.idx.msk [tilespmem:v11+s1+$0x0], $0xffff;
	_ =	sdelay $0x4  }
0x52d: {  	v2 =	vadd.s32 v3, v2;
	_ =	sdelay $0x2  }
0x52e: {  	v12 =	vmul.f32 v21, v19;
	_ =	sdelay $0x1  }
0x52f: {  	[tilespmem:v2+s9+$0x0] =	vst.idx.add.f32.msk $0xffff, v12  }
0x530: {  	v2 =	vld.idx.msk [tilespmem:v13+s1+$0x0], $0xffff;
	_ =	sdelay $0x4  }
0x531: {  	v2 =	vadd.s32 v3, v2  }
0x532: {  	v3 =	vor.u32 $0x7000, v0  }
0x533: {  	v4 =	vor.u32 $0x7001, v0  }
0x534: {  	v6 =	vor.u32 $0x7002, v0;
	v14 =	vmul.f32 v21, v20  }
0x535: {  	v7 =	vor.u32 $0x7003, v0  }
0x536: {  	[tilespmem:v2+s9+$0x0] =	vst.idx.add.f32.msk $0xffff, v14;
	v2 =	vor.u32 $0x7004, v0  }
0x537: {  	v8 =	vor.u32 $0x7005, v0;
	v5 =	vld.idx.msk [tilespmem:v3+s8+$0x0], $0xffff  }
0x538: {  	v11 =	vor.u32 $0x7006, v0;
	v10 =	vld.idx.msk [tilespmem:v4+s8+$0x0], $0xffff  }
0x539: {  	v13 =	vor.u32 $0x7007, v0;
	v12 =	vld.idx.msk [tilespmem:v6+s8+$0x0], $0xffff  }
0x53a: {  	v14 =	vld.idx.msk [tilespmem:v7+s8+$0x0], $0xffff  }
0x53b: {  	v15 =	vld.idx.msk [tilespmem:v2+s8+$0x0], $0xffff  }
0x53c: {  	v16 =	vld.idx.msk [tilespmem:v8+s8+$0x0], $0xffff  }
0x53d: {  	v18 =	vld.idx.msk [tilespmem:v11+s8+$0x0], $0xffff;
	v19 =	vmax.f32 v5, v10  }
0x53e: {  	v20 =	vld.idx.msk [tilespmem:v13+s8+$0x0], $0xffff;
	v19 =	vmax.f32 v19, v12  }
0x53f: {  	v19 =	vmax.f32 v19, v14  }
0x540: {  	v19 =	vmax.f32 v19, v15  }
0x541: {  	v19 =	vmax.f32 v19, v16  }
0x542: {  	v19 =	vmax.f32 v19, v18  }
0x543: {  	v19 =	vmax.f32 v19, v20  }
0x544: {  	v5 =	vsub.f32 v5, v19  }
0x545: {  	v10 =	vsub.f32 v10, v19  }
0x546: {  	v5 =	vmul.f32 $1.442695020e+00, v5  }
0x547: {  	v10 =	vmul.f32 $1.442695020e+00, v10  }
0x548: {  	v12 =	vsub.f32 v12, v19;
	(erf) = vpow2.f32 v5  }
0x549: {  	(erf) = vpow2.f32 v10;
	v10 =	vsub.f32 v14, v19  }
0x54a: {  	v12 =	vmul.f32 $1.442695020e+00, v12  }
0x54b: {  	v14 =	vmul.f32 $1.442695020e+00, v10;
	v10 =	vsub.f32 v15, v19  }
0x54c: {  	(erf) = vpow2.f32 v12  }
0x54d: {  	v12 =	vmul.f32 $1.442695020e+00, v10;
	v10 =	vsub.f32 v16, v19  }
0x54e: {  	(erf) = vpow2.f32 v14  }
0x54f: {  	v5 =	vmul.f32 $1.442695020e+00, v10;
	v10 =	vsub.f32 v18, v19  }
0x550: {  	(erf) = vpow2.f32 v12  }
0x551: {  	v12 =	vpop (erf);
	(erf) = vpow2.f32 v5;
	v5 =	vmul.f32 $1.442695020e+00, v10;
	v10 =	vsub.f32 v20, v19  }
0x552: {  	v14 =	vpop (erf)  }
0x553: {  	(erf) = vpow2.f32 v5;
	v5 =	vmul.f32 $1.442695020e+00, v10;
	v10 =	vadd.f32 v14, v12;
	_ =	sdelay $0x1  }
0x554: {  	v15 =	vpop (erf)  }
0x555: {  	(erf) = vpow2.f32 v5;
	v5 =	vadd.f32 v10, v15  }
0x556: {  	v10 =	vpop (erf)  }
0x557: {  	v5 =	vadd.f32 v5, v10  }
0x558: {  	v16 =	vpop (erf)  }
0x559: {  	v5 =	vadd.f32 v5, v16  }
0x55a: {  	v18 =	vpop (erf)  }
0x55b: {  	v5 =	vadd.f32 v5, v18  }
0x55c: {  	v19 =	vpop (erf)  }
0x55d: {  	v5 =	vadd.f32 v5, v19  }
0x55e: {  	v20 =	vpop (erf)  }
0x55f: {  	v5 =	vadd.f32 v5, v20;
	_ =	sdelay $0x1  }
0x560: {  	(erf) = vrcp.f32 v5;
	_ =	sdelay $0x1  }
0x561: {  	v5 =	vld.idx.msk [tilespmem:v3+s1+$0x0], $0xffff;
	_ =	sdelay $0x4  }
0x562: {  	v5 =	vadd.s32 v3, v5;
	_ =	sdelay $0x1  }
0x563: {  	v21 =	vpop (erf)  }
0x564: {  	v12 =	vmul.f32 v21, v12;
	_ =	sdelay $0x1  }
0x565: {  	[tilespmem:v5+s9+$0x0] =	vst.idx.add.f32.msk $0xffff, v12  }
0x566: {  	v4 =	vld.idx.msk [tilespmem:v4+s1+$0x0], $0xffff;
	_ =	sdelay $0x4  }
0x567: {  	v4 =	vadd.s32 v3, v4;
	_ =	sdelay $0x2  }
0x568: {  	v14 =	vmul.f32 v21, v14;
	_ =	sdelay $0x1  }
0x569: {  	[tilespmem:v4+s9+$0x0] =	vst.idx.add.f32.msk $0xffff, v14  }
0x56a: {  	v4 =	vld.idx.msk [tilespmem:v6+s1+$0x0], $0xffff;
	_ =	sdelay $0x4  }
0x56b: {  	v4 =	vadd.s32 v3, v4;
	_ =	sdelay $0x2  }
0x56c: {  	v12 =	vmul.f32 v21, v15;
	_ =	sdelay $0x1  }
0x56d: {  	[tilespmem:v4+s9+$0x0] =	vst.idx.add.f32.msk $0xffff, v12  }
0x56e: {  	v4 =	vld.idx.msk [tilespmem:v7+s1+$0x0], $0xffff;
	_ =	sdelay $0x4  }
0x56f: {  	v4 =	vadd.s32 v3, v4;
	_ =	sdelay $0x2  }
0x570: {  	v14 =	vmul.f32 v21, v10;
	_ =	sdelay $0x1  }
0x571: {  	[tilespmem:v4+s9+$0x0] =	vst.idx.add.f32.msk $0xffff, v14  }
0x572: {  	v2 =	vld.idx.msk [tilespmem:v2+s1+$0x0], $0xffff;
	_ =	sdelay $0x4  }
0x573: {  	v2 =	vadd.s32 v3, v2;
	_ =	sdelay $0x2  }
0x574: {  	v12 =	vmul.f32 v21, v16;
	_ =	sdelay $0x1  }
0x575: {  	[tilespmem:v2+s9+$0x0] =	vst.idx.add.f32.msk $0xffff, v12  }
0x576: {  	v2 =	vld.idx.msk [tilespmem:v8+s1+$0x0], $0xffff;
	_ =	sdelay $0x4  }
0x577: {  	v2 =	vadd.s32 v3, v2;
	_ =	sdelay $0x2  }
0x578: {  	v14 =	vmul.f32 v21, v18;
	_ =	sdelay $0x1  }
0x579: {  	[tilespmem:v2+s9+$0x0] =	vst.idx.add.f32.msk $0xffff, v14  }
0x57a: {  	v2 =	vld.idx.msk [tilespmem:v11+s1+$0x0], $0xffff;
	_ =	sdelay $0x4  }
0x57b: {  	v2 =	vadd.s32 v3, v2;
	_ =	sdelay $0x2  }
0x57c: {  	v12 =	vmul.f32 v21, v19;
	_ =	sdelay $0x1  }
0x57d: {  	[tilespmem:v2+s9+$0x0] =	vst.idx.add.f32.msk $0xffff, v12  }
0x57e: {  	v2 =	vld.idx.msk [tilespmem:v13+s1+$0x0], $0xffff;
	_ =	sdelay $0x4  }
0x57f: {  	v2 =	vadd.s32 v3, v2  }
0x580: {  	v3 =	vor.u32 $0x7800, v0  }
0x581: {  	v4 =	vor.u32 $0x7801, v0  }
0x582: {  	v6 =	vor.u32 $0x7802, v0;
	v14 =	vmul.f32 v21, v20  }
0x583: {  	v7 =	vor.u32 $0x7803, v0  }
0x584: {  	[tilespmem:v2+s9+$0x0] =	vst.idx.add.f32.msk $0xffff, v14;
	v2 =	vor.u32 $0x7804, v0  }
0x585: {  	v8 =	vor.u32 $0x7805, v0;
	v5 =	vld.idx.msk [tilespmem:v3+s8+$0x0], $0xffff  }
0x586: {  	v11 =	vor.u32 $0x7806, v0;
	v10 =	vld.idx.msk [tilespmem:v4+s8+$0x0], $0xffff  }
0x587: {  	v13 =	vor.u32 $0x7807, v0;
	v12 =	vld.idx.msk [tilespmem:v6+s8+$0x0], $0xffff  }
0x588: {  	v14 =	vld.idx.msk [tilespmem:v7+s8+$0x0], $0xffff  }
0x589: {  	v15 =	vld.idx.msk [tilespmem:v2+s8+$0x0], $0xffff  }
0x58a: {  	v16 =	vld.idx.msk [tilespmem:v8+s8+$0x0], $0xffff  }
0x58b: {  	v18 =	vld.idx.msk [tilespmem:v11+s8+$0x0], $0xffff;
	v19 =	vmax.f32 v5, v10  }
0x58c: {  	v20 =	vld.idx.msk [tilespmem:v13+s8+$0x0], $0xffff;
	v19 =	vmax.f32 v19, v12  }
0x58d: {  	v19 =	vmax.f32 v19, v14  }
0x58e: {  	v19 =	vmax.f32 v19, v15  }
0x58f: {  	v19 =	vmax.f32 v19, v16  }
0x590: {  	v19 =	vmax.f32 v19, v18  }
0x591: {  	v19 =	vmax.f32 v19, v20  }
0x592: {  	v5 =	vsub.f32 v5, v19  }
0x593: {  	v10 =	vsub.f32 v10, v19  }
0x594: {  	v5 =	vmul.f32 $1.442695020e+00, v5  }
0x595: {  	v12 =	vsub.f32 v12, v19;
	v10 =	vmul.f32 $1.442695020e+00, v10  }
0x596: {  	(erf) = vpow2.f32 v5  }
0x597: {  	v12 =	vmul.f32 $1.442695020e+00, v12;
	(erf) = vpow2.f32 v10;
	v10 =	vsub.f32 v14, v19;
	_ =	sdelay $0x1  }
0x598: {  	(erf) = vpow2.f32 v12;
	v12 =	vmul.f32 $1.442695020e+00, v10;
	v10 =	vsub.f32 v15, v19;
	_ =	sdelay $0x1  }
0x599: {  	v14 =	vmul.f32 $1.442695020e+00, v10;
	v10 =	vsub.f32 v16, v19  }
0x59a: {  	(erf) = vpow2.f32 v12  }
0x59b: {  	v5 =	vmul.f32 $1.442695020e+00, v10;
	v10 =	vsub.f32 v18, v19  }
0x59c: {  	(erf) = vpow2.f32 v14  }
0x59d: {  	v12 =	vpop (erf);
	(erf) = vpow2.f32 v5;
	v5 =	vmul.f32 $1.442695020e+00, v10;
	v10 =	vsub.f32 v20, v19  }
0x59e: {  	v14 =	vpop (erf)  }
0x59f: {  	(erf) = vpow2.f32 v5;
	v5 =	vmul.f32 $1.442695020e+00, v10;
	v10 =	vadd.f32 v14, v12;
	_ =	sdelay $0x1  }
0x5a0: {  	v15 =	vpop (erf)  }
0x5a1: {  	(erf) = vpow2.f32 v5;
	v5 =	vadd.f32 v10, v15  }
0x5a2: {  	v10 =	vpop (erf)  }
0x5a3: {  	v5 =	vadd.f32 v5, v10  }
0x5a4: {  	v16 =	vpop (erf)  }
0x5a5: {  	v5 =	vadd.f32 v5, v16  }
0x5a6: {  	v18 =	vpop (erf)  }
0x5a7: {  	v5 =	vadd.f32 v5, v18  }
0x5a8: {  	v19 =	vpop (erf)  }
0x5a9: {  	v5 =	vadd.f32 v5, v19  }
0x5aa: {  	v20 =	vpop (erf)  }
0x5ab: {  	v5 =	vadd.f32 v5, v20;
	_ =	sdelay $0x1  }
0x5ac: {  	(erf) = vrcp.f32 v5;
	_ =	sdelay $0x1  }
0x5ad: {  	v5 =	vld.idx.msk [tilespmem:v3+s1+$0x0], $0xffff;
	_ =	sdelay $0x4  }
0x5ae: {  	v5 =	vadd.s32 v3, v5;
	_ =	sdelay $0x1  }
0x5af: {  	v21 =	vpop (erf)  }
0x5b0: {  	v12 =	vmul.f32 v21, v12;
	_ =	sdelay $0x1  }
0x5b1: {  	[tilespmem:v5+s9+$0x0] =	vst.idx.add.f32.msk $0xffff, v12  }
0x5b2: {  	v4 =	vld.idx.msk [tilespmem:v4+s1+$0x0], $0xffff;
	_ =	sdelay $0x4  }
0x5b3: {  	v4 =	vadd.s32 v3, v4;
	_ =	sdelay $0x2  }
0x5b4: {  	v12 =	vmul.f32 v21, v14;
	_ =	sdelay $0x1  }
0x5b5: {  	[tilespmem:v4+s9+$0x0] =	vst.idx.add.f32.msk $0xffff, v12  }
0x5b6: {  	v4 =	vld.idx.msk [tilespmem:v6+s1+$0x0], $0xffff;
	_ =	sdelay $0x4  }
0x5b7: {  	v4 =	vadd.s32 v3, v4;
	_ =	sdelay $0x2  }
0x5b8: {  	v14 =	vmul.f32 v21, v15;
	_ =	sdelay $0x1  }
0x5b9: {  	[tilespmem:v4+s9+$0x0] =	vst.idx.add.f32.msk $0xffff, v14  }
0x5ba: {  	v4 =	vld.idx.msk [tilespmem:v7+s1+$0x0], $0xffff;
	_ =	sdelay $0x4  }
0x5bb: {  	v4 =	vadd.s32 v3, v4;
	_ =	sdelay $0x2  }
0x5bc: {  	v12 =	vmul.f32 v21, v10;
	_ =	sdelay $0x1  }
0x5bd: {  	[tilespmem:v4+s9+$0x0] =	vst.idx.add.f32.msk $0xffff, v12  }
0x5be: {  	v2 =	vld.idx.msk [tilespmem:v2+s1+$0x0], $0xffff;
	_ =	sdelay $0x4  }
0x5bf: {  	v2 =	vadd.s32 v3, v2;
	_ =	sdelay $0x2  }
0x5c0: {  	v14 =	vmul.f32 v21, v16;
	_ =	sdelay $0x1  }
0x5c1: {  	[tilespmem:v2+s9+$0x0] =	vst.idx.add.f32.msk $0xffff, v14  }
0x5c2: {  	v2 =	vld.idx.msk [tilespmem:v8+s1+$0x0], $0xffff;
	_ =	sdelay $0x4  }
0x5c3: {  	v2 =	vadd.s32 v3, v2;
	_ =	sdelay $0x2  }
0x5c4: {  	v12 =	vmul.f32 v21, v18;
	_ =	sdelay $0x1  }
0x5c5: {  	[tilespmem:v2+s9+$0x0] =	vst.idx.add.f32.msk $0xffff, v12  }
0x5c6: {  	v2 =	vld.idx.msk [tilespmem:v11+s1+$0x0], $0xffff;
	_ =	sdelay $0x4  }
0x5c7: {  	v2 =	vadd.s32 v3, v2;
	_ =	sdelay $0x2  }
0x5c8: {  	v14 =	vmul.f32 v21, v19;
	_ =	sdelay $0x1  }
0x5c9: {  	[tilespmem:v2+s9+$0x0] =	vst.idx.add.f32.msk $0xffff, v14  }
0x5ca: {  	v2 =	vld.idx.msk [tilespmem:v13+s1+$0x0], $0xffff;
	_ =	sdelay $0x4  }
0x5cb: {  	v2 =	vadd.s32 v3, v2;
	_ =	sdelay $0x2  }
0x5cc: {  	v3 =	vmul.f32 v21, v20;
	_ =	sdelay $0x1  }
0x5cd: {  	p0 =	sne.s32 s6, $0x1;
	[tilespmem:v2+s9+$0x0] =	vst.idx.add.f32.msk $0xffff, v3  }
.Ltmp0:
0x5ce: {  	[bflag:$0x0] =	sbarrier.arrive $0xFFFF;
	(pc) =	sbr.rel @p0 .LBB2_1-.Ltmp0, $4  }
0x5cf: {  	[hbm4b:s5+s1] =	stream.linear.scatter [tilespmem:s9], [sflag:$0x1], $0x8000, $0x38;
	[tilespmem:$0x18000] =	vst v63  }
0x5d0: {  	_ =	swait.ge [sflag:s7], $0x8000  }
0x5d1: {  	[sflag:s7] =	ssyncset.done $0x0  }
0x5d2: {  	s6 =	sadd.s32 $0xFFFFFFFF, s6;
	[sflag:s7] =	ssyncadd.s32 $0xFFFF8000  }
0x5d3: {  	_ =	sfence.sel $0x180000  }
0x5d4: {  	[bflag:$0x0] =	sbarrier.arrive $0xFFFF  }
0x5d5: {  	p0 =	sne.s32 s2, $0x0;
	_ =	strace $0x90000047  }
0x5d6: {  	s0 =	sadd.s32 @!p0 $0x100000, s0;
	[bflag:$0x2] =	sbarrier.arrive $0xFFFF  }
0x5d7: {  	[sflag:s0] =	ssyncadd.tile.s32 @!p0 $0x1;
	_ =	shalt  }
.Lfunc_end2:
_tile_overlayer_lowered:
.L_overlay_start_2:
0x5d8: {  	(tag) =	ssettag $0x2  }
0x5d9: {  	s0 =	rddreg [dreg:$0x0];
	s2 =	stileid.u32  }
0x5da: {  	s1 =	rddreg [dreg:$0x1];
	p0 =	sne.s32 s2, $0x0  }
0x5db: {  	s3 =	rddreg [dreg:$0x2];
	[bflag:$0x3] =	sbarrier.arrive $0xFFFF;
	s2 =	simm.s32 @!p0 $0x1C01  }
0x5dc: {  	[timem:s3], [sflag:s2] =	dma.local @!p0 [hbm:s0], s1  }
0x5dd: {  	s0 =	simm.s32 @!p0 $0x1  }
0x5de: {  	_ =	swait.ge @!p0 [sflag:s0], s1  }
0x5df: {  	s1 =	ssub.s32 @!p0 $0x0, s1;
	[sflag:s0] =	ssyncset.done @!p0 $0x0  }
0x5e0: {  	[sflag:s0] =	ssyncadd.s32 @!p0 s1  }
0x5e1: {  	[bflag:$0x3] =	sbarrier.arrive $0xFFFF  }
0x5e2: {  	_ =	shalt  }

</sc_bundles>
